<compile_context>
chip_gen: v7x
topology: tpu7x:2x2x1
jax: 0.10.2.dev20260603
libtpu: 0.0.44.dev20260713+nightly
codegen_flags: <defaults>
</compile_context>

<pallas_src>
import jax
import jax.numpy as jnp
import numpy as np
from functools import partial
from jax import lax
from jax.experimental import pallas as pl
from jax.experimental.pallas import tpu as pltpu
from jax.experimental.pallas import tpu_sc as plsc



def _fps_kernel(px_ref, py_ref, pz_ref, cx_ref, cy_ref, cz_ref, *, S, P):
    px = px_ref[...]
    py = py_ref[...]
    pz = pz_ref[...]
    B = px.shape[0]
    iota_p = jax.lax.broadcasted_iota(jnp.int32, (B, P), 1)
    iota_s = jax.lax.broadcasted_iota(jnp.int32, (B, S), 1)
    lx0 = px[:, 0:1]
    ly0 = py[:, 0:1]
    lz0 = pz[:, 0:1]
    cx_ref[...] = jnp.where(iota_s == 0, lx0, 0.0)
    cy_ref[...] = jnp.where(iota_s == 0, ly0, 0.0)
    cz_ref[...] = jnp.where(iota_s == 0, lz0, 0.0)

    def body(i, state):
        dist, lx, ly, lz = state
        dx = px - lx
        dy = py - ly
        dz = pz - lz
        d = dx * dx + dy * dy
        d = d + dz * dz
        dist = jnp.minimum(dist, d)
        v, ii, xx, yy, zz = dist, iota_p, px, py, pz
        w = P
        while w > 128:
            h = w // 2
            vl, vr = v[:, :h], v[:, h:w]
            il, ir = ii[:, :h], ii[:, h:w]
            c = (vl > vr) | ((vl == vr) & (il < ir))
            v = jnp.where(c, vl, vr)
            ii = jnp.where(c, il, ir)
            xx = jnp.where(c, xx[:, :h], xx[:, h:w])
            yy = jnp.where(c, yy[:, :h], yy[:, h:w])
            zz = jnp.where(c, zz[:, :h], zz[:, h:w])
            w = h
        m = jnp.max(v, axis=1, keepdims=True)
        idx = jnp.min(jnp.where(v == m, ii, P), axis=1, keepdims=True)
        sel = (v == m) & (ii == idx)
        ninf = jnp.float32(-jnp.inf)
        lx = jnp.max(jnp.where(sel, xx, ninf), axis=1, keepdims=True)
        ly = jnp.max(jnp.where(sel, yy, ninf), axis=1, keepdims=True)
        lz = jnp.max(jnp.where(sel, zz, ninf), axis=1, keepdims=True)
        oh = iota_s == i
        cx_ref[...] = jnp.where(oh, lx, cx_ref[...])
        cy_ref[...] = jnp.where(oh, ly, cy_ref[...])
        cz_ref[...] = jnp.where(oh, lz, cz_ref[...])
        return dist, lx, ly, lz

    dist0 = jnp.full((B, P), jnp.inf, dtype=jnp.float32)
    jax.lax.fori_loop(1, S, body, (dist0, lx0, ly0, lz0))


def _fps_pallas(pos_bp, S):
    px, py, pz = pos_bp
    B, P = px.shape
    out = jax.ShapeDtypeStruct((B, S), jnp.float32)
    cx, cy, cz = pl.pallas_call(
        partial(_fps_kernel, S=S, P=P),
        out_shape=(out, out, out),
    )(px, py, pz)
    return jnp.stack([cx, cy, cz], axis=-1)



def _knn_kernel(px_ref, py_ref, pz_ref, cx_ref, cy_ref, cz_ref,
                nidx_ref, maskf_ref, *, P, T, K, r2):
    b = pl.program_id(0)
    px = px_ref[pl.ds(b, 1), :]
    py = py_ref[pl.ds(b, 1), :]
    pz = pz_ref[pl.ds(b, 1), :]
    cx = cx_ref[...]
    cy = cy_ref[...]
    cz = cz_ref[...]
    dx = cx - px
    dy = cy - py
    dz = cz - pz
    D = dx * dx + dy * dy + dz * dz
    iota_p = jax.lax.broadcasted_iota(jnp.int32, (T, P), 1)
    idx_cols = []
    msk_cols = []
    for _ in range(K):
        m = jnp.min(D, axis=1, keepdims=True)
        idx = jnp.min(jnp.where(D == m, iota_p, P), axis=1, keepdims=True)
        D = jnp.where(iota_p == idx, jnp.inf, D)
        idx_cols.append(idx + b * P)
        msk_cols.append((m <= r2).astype(jnp.float32))
    nidx_ref[...] = jnp.concatenate(idx_cols, axis=1)[None, None]
    maskf_ref[...] = jnp.concatenate(msk_cols, axis=1)[None, None]


def _knn_pallas(pos_bp, cent, radius, K=32, T=256):
    px, py, pz = pos_bp
    B, P = px.shape
    S = cent.shape[1]
    T = min(T, S)
    cxT = cent[:, :, 0].reshape(B * S, 1)
    cyT = cent[:, :, 1].reshape(B * S, 1)
    czT = cent[:, :, 2].reshape(B * S, 1)
    nt = S // T
    grid = (B, nt)
    pos_spec = pl.BlockSpec((B, P), lambda b, t: (0, 0))
    cent_spec = pl.BlockSpec((T, 1), lambda b, t: (b * nt + t, 0))
    out_spec = pl.BlockSpec((1, 1, T, K), lambda b, t: (b, t, 0, 0))
    nidx, maskf = pl.pallas_call(
        partial(_knn_kernel, P=P, T=T, K=K, r2=radius * radius),
        grid=grid,
        in_specs=[pos_spec, pos_spec, pos_spec, cent_spec, cent_spec, cent_spec],
        out_specs=(out_spec, out_spec),
        out_shape=(jax.ShapeDtypeStruct((B, nt, T, K), jnp.int32),
                   jax.ShapeDtypeStruct((B, nt, T, K), jnp.float32)),
    )(px, py, pz, cxT, cyT, czT)
    return nidx.reshape(B, S, K), maskf.reshape(B, S, K)



def _feats_z1(f_ref, ct_ref, w1_ref, b1_ref, *, Cx):
    f = f_ref[...]
    T, K, Cfp = f.shape
    rel = f[:, :, Cx:Cx + 3] - ct_ref[...][:, None, :]
    feats = jnp.concatenate([f[:, :, :Cx], rel, f[:, :, Cx + 3:]], axis=-1)
    d1 = w1_ref.shape[1]
    Z = (jnp.dot(feats.reshape(T * K, Cfp), w1_ref[...],
                 preferred_element_type=jnp.float32) + b1_ref[0])
    return Z.reshape(T, K, d1)


def _m1_kernel(f_ref, ct_ref, m_ref, w1_ref, b1_ref, mu1_ref, m21_ref, c_ref, *, Cx):
    step = pl.program_id(0)
    Z = _feats_z1(f_ref, ct_ref, w1_ref, b1_ref, Cx=Cx)
    m3 = m_ref[...][:, :, None]
    nb = jnp.sum(m_ref[...])
    mb = jnp.sum(m3 * Z, axis=(0, 1)) / nb
    Zc = Z - mb
    m2b = jnp.sum(m3 * Zc * Zc, axis=(0, 1))

    @pl.when(step == 0)
    def _():
        mu1_ref[...] = jnp.broadcast_to(mb[None], mu1_ref.shape)
        m21_ref[...] = jnp.broadcast_to(m2b[None], m21_ref.shape)
        c_ref[...] = jnp.broadcast_to(nb, c_ref.shape)

    @pl.when(step > 0)
    def _():
        na = c_ref[0, 0]
        mua = mu1_ref[0]
        m2a = m21_ref[0]
        n = na + nb
        d = mb - mua
        mu1_ref[...] = jnp.broadcast_to((mua + d * (nb / n))[None], mu1_ref.shape)
        m21_ref[...] = jnp.broadcast_to((m2a + m2b + d * d * (na * nb / n))[None],
                                        m21_ref.shape)
        c_ref[...] = jnp.broadcast_to(n, c_ref.shape)


def _bn_params(mu_row, m2_row, cnt, g_row, be_row):
    var = m2_row / cnt
    scale = g_row / jnp.sqrt(var + 1e-5)
    return mu_row, scale, be_row


def _m2_kernel(f_ref, ct_ref, m_ref, w1_ref, b1_ref, mu1_ref, m21_ref, c_ref,
               w2_ref, b2_ref, g1_ref, be1_ref, zmax_ref, zmin_ref,
               mu2_ref, m22_ref, c2_ref, *, Cx, T, K, d1, d2):
    step = pl.program_id(0)
    cnt = jnp.maximum(c_ref[0, 0], 1.0)
    mu, scale, beta = _bn_params(mu1_ref[0], m21_ref[0], cnt, g1_ref[0], be1_ref[0])
    Z = _feats_z1(f_ref, ct_ref, w1_ref, b1_ref, Cx=Cx)
    H = jnp.maximum((Z - mu) * scale + beta, 0.0)
    Z2 = (jnp.dot(H.reshape(T * K, d1), w2_ref[...], preferred_element_type=jnp.float32)
          + b2_ref[0]).reshape(T, K, d2)
    valid = m_ref[...][:, :, None] > 0.5
    zmax_ref[...] = jnp.max(jnp.where(valid, Z2, jnp.float32(-jnp.inf)), axis=1)
    zmin_ref[...] = jnp.min(jnp.where(valid, Z2, jnp.float32(jnp.inf)), axis=1)
    m3 = m_ref[...][:, :, None]
    nb = jnp.sum(m_ref[...])
    mb = jnp.sum(m3 * Z2, axis=(0, 1)) / nb
    Zc = Z2 - mb
    m2b = jnp.sum(m3 * Zc * Zc, axis=(0, 1))

    @pl.when(step == 0)
    def _():
        mu2_ref[...] = jnp.broadcast_to(mb[None], mu2_ref.shape)
        m22_ref[...] = jnp.broadcast_to(m2b[None], m22_ref.shape)
        c2_ref[...] = jnp.broadcast_to(nb, c2_ref.shape)

    @pl.when(step > 0)
    def _():
        na = c2_ref[0, 0]
        mua = mu2_ref[0]
        m2a = m22_ref[0]
        n = na + nb
        d = mb - mua
        mu2_ref[...] = jnp.broadcast_to((mua + d * (nb / n))[None], mu2_ref.shape)
        m22_ref[...] = jnp.broadcast_to((m2a + m2b + d * d * (na * nb / n))[None],
                                        m22_ref.shape)
        c2_ref[...] = jnp.broadcast_to(n, c2_ref.shape)


def _m3_kernel(zmax_ref, zmin_ref, mu2_ref, m22_ref, c_ref, g2_ref, be2_ref, o_ref):
    cnt = jnp.maximum(c_ref[0, 0], 1.0)
    mu, scale, beta = _bn_params(mu2_ref[0], m22_ref[0], cnt, g2_ref[0], be2_ref[0])
    sel = jnp.where(scale > 0.0, zmax_ref[...], zmin_ref[...])
    o_ref[...] = jnp.maximum((sel - mu) * scale + beta, 0.0)


def _sa_mlp(F, cent_flat, maskf, layers, Cx, T=256):
    (W1, b1, g1, be1), (W2, b2, g2, be2) = layers
    NQ, K, Cf = F.shape
    if W1.shape[0] < Cf:
        W1 = jnp.concatenate(
            [W1, jnp.zeros((Cf - W1.shape[0], W1.shape[1]), jnp.float32)], axis=0)
    d1, d2 = W1.shape[1], W2.shape[1]
    nsteps = NQ // T
    f_spec = pl.BlockSpec((T, K, Cf), lambda n: (n, 0, 0))
    ct_spec = pl.BlockSpec((T, 3), lambda n: (n, 0))
    m_spec = pl.BlockSpec((T, K), lambda n: (n, 0))
    acc1_spec = pl.BlockSpec((8, d1), lambda n: (0, 0))
    acc2_spec = pl.BlockSpec((8, d2), lambda n: (0, 0))
    cnt_spec = pl.BlockSpec((8, 128), lambda n: (0, 0))
    row = lambda v: v.reshape(1, -1)
    full = lambda a: pl.BlockSpec(a.shape, lambda n: tuple(0 for _ in a.shape))
    rspec = lambda d: pl.BlockSpec((1, d), lambda n: (0, 0))

    mu1, m21, c = pl.pallas_call(
        partial(_m1_kernel, Cx=Cx), grid=(nsteps,),
        in_specs=[f_spec, ct_spec, m_spec, full(W1), rspec(d1)],
        out_specs=(acc1_spec, acc1_spec, cnt_spec),
        out_shape=(jax.ShapeDtypeStruct((8, d1), jnp.float32),
                   jax.ShapeDtypeStruct((8, d1), jnp.float32),
                   jax.ShapeDtypeStruct((8, 128), jnp.float32)),
    )(F, cent_flat, maskf, W1, row(b1))

    o_spec = pl.BlockSpec((T, d2), lambda n: (n, 0))
    Zmax, Zmin, mu2, m22, c2 = pl.pallas_call(
        partial(_m2_kernel, Cx=Cx, T=T, K=K, d1=d1, d2=d2), grid=(nsteps,),
        in_specs=[f_spec, ct_spec, m_spec, full(W1), rspec(d1), full(mu1),
                  full(m21), full(c), full(W2), rspec(d2), rspec(d1), rspec(d1)],
        out_specs=(o_spec, o_spec, acc2_spec, acc2_spec, cnt_spec),
        out_shape=(jax.ShapeDtypeStruct((NQ, d2), jnp.float32),
                   jax.ShapeDtypeStruct((NQ, d2), jnp.float32),
                   jax.ShapeDtypeStruct((8, d2), jnp.float32),
                   jax.ShapeDtypeStruct((8, d2), jnp.float32),
                   jax.ShapeDtypeStruct((8, 128), jnp.float32)),
    )(F, cent_flat, maskf, W1, row(b1), mu1, m21, c, W2, row(b2), row(g1), row(be1))

    out = pl.pallas_call(
        _m3_kernel, grid=(nsteps,),
        in_specs=[o_spec, o_spec, full(mu2), full(m22), full(c2), rspec(d2), rspec(d2)],
        out_specs=o_spec,
        out_shape=jax.ShapeDtypeStruct((NQ, d2), jnp.float32),
    )(Zmax, Zmin, mu2, m22, c2, row(g2), row(be2))
    return out


def _sc_gather(table, idx):
    N, D = table.shape
    M = idx.shape[0]
    info = plsc.get_sparse_core_info()
    NC = info.num_cores
    NW = NC * info.num_subcores
    per = M // NW
    CH = min(per, 512)
    nch = per // CH
    mesh = plsc.VectorSubcoreMesh(core_axis_name="c", subcore_axis_name="s")

    @partial(pl.kernel, mesh=mesh,
             out_type=jax.ShapeDtypeStruct((M, D), jnp.float32),
             compiler_params=pltpu.CompilerParams(use_tc_tiling_on_sc=False),
             scratch_types=[pltpu.VMEM((CH,), jnp.int32),
                            pltpu.VMEM((CH, D), jnp.float32),
                            pltpu.SemaphoreType.DMA])
    def gk(table_hbm, idx_hbm, out_hbm, idx_v, rows_v, sem):
        wid = lax.axis_index("s") * NC + lax.axis_index("c")

        def step(i, carry):
            base = wid * per + i * CH
            pltpu.sync_copy(idx_hbm.at[pl.ds(base, CH)], idx_v)
            pltpu.async_copy(table_hbm.at[idx_v], rows_v, sem).wait()
            pltpu.sync_copy(rows_v, out_hbm.at[pl.ds(base, CH)])
            return carry

        lax.fori_loop(0, nch, step, 0)

    return gk(table, idx)


def _sa_select(pos_bp, ratio, radius, K=32):
    B, P = pos_bp[0].shape
    S = int(P * ratio)
    cent = _fps_pallas(pos_bp, S)
    nidx, maskf = _knn_pallas(pos_bp, cent, radius, K=K)
    cent_flat = cent.reshape(B * S, 3)
    cent_bp = (cent[:, :, 0], cent[:, :, 1], cent[:, :, 2])
    return cent_flat, cent_bp, nidx, maskf


def _sa_gather_mlp(x_flat, pos_flat, cent_flat, nidx, maskf, layers, K=32):
    Cx = x_flat.shape[1]
    Cf = Cx + 3
    Cfp = ((Cf + 15) // 16) * 16
    Tb = jnp.concatenate(
        [x_flat, pos_flat,
         jnp.zeros((x_flat.shape[0], Cfp - Cf), jnp.float32)], axis=-1)
    NQ = cent_flat.shape[0]
    F = _sc_gather(Tb, nidx.reshape(-1)).reshape(NQ, K, Cfp)
    return _sa_mlp(F, cent_flat, maskf.reshape(NQ, K), layers, Cx)



def _ga_head_kernel(h_ref, w1_ref, b1_ref, g1_ref, be1_ref,
                    w2_ref, b2_ref, g2_ref, be2_ref,
                    l1w_ref, l1b_ref, l2w_ref, l2b_ref, l3w_ref, l3b_ref,
                    out_ref, *, B, S):
    h = h_ref[...]
    for (w, b, g, be) in ((w1_ref, b1_ref, g1_ref, be1_ref),
                          (w2_ref, b2_ref, g2_ref, be2_ref)):
        h = jnp.dot(h, w[...], preferred_element_type=jnp.float32) + b[...]
        mu = jnp.mean(h, axis=0)
        var = jnp.mean((h - mu) ** 2, axis=0)
        h = (h - mu) / jnp.sqrt(var + 1e-5) * g[...] + be[...]
        h = jnp.maximum(h, 0.0)
    h = jnp.max(h.reshape(B, S, h.shape[-1]), axis=1)
    h = jnp.maximum(jnp.dot(h, l1w_ref[...], preferred_element_type=jnp.float32) + l1b_ref[...], 0.0)
    h = jnp.maximum(jnp.dot(h, l2w_ref[...], preferred_element_type=jnp.float32) + l2b_ref[...], 0.0)
    out_ref[...] = jnp.dot(h, l3w_ref[...], preferred_element_type=jnp.float32) + l3b_ref[...]


def _ga_head(x, pos, params):
    B, S, _ = x.shape
    h = jnp.concatenate([x, pos], axis=-1).reshape(B * S, -1)
    (w1, b1, g1, be1), (w2, b2, g2, be2) = params["ga"]
    l1w, l1b = params["lin1"]
    l2w, l2b = params["lin2"]
    l3w, l3b = params["lin3"]
    out = pl.pallas_call(
        partial(_ga_head_kernel, B=B, S=S),
        out_shape=jax.ShapeDtypeStruct((B, l3w.shape[1]), jnp.float32),
    )(h, w1, b1, g1, be1, w2, b2, g2, be2, l1w, l1b, l2w, l2b, l3w, l3b)
    return out



def kernel(x, pos, batch, params):
    B = batch.shape[0] // 2048
    P = x.shape[0] // B
    pos3 = pos.reshape(B, P, 3)
    pos_bp = (pos3[:, :, 0], pos3[:, :, 1], pos3[:, :, 2])
    cent1_flat, cent1_bp, nidx1, maskf1 = _sa_select(pos_bp, 0.5, 0.2)
    cent2_flat, _, nidx2, maskf2 = _sa_select(cent1_bp, 0.25, 0.4)
    x1 = _sa_gather_mlp(x, pos, cent1_flat, nidx1, maskf1, params["sa1"])
    x2 = _sa_gather_mlp(x1, cent1_flat, cent2_flat, nidx2, maskf2, params["sa2"])
    S2 = cent2_flat.shape[0] // B
    return _ga_head(x2.reshape(B, S2, -1), cent2_flat.reshape(B, S2, 3), params)

# --- scband reference (transcript-rebuilt; emitter-appended) ---
"""Pipeline reference for scband-point-net2-58102317580438 (READ-ONLY COPY).

The authoritative reference and input builder live on the scoring server;
editing this copy changes nothing except your own understanding.
"""

import jax, jax.numpy as jnp
import numpy as np
from functools import partial


def _fps(pos, S):
    P = pos.shape[0]
    def body(i, state):
        dist, idx = state
        last = idx[i - 1]
        d = jnp.sum((pos - pos[last]) ** 2, axis=-1)
        dist = jnp.minimum(dist, d)
        idx = idx.at[i].set(jnp.argmax(dist).astype(jnp.int32))
        return dist, idx
    dist0 = jnp.full((P,), jnp.inf, dtype=pos.dtype)
    idx0 = jnp.zeros((S,), dtype=jnp.int32)
    _, idx = jax.lax.fori_loop(1, S, body, (dist0, idx0))
    return idx


def _mlp_bn(h, mask, layers):
    # Linear -> BatchNorm1d (training-mode batch stats, masked to valid rows) -> ReLU, repeated
    for (W, b, g, beta) in layers:
        h = h @ W + b
        if mask is None:
            mu = jnp.mean(h, axis=0)
            var = jnp.mean((h - mu) ** 2, axis=0)
        else:
            m = mask[:, None].astype(h.dtype)
            cnt = jnp.maximum(jnp.sum(m), 1.0)
            mu = jnp.sum(h * m, axis=0) / cnt
            var = jnp.sum(((h - mu) ** 2) * m, axis=0) / cnt
        h = (h - mu) / jnp.sqrt(var + 1e-5) * g + beta
        h = jax.nn.relu(h)
    return h


def _gather(arr, nidx):
    B, S, K = nidx.shape
    out = jax.vmap(lambda a, i: a[i])(arr, nidx.reshape(B, S * K))
    return out.reshape(B, S, K, arr.shape[-1])


def _sa(x, pos, ratio, radius, layers, K=32):
    # SetAbstractionLayer: fps -> radius neighborhoods (K nearest capped, masked by radius) -> PointConv (max agg)
    B, P, _ = pos.shape
    S = int(P * ratio)
    idx = jax.vmap(partial(_fps, S=S))(jax.lax.stop_gradient(pos))  # [B, S]
    cent = jnp.take_along_axis(pos, idx[:, :, None], axis=1)  # [B, S, 3]
    d2 = jnp.sum((cent[:, :, None, :] - pos[:, None, :, :]) ** 2, axis=-1)  # [B, S, P]
    neg_top, nidx = jax.lax.top_k(-d2, K)  # [B, S, K]
    mask = (-neg_top) <= radius ** 2
    nb_pos = _gather(pos, nidx)  # [B, S, K, 3]
    nb_x = _gather(x, nidx)      # [B, S, K, C]
    rel = nb_pos - cent[:, :, None, :]
    feats = jnp.concatenate([nb_x, rel], axis=-1)
    C = feats.shape[-1]
    h = _mlp_bn(feats.reshape(-1, C), mask.reshape(-1), layers)
    h = h.reshape(B, S, K, -1)
    h = jnp.where(mask[..., None], h, -jnp.inf)
    return jnp.max(h, axis=2), cent


def _forward(x, pos, params, B):
    P = x.shape[0] // B
    x = x.reshape(B, P, -1)
    pos = pos.reshape(B, P, 3)
    x, pos = _sa(x, pos, 0.5, 0.2, params["sa1"])
    x, pos = _sa(x, pos, 0.25, 0.4, params["sa2"])
    # GlobalAbstractionLayer: concat(x, pos) -> mlp -> global max pool per cloud
    h = jnp.concatenate([x, pos], axis=-1)
    Bc, S, C = h.shape
    h = _mlp_bn(h.reshape(-1, C), None, params["ga"]).reshape(Bc, S, -1)
    h = jnp.max(h, axis=1)
    h = jax.nn.relu(h @ params["lin1"][0] + params["lin1"][1])
    h = jax.nn.relu(h @ params["lin2"][0] + params["lin2"][1])
    return h @ params["lin3"][0] + params["lin3"][1]


def _make_params(key, num_classes=40):
    ks = jax.random.split(key, 9)
    def lin(k, i, o):
        return (jax.random.normal(k, (i, o), jnp.float32) / np.sqrt(i), jnp.zeros((o,), jnp.float32))
    def bn(o):
        return (jnp.ones((o,), jnp.float32), jnp.zeros((o,), jnp.float32))
    def blk(k1, k2, dims):
        W1, b1 = lin(k1, dims[0], dims[1]); g1, be1 = bn(dims[1])
        W2, b2 = lin(k2, dims[1], dims[2]); g2, be2 = bn(dims[2])
        return [(W1, b1, g1, be1), (W2, b2, g2, be2)]
    return {
        "sa1": blk(ks[0], ks[1], (6, 32, 64)),
        "sa2": blk(ks[2], ks[3], (67, 128, 256)),
        "ga": blk(ks[4], ks[5], (259, 512, 1024)),
        "lin1": lin(ks[6], 1024, 512),
        "lin2": lin(ks[7], 512, 256),
        "lin3": lin(ks[8], 256, num_classes),
    }


def setup_inputs(seed: int = 0):
    key = jax.random.key(seed)
    k1, k2, k3 = jax.random.split(key, 3)
    B, P = 16, 2048
    pos = jax.random.uniform(k1, (B * P, 3), jnp.float32)
    x = jax.random.normal(k2, (B * P, 3), jnp.float32)
    batch = jnp.repeat(jnp.arange(B, dtype=jnp.int32), P)
    params = _make_params(k3, 40)
    return {"x": x, "pos": pos, "batch": batch, "params": params}


def reference(x, pos, batch, params):
    B = batch.shape[0] // 2048
    return _forward(x, pos, params, B)

if __name__ == "__main__":
    import jax
    _d = setup_inputs()
    print(jax.jit(kernel)(*tuple(_d.values())))

</pallas_src>

<mosaic_0001>
#map = affine_map<(d0, d1) -> (0, 0)>
#map1 = affine_map<(d0, d1) -> (0)>
module attributes {stable_mosaic.version = 14 : i64} {
  func.func @gk(%arg0: i32, %arg1: i32, %arg2: memref<32768x16xf32, #tpu.memory_space<hbm>>, %arg3: memref<524288xi32, #tpu.memory_space<hbm>>, %arg4: memref<524288x16xf32, #tpu.memory_space<hbm>>, %arg5: memref<512xi32, #tpu.memory_space<vmem>>, %arg6: memref<512x16xf32, #tpu.memory_space<vmem>>, %arg7: memref<!tpu.dma_semaphore, #tpu.memory_space<semaphore_mem>>) attributes {dimension_semantics = [#tpu.dimension_semantics<core_parallel>, #tpu.dimension_semantics<subcore_parallel>], iteration_bounds = array<i64: 2, 16>, scalar_prefetch = 0 : i64, scratch_operands = 3 : i64, tpu.core_type = #tpu.core_type<sc_vector_subcore>, window_params = [{transform_indices = #map}, {transform_indices = #map1}, {transform_indices = #map}]} {
    %mul3A = arith.constant 2 : i32
    %mul3A_0 = arith.muli %arg1, %mul3A : i32
    %add3A = arith.addi %mul3A_0, %arg0 : i32
    %scan3A = arith.constant 0 : i32
    %scan3A_1 = arith.constant 0 : i32
    %scan3A_2 = arith.constant 32 : i32
    %scan3A_3 = arith.addi %scan3A_1, %scan3A_2 : i32
    %scan3A_4 = arith.constant 1 : i32
    scf.for %scan3A_6 = %scan3A_1 to %scan3A_3 step %scan3A_4  : i32 {
      %mul3A_7 = arith.constant 16384 : i32
      %mul3A_8 = arith.muli %add3A, %mul3A_7 : i32
      %mul3A_9 = arith.constant 512 : i32
      %mul3A_10 = arith.muli %scan3A_6, %mul3A_9 : i32
      %add3A_11 = arith.addi %mul3A_8, %mul3A_10 : i32
      "tpu.region"() ({
        %run_scoped3A = tpu.sem_alloc : memref<!tpu.dma_semaphore, #tpu.memory_space<semaphore_mem>>
        %dma_start3A_16 = tpu.memref_slice %arg3[%add3A_11] : memref<524288xi32, #tpu.memory_space<hbm>> -> memref<512xi32, #tpu.memory_space<hbm>>
        %dma_start3A_17 = tpu.memref_slice %arg3[%add3A_11] : memref<524288xi32, #tpu.memory_space<hbm>> -> memref<512xi32, #tpu.memory_space<hbm>>
        tpu.enqueue_dma source(%dma_start3A_17 : memref<512xi32, #tpu.memory_space<hbm>>) target(%arg5 : memref<512xi32, #tpu.memory_space<vmem>>) target_semaphore(%run_scoped3A : memref<!tpu.dma_semaphore, #tpu.memory_space<semaphore_mem>>)
        %dma_wait3A_18 = tpu.memref_slice %arg3[%add3A_11] : memref<524288xi32, #tpu.memory_space<hbm>> -> memref<512xi32, #tpu.memory_space<hbm>>
        %dma_wait3A_19 = tpu.memref_slice %arg3[%add3A_11] : memref<524288xi32, #tpu.memory_space<hbm>> -> memref<512xi32, #tpu.memory_space<hbm>>
        tpu.wait_dma2 semaphore(%run_scoped3A : memref<!tpu.dma_semaphore, #tpu.memory_space<semaphore_mem>>) src(%dma_wait3A_19 : memref<512xi32, #tpu.memory_space<hbm>>) dst(%arg5 : memref<512xi32, #tpu.memory_space<vmem>>)
        tpu.yield
      }) : () -> ()
      %dma_start3A = arith.constant 0 : i32
      %dma_start3A_12 = arith.constant 0 : i32
      %dma_start3A_13 = tpu.memref_slice %arg2[%dma_start3A, %dma_start3A_12] : memref<32768x16xf32, #tpu.memory_space<hbm>> -> memref<32768x16xf32, #tpu.memory_space<hbm>>
      tpu.enqueue_indirect_dma source(%dma_start3A_13 : memref<32768x16xf32, #tpu.memory_space<hbm>>) target(%arg6 : memref<512x16xf32, #tpu.memory_space<vmem>>) offsets(%arg5 : memref<512xi32, #tpu.memory_space<vmem>>) semaphore(%arg7 : memref<!tpu.dma_semaphore, #tpu.memory_space<semaphore_mem>>)
      %dma_wait3A = arith.constant 0 : i32
      %dma_wait3A_14 = arith.constant 0 : i32
      %dma_wait3A_15 = tpu.memref_slice %arg2[%dma_wait3A, %dma_wait3A_14] : memref<32768x16xf32, #tpu.memory_space<hbm>> -> memref<32768x16xf32, #tpu.memory_space<hbm>>
      tpu.wait_indirect_dma semaphore(%arg7 : memref<!tpu.dma_semaphore, #tpu.memory_space<semaphore_mem>>) src(%dma_wait3A_15 : memref<32768x16xf32, #tpu.memory_space<hbm>>) dst(%arg6 : memref<512x16xf32, #tpu.memory_space<vmem>>)
      "tpu.region"() ({
        %run_scoped3A = tpu.sem_alloc : memref<!tpu.dma_semaphore, #tpu.memory_space<semaphore_mem>>
        %dma_start3A_16 = arith.constant 0 : i32
        %dma_start3A_17 = tpu.memref_slice %arg4[%add3A_11, %dma_start3A_16] : memref<524288x16xf32, #tpu.memory_space<hbm>> -> memref<512x16xf32, #tpu.memory_space<hbm>>
        %dma_start3A_18 = arith.constant 0 : i32
        %dma_start3A_19 = tpu.memref_slice %arg4[%add3A_11, %dma_start3A_18] : memref<524288x16xf32, #tpu.memory_space<hbm>> -> memref<512x16xf32, #tpu.memory_space<hbm>>
        tpu.enqueue_dma source(%arg6 : memref<512x16xf32, #tpu.memory_space<vmem>>) target(%dma_start3A_19 : memref<512x16xf32, #tpu.memory_space<hbm>>) target_semaphore(%run_scoped3A : memref<!tpu.dma_semaphore, #tpu.memory_space<semaphore_mem>>)
        %dma_wait3A_20 = arith.constant 0 : i32
        %dma_wait3A_21 = tpu.memref_slice %arg4[%add3A_11, %dma_wait3A_20] : memref<524288x16xf32, #tpu.memory_space<hbm>> -> memref<512x16xf32, #tpu.memory_space<hbm>>
        %dma_wait3A_22 = arith.constant 0 : i32
        %dma_wait3A_23 = tpu.memref_slice %arg4[%add3A_11, %dma_wait3A_22] : memref<524288x16xf32, #tpu.memory_space<hbm>> -> memref<512x16xf32, #tpu.memory_space<hbm>>
        tpu.wait_dma2 semaphore(%run_scoped3A : memref<!tpu.dma_semaphore, #tpu.memory_space<semaphore_mem>>) src(%arg6 : memref<512x16xf32, #tpu.memory_space<vmem>>) dst(%dma_wait3A_23 : memref<512x16xf32, #tpu.memory_space<hbm>>)
        tpu.yield
      }) : () -> ()
    }
    %scan3A_5 = arith.constant 32 : i32
    return
  }
}

#map = affine_map<(d0, d1) -> (0, 0)>
#map1 = affine_map<(d0, d1) -> (0)>
module attributes {stable_mosaic.version = 14 : i64} {
  func.func @gk(%arg0: i32, %arg1: i32, %arg2: memref<16384x80xf32, #tpu.memory_space<hbm>>, %arg3: memref<131072xi32, #tpu.memory_space<hbm>>, %arg4: memref<131072x80xf32, #tpu.memory_space<hbm>>, %arg5: memref<512xi32, #tpu.memory_space<vmem>>, %arg6: memref<512x80xf32, #tpu.memory_space<vmem>>, %arg7: memref<!tpu.dma_semaphore, #tpu.memory_space<semaphore_mem>>) attributes {dimension_semantics = [#tpu.dimension_semantics<core_parallel>, #tpu.dimension_semantics<subcore_parallel>], iteration_bounds = array<i64: 2, 16>, scalar_prefetch = 0 : i64, scratch_operands = 3 : i64, tpu.core_type = #tpu.core_type<sc_vector_subcore>, window_params = [{transform_indices = #map}, {transform_indices = #map1}, {transform_indices = #map}]} {
    %mul3A = arith.constant 2 : i32
    %mul3A_0 = arith.muli %arg1, %mul3A : i32
    %add3A = arith.addi %mul3A_0, %arg0 : i32
    %scan3A = arith.constant 0 : i32
    %scan3A_1 = arith.constant 0 : i32
    %scan3A_2 = arith.constant 8 : i32
    %scan3A_3 = arith.addi %scan3A_1, %scan3A_2 : i32
    %scan3A_4 = arith.constant 1 : i32
    scf.for %scan3A_6 = %scan3A_1 to %scan3A_3 step %scan3A_4  : i32 {
      %mul3A_7 = arith.constant 4096 : i32
      %mul3A_8 = arith.muli %add3A, %mul3A_7 : i32
      %mul3A_9 = arith.constant 512 : i32
      %mul3A_10 = arith.muli %scan3A_6, %mul3A_9 : i32
      %add3A_11 = arith.addi %mul3A_8, %mul3A_10 : i32
      "tpu.region"() ({
        %run_scoped3A = tpu.sem_alloc : memref<!tpu.dma_semaphore, #tpu.memory_space<semaphore_mem>>
        %dma_start3A_16 = tpu.memref_slice %arg3[%add3A_11] : memref<131072xi32, #tpu.memory_space<hbm>> -> memref<512xi32, #tpu.memory_space<hbm>>
        %dma_start3A_17 = tpu.memref_slice %arg3[%add3A_11] : memref<131072xi32, #tpu.memory_space<hbm>> -> memref<512xi32, #tpu.memory_space<hbm>>
        tpu.enqueue_dma source(%dma_start3A_17 : memref<512xi32, #tpu.memory_space<hbm>>) target(%arg5 : memref<512xi32, #tpu.memory_space<vmem>>) target_semaphore(%run_scoped3A : memref<!tpu.dma_semaphore, #tpu.memory_space<semaphore_mem>>)
        %dma_wait3A_18 = tpu.memref_slice %arg3[%add3A_11] : memref<131072xi32, #tpu.memory_space<hbm>> -> memref<512xi32, #tpu.memory_space<hbm>>
        %dma_wait3A_19 = tpu.memref_slice %arg3[%add3A_11] : memref<131072xi32, #tpu.memory_space<hbm>> -> memref<512xi32, #tpu.memory_space<hbm>>
        tpu.wait_dma2 semaphore(%run_scoped3A : memref<!tpu.dma_semaphore, #tpu.memory_space<semaphore_mem>>) src(%dma_wait3A_19 : memref<512xi32, #tpu.memory_space<hbm>>) dst(%arg5 : memref<512xi32, #tpu.memory_space<vmem>>)
        tpu.yield
      }) : () -> ()
      %dma_start3A = arith.constant 0 : i32
      %dma_start3A_12 = arith.constant 0 : i32
      %dma_start3A_13 = tpu.memref_slice %arg2[%dma_start3A, %dma_start3A_12] : memref<16384x80xf32, #tpu.memory_space<hbm>> -> memref<16384x80xf32, #tpu.memory_space<hbm>>
      tpu.enqueue_indirect_dma source(%dma_start3A_13 : memref<16384x80xf32, #tpu.memory_space<hbm>>) target(%arg6 : memref<512x80xf32, #tpu.memory_space<vmem>>) offsets(%arg5 : memref<512xi32, #tpu.memory_space<vmem>>) semaphore(%arg7 : memref<!tpu.dma_semaphore, #tpu.memory_space<semaphore_mem>>)
      %dma_wait3A = arith.constant 0 : i32
      %dma_wait3A_14 = arith.constant 0 : i32
      %dma_wait3A_15 = tpu.memref_slice %arg2[%dma_wait3A, %dma_wait3A_14] : memref<16384x80xf32, #tpu.memory_space<hbm>> -> memref<16384x80xf32, #tpu.memory_space<hbm>>
      tpu.wait_indirect_dma semaphore(%arg7 : memref<!tpu.dma_semaphore, #tpu.memory_space<semaphore_mem>>) src(%dma_wait3A_15 : memref<16384x80xf32, #tpu.memory_space<hbm>>) dst(%arg6 : memref<512x80xf32, #tpu.memory_space<vmem>>)
      "tpu.region"() ({
        %run_scoped3A = tpu.sem_alloc : memref<!tpu.dma_semaphore, #tpu.memory_space<semaphore_mem>>
        %dma_start3A_16 = arith.constant 0 : i32
        %dma_start3A_17 = tpu.memref_slice %arg4[%add3A_11, %dma_start3A_16] : memref<131072x80xf32, #tpu.memory_space<hbm>> -> memref<512x80xf32, #tpu.memory_space<hbm>>
        %dma_start3A_18 = arith.constant 0 : i32
        %dma_start3A_19 = tpu.memref_slice %arg4[%add3A_11, %dma_start3A_18] : memref<131072x80xf32, #tpu.memory_space<hbm>> -> memref<512x80xf32, #tpu.memory_space<hbm>>
        tpu.enqueue_dma source(%arg6 : memref<512x80xf32, #tpu.memory_space<vmem>>) target(%dma_start3A_19 : memref<512x80xf32, #tpu.memory_space<hbm>>) target_semaphore(%run_scoped3A : memref<!tpu.dma_semaphore, #tpu.memory_space<semaphore_mem>>)
        %dma_wait3A_20 = arith.constant 0 : i32
        %dma_wait3A_21 = tpu.memref_slice %arg4[%add3A_11, %dma_wait3A_20] : memref<131072x80xf32, #tpu.memory_space<hbm>> -> memref<512x80xf32, #tpu.memory_space<hbm>>
        %dma_wait3A_22 = arith.constant 0 : i32
        %dma_wait3A_23 = tpu.memref_slice %arg4[%add3A_11, %dma_wait3A_22] : memref<131072x80xf32, #tpu.memory_space<hbm>> -> memref<512x80xf32, #tpu.memory_space<hbm>>
        tpu.wait_dma2 semaphore(%run_scoped3A : memref<!tpu.dma_semaphore, #tpu.memory_space<semaphore_mem>>) src(%arg6 : memref<512x80xf32, #tpu.memory_space<vmem>>) dst(%dma_wait3A_23 : memref<512x80xf32, #tpu.memory_space<hbm>>)
        tpu.yield
      }) : () -> ()
    }
    %scan3A_5 = arith.constant 8 : i32
    return
  }
}

module attributes {stable_mosaic.version = 14 : i64} {
  func.func @_fps_kernel(%arg0: memref<16x2048xf32, #tpu.memory_space<vmem>>, %arg1: memref<16x2048xf32, #tpu.memory_space<vmem>>, %arg2: memref<16x2048xf32, #tpu.memory_space<vmem>>, %arg3: memref<16x1024xf32, #tpu.memory_space<vmem>>, %arg4: memref<16x1024xf32, #tpu.memory_space<vmem>>, %arg5: memref<16x1024xf32, #tpu.memory_space<vmem>>) attributes {dimension_semantics = [], scalar_prefetch = 0 : i64, scratch_operands = 0 : i64, tpu.core_type = #tpu.core_type<tc>} {
    %get3A = arith.constant 0 : index
    %get3A_0 = arith.constant 0 : index
    %get3A_1 = vector.load %arg0[%get3A, %get3A_0] : memref<16x2048xf32, #tpu.memory_space<vmem>>, vector<16x2048xf32>
    %get3A_2 = arith.constant 0 : index
    %get3A_3 = arith.constant 0 : index
    %get3A_4 = vector.load %arg1[%get3A_2, %get3A_3] : memref<16x2048xf32, #tpu.memory_space<vmem>>, vector<16x2048xf32>
    %get3A_5 = arith.constant 0 : index
    %get3A_6 = arith.constant 0 : index
    %get3A_7 = vector.load %arg2[%get3A_5, %get3A_6] : memref<16x2048xf32, #tpu.memory_space<vmem>>, vector<16x2048xf32>
    %iota3A = tpu.iota {dimensions = array<i32: 1>} : vector<16x2048xi32>
    %iota3A_8 = tpu.iota {dimensions = array<i32: 1>} : vector<16x1024xi32>
    %slice3A = vector.extract_strided_slice %get3A_1 {offsets = [0, 0], sizes = [16, 1], strides = [1, 1]} : vector<16x2048xf32> to vector<16x1xf32>
    %slice3A_9 = vector.extract_strided_slice %get3A_4 {offsets = [0, 0], sizes = [16, 1], strides = [1, 1]} : vector<16x2048xf32> to vector<16x1xf32>
    %slice3A_10 = vector.extract_strided_slice %get3A_7 {offsets = [0, 0], sizes = [16, 1], strides = [1, 1]} : vector<16x2048xf32> to vector<16x1xf32>
    %eq3A = arith.constant 0 : i32
    %eq3A_11 = vector.broadcast %eq3A : i32 to vector<16x1024xi32>
    %eq3A_12 = arith.cmpi eq, %iota3A_8, %eq3A_11 : vector<16x1024xi32>
    %jit3A = arith.constant 0.000000e+00 : f32
    %broadcast_in_dim3A = vector.shape_cast %slice3A : vector<16x1xf32> to vector<16x1xf32>
    %broadcast_in_dim3A_13 = vector.broadcast %broadcast_in_dim3A : vector<16x1xf32> to vector<16x1024xf32>
    %broadcast_in_dim3A_14 = vector.broadcast %jit3A : f32 to vector<16x1024xf32>
    %select_n3A = arith.select %eq3A_12, %broadcast_in_dim3A_13, %broadcast_in_dim3A_14 : vector<16x1024xi1>, vector<16x1024xf32>
    %swap3A = arith.constant 0 : index
    %swap3A_15 = arith.constant 0 : index
    %swap3A_16 = vector.load %arg3[%swap3A, %swap3A_15] : memref<16x1024xf32, #tpu.memory_space<vmem>>, vector<16x1024xf32>
    tpu.vector_store %arg3[%swap3A, %swap3A_15], %select_n3A {strides = array<i32>} : memref<16x1024xf32, #tpu.memory_space<vmem>>, vector<16x1024xf32>,
    %eq3A_17 = arith.constant 0 : i32
    %eq3A_18 = vector.broadcast %eq3A_17 : i32 to vector<16x1024xi32>
    %eq3A_19 = arith.cmpi eq, %iota3A_8, %eq3A_18 : vector<16x1024xi32>
    %jit3A_20 = arith.constant 0.000000e+00 : f32
    %broadcast_in_dim3A_21 = vector.shape_cast %slice3A_9 : vector<16x1xf32> to vector<16x1xf32>
    %broadcast_in_dim3A_22 = vector.broadcast %broadcast_in_dim3A_21 : vector<16x1xf32> to vector<16x1024xf32>
    %broadcast_in_dim3A_23 = vector.broadcast %jit3A_20 : f32 to vector<16x1024xf32>
    %select_n3A_24 = arith.select %eq3A_19, %broadcast_in_dim3A_22, %broadcast_in_dim3A_23 : vector<16x1024xi1>, vector<16x1024xf32>
    %swap3A_25 = arith.constant 0 : index
    %swap3A_26 = arith.constant 0 : index
    %swap3A_27 = vector.load %arg4[%swap3A_25, %swap3A_26] : memref<16x1024xf32, #tpu.memory_space<vmem>>, vector<16x1024xf32>
    tpu.vector_store %arg4[%swap3A_25, %swap3A_26], %select_n3A_24 {strides = array<i32>} : memref<16x1024xf32, #tpu.memory_space<vmem>>, vector<16x1024xf32>,
    %eq3A_28 = arith.constant 0 : i32
    %eq3A_29 = vector.broadcast %eq3A_28 : i32 to vector<16x1024xi32>
    %eq3A_30 = arith.cmpi eq, %iota3A_8, %eq3A_29 : vector<16x1024xi32>
    %jit3A_31 = arith.constant 0.000000e+00 : f32
    %broadcast_in_dim3A_32 = vector.shape_cast %slice3A_10 : vector<16x1xf32> to vector<16x1xf32>
    %broadcast_in_dim3A_33 = vector.broadcast %broadcast_in_dim3A_32 : vector<16x1xf32> to vector<16x1024xf32>
    %broadcast_in_dim3A_34 = vector.broadcast %jit3A_31 : f32 to vector<16x1024xf32>
    %select_n3A_35 = arith.select %eq3A_30, %broadcast_in_dim3A_33, %broadcast_in_dim3A_34 : vector<16x1024xi1>, vector<16x1024xf32>
    %swap3A_36 = arith.constant 0 : index
    %swap3A_37 = arith.constant 0 : index
    %swap3A_38 = vector.load %arg5[%swap3A_36, %swap3A_37] : memref<16x1024xf32, #tpu.memory_space<vmem>>, vector<16x1024xf32>
    tpu.vector_store %arg5[%swap3A_36, %swap3A_37], %select_n3A_35 {strides = array<i32>} : memref<16x1024xf32, #tpu.memory_space<vmem>>, vector<16x1024xf32>,
    %broadcast_in_dim3A_39 = arith.constant 0x7F800000 : f32
    %broadcast_in_dim3A_40 = vector.broadcast %broadcast_in_dim3A_39 : f32 to vector<16x2048xf32>
    %scan3A = arith.constant 1 : i32
    %scan3A_41 = arith.constant 1023 : i32
    %scan3A_42 = arith.addi %scan3A, %scan3A_41 : i32
    %scan3A_43 = arith.constant 1 : i32
    %scan3A_44:4 = scf.for %scan3A_46 = %scan3A to %scan3A_42 step %scan3A_43 iter_args(%scan3A_47 = %broadcast_in_dim3A_40, %scan3A_48 = %slice3A, %scan3A_49 = %slice3A_9, %scan3A_50 = %slice3A_10) -> (vector<16x2048xf32>, vector<16x1xf32>, vector<16x1xf32>, vector<16x1xf32>)  : i32 {
      %sub3A = vector.broadcast %scan3A_48 : vector<16x1xf32> to vector<16x2048xf32>
      %sub3A_51 = arith.subf %get3A_1, %sub3A : vector<16x2048xf32>
      %sub3A_52 = vector.broadcast %scan3A_49 : vector<16x1xf32> to vector<16x2048xf32>
      %sub3A_53 = arith.subf %get3A_4, %sub3A_52 : vector<16x2048xf32>
      %sub3A_54 = vector.broadcast %scan3A_50 : vector<16x1xf32> to vector<16x2048xf32>
      %sub3A_55 = arith.subf %get3A_7, %sub3A_54 : vector<16x2048xf32>
      %mul3A = arith.mulf %sub3A_51, %sub3A_51 : vector<16x2048xf32>
      %mul3A_56 = arith.mulf %sub3A_53, %sub3A_53 : vector<16x2048xf32>
      %add3A = arith.addf %mul3A, %mul3A_56 : vector<16x2048xf32>
      %mul3A_57 = arith.mulf %sub3A_55, %sub3A_55 : vector<16x2048xf32>
      %add3A_58 = arith.addf %add3A, %mul3A_57 : vector<16x2048xf32>
      %min3A = arith.minimumf %scan3A_47, %add3A_58 : vector<16x2048xf32>
      %slice3A_59 = vector.extract_strided_slice %min3A {offsets = [0, 0], sizes = [16, 1024], strides = [1, 1]} : vector<16x2048xf32> to vector<16x1024xf32>
      %slice3A_60 = vector.extract_strided_slice %min3A {offsets = [0, 1024], sizes = [16, 1024], strides = [1, 1]} : vector<16x2048xf32> to vector<16x1024xf32>
      %slice3A_61 = vector.extract_strided_slice %iota3A {offsets = [0, 0], sizes = [16, 1024], strides = [1, 1]} : vector<16x2048xi32> to vector<16x1024xi32>
      %slice3A_62 = vector.extract_strided_slice %iota3A {offsets = [0, 1024], sizes = [16, 1024], strides = [1, 1]} : vector<16x2048xi32> to vector<16x1024xi32>
      %gt3A = arith.cmpf ogt, %slice3A_59, %slice3A_60 : vector<16x1024xf32>
      %eq3A_63 = arith.cmpf oeq, %slice3A_59, %slice3A_60 : vector<16x1024xf32>
      %lt3A = arith.cmpi slt, %slice3A_61, %slice3A_62 : vector<16x1024xi32>
      %and3A = arith.andi %eq3A_63, %lt3A : vector<16x1024xi1>
      %or3A = arith.ori %gt3A, %and3A : vector<16x1024xi1>
      %select_n3A_64 = arith.select %or3A, %slice3A_59, %slice3A_60 : vector<16x1024xi1>, vector<16x1024xf32>
      %select_n3A_65 = arith.select %or3A, %slice3A_61, %slice3A_62 : vector<16x1024xi1>, vector<16x1024xi32>
      %slice3A_66 = vector.extract_strided_slice %get3A_1 {offsets = [0, 0], sizes = [16, 1024], strides = [1, 1]} : vector<16x2048xf32> to vector<16x1024xf32>
      %slice3A_67 = vector.extract_strided_slice %get3A_1 {offsets = [0, 1024], sizes = [16, 1024], strides = [1, 1]} : vector<16x2048xf32> to vector<16x1024xf32>
      %select_n3A_68 = arith.select %or3A, %slice3A_66, %slice3A_67 : vector<16x1024xi1>, vector<16x1024xf32>
      %slice3A_69 = vector.extract_strided_slice %get3A_4 {offsets = [0, 0], sizes = [16, 1024], strides = [1, 1]} : vector<16x2048xf32> to vector<16x1024xf32>
      %slice3A_70 = vector.extract_strided_slice %get3A_4 {offsets = [0, 1024], sizes = [16, 1024], strides = [1, 1]} : vector<16x2048xf32> to vector<16x1024xf32>
      %select_n3A_71 = arith.select %or3A, %slice3A_69, %slice3A_70 : vector<16x1024xi1>, vector<16x1024xf32>
      %slice3A_72 = vector.extract_strided_slice %get3A_7 {offsets = [0, 0], sizes = [16, 1024], strides = [1, 1]} : vector<16x2048xf32> to vector<16x1024xf32>
      %slice3A_73 = vector.extract_strided_slice %get3A_7 {offsets = [0, 1024], sizes = [16, 1024], strides = [1, 1]} : vector<16x2048xf32> to vector<16x1024xf32>
      %select_n3A_74 = arith.select %or3A, %slice3A_72, %slice3A_73 : vector<16x1024xi1>, vector<16x1024xf32>
      %slice3A_75 = vector.extract_strided_slice %select_n3A_64 {offsets = [0, 0], sizes = [16, 512], strides = [1, 1]} : vector<16x1024xf32> to vector<16x512xf32>
      %slice3A_76 = vector.extract_strided_slice %select_n3A_64 {offsets = [0, 512], sizes = [16, 512], strides = [1, 1]} : vector<16x1024xf32> to vector<16x512xf32>
      %slice3A_77 = vector.extract_strided_slice %select_n3A_65 {offsets = [0, 0], sizes = [16, 512], strides = [1, 1]} : vector<16x1024xi32> to vector<16x512xi32>
      %slice3A_78 = vector.extract_strided_slice %select_n3A_65 {offsets = [0, 512], sizes = [16, 512], strides = [1, 1]} : vector<16x1024xi32> to vector<16x512xi32>
      %gt3A_79 = arith.cmpf ogt, %slice3A_75, %slice3A_76 : vector<16x512xf32>
      %eq3A_80 = arith.cmpf oeq, %slice3A_75, %slice3A_76 : vector<16x512xf32>
      %lt3A_81 = arith.cmpi slt, %slice3A_77, %slice3A_78 : vector<16x512xi32>
      %and3A_82 = arith.andi %eq3A_80, %lt3A_81 : vector<16x512xi1>
      %or3A_83 = arith.ori %gt3A_79, %and3A_82 : vector<16x512xi1>
      %select_n3A_84 = arith.select %or3A_83, %slice3A_75, %slice3A_76 : vector<16x512xi1>, vector<16x512xf32>
      %select_n3A_85 = arith.select %or3A_83, %slice3A_77, %slice3A_78 : vector<16x512xi1>, vector<16x512xi32>
      %slice3A_86 = vector.extract_strided_slice %select_n3A_68 {offsets = [0, 0], sizes = [16, 512], strides = [1, 1]} : vector<16x1024xf32> to vector<16x512xf32>
      %slice3A_87 = vector.extract_strided_slice %select_n3A_68 {offsets = [0, 512], sizes = [16, 512], strides = [1, 1]} : vector<16x1024xf32> to vector<16x512xf32>
      %select_n3A_88 = arith.select %or3A_83, %slice3A_86, %slice3A_87 : vector<16x512xi1>, vector<16x512xf32>
      %slice3A_89 = vector.extract_strided_slice %select_n3A_71 {offsets = [0, 0], sizes = [16, 512], strides = [1, 1]} : vector<16x1024xf32> to vector<16x512xf32>
      %slice3A_90 = vector.extract_strided_slice %select_n3A_71 {offsets = [0, 512], sizes = [16, 512], strides = [1, 1]} : vector<16x1024xf32> to vector<16x512xf32>
      %select_n3A_91 = arith.select %or3A_83, %slice3A_89, %slice3A_90 : vector<16x512xi1>, vector<16x512xf32>
      %slice3A_92 = vector.extract_strided_slice %select_n3A_74 {offsets = [0, 0], sizes = [16, 512], strides = [1, 1]} : vector<16x1024xf32> to vector<16x512xf32>
      %slice3A_93 = vector.extract_strided_slice %select_n3A_74 {offsets = [0, 512], sizes = [16, 512], strides = [1, 1]} : vector<16x1024xf32> to vector<16x512xf32>
      %select_n3A_94 = arith.select %or3A_83, %slice3A_92, %slice3A_93 : vector<16x512xi1>, vector<16x512xf32>
      %slice3A_95 = vector.extract_strided_slice %select_n3A_84 {offsets = [0, 0], sizes = [16, 256], strides = [1, 1]} : vector<16x512xf32> to vector<16x256xf32>
      %slice3A_96 = vector.extract_strided_slice %select_n3A_84 {offsets = [0, 256], sizes = [16, 256], strides = [1, 1]} : vector<16x512xf32> to vector<16x256xf32>
      %slice3A_97 = vector.extract_strided_slice %select_n3A_85 {offsets = [0, 0], sizes = [16, 256], strides = [1, 1]} : vector<16x512xi32> to vector<16x256xi32>
      %slice3A_98 = vector.extract_strided_slice %select_n3A_85 {offsets = [0, 256], sizes = [16, 256], strides = [1, 1]} : vector<16x512xi32> to vector<16x256xi32>
      %gt3A_99 = arith.cmpf ogt, %slice3A_95, %slice3A_96 : vector<16x256xf32>
      %eq3A_100 = arith.cmpf oeq, %slice3A_95, %slice3A_96 : vector<16x256xf32>
      %lt3A_101 = arith.cmpi slt, %slice3A_97, %slice3A_98 : vector<16x256xi32>
      %and3A_102 = arith.andi %eq3A_100, %lt3A_101 : vector<16x256xi1>
      %or3A_103 = arith.ori %gt3A_99, %and3A_102 : vector<16x256xi1>
      %select_n3A_104 = arith.select %or3A_103, %slice3A_95, %slice3A_96 : vector<16x256xi1>, vector<16x256xf32>
      %select_n3A_105 = arith.select %or3A_103, %slice3A_97, %slice3A_98 : vector<16x256xi1>, vector<16x256xi32>
      %slice3A_106 = vector.extract_strided_slice %select_n3A_88 {offsets = [0, 0], sizes = [16, 256], strides = [1, 1]} : vector<16x512xf32> to vector<16x256xf32>
      %slice3A_107 = vector.extract_strided_slice %select_n3A_88 {offsets = [0, 256], sizes = [16, 256], strides = [1, 1]} : vector<16x512xf32> to vector<16x256xf32>
      %select_n3A_108 = arith.select %or3A_103, %slice3A_106, %slice3A_107 : vector<16x256xi1>, vector<16x256xf32>
      %slice3A_109 = vector.extract_strided_slice %select_n3A_91 {offsets = [0, 0], sizes = [16, 256], strides = [1, 1]} : vector<16x512xf32> to vector<16x256xf32>
      %slice3A_110 = vector.extract_strided_slice %select_n3A_91 {offsets = [0, 256], sizes = [16, 256], strides = [1, 1]} : vector<16x512xf32> to vector<16x256xf32>
      %select_n3A_111 = arith.select %or3A_103, %slice3A_109, %slice3A_110 : vector<16x256xi1>, vector<16x256xf32>
      %slice3A_112 = vector.extract_strided_slice %select_n3A_94 {offsets = [0, 0], sizes = [16, 256], strides = [1, 1]} : vector<16x512xf32> to vector<16x256xf32>
      %slice3A_113 = vector.extract_strided_slice %select_n3A_94 {offsets = [0, 256], sizes = [16, 256], strides = [1, 1]} : vector<16x512xf32> to vector<16x256xf32>
      %select_n3A_114 = arith.select %or3A_103, %slice3A_112, %slice3A_113 : vector<16x256xi1>, vector<16x256xf32>
      %slice3A_115 = vector.extract_strided_slice %select_n3A_104 {offsets = [0, 0], sizes = [16, 128], strides = [1, 1]} : vector<16x256xf32> to vector<16x128xf32>
      %slice3A_116 = vector.extract_strided_slice %select_n3A_104 {offsets = [0, 128], sizes = [16, 128], strides = [1, 1]} : vector<16x256xf32> to vector<16x128xf32>
      %slice3A_117 = vector.extract_strided_slice %select_n3A_105 {offsets = [0, 0], sizes = [16, 128], strides = [1, 1]} : vector<16x256xi32> to vector<16x128xi32>
      %slice3A_118 = vector.extract_strided_slice %select_n3A_105 {offsets = [0, 128], sizes = [16, 128], strides = [1, 1]} : vector<16x256xi32> to vector<16x128xi32>
      %gt3A_119 = arith.cmpf ogt, %slice3A_115, %slice3A_116 : vector<16x128xf32>
      %eq3A_120 = arith.cmpf oeq, %slice3A_115, %slice3A_116 : vector<16x128xf32>
      %lt3A_121 = arith.cmpi slt, %slice3A_117, %slice3A_118 : vector<16x128xi32>
      %and3A_122 = arith.andi %eq3A_120, %lt3A_121 : vector<16x128xi1>
      %or3A_123 = arith.ori %gt3A_119, %and3A_122 : vector<16x128xi1>
      %select_n3A_124 = arith.select %or3A_123, %slice3A_115, %slice3A_116 : vector<16x128xi1>, vector<16x128xf32>
      %select_n3A_125 = arith.select %or3A_123, %slice3A_117, %slice3A_118 : vector<16x128xi1>, vector<16x128xi32>
      %slice3A_126 = vector.extract_strided_slice %select_n3A_108 {offsets = [0, 0], sizes = [16, 128], strides = [1, 1]} : vector<16x256xf32> to vector<16x128xf32>
      %slice3A_127 = vector.extract_strided_slice %select_n3A_108 {offsets = [0, 128], sizes = [16, 128], strides = [1, 1]} : vector<16x256xf32> to vector<16x128xf32>
      %select_n3A_128 = arith.select %or3A_123, %slice3A_126, %slice3A_127 : vector<16x128xi1>, vector<16x128xf32>
      %slice3A_129 = vector.extract_strided_slice %select_n3A_111 {offsets = [0, 0], sizes = [16, 128], strides = [1, 1]} : vector<16x256xf32> to vector<16x128xf32>
      %slice3A_130 = vector.extract_strided_slice %select_n3A_111 {offsets = [0, 128], sizes = [16, 128], strides = [1, 1]} : vector<16x256xf32> to vector<16x128xf32>
      %select_n3A_131 = arith.select %or3A_123, %slice3A_129, %slice3A_130 : vector<16x128xi1>, vector<16x128xf32>
      %slice3A_132 = vector.extract_strided_slice %select_n3A_114 {offsets = [0, 0], sizes = [16, 128], strides = [1, 1]} : vector<16x256xf32> to vector<16x128xf32>
      %slice3A_133 = vector.extract_strided_slice %select_n3A_114 {offsets = [0, 128], sizes = [16, 128], strides = [1, 1]} : vector<16x256xf32> to vector<16x128xf32>
      %select_n3A_134 = arith.select %or3A_123, %slice3A_132, %slice3A_133 : vector<16x128xi1>, vector<16x128xf32>
      %reduce_max3A = arith.constant dense<0xFF800000> : vector<16xf32>
      %reduce_max3A_135 = vector.multi_reduction <maximumf>, %select_n3A_124, %reduce_max3A [1] : vector<16x128xf32> to vector<16xf32>
      %broadcast_in_dim3A_136 = vector.shape_cast %reduce_max3A_135 : vector<16xf32> to vector<16x1xf32>
      %eq3A_137 = vector.broadcast %broadcast_in_dim3A_136 : vector<16x1xf32> to vector<16x128xf32>
      %eq3A_138 = arith.cmpf oeq, %select_n3A_124, %eq3A_137 : vector<16x128xf32>
      %jit3A_139 = arith.constant 2048 : i32
      %broadcast_in_dim3A_140 = vector.broadcast %jit3A_139 : i32 to vector<16x128xi32>
      %select_n3A_141 = arith.select %eq3A_138, %select_n3A_125, %broadcast_in_dim3A_140 : vector<16x128xi1>, vector<16x128xi32>
      %reduce_min3A = arith.constant dense<2147483647> : vector<16xi32>
      %reduce_min3A_142 = vector.multi_reduction <minsi>, %select_n3A_141, %reduce_min3A [1] : vector<16x128xi32> to vector<16xi32>
      %broadcast_in_dim3A_143 = vector.shape_cast %reduce_min3A_142 : vector<16xi32> to vector<16x1xi32>
      %eq3A_144 = vector.broadcast %broadcast_in_dim3A_136 : vector<16x1xf32> to vector<16x128xf32>
      %eq3A_145 = arith.cmpf oeq, %select_n3A_124, %eq3A_144 : vector<16x128xf32>
      %eq3A_146 = vector.broadcast %broadcast_in_dim3A_143 : vector<16x1xi32> to vector<16x128xi32>
      %eq3A_147 = arith.cmpi eq, %select_n3A_125, %eq3A_146 : vector<16x128xi32>
      %and3A_148 = arith.andi %eq3A_145, %eq3A_147 : vector<16x128xi1>
      %jit3A_149 = arith.constant 0xFF800000 : f32
      %broadcast_in_dim3A_150 = vector.broadcast %jit3A_149 : f32 to vector<16x128xf32>
      %select_n3A_151 = arith.select %and3A_148, %select_n3A_128, %broadcast_in_dim3A_150 : vector<16x128xi1>, vector<16x128xf32>
      %reduce_max3A_152 = arith.constant dense<0xFF800000> : vector<16xf32>
      %reduce_max3A_153 = vector.multi_reduction <maximumf>, %select_n3A_151, %reduce_max3A_152 [1] : vector<16x128xf32> to vector<16xf32>
      %broadcast_in_dim3A_154 = vector.shape_cast %reduce_max3A_153 : vector<16xf32> to vector<16x1xf32>
      %jit3A_155 = arith.constant 0xFF800000 : f32
      %broadcast_in_dim3A_156 = vector.broadcast %jit3A_155 : f32 to vector<16x128xf32>
      %select_n3A_157 = arith.select %and3A_148, %select_n3A_131, %broadcast_in_dim3A_156 : vector<16x128xi1>, vector<16x128xf32>
      %reduce_max3A_158 = arith.constant dense<0xFF800000> : vector<16xf32>
      %reduce_max3A_159 = vector.multi_reduction <maximumf>, %select_n3A_157, %reduce_max3A_158 [1] : vector<16x128xf32> to vector<16xf32>
      %broadcast_in_dim3A_160 = vector.shape_cast %reduce_max3A_159 : vector<16xf32> to vector<16x1xf32>
      %jit3A_161 = arith.constant 0xFF800000 : f32
      %broadcast_in_dim3A_162 = vector.broadcast %jit3A_161 : f32 to vector<16x128xf32>
      %select_n3A_163 = arith.select %and3A_148, %select_n3A_134, %broadcast_in_dim3A_162 : vector<16x128xi1>, vector<16x128xf32>
      %reduce_max3A_164 = arith.constant dense<0xFF800000> : vector<16xf32>
      %reduce_max3A_165 = vector.multi_reduction <maximumf>, %select_n3A_163, %reduce_max3A_164 [1] : vector<16x128xf32> to vector<16xf32>
      %broadcast_in_dim3A_166 = vector.shape_cast %reduce_max3A_165 : vector<16xf32> to vector<16x1xf32>
      %eq3A_167 = vector.broadcast %scan3A_46 : i32 to vector<16x1024xi32>
      %eq3A_168 = arith.cmpi eq, %iota3A_8, %eq3A_167 : vector<16x1024xi32>
      %get3A_169 = arith.constant 0 : index
      %get3A_170 = arith.constant 0 : index
      %get3A_171 = vector.load %arg3[%get3A_169, %get3A_170] : memref<16x1024xf32, #tpu.memory_space<vmem>>, vector<16x1024xf32>
      %broadcast_in_dim3A_172 = vector.shape_cast %broadcast_in_dim3A_154 : vector<16x1xf32> to vector<16x1xf32>
      %broadcast_in_dim3A_173 = vector.broadcast %broadcast_in_dim3A_172 : vector<16x1xf32> to vector<16x1024xf32>
      %select_n3A_174 = arith.select %eq3A_168, %broadcast_in_dim3A_173, %get3A_171 : vector<16x1024xi1>, vector<16x1024xf32>
      %swap3A_175 = arith.constant 0 : index
      %swap3A_176 = arith.constant 0 : index
      %swap3A_177 = vector.load %arg3[%swap3A_175, %swap3A_176] : memref<16x1024xf32, #tpu.memory_space<vmem>>, vector<16x1024xf32>
      tpu.vector_store %arg3[%swap3A_175, %swap3A_176], %select_n3A_174 {strides = array<i32>} : memref<16x1024xf32, #tpu.memory_space<vmem>>, vector<16x1024xf32>,
      %get3A_178 = arith.constant 0 : index
      %get3A_179 = arith.constant 0 : index
      %get3A_180 = vector.load %arg4[%get3A_178, %get3A_179] : memref<16x1024xf32, #tpu.memory_space<vmem>>, vector<16x1024xf32>
      %broadcast_in_dim3A_181 = vector.shape_cast %broadcast_in_dim3A_160 : vector<16x1xf32> to vector<16x1xf32>
      %broadcast_in_dim3A_182 = vector.broadcast %broadcast_in_dim3A_181 : vector<16x1xf32> to vector<16x1024xf32>
      %select_n3A_183 = arith.select %eq3A_168, %broadcast_in_dim3A_182, %get3A_180 : vector<16x1024xi1>, vector<16x1024xf32>
      %swap3A_184 = arith.constant 0 : index
      %swap3A_185 = arith.constant 0 : index
      %swap3A_186 = vector.load %arg4[%swap3A_184, %swap3A_185] : memref<16x1024xf32, #tpu.memory_space<vmem>>, vector<16x1024xf32>
      tpu.vector_store %arg4[%swap3A_184, %swap3A_185], %select_n3A_183 {strides = array<i32>} : memref<16x1024xf32, #tpu.memory_space<vmem>>, vector<16x1024xf32>,
      %get3A_187 = arith.constant 0 : index
      %get3A_188 = arith.constant 0 : index
      %get3A_189 = vector.load %arg5[%get3A_187, %get3A_188] : memref<16x1024xf32, #tpu.memory_space<vmem>>, vector<16x1024xf32>
      %broadcast_in_dim3A_190 = vector.shape_cast %broadcast_in_dim3A_166 : vector<16x1xf32> to vector<16x1xf32>
      %broadcast_in_dim3A_191 = vector.broadcast %broadcast_in_dim3A_190 : vector<16x1xf32> to vector<16x1024xf32>
      %select_n3A_192 = arith.select %eq3A_168, %broadcast_in_dim3A_191, %get3A_189 : vector<16x1024xi1>, vector<16x1024xf32>
      %swap3A_193 = arith.constant 0 : index
      %swap3A_194 = arith.constant 0 : index
      %swap3A_195 = vector.load %arg5[%swap3A_193, %swap3A_194] : memref<16x1024xf32, #tpu.memory_space<vmem>>, vector<16x1024xf32>
      tpu.vector_store %arg5[%swap3A_193, %swap3A_194], %select_n3A_192 {strides = array<i32>} : memref<16x1024xf32, #tpu.memory_space<vmem>>, vector<16x1024xf32>,
      scf.yield %min3A, %broadcast_in_dim3A_154, %broadcast_in_dim3A_160, %broadcast_in_dim3A_166 : vector<16x2048xf32>, vector<16x1xf32>, vector<16x1xf32>, vector<16x1xf32>
    }
    %scan3A_45 = arith.constant 1023 : i32
    return
  }
}

module attributes {stable_mosaic.version = 14 : i64} {
  func.func @_knn_kernel(%arg0: i32, %arg1: i32, %arg2: memref<16x2048xf32, #tpu.memory_space<vmem>>, %arg3: memref<16x2048xf32, #tpu.memory_space<vmem>>, %arg4: memref<16x2048xf32, #tpu.memory_space<vmem>>, %arg5: memref<256x1xf32, #tpu.memory_space<vmem>>, %arg6: memref<256x1xf32, #tpu.memory_space<vmem>>, %arg7: memref<256x1xf32, #tpu.memory_space<vmem>>, %arg8: memref<1x1x256x32xi32, #tpu.memory_space<vmem>>, %arg9: memref<1x1x256x32xf32, #tpu.memory_space<vmem>>) attributes {dimension_semantics = [#tpu.dimension_semantics<arbitrary>, #tpu.dimension_semantics<arbitrary>], iteration_bounds = array<i64: 16, 4>, scalar_prefetch = 0 : i64, scratch_operands = 0 : i64, tpu.core_type = #tpu.core_type<tc>, window_params = [{pipeline_mode = #tpu.pipeline_mode<synchronous>, transform_indices = @transform_0, window_bounds = array<i64: 16, 2048>}, {pipeline_mode = #tpu.pipeline_mode<synchronous>, transform_indices = @transform_1, window_bounds = array<i64: 16, 2048>}, {pipeline_mode = #tpu.pipeline_mode<synchronous>, transform_indices = @transform_2, window_bounds = array<i64: 16, 2048>}, {transform_indices = @transform_3, window_bounds = array<i64: 256, 1>}, {transform_indices = @transform_4, window_bounds = array<i64: 256, 1>}, {transform_indices = @transform_5, window_bounds = array<i64: 256, 1>}, {transform_indices = @transform_6, window_bounds = array<i64: 1, 1, 256, 32>}, {transform_indices = @transform_7, window_bounds = array<i64: 1, 1, 256, 32>}]} {
    %get3A = arith.index_cast %arg0 : i32 to index
    %get3A_0 = arith.constant 0 : index
    %get3A_1 = vector.load %arg2[%get3A, %get3A_0] : memref<16x2048xf32, #tpu.memory_space<vmem>>, vector<1x2048xf32>
    %get3A_2 = arith.index_cast %arg0 : i32 to index
    %get3A_3 = arith.constant 0 : index
    %get3A_4 = vector.load %arg3[%get3A_2, %get3A_3] : memref<16x2048xf32, #tpu.memory_space<vmem>>, vector<1x2048xf32>
    %get3A_5 = arith.index_cast %arg0 : i32 to index
    %get3A_6 = arith.constant 0 : index
    %get3A_7 = vector.load %arg4[%get3A_5, %get3A_6] : memref<16x2048xf32, #tpu.memory_space<vmem>>, vector<1x2048xf32>
    %get3A_8 = arith.constant 0 : index
    %get3A_9 = arith.constant 0 : index
    %get3A_10 = vector.load %arg5[%get3A_8, %get3A_9] : memref<256x1xf32, #tpu.memory_space<vmem>>, vector<256x1xf32>
    %get3A_11 = arith.constant 0 : index
    %get3A_12 = arith.constant 0 : index
    %get3A_13 = vector.load %arg6[%get3A_11, %get3A_12] : memref<256x1xf32, #tpu.memory_space<vmem>>, vector<256x1xf32>
    %get3A_14 = arith.constant 0 : index
    %get3A_15 = arith.constant 0 : index
    %get3A_16 = vector.load %arg7[%get3A_14, %get3A_15] : memref<256x1xf32, #tpu.memory_space<vmem>>, vector<256x1xf32>
    %sub3A = vector.broadcast %get3A_10 : vector<256x1xf32> to vector<256x2048xf32>
    %sub3A_17 = vector.broadcast %get3A_1 : vector<1x2048xf32> to vector<256x2048xf32>
    %sub3A_18 = arith.subf %sub3A, %sub3A_17 : vector<256x2048xf32>
    %sub3A_19 = vector.broadcast %get3A_13 : vector<256x1xf32> to vector<256x2048xf32>
    %sub3A_20 = vector.broadcast %get3A_4 : vector<1x2048xf32> to vector<256x2048xf32>
    %sub3A_21 = arith.subf %sub3A_19, %sub3A_20 : vector<256x2048xf32>
    %sub3A_22 = vector.broadcast %get3A_16 : vector<256x1xf32> to vector<256x2048xf32>
    %sub3A_23 = vector.broadcast %get3A_7 : vector<1x2048xf32> to vector<256x2048xf32>
    %sub3A_24 = arith.subf %sub3A_22, %sub3A_23 : vector<256x2048xf32>
    %mul3A = arith.mulf %sub3A_18, %sub3A_18 : vector<256x2048xf32>
    %mul3A_25 = arith.mulf %sub3A_21, %sub3A_21 : vector<256x2048xf32>
    %add3A = arith.addf %mul3A, %mul3A_25 : vector<256x2048xf32>
    %mul3A_26 = arith.mulf %sub3A_24, %sub3A_24 : vector<256x2048xf32>
    %add3A_27 = arith.addf %add3A, %mul3A_26 : vector<256x2048xf32>
    %iota3A = tpu.iota {dimensions = array<i32: 1>} : vector<256x2048xi32>
    %reduce_min3A = arith.constant dense<0x7F800000> : vector<256xf32>
    %reduce_min3A_28 = vector.multi_reduction <minimumf>, %add3A_27, %reduce_min3A [1] : vector<256x2048xf32> to vector<256xf32>
    %broadcast_in_dim3A = vector.shape_cast %reduce_min3A_28 : vector<256xf32> to vector<256x1xf32>
    %eq3A = vector.broadcast %broadcast_in_dim3A : vector<256x1xf32> to vector<256x2048xf32>
    %eq3A_29 = arith.cmpf oeq, %add3A_27, %eq3A : vector<256x2048xf32>
    %jit3A = arith.constant 2048 : i32
    %broadcast_in_dim3A_30 = vector.broadcast %jit3A : i32 to vector<256x2048xi32>
    %select_n3A = arith.select %eq3A_29, %iota3A, %broadcast_in_dim3A_30 : vector<256x2048xi1>, vector<256x2048xi32>
    %reduce_min3A_31 = arith.constant dense<2147483647> : vector<256xi32>
    %reduce_min3A_32 = vector.multi_reduction <minsi>, %select_n3A, %reduce_min3A_31 [1] : vector<256x2048xi32> to vector<256xi32>
    %broadcast_in_dim3A_33 = vector.shape_cast %reduce_min3A_32 : vector<256xi32> to vector<256x1xi32>
    %eq3A_34 = vector.broadcast %broadcast_in_dim3A_33 : vector<256x1xi32> to vector<256x2048xi32>
    %eq3A_35 = arith.cmpi eq, %iota3A, %eq3A_34 : vector<256x2048xi32>
    %jit3A_36 = arith.constant 0x7F800000 : f32
    %broadcast_in_dim3A_37 = vector.broadcast %jit3A_36 : f32 to vector<256x2048xf32>
    %select_n3A_38 = arith.select %eq3A_35, %broadcast_in_dim3A_37, %add3A_27 : vector<256x2048xi1>, vector<256x2048xf32>
    %mul3A_39 = arith.constant 2048 : i32
    %mul3A_40 = arith.muli %arg0, %mul3A_39 : i32
    %add3A_41 = vector.broadcast %mul3A_40 : i32 to vector<256x1xi32>
    %add3A_42 = arith.addi %broadcast_in_dim3A_33, %add3A_41 : vector<256x1xi32>
    %le3A = arith.constant 4.000000e-02 : f32
    %le3A_43 = vector.broadcast %le3A : f32 to vector<256x1xf32>
    %le3A_44 = arith.cmpf ole, %broadcast_in_dim3A, %le3A_43 : vector<256x1xf32>
    %convert_element_type3A = arith.extui %le3A_44 : vector<256x1xi1> to vector<256x1xi32>
    %convert_element_type3A_45 = arith.sitofp %convert_element_type3A : vector<256x1xi32> to vector<256x1xf32>
    %reduce_min3A_46 = arith.constant dense<0x7F800000> : vector<256xf32>
    %reduce_min3A_47 = vector.multi_reduction <minimumf>, %select_n3A_38, %reduce_min3A_46 [1] : vector<256x2048xf32> to vector<256xf32>
    %broadcast_in_dim3A_48 = vector.shape_cast %reduce_min3A_47 : vector<256xf32> to vector<256x1xf32>
    %eq3A_49 = vector.broadcast %broadcast_in_dim3A_48 : vector<256x1xf32> to vector<256x2048xf32>
    %eq3A_50 = arith.cmpf oeq, %select_n3A_38, %eq3A_49 : vector<256x2048xf32>
    %jit3A_51 = arith.constant 2048 : i32
    %broadcast_in_dim3A_52 = vector.broadcast %jit3A_51 : i32 to vector<256x2048xi32>
    %select_n3A_53 = arith.select %eq3A_50, %iota3A, %broadcast_in_dim3A_52 : vector<256x2048xi1>, vector<256x2048xi32>
    %reduce_min3A_54 = arith.constant dense<2147483647> : vector<256xi32>
    %reduce_min3A_55 = vector.multi_reduction <minsi>, %select_n3A_53, %reduce_min3A_54 [1] : vector<256x2048xi32> to vector<256xi32>
    %broadcast_in_dim3A_56 = vector.shape_cast %reduce_min3A_55 : vector<256xi32> to vector<256x1xi32>
    %eq3A_57 = vector.broadcast %broadcast_in_dim3A_56 : vector<256x1xi32> to vector<256x2048xi32>
    %eq3A_58 = arith.cmpi eq, %iota3A, %eq3A_57 : vector<256x2048xi32>
    %jit3A_59 = arith.constant 0x7F800000 : f32
    %broadcast_in_dim3A_60 = vector.broadcast %jit3A_59 : f32 to vector<256x2048xf32>
    %select_n3A_61 = arith.select %eq3A_58, %broadcast_in_dim3A_60, %select_n3A_38 : vector<256x2048xi1>, vector<256x2048xf32>
    %mul3A_62 = arith.constant 2048 : i32
    %mul3A_63 = arith.muli %arg0, %mul3A_62 : i32
    %add3A_64 = vector.broadcast %mul3A_63 : i32 to vector<256x1xi32>
    %add3A_65 = arith.addi %broadcast_in_dim3A_56, %add3A_64 : vector<256x1xi32>
    %le3A_66 = arith.constant 4.000000e-02 : f32
    %le3A_67 = vector.broadcast %le3A_66 : f32 to vector<256x1xf32>
    %le3A_68 = arith.cmpf ole, %broadcast_in_dim3A_48, %le3A_67 : vector<256x1xf32>
    %convert_element_type3A_69 = arith.extui %le3A_68 : vector<256x1xi1> to vector<256x1xi32>
    %convert_element_type3A_70 = arith.sitofp %convert_element_type3A_69 : vector<256x1xi32> to vector<256x1xf32>
    %reduce_min3A_71 = arith.constant dense<0x7F800000> : vector<256xf32>
    %reduce_min3A_72 = vector.multi_reduction <minimumf>, %select_n3A_61, %reduce_min3A_71 [1] : vector<256x2048xf32> to vector<256xf32>
    %broadcast_in_dim3A_73 = vector.shape_cast %reduce_min3A_72 : vector<256xf32> to vector<256x1xf32>
    %eq3A_74 = vector.broadcast %broadcast_in_dim3A_73 : vector<256x1xf32> to vector<256x2048xf32>
    %eq3A_75 = arith.cmpf oeq, %select_n3A_61, %eq3A_74 : vector<256x2048xf32>
    %jit3A_76 = arith.constant 2048 : i32
    %broadcast_in_dim3A_77 = vector.broadcast %jit3A_76 : i32 to vector<256x2048xi32>
    %select_n3A_78 = arith.select %eq3A_75, %iota3A, %broadcast_in_dim3A_77 : vector<256x2048xi1>, vector<256x2048xi32>
    %reduce_min3A_79 = arith.constant dense<2147483647> : vector<256xi32>
    %reduce_min3A_80 = vector.multi_reduction <minsi>, %select_n3A_78, %reduce_min3A_79 [1] : vector<256x2048xi32> to vector<256xi32>
    %broadcast_in_dim3A_81 = vector.shape_cast %reduce_min3A_80 : vector<256xi32> to vector<256x1xi32>
    %eq3A_82 = vector.broadcast %broadcast_in_dim3A_81 : vector<256x1xi32> to vector<256x2048xi32>
    %eq3A_83 = arith.cmpi eq, %iota3A, %eq3A_82 : vector<256x2048xi32>
    %jit3A_84 = arith.constant 0x7F800000 : f32
    %broadcast_in_dim3A_85 = vector.broadcast %jit3A_84 : f32 to vector<256x2048xf32>
    %select_n3A_86 = arith.select %eq3A_83, %broadcast_in_dim3A_85, %select_n3A_61 : vector<256x2048xi1>, vector<256x2048xf32>
    %mul3A_87 = arith.constant 2048 : i32
    %mul3A_88 = arith.muli %arg0, %mul3A_87 : i32
    %add3A_89 = vector.broadcast %mul3A_88 : i32 to vector<256x1xi32>
    %add3A_90 = arith.addi %broadcast_in_dim3A_81, %add3A_89 : vector<256x1xi32>
    %le3A_91 = arith.constant 4.000000e-02 : f32
    %le3A_92 = vector.broadcast %le3A_91 : f32 to vector<256x1xf32>
    %le3A_93 = arith.cmpf ole, %broadcast_in_dim3A_73, %le3A_92 : vector<256x1xf32>
    %convert_element_type3A_94 = arith.extui %le3A_93 : vector<256x1xi1> to vector<256x1xi32>
    %convert_element_type3A_95 = arith.sitofp %convert_element_type3A_94 : vector<256x1xi32> to vector<256x1xf32>
    %reduce_min3A_96 = arith.constant dense<0x7F800000> : vector<256xf32>
    %reduce_min3A_97 = vector.multi_reduction <minimumf>, %select_n3A_86, %reduce_min3A_96 [1] : vector<256x2048xf32> to vector<256xf32>
    %broadcast_in_dim3A_98 = vector.shape_cast %reduce_min3A_97 : vector<256xf32> to vector<256x1xf32>
    %eq3A_99 = vector.broadcast %broadcast_in_dim3A_98 : vector<256x1xf32> to vector<256x2048xf32>
    %eq3A_100 = arith.cmpf oeq, %select_n3A_86, %eq3A_99 : vector<256x2048xf32>
    %jit3A_101 = arith.constant 2048 : i32
    %broadcast_in_dim3A_102 = vector.broadcast %jit3A_101 : i32 to vector<256x2048xi32>
    %select_n3A_103 = arith.select %eq3A_100, %iota3A, %broadcast_in_dim3A_102 : vector<256x2048xi1>, vector<256x2048xi32>
    %reduce_min3A_104 = arith.constant dense<2147483647> : vector<256xi32>
    %reduce_min3A_105 = vector.multi_reduction <minsi>, %select_n3A_103, %reduce_min3A_104 [1] : vector<256x2048xi32> to vector<256xi32>
    %broadcast_in_dim3A_106 = vector.shape_cast %reduce_min3A_105 : vector<256xi32> to vector<256x1xi32>
    %eq3A_107 = vector.broadcast %broadcast_in_dim3A_106 : vector<256x1xi32> to vector<256x2048xi32>
    %eq3A_108 = arith.cmpi eq, %iota3A, %eq3A_107 : vector<256x2048xi32>
    %jit3A_109 = arith.constant 0x7F800000 : f32
    %broadcast_in_dim3A_110 = vector.broadcast %jit3A_109 : f32 to vector<256x2048xf32>
    %select_n3A_111 = arith.select %eq3A_108, %broadcast_in_dim3A_110, %select_n3A_86 : vector<256x2048xi1>, vector<256x2048xf32>
    %mul3A_112 = arith.constant 2048 : i32
    %mul3A_113 = arith.muli %arg0, %mul3A_112 : i32
    %add3A_114 = vector.broadcast %mul3A_113 : i32 to vector<256x1xi32>
    %add3A_115 = arith.addi %broadcast_in_dim3A_106, %add3A_114 : vector<256x1xi32>
    %le3A_116 = arith.constant 4.000000e-02 : f32
    %le3A_117 = vector.broadcast %le3A_116 : f32 to vector<256x1xf32>
    %le3A_118 = arith.cmpf ole, %broadcast_in_dim3A_98, %le3A_117 : vector<256x1xf32>
    %convert_element_type3A_119 = arith.extui %le3A_118 : vector<256x1xi1> to vector<256x1xi32>
    %convert_element_type3A_120 = arith.sitofp %convert_element_type3A_119 : vector<256x1xi32> to vector<256x1xf32>
    %reduce_min3A_121 = arith.constant dense<0x7F800000> : vector<256xf32>
    %reduce_min3A_122 = vector.multi_reduction <minimumf>, %select_n3A_111, %reduce_min3A_121 [1] : vector<256x2048xf32> to vector<256xf32>
    %broadcast_in_dim3A_123 = vector.shape_cast %reduce_min3A_122 : vector<256xf32> to vector<256x1xf32>
    %eq3A_124 = vector.broadcast %broadcast_in_dim3A_123 : vector<256x1xf32> to vector<256x2048xf32>
    %eq3A_125 = arith.cmpf oeq, %select_n3A_111, %eq3A_124 : vector<256x2048xf32>
    %jit3A_126 = arith.constant 2048 : i32
    %broadcast_in_dim3A_127 = vector.broadcast %jit3A_126 : i32 to vector<256x2048xi32>
    %select_n3A_128 = arith.select %eq3A_125, %iota3A, %broadcast_in_dim3A_127 : vector<256x2048xi1>, vector<256x2048xi32>
    %reduce_min3A_129 = arith.constant dense<2147483647> : vector<256xi32>
    %reduce_min3A_130 = vector.multi_reduction <minsi>, %select_n3A_128, %reduce_min3A_129 [1] : vector<256x2048xi32> to vector<256xi32>
    %broadcast_in_dim3A_131 = vector.shape_cast %reduce_min3A_130 : vector<256xi32> to vector<256x1xi32>
    %eq3A_132 = vector.broadcast %broadcast_in_dim3A_131 : vector<256x1xi32> to vector<256x2048xi32>
    %eq3A_133 = arith.cmpi eq, %iota3A, %eq3A_132 : vector<256x2048xi32>
    %jit3A_134 = arith.constant 0x7F800000 : f32
    %broadcast_in_dim3A_135 = vector.broadcast %jit3A_134 : f32 to vector<256x2048xf32>
    %select_n3A_136 = arith.select %eq3A_133, %broadcast_in_dim3A_135, %select_n3A_111 : vector<256x2048xi1>, vector<256x2048xf32>
    %mul3A_137 = arith.constant 2048 : i32
    %mul3A_138 = arith.muli %arg0, %mul3A_137 : i32
    %add3A_139 = vector.broadcast %mul3A_138 : i32 to vector<256x1xi32>
    %add3A_140 = arith.addi %broadcast_in_dim3A_131, %add3A_139 : vector<256x1xi32>
    %le3A_141 = arith.constant 4.000000e-02 : f32
    %le3A_142 = vector.broadcast %le3A_141 : f32 to vector<256x1xf32>
    %le3A_143 = arith.cmpf ole, %broadcast_in_dim3A_123, %le3A_142 : vector<256x1xf32>
    %convert_element_type3A_144 = arith.extui %le3A_143 : vector<256x1xi1> to vector<256x1xi32>
    %convert_element_type3A_145 = arith.sitofp %convert_element_type3A_144 : vector<256x1xi32> to vector<256x1xf32>
    %reduce_min3A_146 = arith.constant dense<0x7F800000> : vector<256xf32>
    %reduce_min3A_147 = vector.multi_reduction <minimumf>, %select_n3A_136, %reduce_min3A_146 [1] : vector<256x2048xf32> to vector<256xf32>
    %broadcast_in_dim3A_148 = vector.shape_cast %reduce_min3A_147 : vector<256xf32> to vector<256x1xf32>
    %eq3A_149 = vector.broadcast %broadcast_in_dim3A_148 : vector<256x1xf32> to vector<256x2048xf32>
    %eq3A_150 = arith.cmpf oeq, %select_n3A_136, %eq3A_149 : vector<256x2048xf32>
    %jit3A_151 = arith.constant 2048 : i32
    %broadcast_in_dim3A_152 = vector.broadcast %jit3A_151 : i32 to vector<256x2048xi32>
    %select_n3A_153 = arith.select %eq3A_150, %iota3A, %broadcast_in_dim3A_152 : vector<256x2048xi1>, vector<256x2048xi32>
    %reduce_min3A_154 = arith.constant dense<2147483647> : vector<256xi32>
    %reduce_min3A_155 = vector.multi_reduction <minsi>, %select_n3A_153, %reduce_min3A_154 [1] : vector<256x2048xi32> to vector<256xi32>
    %broadcast_in_dim3A_156 = vector.shape_cast %reduce_min3A_155 : vector<256xi32> to vector<256x1xi32>
    %eq3A_157 = vector.broadcast %broadcast_in_dim3A_156 : vector<256x1xi32> to vector<256x2048xi32>
    %eq3A_158 = arith.cmpi eq, %iota3A, %eq3A_157 : vector<256x2048xi32>
    %jit3A_159 = arith.constant 0x7F800000 : f32
    %broadcast_in_dim3A_160 = vector.broadcast %jit3A_159 : f32 to vector<256x2048xf32>
    %select_n3A_161 = arith.select %eq3A_158, %broadcast_in_dim3A_160, %select_n3A_136 : vector<256x2048xi1>, vector<256x2048xf32>
    %mul3A_162 = arith.constant 2048 : i32
    %mul3A_163 = arith.muli %arg0, %mul3A_162 : i32
    %add3A_164 = vector.broadcast %mul3A_163 : i32 to vector<256x1xi32>
    %add3A_165 = arith.addi %broadcast_in_dim3A_156, %add3A_164 : vector<256x1xi32>
    %le3A_166 = arith.constant 4.000000e-02 : f32
    %le3A_167 = vector.broadcast %le3A_166 : f32 to vector<256x1xf32>
    %le3A_168 = arith.cmpf ole, %broadcast_in_dim3A_148, %le3A_167 : vector<256x1xf32>
    %convert_element_type3A_169 = arith.extui %le3A_168 : vector<256x1xi1> to vector<256x1xi32>
    %convert_element_type3A_170 = arith.sitofp %convert_element_type3A_169 : vector<256x1xi32> to vector<256x1xf32>
    %reduce_min3A_171 = arith.constant dense<0x7F800000> : vector<256xf32>
    %reduce_min3A_172 = vector.multi_reduction <minimumf>, %select_n3A_161, %reduce_min3A_171 [1] : vector<256x2048xf32> to vector<256xf32>
    %broadcast_in_dim3A_173 = vector.shape_cast %reduce_min3A_172 : vector<256xf32> to vector<256x1xf32>
    %eq3A_174 = vector.broadcast %broadcast_in_dim3A_173 : vector<256x1xf32> to vector<256x2048xf32>
    %eq3A_175 = arith.cmpf oeq, %select_n3A_161, %eq3A_174 : vector<256x2048xf32>
    %jit3A_176 = arith.constant 2048 : i32
    %broadcast_in_dim3A_177 = vector.broadcast %jit3A_176 : i32 to vector<256x2048xi32>
    %select_n3A_178 = arith.select %eq3A_175, %iota3A, %broadcast_in_dim3A_177 : vector<256x2048xi1>, vector<256x2048xi32>
    %reduce_min3A_179 = arith.constant dense<2147483647> : vector<256xi32>
    %reduce_min3A_180 = vector.multi_reduction <minsi>, %select_n3A_178, %reduce_min3A_179 [1] : vector<256x2048xi32> to vector<256xi32>
    %broadcast_in_dim3A_181 = vector.shape_cast %reduce_min3A_180 : vector<256xi32> to vector<256x1xi32>
    %eq3A_182 = vector.broadcast %broadcast_in_dim3A_181 : vector<256x1xi32> to vector<256x2048xi32>
    %eq3A_183 = arith.cmpi eq, %iota3A, %eq3A_182 : vector<256x2048xi32>
    %jit3A_184 = arith.constant 0x7F800000 : f32
    %broadcast_in_dim3A_185 = vector.broadcast %jit3A_184 : f32 to vector<256x2048xf32>
    %select_n3A_186 = arith.select %eq3A_183, %broadcast_in_dim3A_185, %select_n3A_161 : vector<256x2048xi1>, vector<256x2048xf32>
    %mul3A_187 = arith.constant 2048 : i32
    %mul3A_188 = arith.muli %arg0, %mul3A_187 : i32
    %add3A_189 = vector.broadcast %mul3A_188 : i32 to vector<256x1xi32>
    %add3A_190 = arith.addi %broadcast_in_dim3A_181, %add3A_189 : vector<256x1xi32>
    %le3A_191 = arith.constant 4.000000e-02 : f32
    %le3A_192 = vector.broadcast %le3A_191 : f32 to vector<256x1xf32>
    %le3A_193 = arith.cmpf ole, %broadcast_in_dim3A_173, %le3A_192 : vector<256x1xf32>
    %convert_element_type3A_194 = arith.extui %le3A_193 : vector<256x1xi1> to vector<256x1xi32>
    %convert_element_type3A_195 = arith.sitofp %convert_element_type3A_194 : vector<256x1xi32> to vector<256x1xf32>
    %reduce_min3A_196 = arith.constant dense<0x7F800000> : vector<256xf32>
    %reduce_min3A_197 = vector.multi_reduction <minimumf>, %select_n3A_186, %reduce_min3A_196 [1] : vector<256x2048xf32> to vector<256xf32>
    %broadcast_in_dim3A_198 = vector.shape_cast %reduce_min3A_197 : vector<256xf32> to vector<256x1xf32>
    %eq3A_199 = vector.broadcast %broadcast_in_dim3A_198 : vector<256x1xf32> to vector<256x2048xf32>
    %eq3A_200 = arith.cmpf oeq, %select_n3A_186, %eq3A_199 : vector<256x2048xf32>
    %jit3A_201 = arith.constant 2048 : i32
    %broadcast_in_dim3A_202 = vector.broadcast %jit3A_201 : i32 to vector<256x2048xi32>
    %select_n3A_203 = arith.select %eq3A_200, %iota3A, %broadcast_in_dim3A_202 : vector<256x2048xi1>, vector<256x2048xi32>
    %reduce_min3A_204 = arith.constant dense<2147483647> : vector<256xi32>
    %reduce_min3A_205 = vector.multi_reduction <minsi>, %select_n3A_203, %reduce_min3A_204 [1] : vector<256x2048xi32> to vector<256xi32>
    %broadcast_in_dim3A_206 = vector.shape_cast %reduce_min3A_205 : vector<256xi32> to vector<256x1xi32>
    %eq3A_207 = vector.broadcast %broadcast_in_dim3A_206 : vector<256x1xi32> to vector<256x2048xi32>
    %eq3A_208 = arith.cmpi eq, %iota3A, %eq3A_207 : vector<256x2048xi32>
    %jit3A_209 = arith.constant 0x7F800000 : f32
    %broadcast_in_dim3A_210 = vector.broadcast %jit3A_209 : f32 to vector<256x2048xf32>
    %select_n3A_211 = arith.select %eq3A_208, %broadcast_in_dim3A_210, %select_n3A_186 : vector<256x2048xi1>, vector<256x2048xf32>
    %mul3A_212 = arith.constant 2048 : i32
    %mul3A_213 = arith.muli %arg0, %mul3A_212 : i32
    %add3A_214 = vector.broadcast %mul3A_213 : i32 to vector<256x1xi32>
    %add3A_215 = arith.addi %broadcast_in_dim3A_206, %add3A_214 : vector<256x1xi32>
    %le3A_216 = arith.constant 4.000000e-02 : f32
    %le3A_217 = vector.broadcast %le3A_216 : f32 to vector<256x1xf32>
    %le3A_218 = arith.cmpf ole, %broadcast_in_dim3A_198, %le3A_217 : vector<256x1xf32>
    %convert_element_type3A_219 = arith.extui %le3A_218 : vector<256x1xi1> to vector<256x1xi32>
    %convert_element_type3A_220 = arith.sitofp %convert_element_type3A_219 : vector<256x1xi32> to vector<256x1xf32>
    %reduce_min3A_221 = arith.constant dense<0x7F800000> : vector<256xf32>
    %reduce_min3A_222 = vector.multi_reduction <minimumf>, %select_n3A_211, %reduce_min3A_221 [1] : vector<256x2048xf32> to vector<256xf32>
    %broadcast_in_dim3A_223 = vector.shape_cast %reduce_min3A_222 : vector<256xf32> to vector<256x1xf32>
    %eq3A_224 = vector.broadcast %broadcast_in_dim3A_223 : vector<256x1xf32> to vector<256x2048xf32>
    %eq3A_225 = arith.cmpf oeq, %select_n3A_211, %eq3A_224 : vector<256x2048xf32>
    %jit3A_226 = arith.constant 2048 : i32
    %broadcast_in_dim3A_227 = vector.broadcast %jit3A_226 : i32 to vector<256x2048xi32>
    %select_n3A_228 = arith.select %eq3A_225, %iota3A, %broadcast_in_dim3A_227 : vector<256x2048xi1>, vector<256x2048xi32>
    %reduce_min3A_229 = arith.constant dense<2147483647> : vector<256xi32>
    %reduce_min3A_230 = vector.multi_reduction <minsi>, %select_n3A_228, %reduce_min3A_229 [1] : vector<256x2048xi32> to vector<256xi32>
    %broadcast_in_dim3A_231 = vector.shape_cast %reduce_min3A_230 : vector<256xi32> to vector<256x1xi32>
    %eq3A_232 = vector.broadcast %broadcast_in_dim3A_231 : vector<256x1xi32> to vector<256x2048xi32>
    %eq3A_233 = arith.cmpi eq, %iota3A, %eq3A_232 : vector<256x2048xi32>
    %jit3A_234 = arith.constant 0x7F800000 : f32
    %broadcast_in_dim3A_235 = vector.broadcast %jit3A_234 : f32 to vector<256x2048xf32>
    %select_n3A_236 = arith.select %eq3A_233, %broadcast_in_dim3A_235, %select_n3A_211 : vector<256x2048xi1>, vector<256x2048xf32>
    %mul3A_237 = arith.constant 2048 : i32
    %mul3A_238 = arith.muli %arg0, %mul3A_237 : i32
    %add3A_239 = vector.broadcast %mul3A_238 : i32 to vector<256x1xi32>
    %add3A_240 = arith.addi %broadcast_in_dim3A_231, %add3A_239 : vector<256x1xi32>
    %le3A_241 = arith.constant 4.000000e-02 : f32
    %le3A_242 = vector.broadcast %le3A_241 : f32 to vector<256x1xf32>
    %le3A_243 = arith.cmpf ole, %broadcast_in_dim3A_223, %le3A_242 : vector<256x1xf32>
    %convert_element_type3A_244 = arith.extui %le3A_243 : vector<256x1xi1> to vector<256x1xi32>
    %convert_element_type3A_245 = arith.sitofp %convert_element_type3A_244 : vector<256x1xi32> to vector<256x1xf32>
    %reduce_min3A_246 = arith.constant dense<0x7F800000> : vector<256xf32>
    %reduce_min3A_247 = vector.multi_reduction <minimumf>, %select_n3A_236, %reduce_min3A_246 [1] : vector<256x2048xf32> to vector<256xf32>
    %broadcast_in_dim3A_248 = vector.shape_cast %reduce_min3A_247 : vector<256xf32> to vector<256x1xf32>
    %eq3A_249 = vector.broadcast %broadcast_in_dim3A_248 : vector<256x1xf32> to vector<256x2048xf32>
    %eq3A_250 = arith.cmpf oeq, %select_n3A_236, %eq3A_249 : vector<256x2048xf32>
    %jit3A_251 = arith.constant 2048 : i32
    %broadcast_in_dim3A_252 = vector.broadcast %jit3A_251 : i32 to vector<256x2048xi32>
    %select_n3A_253 = arith.select %eq3A_250, %iota3A, %broadcast_in_dim3A_252 : vector<256x2048xi1>, vector<256x2048xi32>
    %reduce_min3A_254 = arith.constant dense<2147483647> : vector<256xi32>
    %reduce_min3A_255 = vector.multi_reduction <minsi>, %select_n3A_253, %reduce_min3A_254 [1] : vector<256x2048xi32> to vector<256xi32>
    %broadcast_in_dim3A_256 = vector.shape_cast %reduce_min3A_255 : vector<256xi32> to vector<256x1xi32>
    %eq3A_257 = vector.broadcast %broadcast_in_dim3A_256 : vector<256x1xi32> to vector<256x2048xi32>
    %eq3A_258 = arith.cmpi eq, %iota3A, %eq3A_257 : vector<256x2048xi32>
    %jit3A_259 = arith.constant 0x7F800000 : f32
    %broadcast_in_dim3A_260 = vector.broadcast %jit3A_259 : f32 to vector<256x2048xf32>
    %select_n3A_261 = arith.select %eq3A_258, %broadcast_in_dim3A_260, %select_n3A_236 : vector<256x2048xi1>, vector<256x2048xf32>
    %mul3A_262 = arith.constant 2048 : i32
    %mul3A_263 = arith.muli %arg0, %mul3A_262 : i32
    %add3A_264 = vector.broadcast %mul3A_263 : i32 to vector<256x1xi32>
    %add3A_265 = arith.addi %broadcast_in_dim3A_256, %add3A_264 : vector<256x1xi32>
    %le3A_266 = arith.constant 4.000000e-02 : f32
    %le3A_267 = vector.broadcast %le3A_266 : f32 to vector<256x1xf32>
    %le3A_268 = arith.cmpf ole, %broadcast_in_dim3A_248, %le3A_267 : vector<256x1xf32>
    %convert_element_type3A_269 = arith.extui %le3A_268 : vector<256x1xi1> to vector<256x1xi32>
    %convert_element_type3A_270 = arith.sitofp %convert_element_type3A_269 : vector<256x1xi32> to vector<256x1xf32>
    %reduce_min3A_271 = arith.constant dense<0x7F800000> : vector<256xf32>
    %reduce_min3A_272 = vector.multi_reduction <minimumf>, %select_n3A_261, %reduce_min3A_271 [1] : vector<256x2048xf32> to vector<256xf32>
    %broadcast_in_dim3A_273 = vector.shape_cast %reduce_min3A_272 : vector<256xf32> to vector<256x1xf32>
    %eq3A_274 = vector.broadcast %broadcast_in_dim3A_273 : vector<256x1xf32> to vector<256x2048xf32>
    %eq3A_275 = arith.cmpf oeq, %select_n3A_261, %eq3A_274 : vector<256x2048xf32>
    %jit3A_276 = arith.constant 2048 : i32
    %broadcast_in_dim3A_277 = vector.broadcast %jit3A_276 : i32 to vector<256x2048xi32>
    %select_n3A_278 = arith.select %eq3A_275, %iota3A, %broadcast_in_dim3A_277 : vector<256x2048xi1>, vector<256x2048xi32>
    %reduce_min3A_279 = arith.constant dense<2147483647> : vector<256xi32>
    %reduce_min3A_280 = vector.multi_reduction <minsi>, %select_n3A_278, %reduce_min3A_279 [1] : vector<256x2048xi32> to vector<256xi32>
    %broadcast_in_dim3A_281 = vector.shape_cast %reduce_min3A_280 : vector<256xi32> to vector<256x1xi32>
    %eq3A_282 = vector.broadcast %broadcast_in_dim3A_281 : vector<256x1xi32> to vector<256x2048xi32>
    %eq3A_283 = arith.cmpi eq, %iota3A, %eq3A_282 : vector<256x2048xi32>
    %jit3A_284 = arith.constant 0x7F800000 : f32
    %broadcast_in_dim3A_285 = vector.broadcast %jit3A_284 : f32 to vector<256x2048xf32>
    %select_n3A_286 = arith.select %eq3A_283, %broadcast_in_dim3A_285, %select_n3A_261 : vector<256x2048xi1>, vector<256x2048xf32>
    %mul3A_287 = arith.constant 2048 : i32
    %mul3A_288 = arith.muli %arg0, %mul3A_287 : i32
    %add3A_289 = vector.broadcast %mul3A_288 : i32 to vector<256x1xi32>
    %add3A_290 = arith.addi %broadcast_in_dim3A_281, %add3A_289 : vector<256x1xi32>
    %le3A_291 = arith.constant 4.000000e-02 : f32
    %le3A_292 = vector.broadcast %le3A_291 : f32 to vector<256x1xf32>
    %le3A_293 = arith.cmpf ole, %broadcast_in_dim3A_273, %le3A_292 : vector<256x1xf32>
    %convert_element_type3A_294 = arith.extui %le3A_293 : vector<256x1xi1> to vector<256x1xi32>
    %convert_element_type3A_295 = arith.sitofp %convert_element_type3A_294 : vector<256x1xi32> to vector<256x1xf32>
    %reduce_min3A_296 = arith.constant dense<0x7F800000> : vector<256xf32>
    %reduce_min3A_297 = vector.multi_reduction <minimumf>, %select_n3A_286, %reduce_min3A_296 [1] : vector<256x2048xf32> to vector<256xf32>
    %broadcast_in_dim3A_298 = vector.shape_cast %reduce_min3A_297 : vector<256xf32> to vector<256x1xf32>
    %eq3A_299 = vector.broadcast %broadcast_in_dim3A_298 : vector<256x1xf32> to vector<256x2048xf32>
    %eq3A_300 = arith.cmpf oeq, %select_n3A_286, %eq3A_299 : vector<256x2048xf32>
    %jit3A_301 = arith.constant 2048 : i32
    %broadcast_in_dim3A_302 = vector.broadcast %jit3A_301 : i32 to vector<256x2048xi32>
    %select_n3A_303 = arith.select %eq3A_300, %iota3A, %broadcast_in_dim3A_302 : vector<256x2048xi1>, vector<256x2048xi32>
    %reduce_min3A_304 = arith.constant dense<2147483647> : vector<256xi32>
    %reduce_min3A_305 = vector.multi_reduction <minsi>, %select_n3A_303, %reduce_min3A_304 [1] : vector<256x2048xi32> to vector<256xi32>
    %broadcast_in_dim3A_306 = vector.shape_cast %reduce_min3A_305 : vector<256xi32> to vector<256x1xi32>
    %eq3A_307 = vector.broadcast %broadcast_in_dim3A_306 : vector<256x1xi32> to vector<256x2048xi32>
    %eq3A_308 = arith.cmpi eq, %iota3A, %eq3A_307 : vector<256x2048xi32>
    %jit3A_309 = arith.constant 0x7F800000 : f32
    %broadcast_in_dim3A_310 = vector.broadcast %jit3A_309 : f32 to vector<256x2048xf32>
    %select_n3A_311 = arith.select %eq3A_308, %broadcast_in_dim3A_310, %select_n3A_286 : vector<256x2048xi1>, vector<256x2048xf32>
    %mul3A_312 = arith.constant 2048 : i32
    %mul3A_313 = arith.muli %arg0, %mul3A_312 : i32
    %add3A_314 = vector.broadcast %mul3A_313 : i32 to vector<256x1xi32>
    %add3A_315 = arith.addi %broadcast_in_dim3A_306, %add3A_314 : vector<256x1xi32>
    %le3A_316 = arith.constant 4.000000e-02 : f32
    %le3A_317 = vector.broadcast %le3A_316 : f32 to vector<256x1xf32>
    %le3A_318 = arith.cmpf ole, %broadcast_in_dim3A_298, %le3A_317 : vector<256x1xf32>
    %convert_element_type3A_319 = arith.extui %le3A_318 : vector<256x1xi1> to vector<256x1xi32>
    %convert_element_type3A_320 = arith.sitofp %convert_element_type3A_319 : vector<256x1xi32> to vector<256x1xf32>
    %reduce_min3A_321 = arith.constant dense<0x7F800000> : vector<256xf32>
    %reduce_min3A_322 = vector.multi_reduction <minimumf>, %select_n3A_311, %reduce_min3A_321 [1] : vector<256x2048xf32> to vector<256xf32>
    %broadcast_in_dim3A_323 = vector.shape_cast %reduce_min3A_322 : vector<256xf32> to vector<256x1xf32>
    %eq3A_324 = vector.broadcast %broadcast_in_dim3A_323 : vector<256x1xf32> to vector<256x2048xf32>
    %eq3A_325 = arith.cmpf oeq, %select_n3A_311, %eq3A_324 : vector<256x2048xf32>
    %jit3A_326 = arith.constant 2048 : i32
    %broadcast_in_dim3A_327 = vector.broadcast %jit3A_326 : i32 to vector<256x2048xi32>
    %select_n3A_328 = arith.select %eq3A_325, %iota3A, %broadcast_in_dim3A_327 : vector<256x2048xi1>, vector<256x2048xi32>
    %reduce_min3A_329 = arith.constant dense<2147483647> : vector<256xi32>
    %reduce_min3A_330 = vector.multi_reduction <minsi>, %select_n3A_328, %reduce_min3A_329 [1] : vector<256x2048xi32> to vector<256xi32>
    %broadcast_in_dim3A_331 = vector.shape_cast %reduce_min3A_330 : vector<256xi32> to vector<256x1xi32>
    %eq3A_332 = vector.broadcast %broadcast_in_dim3A_331 : vector<256x1xi32> to vector<256x2048xi32>
    %eq3A_333 = arith.cmpi eq, %iota3A, %eq3A_332 : vector<256x2048xi32>
    %jit3A_334 = arith.constant 0x7F800000 : f32
    %broadcast_in_dim3A_335 = vector.broadcast %jit3A_334 : f32 to vector<256x2048xf32>
    %select_n3A_336 = arith.select %eq3A_333, %broadcast_in_dim3A_335, %select_n3A_311 : vector<256x2048xi1>, vector<256x2048xf32>
    %mul3A_337 = arith.constant 2048 : i32
    %mul3A_338 = arith.muli %arg0, %mul3A_337 : i32
    %add3A_339 = vector.broadcast %mul3A_338 : i32 to vector<256x1xi32>
    %add3A_340 = arith.addi %broadcast_in_dim3A_331, %add3A_339 : vector<256x1xi32>
    %le3A_341 = arith.constant 4.000000e-02 : f32
    %le3A_342 = vector.broadcast %le3A_341 : f32 to vector<256x1xf32>
    %le3A_343 = arith.cmpf ole, %broadcast_in_dim3A_323, %le3A_342 : vector<256x1xf32>
    %convert_element_type3A_344 = arith.extui %le3A_343 : vector<256x1xi1> to vector<256x1xi32>
    %convert_element_type3A_345 = arith.sitofp %convert_element_type3A_344 : vector<256x1xi32> to vector<256x1xf32>
    %reduce_min3A_346 = arith.constant dense<0x7F800000> : vector<256xf32>
    %reduce_min3A_347 = vector.multi_reduction <minimumf>, %select_n3A_336, %reduce_min3A_346 [1] : vector<256x2048xf32> to vector<256xf32>
    %broadcast_in_dim3A_348 = vector.shape_cast %reduce_min3A_347 : vector<256xf32> to vector<256x1xf32>
    %eq3A_349 = vector.broadcast %broadcast_in_dim3A_348 : vector<256x1xf32> to vector<256x2048xf32>
    %eq3A_350 = arith.cmpf oeq, %select_n3A_336, %eq3A_349 : vector<256x2048xf32>
    %jit3A_351 = arith.constant 2048 : i32
    %broadcast_in_dim3A_352 = vector.broadcast %jit3A_351 : i32 to vector<256x2048xi32>
    %select_n3A_353 = arith.select %eq3A_350, %iota3A, %broadcast_in_dim3A_352 : vector<256x2048xi1>, vector<256x2048xi32>
    %reduce_min3A_354 = arith.constant dense<2147483647> : vector<256xi32>
    %reduce_min3A_355 = vector.multi_reduction <minsi>, %select_n3A_353, %reduce_min3A_354 [1] : vector<256x2048xi32> to vector<256xi32>
    %broadcast_in_dim3A_356 = vector.shape_cast %reduce_min3A_355 : vector<256xi32> to vector<256x1xi32>
    %eq3A_357 = vector.broadcast %broadcast_in_dim3A_356 : vector<256x1xi32> to vector<256x2048xi32>
    %eq3A_358 = arith.cmpi eq, %iota3A, %eq3A_357 : vector<256x2048xi32>
    %jit3A_359 = arith.constant 0x7F800000 : f32
    %broadcast_in_dim3A_360 = vector.broadcast %jit3A_359 : f32 to vector<256x2048xf32>
    %select_n3A_361 = arith.select %eq3A_358, %broadcast_in_dim3A_360, %select_n3A_336 : vector<256x2048xi1>, vector<256x2048xf32>
    %mul3A_362 = arith.constant 2048 : i32
    %mul3A_363 = arith.muli %arg0, %mul3A_362 : i32
    %add3A_364 = vector.broadcast %mul3A_363 : i32 to vector<256x1xi32>
    %add3A_365 = arith.addi %broadcast_in_dim3A_356, %add3A_364 : vector<256x1xi32>
    %le3A_366 = arith.constant 4.000000e-02 : f32
    %le3A_367 = vector.broadcast %le3A_366 : f32 to vector<256x1xf32>
    %le3A_368 = arith.cmpf ole, %broadcast_in_dim3A_348, %le3A_367 : vector<256x1xf32>
    %convert_element_type3A_369 = arith.extui %le3A_368 : vector<256x1xi1> to vector<256x1xi32>
    %convert_element_type3A_370 = arith.sitofp %convert_element_type3A_369 : vector<256x1xi32> to vector<256x1xf32>
    %reduce_min3A_371 = arith.constant dense<0x7F800000> : vector<256xf32>
    %reduce_min3A_372 = vector.multi_reduction <minimumf>, %select_n3A_361, %reduce_min3A_371 [1] : vector<256x2048xf32> to vector<256xf32>
    %broadcast_in_dim3A_373 = vector.shape_cast %reduce_min3A_372 : vector<256xf32> to vector<256x1xf32>
    %eq3A_374 = vector.broadcast %broadcast_in_dim3A_373 : vector<256x1xf32> to vector<256x2048xf32>
    %eq3A_375 = arith.cmpf oeq, %select_n3A_361, %eq3A_374 : vector<256x2048xf32>
    %jit3A_376 = arith.constant 2048 : i32
    %broadcast_in_dim3A_377 = vector.broadcast %jit3A_376 : i32 to vector<256x2048xi32>
    %select_n3A_378 = arith.select %eq3A_375, %iota3A, %broadcast_in_dim3A_377 : vector<256x2048xi1>, vector<256x2048xi32>
    %reduce_min3A_379 = arith.constant dense<2147483647> : vector<256xi32>
    %reduce_min3A_380 = vector.multi_reduction <minsi>, %select_n3A_378, %reduce_min3A_379 [1] : vector<256x2048xi32> to vector<256xi32>
    %broadcast_in_dim3A_381 = vector.shape_cast %reduce_min3A_380 : vector<256xi32> to vector<256x1xi32>
    %eq3A_382 = vector.broadcast %broadcast_in_dim3A_381 : vector<256x1xi32> to vector<256x2048xi32>
    %eq3A_383 = arith.cmpi eq, %iota3A, %eq3A_382 : vector<256x2048xi32>
    %jit3A_384 = arith.constant 0x7F800000 : f32
    %broadcast_in_dim3A_385 = vector.broadcast %jit3A_384 : f32 to vector<256x2048xf32>
    %select_n3A_386 = arith.select %eq3A_383, %broadcast_in_dim3A_385, %select_n3A_361 : vector<256x2048xi1>, vector<256x2048xf32>
    %mul3A_387 = arith.constant 2048 : i32
    %mul3A_388 = arith.muli %arg0, %mul3A_387 : i32
    %add3A_389 = vector.broadcast %mul3A_388 : i32 to vector<256x1xi32>
    %add3A_390 = arith.addi %broadcast_in_dim3A_381, %add3A_389 : vector<256x1xi32>
    %le3A_391 = arith.constant 4.000000e-02 : f32
    %le3A_392 = vector.broadcast %le3A_391 : f32 to vector<256x1xf32>
    %le3A_393 = arith.cmpf ole, %broadcast_in_dim3A_373, %le3A_392 : vector<256x1xf32>
    %convert_element_type3A_394 = arith.extui %le3A_393 : vector<256x1xi1> to vector<256x1xi32>
    %convert_element_type3A_395 = arith.sitofp %convert_element_type3A_394 : vector<256x1xi32> to vector<256x1xf32>
    %reduce_min3A_396 = arith.constant dense<0x7F800000> : vector<256xf32>
    %reduce_min3A_397 = vector.multi_reduction <minimumf>, %select_n3A_386, %reduce_min3A_396 [1] : vector<256x2048xf32> to vector<256xf32>
    %broadcast_in_dim3A_398 = vector.shape_cast %reduce_min3A_397 : vector<256xf32> to vector<256x1xf32>
    %eq3A_399 = vector.broadcast %broadcast_in_dim3A_398 : vector<256x1xf32> to vector<256x2048xf32>
    %eq3A_400 = arith.cmpf oeq, %select_n3A_386, %eq3A_399 : vector<256x2048xf32>
    %jit3A_401 = arith.constant 2048 : i32
    %broadcast_in_dim3A_402 = vector.broadcast %jit3A_401 : i32 to vector<256x2048xi32>
    %select_n3A_403 = arith.select %eq3A_400, %iota3A, %broadcast_in_dim3A_402 : vector<256x2048xi1>, vector<256x2048xi32>
    %reduce_min3A_404 = arith.constant dense<2147483647> : vector<256xi32>
    %reduce_min3A_405 = vector.multi_reduction <minsi>, %select_n3A_403, %reduce_min3A_404 [1] : vector<256x2048xi32> to vector<256xi32>
    %broadcast_in_dim3A_406 = vector.shape_cast %reduce_min3A_405 : vector<256xi32> to vector<256x1xi32>
    %eq3A_407 = vector.broadcast %broadcast_in_dim3A_406 : vector<256x1xi32> to vector<256x2048xi32>
    %eq3A_408 = arith.cmpi eq, %iota3A, %eq3A_407 : vector<256x2048xi32>
    %jit3A_409 = arith.constant 0x7F800000 : f32
    %broadcast_in_dim3A_410 = vector.broadcast %jit3A_409 : f32 to vector<256x2048xf32>
    %select_n3A_411 = arith.select %eq3A_408, %broadcast_in_dim3A_410, %select_n3A_386 : vector<256x2048xi1>, vector<256x2048xf32>
    %mul3A_412 = arith.constant 2048 : i32
    %mul3A_413 = arith.muli %arg0, %mul3A_412 : i32
    %add3A_414 = vector.broadcast %mul3A_413 : i32 to vector<256x1xi32>
    %add3A_415 = arith.addi %broadcast_in_dim3A_406, %add3A_414 : vector<256x1xi32>
    %le3A_416 = arith.constant 4.000000e-02 : f32
    %le3A_417 = vector.broadcast %le3A_416 : f32 to vector<256x1xf32>
    %le3A_418 = arith.cmpf ole, %broadcast_in_dim3A_398, %le3A_417 : vector<256x1xf32>
    %convert_element_type3A_419 = arith.extui %le3A_418 : vector<256x1xi1> to vector<256x1xi32>
    %convert_element_type3A_420 = arith.sitofp %convert_element_type3A_419 : vector<256x1xi32> to vector<256x1xf32>
    %reduce_min3A_421 = arith.constant dense<0x7F800000> : vector<256xf32>
    %reduce_min3A_422 = vector.multi_reduction <minimumf>, %select_n3A_411, %reduce_min3A_421 [1] : vector<256x2048xf32> to vector<256xf32>
    %broadcast_in_dim3A_423 = vector.shape_cast %reduce_min3A_422 : vector<256xf32> to vector<256x1xf32>
    %eq3A_424 = vector.broadcast %broadcast_in_dim3A_423 : vector<256x1xf32> to vector<256x2048xf32>
    %eq3A_425 = arith.cmpf oeq, %select_n3A_411, %eq3A_424 : vector<256x2048xf32>
    %jit3A_426 = arith.constant 2048 : i32
    %broadcast_in_dim3A_427 = vector.broadcast %jit3A_426 : i32 to vector<256x2048xi32>
    %select_n3A_428 = arith.select %eq3A_425, %iota3A, %broadcast_in_dim3A_427 : vector<256x2048xi1>, vector<256x2048xi32>
    %reduce_min3A_429 = arith.constant dense<2147483647> : vector<256xi32>
    %reduce_min3A_430 = vector.multi_reduction <minsi>, %select_n3A_428, %reduce_min3A_429 [1] : vector<256x2048xi32> to vector<256xi32>
    %broadcast_in_dim3A_431 = vector.shape_cast %reduce_min3A_430 : vector<256xi32> to vector<256x1xi32>
    %eq3A_432 = vector.broadcast %broadcast_in_dim3A_431 : vector<256x1xi32> to vector<256x2048xi32>
    %eq3A_433 = arith.cmpi eq, %iota3A, %eq3A_432 : vector<256x2048xi32>
    %jit3A_434 = arith.constant 0x7F800000 : f32
    %broadcast_in_dim3A_435 = vector.broadcast %jit3A_434 : f32 to vector<256x2048xf32>
    %select_n3A_436 = arith.select %eq3A_433, %broadcast_in_dim3A_435, %select_n3A_411 : vector<256x2048xi1>, vector<256x2048xf32>
    %mul3A_437 = arith.constant 2048 : i32
    %mul3A_438 = arith.muli %arg0, %mul3A_437 : i32
    %add3A_439 = vector.broadcast %mul3A_438 : i32 to vector<256x1xi32>
    %add3A_440 = arith.addi %broadcast_in_dim3A_431, %add3A_439 : vector<256x1xi32>
    %le3A_441 = arith.constant 4.000000e-02 : f32
    %le3A_442 = vector.broadcast %le3A_441 : f32 to vector<256x1xf32>
    %le3A_443 = arith.cmpf ole, %broadcast_in_dim3A_423, %le3A_442 : vector<256x1xf32>
    %convert_element_type3A_444 = arith.extui %le3A_443 : vector<256x1xi1> to vector<256x1xi32>
    %convert_element_type3A_445 = arith.sitofp %convert_element_type3A_444 : vector<256x1xi32> to vector<256x1xf32>
    %reduce_min3A_446 = arith.constant dense<0x7F800000> : vector<256xf32>
    %reduce_min3A_447 = vector.multi_reduction <minimumf>, %select_n3A_436, %reduce_min3A_446 [1] : vector<256x2048xf32> to vector<256xf32>
    %broadcast_in_dim3A_448 = vector.shape_cast %reduce_min3A_447 : vector<256xf32> to vector<256x1xf32>
    %eq3A_449 = vector.broadcast %broadcast_in_dim3A_448 : vector<256x1xf32> to vector<256x2048xf32>
    %eq3A_450 = arith.cmpf oeq, %select_n3A_436, %eq3A_449 : vector<256x2048xf32>
    %jit3A_451 = arith.constant 2048 : i32
    %broadcast_in_dim3A_452 = vector.broadcast %jit3A_451 : i32 to vector<256x2048xi32>
    %select_n3A_453 = arith.select %eq3A_450, %iota3A, %broadcast_in_dim3A_452 : vector<256x2048xi1>, vector<256x2048xi32>
    %reduce_min3A_454 = arith.constant dense<2147483647> : vector<256xi32>
    %reduce_min3A_455 = vector.multi_reduction <minsi>, %select_n3A_453, %reduce_min3A_454 [1] : vector<256x2048xi32> to vector<256xi32>
    %broadcast_in_dim3A_456 = vector.shape_cast %reduce_min3A_455 : vector<256xi32> to vector<256x1xi32>
    %eq3A_457 = vector.broadcast %broadcast_in_dim3A_456 : vector<256x1xi32> to vector<256x2048xi32>
    %eq3A_458 = arith.cmpi eq, %iota3A, %eq3A_457 : vector<256x2048xi32>
    %jit3A_459 = arith.constant 0x7F800000 : f32
    %broadcast_in_dim3A_460 = vector.broadcast %jit3A_459 : f32 to vector<256x2048xf32>
    %select_n3A_461 = arith.select %eq3A_458, %broadcast_in_dim3A_460, %select_n3A_436 : vector<256x2048xi1>, vector<256x2048xf32>
    %mul3A_462 = arith.constant 2048 : i32
    %mul3A_463 = arith.muli %arg0, %mul3A_462 : i32
    %add3A_464 = vector.broadcast %mul3A_463 : i32 to vector<256x1xi32>
    %add3A_465 = arith.addi %broadcast_in_dim3A_456, %add3A_464 : vector<256x1xi32>
    %le3A_466 = arith.constant 4.000000e-02 : f32
    %le3A_467 = vector.broadcast %le3A_466 : f32 to vector<256x1xf32>
    %le3A_468 = arith.cmpf ole, %broadcast_in_dim3A_448, %le3A_467 : vector<256x1xf32>
    %convert_element_type3A_469 = arith.extui %le3A_468 : vector<256x1xi1> to vector<256x1xi32>
    %convert_element_type3A_470 = arith.sitofp %convert_element_type3A_469 : vector<256x1xi32> to vector<256x1xf32>
    %reduce_min3A_471 = arith.constant dense<0x7F800000> : vector<256xf32>
    %reduce_min3A_472 = vector.multi_reduction <minimumf>, %select_n3A_461, %reduce_min3A_471 [1] : vector<256x2048xf32> to vector<256xf32>
    %broadcast_in_dim3A_473 = vector.shape_cast %reduce_min3A_472 : vector<256xf32> to vector<256x1xf32>
    %eq3A_474 = vector.broadcast %broadcast_in_dim3A_473 : vector<256x1xf32> to vector<256x2048xf32>
    %eq3A_475 = arith.cmpf oeq, %select_n3A_461, %eq3A_474 : vector<256x2048xf32>
    %jit3A_476 = arith.constant 2048 : i32
    %broadcast_in_dim3A_477 = vector.broadcast %jit3A_476 : i32 to vector<256x2048xi32>
    %select_n3A_478 = arith.select %eq3A_475, %iota3A, %broadcast_in_dim3A_477 : vector<256x2048xi1>, vector<256x2048xi32>
    %reduce_min3A_479 = arith.constant dense<2147483647> : vector<256xi32>
    %reduce_min3A_480 = vector.multi_reduction <minsi>, %select_n3A_478, %reduce_min3A_479 [1] : vector<256x2048xi32> to vector<256xi32>
    %broadcast_in_dim3A_481 = vector.shape_cast %reduce_min3A_480 : vector<256xi32> to vector<256x1xi32>
    %eq3A_482 = vector.broadcast %broadcast_in_dim3A_481 : vector<256x1xi32> to vector<256x2048xi32>
    %eq3A_483 = arith.cmpi eq, %iota3A, %eq3A_482 : vector<256x2048xi32>
    %jit3A_484 = arith.constant 0x7F800000 : f32
    %broadcast_in_dim3A_485 = vector.broadcast %jit3A_484 : f32 to vector<256x2048xf32>
    %select_n3A_486 = arith.select %eq3A_483, %broadcast_in_dim3A_485, %select_n3A_461 : vector<256x2048xi1>, vector<256x2048xf32>
    %mul3A_487 = arith.constant 2048 : i32
    %mul3A_488 = arith.muli %arg0, %mul3A_487 : i32
    %add3A_489 = vector.broadcast %mul3A_488 : i32 to vector<256x1xi32>
    %add3A_490 = arith.addi %broadcast_in_dim3A_481, %add3A_489 : vector<256x1xi32>
    %le3A_491 = arith.constant 4.000000e-02 : f32
    %le3A_492 = vector.broadcast %le3A_491 : f32 to vector<256x1xf32>
    %le3A_493 = arith.cmpf ole, %broadcast_in_dim3A_473, %le3A_492 : vector<256x1xf32>
    %convert_element_type3A_494 = arith.extui %le3A_493 : vector<256x1xi1> to vector<256x1xi32>
    %convert_element_type3A_495 = arith.sitofp %convert_element_type3A_494 : vector<256x1xi32> to vector<256x1xf32>
    %reduce_min3A_496 = arith.constant dense<0x7F800000> : vector<256xf32>
    %reduce_min3A_497 = vector.multi_reduction <minimumf>, %select_n3A_486, %reduce_min3A_496 [1] : vector<256x2048xf32> to vector<256xf32>
    %broadcast_in_dim3A_498 = vector.shape_cast %reduce_min3A_497 : vector<256xf32> to vector<256x1xf32>
    %eq3A_499 = vector.broadcast %broadcast_in_dim3A_498 : vector<256x1xf32> to vector<256x2048xf32>
    %eq3A_500 = arith.cmpf oeq, %select_n3A_486, %eq3A_499 : vector<256x2048xf32>
    %jit3A_501 = arith.constant 2048 : i32
    %broadcast_in_dim3A_502 = vector.broadcast %jit3A_501 : i32 to vector<256x2048xi32>
    %select_n3A_503 = arith.select %eq3A_500, %iota3A, %broadcast_in_dim3A_502 : vector<256x2048xi1>, vector<256x2048xi32>
    %reduce_min3A_504 = arith.constant dense<2147483647> : vector<256xi32>
    %reduce_min3A_505 = vector.multi_reduction <minsi>, %select_n3A_503, %reduce_min3A_504 [1] : vector<256x2048xi32> to vector<256xi32>
    %broadcast_in_dim3A_506 = vector.shape_cast %reduce_min3A_505 : vector<256xi32> to vector<256x1xi32>
    %eq3A_507 = vector.broadcast %broadcast_in_dim3A_506 : vector<256x1xi32> to vector<256x2048xi32>
    %eq3A_508 = arith.cmpi eq, %iota3A, %eq3A_507 : vector<256x2048xi32>
    %jit3A_509 = arith.constant 0x7F800000 : f32
    %broadcast_in_dim3A_510 = vector.broadcast %jit3A_509 : f32 to vector<256x2048xf32>
    %select_n3A_511 = arith.select %eq3A_508, %broadcast_in_dim3A_510, %select_n3A_486 : vector<256x2048xi1>, vector<256x2048xf32>
    %mul3A_512 = arith.constant 2048 : i32
    %mul3A_513 = arith.muli %arg0, %mul3A_512 : i32
    %add3A_514 = vector.broadcast %mul3A_513 : i32 to vector<256x1xi32>
    %add3A_515 = arith.addi %broadcast_in_dim3A_506, %add3A_514 : vector<256x1xi32>
    %le3A_516 = arith.constant 4.000000e-02 : f32
    %le3A_517 = vector.broadcast %le3A_516 : f32 to vector<256x1xf32>
    %le3A_518 = arith.cmpf ole, %broadcast_in_dim3A_498, %le3A_517 : vector<256x1xf32>
    %convert_element_type3A_519 = arith.extui %le3A_518 : vector<256x1xi1> to vector<256x1xi32>
    %convert_element_type3A_520 = arith.sitofp %convert_element_type3A_519 : vector<256x1xi32> to vector<256x1xf32>
    %reduce_min3A_521 = arith.constant dense<0x7F800000> : vector<256xf32>
    %reduce_min3A_522 = vector.multi_reduction <minimumf>, %select_n3A_511, %reduce_min3A_521 [1] : vector<256x2048xf32> to vector<256xf32>
    %broadcast_in_dim3A_523 = vector.shape_cast %reduce_min3A_522 : vector<256xf32> to vector<256x1xf32>
    %eq3A_524 = vector.broadcast %broadcast_in_dim3A_523 : vector<256x1xf32> to vector<256x2048xf32>
    %eq3A_525 = arith.cmpf oeq, %select_n3A_511, %eq3A_524 : vector<256x2048xf32>
    %jit3A_526 = arith.constant 2048 : i32
    %broadcast_in_dim3A_527 = vector.broadcast %jit3A_526 : i32 to vector<256x2048xi32>
    %select_n3A_528 = arith.select %eq3A_525, %iota3A, %broadcast_in_dim3A_527 : vector<256x2048xi1>, vector<256x2048xi32>
    %reduce_min3A_529 = arith.constant dense<2147483647> : vector<256xi32>
    %reduce_min3A_530 = vector.multi_reduction <minsi>, %select_n3A_528, %reduce_min3A_529 [1] : vector<256x2048xi32> to vector<256xi32>
    %broadcast_in_dim3A_531 = vector.shape_cast %reduce_min3A_530 : vector<256xi32> to vector<256x1xi32>
    %eq3A_532 = vector.broadcast %broadcast_in_dim3A_531 : vector<256x1xi32> to vector<256x2048xi32>
    %eq3A_533 = arith.cmpi eq, %iota3A, %eq3A_532 : vector<256x2048xi32>
    %jit3A_534 = arith.constant 0x7F800000 : f32
    %broadcast_in_dim3A_535 = vector.broadcast %jit3A_534 : f32 to vector<256x2048xf32>
    %select_n3A_536 = arith.select %eq3A_533, %broadcast_in_dim3A_535, %select_n3A_511 : vector<256x2048xi1>, vector<256x2048xf32>
    %mul3A_537 = arith.constant 2048 : i32
    %mul3A_538 = arith.muli %arg0, %mul3A_537 : i32
    %add3A_539 = vector.broadcast %mul3A_538 : i32 to vector<256x1xi32>
    %add3A_540 = arith.addi %broadcast_in_dim3A_531, %add3A_539 : vector<256x1xi32>
    %le3A_541 = arith.constant 4.000000e-02 : f32
    %le3A_542 = vector.broadcast %le3A_541 : f32 to vector<256x1xf32>
    %le3A_543 = arith.cmpf ole, %broadcast_in_dim3A_523, %le3A_542 : vector<256x1xf32>
    %convert_element_type3A_544 = arith.extui %le3A_543 : vector<256x1xi1> to vector<256x1xi32>
    %convert_element_type3A_545 = arith.sitofp %convert_element_type3A_544 : vector<256x1xi32> to vector<256x1xf32>
    %reduce_min3A_546 = arith.constant dense<0x7F800000> : vector<256xf32>
    %reduce_min3A_547 = vector.multi_reduction <minimumf>, %select_n3A_536, %reduce_min3A_546 [1] : vector<256x2048xf32> to vector<256xf32>
    %broadcast_in_dim3A_548 = vector.shape_cast %reduce_min3A_547 : vector<256xf32> to vector<256x1xf32>
    %eq3A_549 = vector.broadcast %broadcast_in_dim3A_548 : vector<256x1xf32> to vector<256x2048xf32>
    %eq3A_550 = arith.cmpf oeq, %select_n3A_536, %eq3A_549 : vector<256x2048xf32>
    %jit3A_551 = arith.constant 2048 : i32
    %broadcast_in_dim3A_552 = vector.broadcast %jit3A_551 : i32 to vector<256x2048xi32>
    %select_n3A_553 = arith.select %eq3A_550, %iota3A, %broadcast_in_dim3A_552 : vector<256x2048xi1>, vector<256x2048xi32>
    %reduce_min3A_554 = arith.constant dense<2147483647> : vector<256xi32>
    %reduce_min3A_555 = vector.multi_reduction <minsi>, %select_n3A_553, %reduce_min3A_554 [1] : vector<256x2048xi32> to vector<256xi32>
    %broadcast_in_dim3A_556 = vector.shape_cast %reduce_min3A_555 : vector<256xi32> to vector<256x1xi32>
    %eq3A_557 = vector.broadcast %broadcast_in_dim3A_556 : vector<256x1xi32> to vector<256x2048xi32>
    %eq3A_558 = arith.cmpi eq, %iota3A, %eq3A_557 : vector<256x2048xi32>
    %jit3A_559 = arith.constant 0x7F800000 : f32
    %broadcast_in_dim3A_560 = vector.broadcast %jit3A_559 : f32 to vector<256x2048xf32>
    %select_n3A_561 = arith.select %eq3A_558, %broadcast_in_dim3A_560, %select_n3A_536 : vector<256x2048xi1>, vector<256x2048xf32>
    %mul3A_562 = arith.constant 2048 : i32
    %mul3A_563 = arith.muli %arg0, %mul3A_562 : i32
    %add3A_564 = vector.broadcast %mul3A_563 : i32 to vector<256x1xi32>
    %add3A_565 = arith.addi %broadcast_in_dim3A_556, %add3A_564 : vector<256x1xi32>
    %le3A_566 = arith.constant 4.000000e-02 : f32
    %le3A_567 = vector.broadcast %le3A_566 : f32 to vector<256x1xf32>
    %le3A_568 = arith.cmpf ole, %broadcast_in_dim3A_548, %le3A_567 : vector<256x1xf32>
    %convert_element_type3A_569 = arith.extui %le3A_568 : vector<256x1xi1> to vector<256x1xi32>
    %convert_element_type3A_570 = arith.sitofp %convert_element_type3A_569 : vector<256x1xi32> to vector<256x1xf32>
    %reduce_min3A_571 = arith.constant dense<0x7F800000> : vector<256xf32>
    %reduce_min3A_572 = vector.multi_reduction <minimumf>, %select_n3A_561, %reduce_min3A_571 [1] : vector<256x2048xf32> to vector<256xf32>
    %broadcast_in_dim3A_573 = vector.shape_cast %reduce_min3A_572 : vector<256xf32> to vector<256x1xf32>
    %eq3A_574 = vector.broadcast %broadcast_in_dim3A_573 : vector<256x1xf32> to vector<256x2048xf32>
    %eq3A_575 = arith.cmpf oeq, %select_n3A_561, %eq3A_574 : vector<256x2048xf32>
    %jit3A_576 = arith.constant 2048 : i32
    %broadcast_in_dim3A_577 = vector.broadcast %jit3A_576 : i32 to vector<256x2048xi32>
    %select_n3A_578 = arith.select %eq3A_575, %iota3A, %broadcast_in_dim3A_577 : vector<256x2048xi1>, vector<256x2048xi32>
    %reduce_min3A_579 = arith.constant dense<2147483647> : vector<256xi32>
    %reduce_min3A_580 = vector.multi_reduction <minsi>, %select_n3A_578, %reduce_min3A_579 [1] : vector<256x2048xi32> to vector<256xi32>
    %broadcast_in_dim3A_581 = vector.shape_cast %reduce_min3A_580 : vector<256xi32> to vector<256x1xi32>
    %eq3A_582 = vector.broadcast %broadcast_in_dim3A_581 : vector<256x1xi32> to vector<256x2048xi32>
    %eq3A_583 = arith.cmpi eq, %iota3A, %eq3A_582 : vector<256x2048xi32>
    %jit3A_584 = arith.constant 0x7F800000 : f32
    %broadcast_in_dim3A_585 = vector.broadcast %jit3A_584 : f32 to vector<256x2048xf32>
    %select_n3A_586 = arith.select %eq3A_583, %broadcast_in_dim3A_585, %select_n3A_561 : vector<256x2048xi1>, vector<256x2048xf32>
    %mul3A_587 = arith.constant 2048 : i32
    %mul3A_588 = arith.muli %arg0, %mul3A_587 : i32
    %add3A_589 = vector.broadcast %mul3A_588 : i32 to vector<256x1xi32>
    %add3A_590 = arith.addi %broadcast_in_dim3A_581, %add3A_589 : vector<256x1xi32>
    %le3A_591 = arith.constant 4.000000e-02 : f32
    %le3A_592 = vector.broadcast %le3A_591 : f32 to vector<256x1xf32>
    %le3A_593 = arith.cmpf ole, %broadcast_in_dim3A_573, %le3A_592 : vector<256x1xf32>
    %convert_element_type3A_594 = arith.extui %le3A_593 : vector<256x1xi1> to vector<256x1xi32>
    %convert_element_type3A_595 = arith.sitofp %convert_element_type3A_594 : vector<256x1xi32> to vector<256x1xf32>
    %reduce_min3A_596 = arith.constant dense<0x7F800000> : vector<256xf32>
    %reduce_min3A_597 = vector.multi_reduction <minimumf>, %select_n3A_586, %reduce_min3A_596 [1] : vector<256x2048xf32> to vector<256xf32>
    %broadcast_in_dim3A_598 = vector.shape_cast %reduce_min3A_597 : vector<256xf32> to vector<256x1xf32>
    %eq3A_599 = vector.broadcast %broadcast_in_dim3A_598 : vector<256x1xf32> to vector<256x2048xf32>
    %eq3A_600 = arith.cmpf oeq, %select_n3A_586, %eq3A_599 : vector<256x2048xf32>
    %jit3A_601 = arith.constant 2048 : i32
    %broadcast_in_dim3A_602 = vector.broadcast %jit3A_601 : i32 to vector<256x2048xi32>
    %select_n3A_603 = arith.select %eq3A_600, %iota3A, %broadcast_in_dim3A_602 : vector<256x2048xi1>, vector<256x2048xi32>
    %reduce_min3A_604 = arith.constant dense<2147483647> : vector<256xi32>
    %reduce_min3A_605 = vector.multi_reduction <minsi>, %select_n3A_603, %reduce_min3A_604 [1] : vector<256x2048xi32> to vector<256xi32>
    %broadcast_in_dim3A_606 = vector.shape_cast %reduce_min3A_605 : vector<256xi32> to vector<256x1xi32>
    %eq3A_607 = vector.broadcast %broadcast_in_dim3A_606 : vector<256x1xi32> to vector<256x2048xi32>
    %eq3A_608 = arith.cmpi eq, %iota3A, %eq3A_607 : vector<256x2048xi32>
    %jit3A_609 = arith.constant 0x7F800000 : f32
    %broadcast_in_dim3A_610 = vector.broadcast %jit3A_609 : f32 to vector<256x2048xf32>
    %select_n3A_611 = arith.select %eq3A_608, %broadcast_in_dim3A_610, %select_n3A_586 : vector<256x2048xi1>, vector<256x2048xf32>
    %mul3A_612 = arith.constant 2048 : i32
    %mul3A_613 = arith.muli %arg0, %mul3A_612 : i32
    %add3A_614 = vector.broadcast %mul3A_613 : i32 to vector<256x1xi32>
    %add3A_615 = arith.addi %broadcast_in_dim3A_606, %add3A_614 : vector<256x1xi32>
    %le3A_616 = arith.constant 4.000000e-02 : f32
    %le3A_617 = vector.broadcast %le3A_616 : f32 to vector<256x1xf32>
    %le3A_618 = arith.cmpf ole, %broadcast_in_dim3A_598, %le3A_617 : vector<256x1xf32>
    %convert_element_type3A_619 = arith.extui %le3A_618 : vector<256x1xi1> to vector<256x1xi32>
    %convert_element_type3A_620 = arith.sitofp %convert_element_type3A_619 : vector<256x1xi32> to vector<256x1xf32>
    %reduce_min3A_621 = arith.constant dense<0x7F800000> : vector<256xf32>
    %reduce_min3A_622 = vector.multi_reduction <minimumf>, %select_n3A_611, %reduce_min3A_621 [1] : vector<256x2048xf32> to vector<256xf32>
    %broadcast_in_dim3A_623 = vector.shape_cast %reduce_min3A_622 : vector<256xf32> to vector<256x1xf32>
    %eq3A_624 = vector.broadcast %broadcast_in_dim3A_623 : vector<256x1xf32> to vector<256x2048xf32>
    %eq3A_625 = arith.cmpf oeq, %select_n3A_611, %eq3A_624 : vector<256x2048xf32>
    %jit3A_626 = arith.constant 2048 : i32
    %broadcast_in_dim3A_627 = vector.broadcast %jit3A_626 : i32 to vector<256x2048xi32>
    %select_n3A_628 = arith.select %eq3A_625, %iota3A, %broadcast_in_dim3A_627 : vector<256x2048xi1>, vector<256x2048xi32>
    %reduce_min3A_629 = arith.constant dense<2147483647> : vector<256xi32>
    %reduce_min3A_630 = vector.multi_reduction <minsi>, %select_n3A_628, %reduce_min3A_629 [1] : vector<256x2048xi32> to vector<256xi32>
    %broadcast_in_dim3A_631 = vector.shape_cast %reduce_min3A_630 : vector<256xi32> to vector<256x1xi32>
    %eq3A_632 = vector.broadcast %broadcast_in_dim3A_631 : vector<256x1xi32> to vector<256x2048xi32>
    %eq3A_633 = arith.cmpi eq, %iota3A, %eq3A_632 : vector<256x2048xi32>
    %jit3A_634 = arith.constant 0x7F800000 : f32
    %broadcast_in_dim3A_635 = vector.broadcast %jit3A_634 : f32 to vector<256x2048xf32>
    %select_n3A_636 = arith.select %eq3A_633, %broadcast_in_dim3A_635, %select_n3A_611 : vector<256x2048xi1>, vector<256x2048xf32>
    %mul3A_637 = arith.constant 2048 : i32
    %mul3A_638 = arith.muli %arg0, %mul3A_637 : i32
    %add3A_639 = vector.broadcast %mul3A_638 : i32 to vector<256x1xi32>
    %add3A_640 = arith.addi %broadcast_in_dim3A_631, %add3A_639 : vector<256x1xi32>
    %le3A_641 = arith.constant 4.000000e-02 : f32
    %le3A_642 = vector.broadcast %le3A_641 : f32 to vector<256x1xf32>
    %le3A_643 = arith.cmpf ole, %broadcast_in_dim3A_623, %le3A_642 : vector<256x1xf32>
    %convert_element_type3A_644 = arith.extui %le3A_643 : vector<256x1xi1> to vector<256x1xi32>
    %convert_element_type3A_645 = arith.sitofp %convert_element_type3A_644 : vector<256x1xi32> to vector<256x1xf32>
    %reduce_min3A_646 = arith.constant dense<0x7F800000> : vector<256xf32>
    %reduce_min3A_647 = vector.multi_reduction <minimumf>, %select_n3A_636, %reduce_min3A_646 [1] : vector<256x2048xf32> to vector<256xf32>
    %broadcast_in_dim3A_648 = vector.shape_cast %reduce_min3A_647 : vector<256xf32> to vector<256x1xf32>
    %eq3A_649 = vector.broadcast %broadcast_in_dim3A_648 : vector<256x1xf32> to vector<256x2048xf32>
    %eq3A_650 = arith.cmpf oeq, %select_n3A_636, %eq3A_649 : vector<256x2048xf32>
    %jit3A_651 = arith.constant 2048 : i32
    %broadcast_in_dim3A_652 = vector.broadcast %jit3A_651 : i32 to vector<256x2048xi32>
    %select_n3A_653 = arith.select %eq3A_650, %iota3A, %broadcast_in_dim3A_652 : vector<256x2048xi1>, vector<256x2048xi32>
    %reduce_min3A_654 = arith.constant dense<2147483647> : vector<256xi32>
    %reduce_min3A_655 = vector.multi_reduction <minsi>, %select_n3A_653, %reduce_min3A_654 [1] : vector<256x2048xi32> to vector<256xi32>
    %broadcast_in_dim3A_656 = vector.shape_cast %reduce_min3A_655 : vector<256xi32> to vector<256x1xi32>
    %eq3A_657 = vector.broadcast %broadcast_in_dim3A_656 : vector<256x1xi32> to vector<256x2048xi32>
    %eq3A_658 = arith.cmpi eq, %iota3A, %eq3A_657 : vector<256x2048xi32>
    %jit3A_659 = arith.constant 0x7F800000 : f32
    %broadcast_in_dim3A_660 = vector.broadcast %jit3A_659 : f32 to vector<256x2048xf32>
    %select_n3A_661 = arith.select %eq3A_658, %broadcast_in_dim3A_660, %select_n3A_636 : vector<256x2048xi1>, vector<256x2048xf32>
    %mul3A_662 = arith.constant 2048 : i32
    %mul3A_663 = arith.muli %arg0, %mul3A_662 : i32
    %add3A_664 = vector.broadcast %mul3A_663 : i32 to vector<256x1xi32>
    %add3A_665 = arith.addi %broadcast_in_dim3A_656, %add3A_664 : vector<256x1xi32>
    %le3A_666 = arith.constant 4.000000e-02 : f32
    %le3A_667 = vector.broadcast %le3A_666 : f32 to vector<256x1xf32>
    %le3A_668 = arith.cmpf ole, %broadcast_in_dim3A_648, %le3A_667 : vector<256x1xf32>
    %convert_element_type3A_669 = arith.extui %le3A_668 : vector<256x1xi1> to vector<256x1xi32>
    %convert_element_type3A_670 = arith.sitofp %convert_element_type3A_669 : vector<256x1xi32> to vector<256x1xf32>
    %reduce_min3A_671 = arith.constant dense<0x7F800000> : vector<256xf32>
    %reduce_min3A_672 = vector.multi_reduction <minimumf>, %select_n3A_661, %reduce_min3A_671 [1] : vector<256x2048xf32> to vector<256xf32>
    %broadcast_in_dim3A_673 = vector.shape_cast %reduce_min3A_672 : vector<256xf32> to vector<256x1xf32>
    %eq3A_674 = vector.broadcast %broadcast_in_dim3A_673 : vector<256x1xf32> to vector<256x2048xf32>
    %eq3A_675 = arith.cmpf oeq, %select_n3A_661, %eq3A_674 : vector<256x2048xf32>
    %jit3A_676 = arith.constant 2048 : i32
    %broadcast_in_dim3A_677 = vector.broadcast %jit3A_676 : i32 to vector<256x2048xi32>
    %select_n3A_678 = arith.select %eq3A_675, %iota3A, %broadcast_in_dim3A_677 : vector<256x2048xi1>, vector<256x2048xi32>
    %reduce_min3A_679 = arith.constant dense<2147483647> : vector<256xi32>
    %reduce_min3A_680 = vector.multi_reduction <minsi>, %select_n3A_678, %reduce_min3A_679 [1] : vector<256x2048xi32> to vector<256xi32>
    %broadcast_in_dim3A_681 = vector.shape_cast %reduce_min3A_680 : vector<256xi32> to vector<256x1xi32>
    %eq3A_682 = vector.broadcast %broadcast_in_dim3A_681 : vector<256x1xi32> to vector<256x2048xi32>
    %eq3A_683 = arith.cmpi eq, %iota3A, %eq3A_682 : vector<256x2048xi32>
    %jit3A_684 = arith.constant 0x7F800000 : f32
    %broadcast_in_dim3A_685 = vector.broadcast %jit3A_684 : f32 to vector<256x2048xf32>
    %select_n3A_686 = arith.select %eq3A_683, %broadcast_in_dim3A_685, %select_n3A_661 : vector<256x2048xi1>, vector<256x2048xf32>
    %mul3A_687 = arith.constant 2048 : i32
    %mul3A_688 = arith.muli %arg0, %mul3A_687 : i32
    %add3A_689 = vector.broadcast %mul3A_688 : i32 to vector<256x1xi32>
    %add3A_690 = arith.addi %broadcast_in_dim3A_681, %add3A_689 : vector<256x1xi32>
    %le3A_691 = arith.constant 4.000000e-02 : f32
    %le3A_692 = vector.broadcast %le3A_691 : f32 to vector<256x1xf32>
    %le3A_693 = arith.cmpf ole, %broadcast_in_dim3A_673, %le3A_692 : vector<256x1xf32>
    %convert_element_type3A_694 = arith.extui %le3A_693 : vector<256x1xi1> to vector<256x1xi32>
    %convert_element_type3A_695 = arith.sitofp %convert_element_type3A_694 : vector<256x1xi32> to vector<256x1xf32>
    %reduce_min3A_696 = arith.constant dense<0x7F800000> : vector<256xf32>
    %reduce_min3A_697 = vector.multi_reduction <minimumf>, %select_n3A_686, %reduce_min3A_696 [1] : vector<256x2048xf32> to vector<256xf32>
    %broadcast_in_dim3A_698 = vector.shape_cast %reduce_min3A_697 : vector<256xf32> to vector<256x1xf32>
    %eq3A_699 = vector.broadcast %broadcast_in_dim3A_698 : vector<256x1xf32> to vector<256x2048xf32>
    %eq3A_700 = arith.cmpf oeq, %select_n3A_686, %eq3A_699 : vector<256x2048xf32>
    %jit3A_701 = arith.constant 2048 : i32
    %broadcast_in_dim3A_702 = vector.broadcast %jit3A_701 : i32 to vector<256x2048xi32>
    %select_n3A_703 = arith.select %eq3A_700, %iota3A, %broadcast_in_dim3A_702 : vector<256x2048xi1>, vector<256x2048xi32>
    %reduce_min3A_704 = arith.constant dense<2147483647> : vector<256xi32>
    %reduce_min3A_705 = vector.multi_reduction <minsi>, %select_n3A_703, %reduce_min3A_704 [1] : vector<256x2048xi32> to vector<256xi32>
    %broadcast_in_dim3A_706 = vector.shape_cast %reduce_min3A_705 : vector<256xi32> to vector<256x1xi32>
    %eq3A_707 = vector.broadcast %broadcast_in_dim3A_706 : vector<256x1xi32> to vector<256x2048xi32>
    %eq3A_708 = arith.cmpi eq, %iota3A, %eq3A_707 : vector<256x2048xi32>
    %jit3A_709 = arith.constant 0x7F800000 : f32
    %broadcast_in_dim3A_710 = vector.broadcast %jit3A_709 : f32 to vector<256x2048xf32>
    %select_n3A_711 = arith.select %eq3A_708, %broadcast_in_dim3A_710, %select_n3A_686 : vector<256x2048xi1>, vector<256x2048xf32>
    %mul3A_712 = arith.constant 2048 : i32
    %mul3A_713 = arith.muli %arg0, %mul3A_712 : i32
    %add3A_714 = vector.broadcast %mul3A_713 : i32 to vector<256x1xi32>
    %add3A_715 = arith.addi %broadcast_in_dim3A_706, %add3A_714 : vector<256x1xi32>
    %le3A_716 = arith.constant 4.000000e-02 : f32
    %le3A_717 = vector.broadcast %le3A_716 : f32 to vector<256x1xf32>
    %le3A_718 = arith.cmpf ole, %broadcast_in_dim3A_698, %le3A_717 : vector<256x1xf32>
    %convert_element_type3A_719 = arith.extui %le3A_718 : vector<256x1xi1> to vector<256x1xi32>
    %convert_element_type3A_720 = arith.sitofp %convert_element_type3A_719 : vector<256x1xi32> to vector<256x1xf32>
    %reduce_min3A_721 = arith.constant dense<0x7F800000> : vector<256xf32>
    %reduce_min3A_722 = vector.multi_reduction <minimumf>, %select_n3A_711, %reduce_min3A_721 [1] : vector<256x2048xf32> to vector<256xf32>
    %broadcast_in_dim3A_723 = vector.shape_cast %reduce_min3A_722 : vector<256xf32> to vector<256x1xf32>
    %eq3A_724 = vector.broadcast %broadcast_in_dim3A_723 : vector<256x1xf32> to vector<256x2048xf32>
    %eq3A_725 = arith.cmpf oeq, %select_n3A_711, %eq3A_724 : vector<256x2048xf32>
    %jit3A_726 = arith.constant 2048 : i32
    %broadcast_in_dim3A_727 = vector.broadcast %jit3A_726 : i32 to vector<256x2048xi32>
    %select_n3A_728 = arith.select %eq3A_725, %iota3A, %broadcast_in_dim3A_727 : vector<256x2048xi1>, vector<256x2048xi32>
    %reduce_min3A_729 = arith.constant dense<2147483647> : vector<256xi32>
    %reduce_min3A_730 = vector.multi_reduction <minsi>, %select_n3A_728, %reduce_min3A_729 [1] : vector<256x2048xi32> to vector<256xi32>
    %broadcast_in_dim3A_731 = vector.shape_cast %reduce_min3A_730 : vector<256xi32> to vector<256x1xi32>
    %eq3A_732 = vector.broadcast %broadcast_in_dim3A_731 : vector<256x1xi32> to vector<256x2048xi32>
    %eq3A_733 = arith.cmpi eq, %iota3A, %eq3A_732 : vector<256x2048xi32>
    %jit3A_734 = arith.constant 0x7F800000 : f32
    %broadcast_in_dim3A_735 = vector.broadcast %jit3A_734 : f32 to vector<256x2048xf32>
    %select_n3A_736 = arith.select %eq3A_733, %broadcast_in_dim3A_735, %select_n3A_711 : vector<256x2048xi1>, vector<256x2048xf32>
    %mul3A_737 = arith.constant 2048 : i32
    %mul3A_738 = arith.muli %arg0, %mul3A_737 : i32
    %add3A_739 = vector.broadcast %mul3A_738 : i32 to vector<256x1xi32>
    %add3A_740 = arith.addi %broadcast_in_dim3A_731, %add3A_739 : vector<256x1xi32>
    %le3A_741 = arith.constant 4.000000e-02 : f32
    %le3A_742 = vector.broadcast %le3A_741 : f32 to vector<256x1xf32>
    %le3A_743 = arith.cmpf ole, %broadcast_in_dim3A_723, %le3A_742 : vector<256x1xf32>
    %convert_element_type3A_744 = arith.extui %le3A_743 : vector<256x1xi1> to vector<256x1xi32>
    %convert_element_type3A_745 = arith.sitofp %convert_element_type3A_744 : vector<256x1xi32> to vector<256x1xf32>
    %reduce_min3A_746 = arith.constant dense<0x7F800000> : vector<256xf32>
    %reduce_min3A_747 = vector.multi_reduction <minimumf>, %select_n3A_736, %reduce_min3A_746 [1] : vector<256x2048xf32> to vector<256xf32>
    %broadcast_in_dim3A_748 = vector.shape_cast %reduce_min3A_747 : vector<256xf32> to vector<256x1xf32>
    %eq3A_749 = vector.broadcast %broadcast_in_dim3A_748 : vector<256x1xf32> to vector<256x2048xf32>
    %eq3A_750 = arith.cmpf oeq, %select_n3A_736, %eq3A_749 : vector<256x2048xf32>
    %jit3A_751 = arith.constant 2048 : i32
    %broadcast_in_dim3A_752 = vector.broadcast %jit3A_751 : i32 to vector<256x2048xi32>
    %select_n3A_753 = arith.select %eq3A_750, %iota3A, %broadcast_in_dim3A_752 : vector<256x2048xi1>, vector<256x2048xi32>
    %reduce_min3A_754 = arith.constant dense<2147483647> : vector<256xi32>
    %reduce_min3A_755 = vector.multi_reduction <minsi>, %select_n3A_753, %reduce_min3A_754 [1] : vector<256x2048xi32> to vector<256xi32>
    %broadcast_in_dim3A_756 = vector.shape_cast %reduce_min3A_755 : vector<256xi32> to vector<256x1xi32>
    %eq3A_757 = vector.broadcast %broadcast_in_dim3A_756 : vector<256x1xi32> to vector<256x2048xi32>
    %eq3A_758 = arith.cmpi eq, %iota3A, %eq3A_757 : vector<256x2048xi32>
    %jit3A_759 = arith.constant 0x7F800000 : f32
    %broadcast_in_dim3A_760 = vector.broadcast %jit3A_759 : f32 to vector<256x2048xf32>
    %select_n3A_761 = arith.select %eq3A_758, %broadcast_in_dim3A_760, %select_n3A_736 : vector<256x2048xi1>, vector<256x2048xf32>
    %mul3A_762 = arith.constant 2048 : i32
    %mul3A_763 = arith.muli %arg0, %mul3A_762 : i32
    %add3A_764 = vector.broadcast %mul3A_763 : i32 to vector<256x1xi32>
    %add3A_765 = arith.addi %broadcast_in_dim3A_756, %add3A_764 : vector<256x1xi32>
    %le3A_766 = arith.constant 4.000000e-02 : f32
    %le3A_767 = vector.broadcast %le3A_766 : f32 to vector<256x1xf32>
    %le3A_768 = arith.cmpf ole, %broadcast_in_dim3A_748, %le3A_767 : vector<256x1xf32>
    %convert_element_type3A_769 = arith.extui %le3A_768 : vector<256x1xi1> to vector<256x1xi32>
    %convert_element_type3A_770 = arith.sitofp %convert_element_type3A_769 : vector<256x1xi32> to vector<256x1xf32>
    %reduce_min3A_771 = arith.constant dense<0x7F800000> : vector<256xf32>
    %reduce_min3A_772 = vector.multi_reduction <minimumf>, %select_n3A_761, %reduce_min3A_771 [1] : vector<256x2048xf32> to vector<256xf32>
    %broadcast_in_dim3A_773 = vector.shape_cast %reduce_min3A_772 : vector<256xf32> to vector<256x1xf32>
    %eq3A_774 = vector.broadcast %broadcast_in_dim3A_773 : vector<256x1xf32> to vector<256x2048xf32>
    %eq3A_775 = arith.cmpf oeq, %select_n3A_761, %eq3A_774 : vector<256x2048xf32>
    %jit3A_776 = arith.constant 2048 : i32
    %broadcast_in_dim3A_777 = vector.broadcast %jit3A_776 : i32 to vector<256x2048xi32>
    %select_n3A_778 = arith.select %eq3A_775, %iota3A, %broadcast_in_dim3A_777 : vector<256x2048xi1>, vector<256x2048xi32>
    %reduce_min3A_779 = arith.constant dense<2147483647> : vector<256xi32>
    %reduce_min3A_780 = vector.multi_reduction <minsi>, %select_n3A_778, %reduce_min3A_779 [1] : vector<256x2048xi32> to vector<256xi32>
    %broadcast_in_dim3A_781 = vector.shape_cast %reduce_min3A_780 : vector<256xi32> to vector<256x1xi32>
    %eq3A_782 = vector.broadcast %broadcast_in_dim3A_781 : vector<256x1xi32> to vector<256x2048xi32>
    %eq3A_783 = arith.cmpi eq, %iota3A, %eq3A_782 : vector<256x2048xi32>
    %jit3A_784 = arith.constant 0x7F800000 : f32
    %broadcast_in_dim3A_785 = vector.broadcast %jit3A_784 : f32 to vector<256x2048xf32>
    %select_n3A_786 = arith.select %eq3A_783, %broadcast_in_dim3A_785, %select_n3A_761 : vector<256x2048xi1>, vector<256x2048xf32>
    %mul3A_787 = arith.constant 2048 : i32
    %mul3A_788 = arith.muli %arg0, %mul3A_787 : i32
    %add3A_789 = vector.broadcast %mul3A_788 : i32 to vector<256x1xi32>
    %add3A_790 = arith.addi %broadcast_in_dim3A_781, %add3A_789 : vector<256x1xi32>
    %le3A_791 = arith.constant 4.000000e-02 : f32
    %le3A_792 = vector.broadcast %le3A_791 : f32 to vector<256x1xf32>
    %le3A_793 = arith.cmpf ole, %broadcast_in_dim3A_773, %le3A_792 : vector<256x1xf32>
    %convert_element_type3A_794 = arith.extui %le3A_793 : vector<256x1xi1> to vector<256x1xi32>
    %convert_element_type3A_795 = arith.sitofp %convert_element_type3A_794 : vector<256x1xi32> to vector<256x1xf32>
    %reduce_min3A_796 = arith.constant dense<0x7F800000> : vector<256xf32>
    %reduce_min3A_797 = vector.multi_reduction <minimumf>, %select_n3A_786, %reduce_min3A_796 [1] : vector<256x2048xf32> to vector<256xf32>
    %broadcast_in_dim3A_798 = vector.shape_cast %reduce_min3A_797 : vector<256xf32> to vector<256x1xf32>
    %eq3A_799 = vector.broadcast %broadcast_in_dim3A_798 : vector<256x1xf32> to vector<256x2048xf32>
    %eq3A_800 = arith.cmpf oeq, %select_n3A_786, %eq3A_799 : vector<256x2048xf32>
    %jit3A_801 = arith.constant 2048 : i32
    %broadcast_in_dim3A_802 = vector.broadcast %jit3A_801 : i32 to vector<256x2048xi32>
    %select_n3A_803 = arith.select %eq3A_800, %iota3A, %broadcast_in_dim3A_802 : vector<256x2048xi1>, vector<256x2048xi32>
    %reduce_min3A_804 = arith.constant dense<2147483647> : vector<256xi32>
    %reduce_min3A_805 = vector.multi_reduction <minsi>, %select_n3A_803, %reduce_min3A_804 [1] : vector<256x2048xi32> to vector<256xi32>
    %broadcast_in_dim3A_806 = vector.shape_cast %reduce_min3A_805 : vector<256xi32> to vector<256x1xi32>
    %mul3A_807 = arith.constant 2048 : i32
    %mul3A_808 = arith.muli %arg0, %mul3A_807 : i32
    %add3A_809 = vector.broadcast %mul3A_808 : i32 to vector<256x1xi32>
    %add3A_810 = arith.addi %broadcast_in_dim3A_806, %add3A_809 : vector<256x1xi32>
    %le3A_811 = arith.constant 4.000000e-02 : f32
    %le3A_812 = vector.broadcast %le3A_811 : f32 to vector<256x1xf32>
    %le3A_813 = arith.cmpf ole, %broadcast_in_dim3A_798, %le3A_812 : vector<256x1xf32>
    %convert_element_type3A_814 = arith.extui %le3A_813 : vector<256x1xi1> to vector<256x1xi32>
    %convert_element_type3A_815 = arith.sitofp %convert_element_type3A_814 : vector<256x1xi32> to vector<256x1xf32>
    %concatenate3A = tpu.concatenate %add3A_42, %add3A_65, %add3A_90, %add3A_115, %add3A_140, %add3A_165, %add3A_190, %add3A_215, %add3A_240, %add3A_265, %add3A_290, %add3A_315, %add3A_340, %add3A_365, %add3A_390, %add3A_415, %add3A_440, %add3A_465, %add3A_490, %add3A_515, %add3A_540, %add3A_565, %add3A_590, %add3A_615, %add3A_640, %add3A_665, %add3A_690, %add3A_715, %add3A_740, %add3A_765, %add3A_790, %add3A_810 in 1 : vector<256x1xi32>, vector<256x1xi32>, vector<256x1xi32>, vector<256x1xi32>, vector<256x1xi32>, vector<256x1xi32>, vector<256x1xi32>, vector<256x1xi32>, vector<256x1xi32>, vector<256x1xi32>, vector<256x1xi32>, vector<256x1xi32>, vector<256x1xi32>, vector<256x1xi32>, vector<256x1xi32>, vector<256x1xi32>, vector<256x1xi32>, vector<256x1xi32>, vector<256x1xi32>, vector<256x1xi32>, vector<256x1xi32>, vector<256x1xi32>, vector<256x1xi32>, vector<256x1xi32>, vector<256x1xi32>, vector<256x1xi32>, vector<256x1xi32>, vector<256x1xi32>, vector<256x1xi32>, vector<256x1xi32>, vector<256x1xi32>, vector<256x1xi32> -> vector<256x32xi32>
    %broadcast_in_dim3A_816 = vector.shape_cast %concatenate3A : vector<256x32xi32> to vector<1x1x256x32xi32>
    %swap3A = arith.constant 0 : index
    %swap3A_817 = arith.constant 0 : index
    %swap3A_818 = arith.constant 0 : index
    %swap3A_819 = arith.constant 0 : index
    %swap3A_820 = vector.load %arg8[%swap3A, %swap3A_817, %swap3A_818, %swap3A_819] : memref<1x1x256x32xi32, #tpu.memory_space<vmem>>, vector<1x1x256x32xi32>
    tpu.vector_store %arg8[%swap3A, %swap3A_817, %swap3A_818, %swap3A_819], %broadcast_in_dim3A_816 {strides = array<i32>} : memref<1x1x256x32xi32, #tpu.memory_space<vmem>>, vector<1x1x256x32xi32>,
    %concatenate3A_821 = tpu.concatenate %convert_element_type3A_45, %convert_element_type3A_70, %convert_element_type3A_95, %convert_element_type3A_120, %convert_element_type3A_145, %convert_element_type3A_170, %convert_element_type3A_195, %convert_element_type3A_220, %convert_element_type3A_245, %convert_element_type3A_270, %convert_element_type3A_295, %convert_element_type3A_320, %convert_element_type3A_345, %convert_element_type3A_370, %convert_element_type3A_395, %convert_element_type3A_420, %convert_element_type3A_445, %convert_element_type3A_470, %convert_element_type3A_495, %convert_element_type3A_520, %convert_element_type3A_545, %convert_element_type3A_570, %convert_element_type3A_595, %convert_element_type3A_620, %convert_element_type3A_645, %convert_element_type3A_670, %convert_element_type3A_695, %convert_element_type3A_720, %convert_element_type3A_745, %convert_element_type3A_770, %convert_element_type3A_795, %convert_element_type3A_815 in 1 : vector<256x1xf32>, vector<256x1xf32>, vector<256x1xf32>, vector<256x1xf32>, vector<256x1xf32>, vector<256x1xf32>, vector<256x1xf32>, vector<256x1xf32>, vector<256x1xf32>, vector<256x1xf32>, vector<256x1xf32>, vector<256x1xf32>, vector<256x1xf32>, vector<256x1xf32>, vector<256x1xf32>, vector<256x1xf32>, vector<256x1xf32>, vector<256x1xf32>, vector<256x1xf32>, vector<256x1xf32>, vector<256x1xf32>, vector<256x1xf32>, vector<256x1xf32>, vector<256x1xf32>, vector<256x1xf32>, vector<256x1xf32>, vector<256x1xf32>, vector<256x1xf32>, vector<256x1xf32>, vector<256x1xf32>, vector<256x1xf32>, vector<256x1xf32> -> vector<256x32xf32>
    %broadcast_in_dim3A_822 = vector.shape_cast %concatenate3A_821 : vector<256x32xf32> to vector<1x1x256x32xf32>
    %swap3A_823 = arith.constant 0 : index
    %swap3A_824 = arith.constant 0 : index
    %swap3A_825 = arith.constant 0 : index
    %swap3A_826 = arith.constant 0 : index
    %swap3A_827 = vector.load %arg9[%swap3A_823, %swap3A_824, %swap3A_825, %swap3A_826] : memref<1x1x256x32xf32, #tpu.memory_space<vmem>>, vector<1x1x256x32xf32>
    tpu.vector_store %arg9[%swap3A_823, %swap3A_824, %swap3A_825, %swap3A_826], %broadcast_in_dim3A_822 {strides = array<i32>} : memref<1x1x256x32xf32, #tpu.memory_space<vmem>>, vector<1x1x256x32xf32>,
    return
  }
  func.func @transform_0(%arg0: i32, %arg1: i32) -> (i32, i32) {
    %c0_i32 = arith.constant 0 : i32
    %c0_i32_0 = arith.constant 0 : i32
    %c0_i32_1 = arith.constant 0 : i32
    return %c0_i32, %c0_i32_0 : i32, i32
  }
  func.func @transform_1(%arg0: i32, %arg1: i32) -> (i32, i32) {
    %c0_i32 = arith.constant 0 : i32
    %c0_i32_0 = arith.constant 0 : i32
    %c0_i32_1 = arith.constant 0 : i32
    return %c0_i32, %c0_i32_0 : i32, i32
  }
  func.func @transform_2(%arg0: i32, %arg1: i32) -> (i32, i32) {
    %c0_i32 = arith.constant 0 : i32
    %c0_i32_0 = arith.constant 0 : i32
    %c0_i32_1 = arith.constant 0 : i32
    return %c0_i32, %c0_i32_0 : i32, i32
  }
  func.func @transform_3(%arg0: i32, %arg1: i32) -> (i32, i32) {
    %mul3A = arith.constant 4 : i32
    %mul3A_0 = arith.muli %arg0, %mul3A : i32
    %add3A = arith.addi %mul3A_0, %arg1 : i32
    %c0_i32 = arith.constant 0 : i32
    %c0_i32_1 = arith.constant 0 : i32
    return %add3A, %c0_i32 : i32, i32
  }
  func.func @transform_4(%arg0: i32, %arg1: i32) -> (i32, i32) {
    %mul3A = arith.constant 4 : i32
    %mul3A_0 = arith.muli %arg0, %mul3A : i32
    %add3A = arith.addi %mul3A_0, %arg1 : i32
    %c0_i32 = arith.constant 0 : i32
    %c0_i32_1 = arith.constant 0 : i32
    return %add3A, %c0_i32 : i32, i32
  }
  func.func @transform_5(%arg0: i32, %arg1: i32) -> (i32, i32) {
    %mul3A = arith.constant 4 : i32
    %mul3A_0 = arith.muli %arg0, %mul3A : i32
    %add3A = arith.addi %mul3A_0, %arg1 : i32
    %c0_i32 = arith.constant 0 : i32
    %c0_i32_1 = arith.constant 0 : i32
    return %add3A, %c0_i32 : i32, i32
  }
  func.func @transform_6(%arg0: i32, %arg1: i32) -> (i32, i32, i32, i32) {
    %c0_i32 = arith.constant 0 : i32
    %c0_i32_0 = arith.constant 0 : i32
    %c0_i32_1 = arith.constant 0 : i32
    return %arg0, %arg1, %c0_i32, %c0_i32_0 : i32, i32, i32, i32
  }
  func.func @transform_7(%arg0: i32, %arg1: i32) -> (i32, i32, i32, i32) {
    %c0_i32 = arith.constant 0 : i32
    %c0_i32_0 = arith.constant 0 : i32
    %c0_i32_1 = arith.constant 0 : i32
    return %arg0, %arg1, %c0_i32, %c0_i32_0 : i32, i32, i32, i32
  }
}

module attributes {stable_mosaic.version = 14 : i64} {
  func.func @_fps_kernel(%arg0: memref<16x1024xf32, #tpu.memory_space<vmem>>, %arg1: memref<16x1024xf32, #tpu.memory_space<vmem>>, %arg2: memref<16x1024xf32, #tpu.memory_space<vmem>>, %arg3: memref<16x256xf32, #tpu.memory_space<vmem>>, %arg4: memref<16x256xf32, #tpu.memory_space<vmem>>, %arg5: memref<16x256xf32, #tpu.memory_space<vmem>>) attributes {dimension_semantics = [], scalar_prefetch = 0 : i64, scratch_operands = 0 : i64, tpu.core_type = #tpu.core_type<tc>} {
    %get3A = arith.constant 0 : index
    %get3A_0 = arith.constant 0 : index
    %get3A_1 = vector.load %arg0[%get3A, %get3A_0] : memref<16x1024xf32, #tpu.memory_space<vmem>>, vector<16x1024xf32>
    %get3A_2 = arith.constant 0 : index
    %get3A_3 = arith.constant 0 : index
    %get3A_4 = vector.load %arg1[%get3A_2, %get3A_3] : memref<16x1024xf32, #tpu.memory_space<vmem>>, vector<16x1024xf32>
    %get3A_5 = arith.constant 0 : index
    %get3A_6 = arith.constant 0 : index
    %get3A_7 = vector.load %arg2[%get3A_5, %get3A_6] : memref<16x1024xf32, #tpu.memory_space<vmem>>, vector<16x1024xf32>
    %iota3A = tpu.iota {dimensions = array<i32: 1>} : vector<16x1024xi32>
    %iota3A_8 = tpu.iota {dimensions = array<i32: 1>} : vector<16x256xi32>
    %slice3A = vector.extract_strided_slice %get3A_1 {offsets = [0, 0], sizes = [16, 1], strides = [1, 1]} : vector<16x1024xf32> to vector<16x1xf32>
    %slice3A_9 = vector.extract_strided_slice %get3A_4 {offsets = [0, 0], sizes = [16, 1], strides = [1, 1]} : vector<16x1024xf32> to vector<16x1xf32>
    %slice3A_10 = vector.extract_strided_slice %get3A_7 {offsets = [0, 0], sizes = [16, 1], strides = [1, 1]} : vector<16x1024xf32> to vector<16x1xf32>
    %eq3A = arith.constant 0 : i32
    %eq3A_11 = vector.broadcast %eq3A : i32 to vector<16x256xi32>
    %eq3A_12 = arith.cmpi eq, %iota3A_8, %eq3A_11 : vector<16x256xi32>
    %jit3A = arith.constant 0.000000e+00 : f32
    %broadcast_in_dim3A = vector.shape_cast %slice3A : vector<16x1xf32> to vector<16x1xf32>
    %broadcast_in_dim3A_13 = vector.broadcast %broadcast_in_dim3A : vector<16x1xf32> to vector<16x256xf32>
    %broadcast_in_dim3A_14 = vector.broadcast %jit3A : f32 to vector<16x256xf32>
    %select_n3A = arith.select %eq3A_12, %broadcast_in_dim3A_13, %broadcast_in_dim3A_14 : vector<16x256xi1>, vector<16x256xf32>
    %swap3A = arith.constant 0 : index
    %swap3A_15 = arith.constant 0 : index
    %swap3A_16 = vector.load %arg3[%swap3A, %swap3A_15] : memref<16x256xf32, #tpu.memory_space<vmem>>, vector<16x256xf32>
    tpu.vector_store %arg3[%swap3A, %swap3A_15], %select_n3A {strides = array<i32>} : memref<16x256xf32, #tpu.memory_space<vmem>>, vector<16x256xf32>,
    %eq3A_17 = arith.constant 0 : i32
    %eq3A_18 = vector.broadcast %eq3A_17 : i32 to vector<16x256xi32>
    %eq3A_19 = arith.cmpi eq, %iota3A_8, %eq3A_18 : vector<16x256xi32>
    %jit3A_20 = arith.constant 0.000000e+00 : f32
    %broadcast_in_dim3A_21 = vector.shape_cast %slice3A_9 : vector<16x1xf32> to vector<16x1xf32>
    %broadcast_in_dim3A_22 = vector.broadcast %broadcast_in_dim3A_21 : vector<16x1xf32> to vector<16x256xf32>
    %broadcast_in_dim3A_23 = vector.broadcast %jit3A_20 : f32 to vector<16x256xf32>
    %select_n3A_24 = arith.select %eq3A_19, %broadcast_in_dim3A_22, %broadcast_in_dim3A_23 : vector<16x256xi1>, vector<16x256xf32>
    %swap3A_25 = arith.constant 0 : index
    %swap3A_26 = arith.constant 0 : index
    %swap3A_27 = vector.load %arg4[%swap3A_25, %swap3A_26] : memref<16x256xf32, #tpu.memory_space<vmem>>, vector<16x256xf32>
    tpu.vector_store %arg4[%swap3A_25, %swap3A_26], %select_n3A_24 {strides = array<i32>} : memref<16x256xf32, #tpu.memory_space<vmem>>, vector<16x256xf32>,
    %eq3A_28 = arith.constant 0 : i32
    %eq3A_29 = vector.broadcast %eq3A_28 : i32 to vector<16x256xi32>
    %eq3A_30 = arith.cmpi eq, %iota3A_8, %eq3A_29 : vector<16x256xi32>
    %jit3A_31 = arith.constant 0.000000e+00 : f32
    %broadcast_in_dim3A_32 = vector.shape_cast %slice3A_10 : vector<16x1xf32> to vector<16x1xf32>
    %broadcast_in_dim3A_33 = vector.broadcast %broadcast_in_dim3A_32 : vector<16x1xf32> to vector<16x256xf32>
    %broadcast_in_dim3A_34 = vector.broadcast %jit3A_31 : f32 to vector<16x256xf32>
    %select_n3A_35 = arith.select %eq3A_30, %broadcast_in_dim3A_33, %broadcast_in_dim3A_34 : vector<16x256xi1>, vector<16x256xf32>
    %swap3A_36 = arith.constant 0 : index
    %swap3A_37 = arith.constant 0 : index
    %swap3A_38 = vector.load %arg5[%swap3A_36, %swap3A_37] : memref<16x256xf32, #tpu.memory_space<vmem>>, vector<16x256xf32>
    tpu.vector_store %arg5[%swap3A_36, %swap3A_37], %select_n3A_35 {strides = array<i32>} : memref<16x256xf32, #tpu.memory_space<vmem>>, vector<16x256xf32>,
    %broadcast_in_dim3A_39 = arith.constant 0x7F800000 : f32
    %broadcast_in_dim3A_40 = vector.broadcast %broadcast_in_dim3A_39 : f32 to vector<16x1024xf32>
    %scan3A = arith.constant 1 : i32
    %scan3A_41 = arith.constant 255 : i32
    %scan3A_42 = arith.addi %scan3A, %scan3A_41 : i32
    %scan3A_43 = arith.constant 1 : i32
    %scan3A_44:4 = scf.for %scan3A_46 = %scan3A to %scan3A_42 step %scan3A_43 iter_args(%scan3A_47 = %broadcast_in_dim3A_40, %scan3A_48 = %slice3A, %scan3A_49 = %slice3A_9, %scan3A_50 = %slice3A_10) -> (vector<16x1024xf32>, vector<16x1xf32>, vector<16x1xf32>, vector<16x1xf32>)  : i32 {
      %sub3A = vector.broadcast %scan3A_48 : vector<16x1xf32> to vector<16x1024xf32>
      %sub3A_51 = arith.subf %get3A_1, %sub3A : vector<16x1024xf32>
      %sub3A_52 = vector.broadcast %scan3A_49 : vector<16x1xf32> to vector<16x1024xf32>
      %sub3A_53 = arith.subf %get3A_4, %sub3A_52 : vector<16x1024xf32>
      %sub3A_54 = vector.broadcast %scan3A_50 : vector<16x1xf32> to vector<16x1024xf32>
      %sub3A_55 = arith.subf %get3A_7, %sub3A_54 : vector<16x1024xf32>
      %mul3A = arith.mulf %sub3A_51, %sub3A_51 : vector<16x1024xf32>
      %mul3A_56 = arith.mulf %sub3A_53, %sub3A_53 : vector<16x1024xf32>
      %add3A = arith.addf %mul3A, %mul3A_56 : vector<16x1024xf32>
      %mul3A_57 = arith.mulf %sub3A_55, %sub3A_55 : vector<16x1024xf32>
      %add3A_58 = arith.addf %add3A, %mul3A_57 : vector<16x1024xf32>
      %min3A = arith.minimumf %scan3A_47, %add3A_58 : vector<16x1024xf32>
      %slice3A_59 = vector.extract_strided_slice %min3A {offsets = [0, 0], sizes = [16, 512], strides = [1, 1]} : vector<16x1024xf32> to vector<16x512xf32>
      %slice3A_60 = vector.extract_strided_slice %min3A {offsets = [0, 512], sizes = [16, 512], strides = [1, 1]} : vector<16x1024xf32> to vector<16x512xf32>
      %slice3A_61 = vector.extract_strided_slice %iota3A {offsets = [0, 0], sizes = [16, 512], strides = [1, 1]} : vector<16x1024xi32> to vector<16x512xi32>
      %slice3A_62 = vector.extract_strided_slice %iota3A {offsets = [0, 512], sizes = [16, 512], strides = [1, 1]} : vector<16x1024xi32> to vector<16x512xi32>
      %gt3A = arith.cmpf ogt, %slice3A_59, %slice3A_60 : vector<16x512xf32>
      %eq3A_63 = arith.cmpf oeq, %slice3A_59, %slice3A_60 : vector<16x512xf32>
      %lt3A = arith.cmpi slt, %slice3A_61, %slice3A_62 : vector<16x512xi32>
      %and3A = arith.andi %eq3A_63, %lt3A : vector<16x512xi1>
      %or3A = arith.ori %gt3A, %and3A : vector<16x512xi1>
      %select_n3A_64 = arith.select %or3A, %slice3A_59, %slice3A_60 : vector<16x512xi1>, vector<16x512xf32>
      %select_n3A_65 = arith.select %or3A, %slice3A_61, %slice3A_62 : vector<16x512xi1>, vector<16x512xi32>
      %slice3A_66 = vector.extract_strided_slice %get3A_1 {offsets = [0, 0], sizes = [16, 512], strides = [1, 1]} : vector<16x1024xf32> to vector<16x512xf32>
      %slice3A_67 = vector.extract_strided_slice %get3A_1 {offsets = [0, 512], sizes = [16, 512], strides = [1, 1]} : vector<16x1024xf32> to vector<16x512xf32>
      %select_n3A_68 = arith.select %or3A, %slice3A_66, %slice3A_67 : vector<16x512xi1>, vector<16x512xf32>
      %slice3A_69 = vector.extract_strided_slice %get3A_4 {offsets = [0, 0], sizes = [16, 512], strides = [1, 1]} : vector<16x1024xf32> to vector<16x512xf32>
      %slice3A_70 = vector.extract_strided_slice %get3A_4 {offsets = [0, 512], sizes = [16, 512], strides = [1, 1]} : vector<16x1024xf32> to vector<16x512xf32>
      %select_n3A_71 = arith.select %or3A, %slice3A_69, %slice3A_70 : vector<16x512xi1>, vector<16x512xf32>
      %slice3A_72 = vector.extract_strided_slice %get3A_7 {offsets = [0, 0], sizes = [16, 512], strides = [1, 1]} : vector<16x1024xf32> to vector<16x512xf32>
      %slice3A_73 = vector.extract_strided_slice %get3A_7 {offsets = [0, 512], sizes = [16, 512], strides = [1, 1]} : vector<16x1024xf32> to vector<16x512xf32>
      %select_n3A_74 = arith.select %or3A, %slice3A_72, %slice3A_73 : vector<16x512xi1>, vector<16x512xf32>
      %slice3A_75 = vector.extract_strided_slice %select_n3A_64 {offsets = [0, 0], sizes = [16, 256], strides = [1, 1]} : vector<16x512xf32> to vector<16x256xf32>
      %slice3A_76 = vector.extract_strided_slice %select_n3A_64 {offsets = [0, 256], sizes = [16, 256], strides = [1, 1]} : vector<16x512xf32> to vector<16x256xf32>
      %slice3A_77 = vector.extract_strided_slice %select_n3A_65 {offsets = [0, 0], sizes = [16, 256], strides = [1, 1]} : vector<16x512xi32> to vector<16x256xi32>
      %slice3A_78 = vector.extract_strided_slice %select_n3A_65 {offsets = [0, 256], sizes = [16, 256], strides = [1, 1]} : vector<16x512xi32> to vector<16x256xi32>
      %gt3A_79 = arith.cmpf ogt, %slice3A_75, %slice3A_76 : vector<16x256xf32>
      %eq3A_80 = arith.cmpf oeq, %slice3A_75, %slice3A_76 : vector<16x256xf32>
      %lt3A_81 = arith.cmpi slt, %slice3A_77, %slice3A_78 : vector<16x256xi32>
      %and3A_82 = arith.andi %eq3A_80, %lt3A_81 : vector<16x256xi1>
      %or3A_83 = arith.ori %gt3A_79, %and3A_82 : vector<16x256xi1>
      %select_n3A_84 = arith.select %or3A_83, %slice3A_75, %slice3A_76 : vector<16x256xi1>, vector<16x256xf32>
      %select_n3A_85 = arith.select %or3A_83, %slice3A_77, %slice3A_78 : vector<16x256xi1>, vector<16x256xi32>
      %slice3A_86 = vector.extract_strided_slice %select_n3A_68 {offsets = [0, 0], sizes = [16, 256], strides = [1, 1]} : vector<16x512xf32> to vector<16x256xf32>
      %slice3A_87 = vector.extract_strided_slice %select_n3A_68 {offsets = [0, 256], sizes = [16, 256], strides = [1, 1]} : vector<16x512xf32> to vector<16x256xf32>
      %select_n3A_88 = arith.select %or3A_83, %slice3A_86, %slice3A_87 : vector<16x256xi1>, vector<16x256xf32>
      %slice3A_89 = vector.extract_strided_slice %select_n3A_71 {offsets = [0, 0], sizes = [16, 256], strides = [1, 1]} : vector<16x512xf32> to vector<16x256xf32>
      %slice3A_90 = vector.extract_strided_slice %select_n3A_71 {offsets = [0, 256], sizes = [16, 256], strides = [1, 1]} : vector<16x512xf32> to vector<16x256xf32>
      %select_n3A_91 = arith.select %or3A_83, %slice3A_89, %slice3A_90 : vector<16x256xi1>, vector<16x256xf32>
      %slice3A_92 = vector.extract_strided_slice %select_n3A_74 {offsets = [0, 0], sizes = [16, 256], strides = [1, 1]} : vector<16x512xf32> to vector<16x256xf32>
      %slice3A_93 = vector.extract_strided_slice %select_n3A_74 {offsets = [0, 256], sizes = [16, 256], strides = [1, 1]} : vector<16x512xf32> to vector<16x256xf32>
      %select_n3A_94 = arith.select %or3A_83, %slice3A_92, %slice3A_93 : vector<16x256xi1>, vector<16x256xf32>
      %slice3A_95 = vector.extract_strided_slice %select_n3A_84 {offsets = [0, 0], sizes = [16, 128], strides = [1, 1]} : vector<16x256xf32> to vector<16x128xf32>
      %slice3A_96 = vector.extract_strided_slice %select_n3A_84 {offsets = [0, 128], sizes = [16, 128], strides = [1, 1]} : vector<16x256xf32> to vector<16x128xf32>
      %slice3A_97 = vector.extract_strided_slice %select_n3A_85 {offsets = [0, 0], sizes = [16, 128], strides = [1, 1]} : vector<16x256xi32> to vector<16x128xi32>
      %slice3A_98 = vector.extract_strided_slice %select_n3A_85 {offsets = [0, 128], sizes = [16, 128], strides = [1, 1]} : vector<16x256xi32> to vector<16x128xi32>
      %gt3A_99 = arith.cmpf ogt, %slice3A_95, %slice3A_96 : vector<16x128xf32>
      %eq3A_100 = arith.cmpf oeq, %slice3A_95, %slice3A_96 : vector<16x128xf32>
      %lt3A_101 = arith.cmpi slt, %slice3A_97, %slice3A_98 : vector<16x128xi32>
      %and3A_102 = arith.andi %eq3A_100, %lt3A_101 : vector<16x128xi1>
      %or3A_103 = arith.ori %gt3A_99, %and3A_102 : vector<16x128xi1>
      %select_n3A_104 = arith.select %or3A_103, %slice3A_95, %slice3A_96 : vector<16x128xi1>, vector<16x128xf32>
      %select_n3A_105 = arith.select %or3A_103, %slice3A_97, %slice3A_98 : vector<16x128xi1>, vector<16x128xi32>
      %slice3A_106 = vector.extract_strided_slice %select_n3A_88 {offsets = [0, 0], sizes = [16, 128], strides = [1, 1]} : vector<16x256xf32> to vector<16x128xf32>
      %slice3A_107 = vector.extract_strided_slice %select_n3A_88 {offsets = [0, 128], sizes = [16, 128], strides = [1, 1]} : vector<16x256xf32> to vector<16x128xf32>
      %select_n3A_108 = arith.select %or3A_103, %slice3A_106, %slice3A_107 : vector<16x128xi1>, vector<16x128xf32>
      %slice3A_109 = vector.extract_strided_slice %select_n3A_91 {offsets = [0, 0], sizes = [16, 128], strides = [1, 1]} : vector<16x256xf32> to vector<16x128xf32>
      %slice3A_110 = vector.extract_strided_slice %select_n3A_91 {offsets = [0, 128], sizes = [16, 128], strides = [1, 1]} : vector<16x256xf32> to vector<16x128xf32>
      %select_n3A_111 = arith.select %or3A_103, %slice3A_109, %slice3A_110 : vector<16x128xi1>, vector<16x128xf32>
      %slice3A_112 = vector.extract_strided_slice %select_n3A_94 {offsets = [0, 0], sizes = [16, 128], strides = [1, 1]} : vector<16x256xf32> to vector<16x128xf32>
      %slice3A_113 = vector.extract_strided_slice %select_n3A_94 {offsets = [0, 128], sizes = [16, 128], strides = [1, 1]} : vector<16x256xf32> to vector<16x128xf32>
      %select_n3A_114 = arith.select %or3A_103, %slice3A_112, %slice3A_113 : vector<16x128xi1>, vector<16x128xf32>
      %reduce_max3A = arith.constant dense<0xFF800000> : vector<16xf32>
      %reduce_max3A_115 = vector.multi_reduction <maximumf>, %select_n3A_104, %reduce_max3A [1] : vector<16x128xf32> to vector<16xf32>
      %broadcast_in_dim3A_116 = vector.shape_cast %reduce_max3A_115 : vector<16xf32> to vector<16x1xf32>
      %eq3A_117 = vector.broadcast %broadcast_in_dim3A_116 : vector<16x1xf32> to vector<16x128xf32>
      %eq3A_118 = arith.cmpf oeq, %select_n3A_104, %eq3A_117 : vector<16x128xf32>
      %jit3A_119 = arith.constant 1024 : i32
      %broadcast_in_dim3A_120 = vector.broadcast %jit3A_119 : i32 to vector<16x128xi32>
      %select_n3A_121 = arith.select %eq3A_118, %select_n3A_105, %broadcast_in_dim3A_120 : vector<16x128xi1>, vector<16x128xi32>
      %reduce_min3A = arith.constant dense<2147483647> : vector<16xi32>
      %reduce_min3A_122 = vector.multi_reduction <minsi>, %select_n3A_121, %reduce_min3A [1] : vector<16x128xi32> to vector<16xi32>
      %broadcast_in_dim3A_123 = vector.shape_cast %reduce_min3A_122 : vector<16xi32> to vector<16x1xi32>
      %eq3A_124 = vector.broadcast %broadcast_in_dim3A_116 : vector<16x1xf32> to vector<16x128xf32>
      %eq3A_125 = arith.cmpf oeq, %select_n3A_104, %eq3A_124 : vector<16x128xf32>
      %eq3A_126 = vector.broadcast %broadcast_in_dim3A_123 : vector<16x1xi32> to vector<16x128xi32>
      %eq3A_127 = arith.cmpi eq, %select_n3A_105, %eq3A_126 : vector<16x128xi32>
      %and3A_128 = arith.andi %eq3A_125, %eq3A_127 : vector<16x128xi1>
      %jit3A_129 = arith.constant 0xFF800000 : f32
      %broadcast_in_dim3A_130 = vector.broadcast %jit3A_129 : f32 to vector<16x128xf32>
      %select_n3A_131 = arith.select %and3A_128, %select_n3A_108, %broadcast_in_dim3A_130 : vector<16x128xi1>, vector<16x128xf32>
      %reduce_max3A_132 = arith.constant dense<0xFF800000> : vector<16xf32>
      %reduce_max3A_133 = vector.multi_reduction <maximumf>, %select_n3A_131, %reduce_max3A_132 [1] : vector<16x128xf32> to vector<16xf32>
      %broadcast_in_dim3A_134 = vector.shape_cast %reduce_max3A_133 : vector<16xf32> to vector<16x1xf32>
      %jit3A_135 = arith.constant 0xFF800000 : f32
      %broadcast_in_dim3A_136 = vector.broadcast %jit3A_135 : f32 to vector<16x128xf32>
      %select_n3A_137 = arith.select %and3A_128, %select_n3A_111, %broadcast_in_dim3A_136 : vector<16x128xi1>, vector<16x128xf32>
      %reduce_max3A_138 = arith.constant dense<0xFF800000> : vector<16xf32>
      %reduce_max3A_139 = vector.multi_reduction <maximumf>, %select_n3A_137, %reduce_max3A_138 [1] : vector<16x128xf32> to vector<16xf32>
      %broadcast_in_dim3A_140 = vector.shape_cast %reduce_max3A_139 : vector<16xf32> to vector<16x1xf32>
      %jit3A_141 = arith.constant 0xFF800000 : f32
      %broadcast_in_dim3A_142 = vector.broadcast %jit3A_141 : f32 to vector<16x128xf32>
      %select_n3A_143 = arith.select %and3A_128, %select_n3A_114, %broadcast_in_dim3A_142 : vector<16x128xi1>, vector<16x128xf32>
      %reduce_max3A_144 = arith.constant dense<0xFF800000> : vector<16xf32>
      %reduce_max3A_145 = vector.multi_reduction <maximumf>, %select_n3A_143, %reduce_max3A_144 [1] : vector<16x128xf32> to vector<16xf32>
      %broadcast_in_dim3A_146 = vector.shape_cast %reduce_max3A_145 : vector<16xf32> to vector<16x1xf32>
      %eq3A_147 = vector.broadcast %scan3A_46 : i32 to vector<16x256xi32>
      %eq3A_148 = arith.cmpi eq, %iota3A_8, %eq3A_147 : vector<16x256xi32>
      %get3A_149 = arith.constant 0 : index
      %get3A_150 = arith.constant 0 : index
      %get3A_151 = vector.load %arg3[%get3A_149, %get3A_150] : memref<16x256xf32, #tpu.memory_space<vmem>>, vector<16x256xf32>
      %broadcast_in_dim3A_152 = vector.shape_cast %broadcast_in_dim3A_134 : vector<16x1xf32> to vector<16x1xf32>
      %broadcast_in_dim3A_153 = vector.broadcast %broadcast_in_dim3A_152 : vector<16x1xf32> to vector<16x256xf32>
      %select_n3A_154 = arith.select %eq3A_148, %broadcast_in_dim3A_153, %get3A_151 : vector<16x256xi1>, vector<16x256xf32>
      %swap3A_155 = arith.constant 0 : index
      %swap3A_156 = arith.constant 0 : index
      %swap3A_157 = vector.load %arg3[%swap3A_155, %swap3A_156] : memref<16x256xf32, #tpu.memory_space<vmem>>, vector<16x256xf32>
      tpu.vector_store %arg3[%swap3A_155, %swap3A_156], %select_n3A_154 {strides = array<i32>} : memref<16x256xf32, #tpu.memory_space<vmem>>, vector<16x256xf32>,
      %get3A_158 = arith.constant 0 : index
      %get3A_159 = arith.constant 0 : index
      %get3A_160 = vector.load %arg4[%get3A_158, %get3A_159] : memref<16x256xf32, #tpu.memory_space<vmem>>, vector<16x256xf32>
      %broadcast_in_dim3A_161 = vector.shape_cast %broadcast_in_dim3A_140 : vector<16x1xf32> to vector<16x1xf32>
      %broadcast_in_dim3A_162 = vector.broadcast %broadcast_in_dim3A_161 : vector<16x1xf32> to vector<16x256xf32>
      %select_n3A_163 = arith.select %eq3A_148, %broadcast_in_dim3A_162, %get3A_160 : vector<16x256xi1>, vector<16x256xf32>
      %swap3A_164 = arith.constant 0 : index
      %swap3A_165 = arith.constant 0 : index
      %swap3A_166 = vector.load %arg4[%swap3A_164, %swap3A_165] : memref<16x256xf32, #tpu.memory_space<vmem>>, vector<16x256xf32>
      tpu.vector_store %arg4[%swap3A_164, %swap3A_165], %select_n3A_163 {strides = array<i32>} : memref<16x256xf32, #tpu.memory_space<vmem>>, vector<16x256xf32>,
      %get3A_167 = arith.constant 0 : index
      %get3A_168 = arith.constant 0 : index
      %get3A_169 = vector.load %arg5[%get3A_167, %get3A_168] : memref<16x256xf32, #tpu.memory_space<vmem>>, vector<16x256xf32>
      %broadcast_in_dim3A_170 = vector.shape_cast %broadcast_in_dim3A_146 : vector<16x1xf32> to vector<16x1xf32>
      %broadcast_in_dim3A_171 = vector.broadcast %broadcast_in_dim3A_170 : vector<16x1xf32> to vector<16x256xf32>
      %select_n3A_172 = arith.select %eq3A_148, %broadcast_in_dim3A_171, %get3A_169 : vector<16x256xi1>, vector<16x256xf32>
      %swap3A_173 = arith.constant 0 : index
      %swap3A_174 = arith.constant 0 : index
      %swap3A_175 = vector.load %arg5[%swap3A_173, %swap3A_174] : memref<16x256xf32, #tpu.memory_space<vmem>>, vector<16x256xf32>
      tpu.vector_store %arg5[%swap3A_173, %swap3A_174], %select_n3A_172 {strides = array<i32>} : memref<16x256xf32, #tpu.memory_space<vmem>>, vector<16x256xf32>,
      scf.yield %min3A, %broadcast_in_dim3A_134, %broadcast_in_dim3A_140, %broadcast_in_dim3A_146 : vector<16x1024xf32>, vector<16x1xf32>, vector<16x1xf32>, vector<16x1xf32>
    }
    %scan3A_45 = arith.constant 255 : i32
    return
  }
}

module attributes {stable_mosaic.version = 14 : i64} {
  func.func @_knn_kernel(%arg0: i32, %arg1: i32, %arg2: memref<16x1024xf32, #tpu.memory_space<vmem>>, %arg3: memref<16x1024xf32, #tpu.memory_space<vmem>>, %arg4: memref<16x1024xf32, #tpu.memory_space<vmem>>, %arg5: memref<256x1xf32, #tpu.memory_space<vmem>>, %arg6: memref<256x1xf32, #tpu.memory_space<vmem>>, %arg7: memref<256x1xf32, #tpu.memory_space<vmem>>, %arg8: memref<1x1x256x32xi32, #tpu.memory_space<vmem>>, %arg9: memref<1x1x256x32xf32, #tpu.memory_space<vmem>>) attributes {dimension_semantics = [#tpu.dimension_semantics<arbitrary>, #tpu.dimension_semantics<arbitrary>], iteration_bounds = array<i64: 16, 1>, scalar_prefetch = 0 : i64, scratch_operands = 0 : i64, tpu.core_type = #tpu.core_type<tc>, window_params = [{pipeline_mode = #tpu.pipeline_mode<synchronous>, transform_indices = @transform_0, window_bounds = array<i64: 16, 1024>}, {pipeline_mode = #tpu.pipeline_mode<synchronous>, transform_indices = @transform_1, window_bounds = array<i64: 16, 1024>}, {pipeline_mode = #tpu.pipeline_mode<synchronous>, transform_indices = @transform_2, window_bounds = array<i64: 16, 1024>}, {transform_indices = @transform_3, window_bounds = array<i64: 256, 1>}, {transform_indices = @transform_4, window_bounds = array<i64: 256, 1>}, {transform_indices = @transform_5, window_bounds = array<i64: 256, 1>}, {transform_indices = @transform_6, window_bounds = array<i64: 1, 1, 256, 32>}, {transform_indices = @transform_7, window_bounds = array<i64: 1, 1, 256, 32>}]} {
    %get3A = arith.index_cast %arg0 : i32 to index
    %get3A_0 = arith.constant 0 : index
    %get3A_1 = vector.load %arg2[%get3A, %get3A_0] : memref<16x1024xf32, #tpu.memory_space<vmem>>, vector<1x1024xf32>
    %get3A_2 = arith.index_cast %arg0 : i32 to index
    %get3A_3 = arith.constant 0 : index
    %get3A_4 = vector.load %arg3[%get3A_2, %get3A_3] : memref<16x1024xf32, #tpu.memory_space<vmem>>, vector<1x1024xf32>
    %get3A_5 = arith.index_cast %arg0 : i32 to index
    %get3A_6 = arith.constant 0 : index
    %get3A_7 = vector.load %arg4[%get3A_5, %get3A_6] : memref<16x1024xf32, #tpu.memory_space<vmem>>, vector<1x1024xf32>
    %get3A_8 = arith.constant 0 : index
    %get3A_9 = arith.constant 0 : index
    %get3A_10 = vector.load %arg5[%get3A_8, %get3A_9] : memref<256x1xf32, #tpu.memory_space<vmem>>, vector<256x1xf32>
    %get3A_11 = arith.constant 0 : index
    %get3A_12 = arith.constant 0 : index
    %get3A_13 = vector.load %arg6[%get3A_11, %get3A_12] : memref<256x1xf32, #tpu.memory_space<vmem>>, vector<256x1xf32>
    %get3A_14 = arith.constant 0 : index
    %get3A_15 = arith.constant 0 : index
    %get3A_16 = vector.load %arg7[%get3A_14, %get3A_15] : memref<256x1xf32, #tpu.memory_space<vmem>>, vector<256x1xf32>
    %sub3A = vector.broadcast %get3A_10 : vector<256x1xf32> to vector<256x1024xf32>
    %sub3A_17 = vector.broadcast %get3A_1 : vector<1x1024xf32> to vector<256x1024xf32>
    %sub3A_18 = arith.subf %sub3A, %sub3A_17 : vector<256x1024xf32>
    %sub3A_19 = vector.broadcast %get3A_13 : vector<256x1xf32> to vector<256x1024xf32>
    %sub3A_20 = vector.broadcast %get3A_4 : vector<1x1024xf32> to vector<256x1024xf32>
    %sub3A_21 = arith.subf %sub3A_19, %sub3A_20 : vector<256x1024xf32>
    %sub3A_22 = vector.broadcast %get3A_16 : vector<256x1xf32> to vector<256x1024xf32>
    %sub3A_23 = vector.broadcast %get3A_7 : vector<1x1024xf32> to vector<256x1024xf32>
    %sub3A_24 = arith.subf %sub3A_22, %sub3A_23 : vector<256x1024xf32>
    %mul3A = arith.mulf %sub3A_18, %sub3A_18 : vector<256x1024xf32>
    %mul3A_25 = arith.mulf %sub3A_21, %sub3A_21 : vector<256x1024xf32>
    %add3A = arith.addf %mul3A, %mul3A_25 : vector<256x1024xf32>
    %mul3A_26 = arith.mulf %sub3A_24, %sub3A_24 : vector<256x1024xf32>
    %add3A_27 = arith.addf %add3A, %mul3A_26 : vector<256x1024xf32>
    %iota3A = tpu.iota {dimensions = array<i32: 1>} : vector<256x1024xi32>
    %reduce_min3A = arith.constant dense<0x7F800000> : vector<256xf32>
    %reduce_min3A_28 = vector.multi_reduction <minimumf>, %add3A_27, %reduce_min3A [1] : vector<256x1024xf32> to vector<256xf32>
    %broadcast_in_dim3A = vector.shape_cast %reduce_min3A_28 : vector<256xf32> to vector<256x1xf32>
    %eq3A = vector.broadcast %broadcast_in_dim3A : vector<256x1xf32> to vector<256x1024xf32>
    %eq3A_29 = arith.cmpf oeq, %add3A_27, %eq3A : vector<256x1024xf32>
    %jit3A = arith.constant 1024 : i32
    %broadcast_in_dim3A_30 = vector.broadcast %jit3A : i32 to vector<256x1024xi32>
    %select_n3A = arith.select %eq3A_29, %iota3A, %broadcast_in_dim3A_30 : vector<256x1024xi1>, vector<256x1024xi32>
    %reduce_min3A_31 = arith.constant dense<2147483647> : vector<256xi32>
    %reduce_min3A_32 = vector.multi_reduction <minsi>, %select_n3A, %reduce_min3A_31 [1] : vector<256x1024xi32> to vector<256xi32>
    %broadcast_in_dim3A_33 = vector.shape_cast %reduce_min3A_32 : vector<256xi32> to vector<256x1xi32>
    %eq3A_34 = vector.broadcast %broadcast_in_dim3A_33 : vector<256x1xi32> to vector<256x1024xi32>
    %eq3A_35 = arith.cmpi eq, %iota3A, %eq3A_34 : vector<256x1024xi32>
    %jit3A_36 = arith.constant 0x7F800000 : f32
    %broadcast_in_dim3A_37 = vector.broadcast %jit3A_36 : f32 to vector<256x1024xf32>
    %select_n3A_38 = arith.select %eq3A_35, %broadcast_in_dim3A_37, %add3A_27 : vector<256x1024xi1>, vector<256x1024xf32>
    %mul3A_39 = arith.constant 1024 : i32
    %mul3A_40 = arith.muli %arg0, %mul3A_39 : i32
    %add3A_41 = vector.broadcast %mul3A_40 : i32 to vector<256x1xi32>
    %add3A_42 = arith.addi %broadcast_in_dim3A_33, %add3A_41 : vector<256x1xi32>
    %le3A = arith.constant 1.600000e-01 : f32
    %le3A_43 = vector.broadcast %le3A : f32 to vector<256x1xf32>
    %le3A_44 = arith.cmpf ole, %broadcast_in_dim3A, %le3A_43 : vector<256x1xf32>
    %convert_element_type3A = arith.extui %le3A_44 : vector<256x1xi1> to vector<256x1xi32>
    %convert_element_type3A_45 = arith.sitofp %convert_element_type3A : vector<256x1xi32> to vector<256x1xf32>
    %reduce_min3A_46 = arith.constant dense<0x7F800000> : vector<256xf32>
    %reduce_min3A_47 = vector.multi_reduction <minimumf>, %select_n3A_38, %reduce_min3A_46 [1] : vector<256x1024xf32> to vector<256xf32>
    %broadcast_in_dim3A_48 = vector.shape_cast %reduce_min3A_47 : vector<256xf32> to vector<256x1xf32>
    %eq3A_49 = vector.broadcast %broadcast_in_dim3A_48 : vector<256x1xf32> to vector<256x1024xf32>
    %eq3A_50 = arith.cmpf oeq, %select_n3A_38, %eq3A_49 : vector<256x1024xf32>
    %jit3A_51 = arith.constant 1024 : i32
    %broadcast_in_dim3A_52 = vector.broadcast %jit3A_51 : i32 to vector<256x1024xi32>
    %select_n3A_53 = arith.select %eq3A_50, %iota3A, %broadcast_in_dim3A_52 : vector<256x1024xi1>, vector<256x1024xi32>
    %reduce_min3A_54 = arith.constant dense<2147483647> : vector<256xi32>
    %reduce_min3A_55 = vector.multi_reduction <minsi>, %select_n3A_53, %reduce_min3A_54 [1] : vector<256x1024xi32> to vector<256xi32>
    %broadcast_in_dim3A_56 = vector.shape_cast %reduce_min3A_55 : vector<256xi32> to vector<256x1xi32>
    %eq3A_57 = vector.broadcast %broadcast_in_dim3A_56 : vector<256x1xi32> to vector<256x1024xi32>
    %eq3A_58 = arith.cmpi eq, %iota3A, %eq3A_57 : vector<256x1024xi32>
    %jit3A_59 = arith.constant 0x7F800000 : f32
    %broadcast_in_dim3A_60 = vector.broadcast %jit3A_59 : f32 to vector<256x1024xf32>
    %select_n3A_61 = arith.select %eq3A_58, %broadcast_in_dim3A_60, %select_n3A_38 : vector<256x1024xi1>, vector<256x1024xf32>
    %mul3A_62 = arith.constant 1024 : i32
    %mul3A_63 = arith.muli %arg0, %mul3A_62 : i32
    %add3A_64 = vector.broadcast %mul3A_63 : i32 to vector<256x1xi32>
    %add3A_65 = arith.addi %broadcast_in_dim3A_56, %add3A_64 : vector<256x1xi32>
    %le3A_66 = arith.constant 1.600000e-01 : f32
    %le3A_67 = vector.broadcast %le3A_66 : f32 to vector<256x1xf32>
    %le3A_68 = arith.cmpf ole, %broadcast_in_dim3A_48, %le3A_67 : vector<256x1xf32>
    %convert_element_type3A_69 = arith.extui %le3A_68 : vector<256x1xi1> to vector<256x1xi32>
    %convert_element_type3A_70 = arith.sitofp %convert_element_type3A_69 : vector<256x1xi32> to vector<256x1xf32>
    %reduce_min3A_71 = arith.constant dense<0x7F800000> : vector<256xf32>
    %reduce_min3A_72 = vector.multi_reduction <minimumf>, %select_n3A_61, %reduce_min3A_71 [1] : vector<256x1024xf32> to vector<256xf32>
    %broadcast_in_dim3A_73 = vector.shape_cast %reduce_min3A_72 : vector<256xf32> to vector<256x1xf32>
    %eq3A_74 = vector.broadcast %broadcast_in_dim3A_73 : vector<256x1xf32> to vector<256x1024xf32>
    %eq3A_75 = arith.cmpf oeq, %select_n3A_61, %eq3A_74 : vector<256x1024xf32>
    %jit3A_76 = arith.constant 1024 : i32
    %broadcast_in_dim3A_77 = vector.broadcast %jit3A_76 : i32 to vector<256x1024xi32>
    %select_n3A_78 = arith.select %eq3A_75, %iota3A, %broadcast_in_dim3A_77 : vector<256x1024xi1>, vector<256x1024xi32>
    %reduce_min3A_79 = arith.constant dense<2147483647> : vector<256xi32>
    %reduce_min3A_80 = vector.multi_reduction <minsi>, %select_n3A_78, %reduce_min3A_79 [1] : vector<256x1024xi32> to vector<256xi32>
    %broadcast_in_dim3A_81 = vector.shape_cast %reduce_min3A_80 : vector<256xi32> to vector<256x1xi32>
    %eq3A_82 = vector.broadcast %broadcast_in_dim3A_81 : vector<256x1xi32> to vector<256x1024xi32>
    %eq3A_83 = arith.cmpi eq, %iota3A, %eq3A_82 : vector<256x1024xi32>
    %jit3A_84 = arith.constant 0x7F800000 : f32
    %broadcast_in_dim3A_85 = vector.broadcast %jit3A_84 : f32 to vector<256x1024xf32>
    %select_n3A_86 = arith.select %eq3A_83, %broadcast_in_dim3A_85, %select_n3A_61 : vector<256x1024xi1>, vector<256x1024xf32>
    %mul3A_87 = arith.constant 1024 : i32
    %mul3A_88 = arith.muli %arg0, %mul3A_87 : i32
    %add3A_89 = vector.broadcast %mul3A_88 : i32 to vector<256x1xi32>
    %add3A_90 = arith.addi %broadcast_in_dim3A_81, %add3A_89 : vector<256x1xi32>
    %le3A_91 = arith.constant 1.600000e-01 : f32
    %le3A_92 = vector.broadcast %le3A_91 : f32 to vector<256x1xf32>
    %le3A_93 = arith.cmpf ole, %broadcast_in_dim3A_73, %le3A_92 : vector<256x1xf32>
    %convert_element_type3A_94 = arith.extui %le3A_93 : vector<256x1xi1> to vector<256x1xi32>
    %convert_element_type3A_95 = arith.sitofp %convert_element_type3A_94 : vector<256x1xi32> to vector<256x1xf32>
    %reduce_min3A_96 = arith.constant dense<0x7F800000> : vector<256xf32>
    %reduce_min3A_97 = vector.multi_reduction <minimumf>, %select_n3A_86, %reduce_min3A_96 [1] : vector<256x1024xf32> to vector<256xf32>
    %broadcast_in_dim3A_98 = vector.shape_cast %reduce_min3A_97 : vector<256xf32> to vector<256x1xf32>
    %eq3A_99 = vector.broadcast %broadcast_in_dim3A_98 : vector<256x1xf32> to vector<256x1024xf32>
    %eq3A_100 = arith.cmpf oeq, %select_n3A_86, %eq3A_99 : vector<256x1024xf32>
    %jit3A_101 = arith.constant 1024 : i32
    %broadcast_in_dim3A_102 = vector.broadcast %jit3A_101 : i32 to vector<256x1024xi32>
    %select_n3A_103 = arith.select %eq3A_100, %iota3A, %broadcast_in_dim3A_102 : vector<256x1024xi1>, vector<256x1024xi32>
    %reduce_min3A_104 = arith.constant dense<2147483647> : vector<256xi32>
    %reduce_min3A_105 = vector.multi_reduction <minsi>, %select_n3A_103, %reduce_min3A_104 [1] : vector<256x1024xi32> to vector<256xi32>
    %broadcast_in_dim3A_106 = vector.shape_cast %reduce_min3A_105 : vector<256xi32> to vector<256x1xi32>
    %eq3A_107 = vector.broadcast %broadcast_in_dim3A_106 : vector<256x1xi32> to vector<256x1024xi32>
    %eq3A_108 = arith.cmpi eq, %iota3A, %eq3A_107 : vector<256x1024xi32>
    %jit3A_109 = arith.constant 0x7F800000 : f32
    %broadcast_in_dim3A_110 = vector.broadcast %jit3A_109 : f32 to vector<256x1024xf32>
    %select_n3A_111 = arith.select %eq3A_108, %broadcast_in_dim3A_110, %select_n3A_86 : vector<256x1024xi1>, vector<256x1024xf32>
    %mul3A_112 = arith.constant 1024 : i32
    %mul3A_113 = arith.muli %arg0, %mul3A_112 : i32
    %add3A_114 = vector.broadcast %mul3A_113 : i32 to vector<256x1xi32>
    %add3A_115 = arith.addi %broadcast_in_dim3A_106, %add3A_114 : vector<256x1xi32>
    %le3A_116 = arith.constant 1.600000e-01 : f32
    %le3A_117 = vector.broadcast %le3A_116 : f32 to vector<256x1xf32>
    %le3A_118 = arith.cmpf ole, %broadcast_in_dim3A_98, %le3A_117 : vector<256x1xf32>
    %convert_element_type3A_119 = arith.extui %le3A_118 : vector<256x1xi1> to vector<256x1xi32>
    %convert_element_type3A_120 = arith.sitofp %convert_element_type3A_119 : vector<256x1xi32> to vector<256x1xf32>
    %reduce_min3A_121 = arith.constant dense<0x7F800000> : vector<256xf32>
    %reduce_min3A_122 = vector.multi_reduction <minimumf>, %select_n3A_111, %reduce_min3A_121 [1] : vector<256x1024xf32> to vector<256xf32>
    %broadcast_in_dim3A_123 = vector.shape_cast %reduce_min3A_122 : vector<256xf32> to vector<256x1xf32>
    %eq3A_124 = vector.broadcast %broadcast_in_dim3A_123 : vector<256x1xf32> to vector<256x1024xf32>
    %eq3A_125 = arith.cmpf oeq, %select_n3A_111, %eq3A_124 : vector<256x1024xf32>
    %jit3A_126 = arith.constant 1024 : i32
    %broadcast_in_dim3A_127 = vector.broadcast %jit3A_126 : i32 to vector<256x1024xi32>
    %select_n3A_128 = arith.select %eq3A_125, %iota3A, %broadcast_in_dim3A_127 : vector<256x1024xi1>, vector<256x1024xi32>
    %reduce_min3A_129 = arith.constant dense<2147483647> : vector<256xi32>
    %reduce_min3A_130 = vector.multi_reduction <minsi>, %select_n3A_128, %reduce_min3A_129 [1] : vector<256x1024xi32> to vector<256xi32>
    %broadcast_in_dim3A_131 = vector.shape_cast %reduce_min3A_130 : vector<256xi32> to vector<256x1xi32>
    %eq3A_132 = vector.broadcast %broadcast_in_dim3A_131 : vector<256x1xi32> to vector<256x1024xi32>
    %eq3A_133 = arith.cmpi eq, %iota3A, %eq3A_132 : vector<256x1024xi32>
    %jit3A_134 = arith.constant 0x7F800000 : f32
    %broadcast_in_dim3A_135 = vector.broadcast %jit3A_134 : f32 to vector<256x1024xf32>
    %select_n3A_136 = arith.select %eq3A_133, %broadcast_in_dim3A_135, %select_n3A_111 : vector<256x1024xi1>, vector<256x1024xf32>
    %mul3A_137 = arith.constant 1024 : i32
    %mul3A_138 = arith.muli %arg0, %mul3A_137 : i32
    %add3A_139 = vector.broadcast %mul3A_138 : i32 to vector<256x1xi32>
    %add3A_140 = arith.addi %broadcast_in_dim3A_131, %add3A_139 : vector<256x1xi32>
    %le3A_141 = arith.constant 1.600000e-01 : f32
    %le3A_142 = vector.broadcast %le3A_141 : f32 to vector<256x1xf32>
    %le3A_143 = arith.cmpf ole, %broadcast_in_dim3A_123, %le3A_142 : vector<256x1xf32>
    %convert_element_type3A_144 = arith.extui %le3A_143 : vector<256x1xi1> to vector<256x1xi32>
    %convert_element_type3A_145 = arith.sitofp %convert_element_type3A_144 : vector<256x1xi32> to vector<256x1xf32>
    %reduce_min3A_146 = arith.constant dense<0x7F800000> : vector<256xf32>
    %reduce_min3A_147 = vector.multi_reduction <minimumf>, %select_n3A_136, %reduce_min3A_146 [1] : vector<256x1024xf32> to vector<256xf32>
    %broadcast_in_dim3A_148 = vector.shape_cast %reduce_min3A_147 : vector<256xf32> to vector<256x1xf32>
    %eq3A_149 = vector.broadcast %broadcast_in_dim3A_148 : vector<256x1xf32> to vector<256x1024xf32>
    %eq3A_150 = arith.cmpf oeq, %select_n3A_136, %eq3A_149 : vector<256x1024xf32>
    %jit3A_151 = arith.constant 1024 : i32
    %broadcast_in_dim3A_152 = vector.broadcast %jit3A_151 : i32 to vector<256x1024xi32>
    %select_n3A_153 = arith.select %eq3A_150, %iota3A, %broadcast_in_dim3A_152 : vector<256x1024xi1>, vector<256x1024xi32>
    %reduce_min3A_154 = arith.constant dense<2147483647> : vector<256xi32>
    %reduce_min3A_155 = vector.multi_reduction <minsi>, %select_n3A_153, %reduce_min3A_154 [1] : vector<256x1024xi32> to vector<256xi32>
    %broadcast_in_dim3A_156 = vector.shape_cast %reduce_min3A_155 : vector<256xi32> to vector<256x1xi32>
    %eq3A_157 = vector.broadcast %broadcast_in_dim3A_156 : vector<256x1xi32> to vector<256x1024xi32>
    %eq3A_158 = arith.cmpi eq, %iota3A, %eq3A_157 : vector<256x1024xi32>
    %jit3A_159 = arith.constant 0x7F800000 : f32
    %broadcast_in_dim3A_160 = vector.broadcast %jit3A_159 : f32 to vector<256x1024xf32>
    %select_n3A_161 = arith.select %eq3A_158, %broadcast_in_dim3A_160, %select_n3A_136 : vector<256x1024xi1>, vector<256x1024xf32>
    %mul3A_162 = arith.constant 1024 : i32
    %mul3A_163 = arith.muli %arg0, %mul3A_162 : i32
    %add3A_164 = vector.broadcast %mul3A_163 : i32 to vector<256x1xi32>
    %add3A_165 = arith.addi %broadcast_in_dim3A_156, %add3A_164 : vector<256x1xi32>
    %le3A_166 = arith.constant 1.600000e-01 : f32
    %le3A_167 = vector.broadcast %le3A_166 : f32 to vector<256x1xf32>
    %le3A_168 = arith.cmpf ole, %broadcast_in_dim3A_148, %le3A_167 : vector<256x1xf32>
    %convert_element_type3A_169 = arith.extui %le3A_168 : vector<256x1xi1> to vector<256x1xi32>
    %convert_element_type3A_170 = arith.sitofp %convert_element_type3A_169 : vector<256x1xi32> to vector<256x1xf32>
    %reduce_min3A_171 = arith.constant dense<0x7F800000> : vector<256xf32>
    %reduce_min3A_172 = vector.multi_reduction <minimumf>, %select_n3A_161, %reduce_min3A_171 [1] : vector<256x1024xf32> to vector<256xf32>
    %broadcast_in_dim3A_173 = vector.shape_cast %reduce_min3A_172 : vector<256xf32> to vector<256x1xf32>
    %eq3A_174 = vector.broadcast %broadcast_in_dim3A_173 : vector<256x1xf32> to vector<256x1024xf32>
    %eq3A_175 = arith.cmpf oeq, %select_n3A_161, %eq3A_174 : vector<256x1024xf32>
    %jit3A_176 = arith.constant 1024 : i32
    %broadcast_in_dim3A_177 = vector.broadcast %jit3A_176 : i32 to vector<256x1024xi32>
    %select_n3A_178 = arith.select %eq3A_175, %iota3A, %broadcast_in_dim3A_177 : vector<256x1024xi1>, vector<256x1024xi32>
    %reduce_min3A_179 = arith.constant dense<2147483647> : vector<256xi32>
    %reduce_min3A_180 = vector.multi_reduction <minsi>, %select_n3A_178, %reduce_min3A_179 [1] : vector<256x1024xi32> to vector<256xi32>
    %broadcast_in_dim3A_181 = vector.shape_cast %reduce_min3A_180 : vector<256xi32> to vector<256x1xi32>
    %eq3A_182 = vector.broadcast %broadcast_in_dim3A_181 : vector<256x1xi32> to vector<256x1024xi32>
    %eq3A_183 = arith.cmpi eq, %iota3A, %eq3A_182 : vector<256x1024xi32>
    %jit3A_184 = arith.constant 0x7F800000 : f32
    %broadcast_in_dim3A_185 = vector.broadcast %jit3A_184 : f32 to vector<256x1024xf32>
    %select_n3A_186 = arith.select %eq3A_183, %broadcast_in_dim3A_185, %select_n3A_161 : vector<256x1024xi1>, vector<256x1024xf32>
    %mul3A_187 = arith.constant 1024 : i32
    %mul3A_188 = arith.muli %arg0, %mul3A_187 : i32
    %add3A_189 = vector.broadcast %mul3A_188 : i32 to vector<256x1xi32>
    %add3A_190 = arith.addi %broadcast_in_dim3A_181, %add3A_189 : vector<256x1xi32>
    %le3A_191 = arith.constant 1.600000e-01 : f32
    %le3A_192 = vector.broadcast %le3A_191 : f32 to vector<256x1xf32>
    %le3A_193 = arith.cmpf ole, %broadcast_in_dim3A_173, %le3A_192 : vector<256x1xf32>
    %convert_element_type3A_194 = arith.extui %le3A_193 : vector<256x1xi1> to vector<256x1xi32>
    %convert_element_type3A_195 = arith.sitofp %convert_element_type3A_194 : vector<256x1xi32> to vector<256x1xf32>
    %reduce_min3A_196 = arith.constant dense<0x7F800000> : vector<256xf32>
    %reduce_min3A_197 = vector.multi_reduction <minimumf>, %select_n3A_186, %reduce_min3A_196 [1] : vector<256x1024xf32> to vector<256xf32>
    %broadcast_in_dim3A_198 = vector.shape_cast %reduce_min3A_197 : vector<256xf32> to vector<256x1xf32>
    %eq3A_199 = vector.broadcast %broadcast_in_dim3A_198 : vector<256x1xf32> to vector<256x1024xf32>
    %eq3A_200 = arith.cmpf oeq, %select_n3A_186, %eq3A_199 : vector<256x1024xf32>
    %jit3A_201 = arith.constant 1024 : i32
    %broadcast_in_dim3A_202 = vector.broadcast %jit3A_201 : i32 to vector<256x1024xi32>
    %select_n3A_203 = arith.select %eq3A_200, %iota3A, %broadcast_in_dim3A_202 : vector<256x1024xi1>, vector<256x1024xi32>
    %reduce_min3A_204 = arith.constant dense<2147483647> : vector<256xi32>
    %reduce_min3A_205 = vector.multi_reduction <minsi>, %select_n3A_203, %reduce_min3A_204 [1] : vector<256x1024xi32> to vector<256xi32>
    %broadcast_in_dim3A_206 = vector.shape_cast %reduce_min3A_205 : vector<256xi32> to vector<256x1xi32>
    %eq3A_207 = vector.broadcast %broadcast_in_dim3A_206 : vector<256x1xi32> to vector<256x1024xi32>
    %eq3A_208 = arith.cmpi eq, %iota3A, %eq3A_207 : vector<256x1024xi32>
    %jit3A_209 = arith.constant 0x7F800000 : f32
    %broadcast_in_dim3A_210 = vector.broadcast %jit3A_209 : f32 to vector<256x1024xf32>
    %select_n3A_211 = arith.select %eq3A_208, %broadcast_in_dim3A_210, %select_n3A_186 : vector<256x1024xi1>, vector<256x1024xf32>
    %mul3A_212 = arith.constant 1024 : i32
    %mul3A_213 = arith.muli %arg0, %mul3A_212 : i32
    %add3A_214 = vector.broadcast %mul3A_213 : i32 to vector<256x1xi32>
    %add3A_215 = arith.addi %broadcast_in_dim3A_206, %add3A_214 : vector<256x1xi32>
    %le3A_216 = arith.constant 1.600000e-01 : f32
    %le3A_217 = vector.broadcast %le3A_216 : f32 to vector<256x1xf32>
    %le3A_218 = arith.cmpf ole, %broadcast_in_dim3A_198, %le3A_217 : vector<256x1xf32>
    %convert_element_type3A_219 = arith.extui %le3A_218 : vector<256x1xi1> to vector<256x1xi32>
    %convert_element_type3A_220 = arith.sitofp %convert_element_type3A_219 : vector<256x1xi32> to vector<256x1xf32>
    %reduce_min3A_221 = arith.constant dense<0x7F800000> : vector<256xf32>
    %reduce_min3A_222 = vector.multi_reduction <minimumf>, %select_n3A_211, %reduce_min3A_221 [1] : vector<256x1024xf32> to vector<256xf32>
    %broadcast_in_dim3A_223 = vector.shape_cast %reduce_min3A_222 : vector<256xf32> to vector<256x1xf32>
    %eq3A_224 = vector.broadcast %broadcast_in_dim3A_223 : vector<256x1xf32> to vector<256x1024xf32>
    %eq3A_225 = arith.cmpf oeq, %select_n3A_211, %eq3A_224 : vector<256x1024xf32>
    %jit3A_226 = arith.constant 1024 : i32
    %broadcast_in_dim3A_227 = vector.broadcast %jit3A_226 : i32 to vector<256x1024xi32>
    %select_n3A_228 = arith.select %eq3A_225, %iota3A, %broadcast_in_dim3A_227 : vector<256x1024xi1>, vector<256x1024xi32>
    %reduce_min3A_229 = arith.constant dense<2147483647> : vector<256xi32>
    %reduce_min3A_230 = vector.multi_reduction <minsi>, %select_n3A_228, %reduce_min3A_229 [1] : vector<256x1024xi32> to vector<256xi32>
    %broadcast_in_dim3A_231 = vector.shape_cast %reduce_min3A_230 : vector<256xi32> to vector<256x1xi32>
    %eq3A_232 = vector.broadcast %broadcast_in_dim3A_231 : vector<256x1xi32> to vector<256x1024xi32>
    %eq3A_233 = arith.cmpi eq, %iota3A, %eq3A_232 : vector<256x1024xi32>
    %jit3A_234 = arith.constant 0x7F800000 : f32
    %broadcast_in_dim3A_235 = vector.broadcast %jit3A_234 : f32 to vector<256x1024xf32>
    %select_n3A_236 = arith.select %eq3A_233, %broadcast_in_dim3A_235, %select_n3A_211 : vector<256x1024xi1>, vector<256x1024xf32>
    %mul3A_237 = arith.constant 1024 : i32
    %mul3A_238 = arith.muli %arg0, %mul3A_237 : i32
    %add3A_239 = vector.broadcast %mul3A_238 : i32 to vector<256x1xi32>
    %add3A_240 = arith.addi %broadcast_in_dim3A_231, %add3A_239 : vector<256x1xi32>
    %le3A_241 = arith.constant 1.600000e-01 : f32
    %le3A_242 = vector.broadcast %le3A_241 : f32 to vector<256x1xf32>
    %le3A_243 = arith.cmpf ole, %broadcast_in_dim3A_223, %le3A_242 : vector<256x1xf32>
    %convert_element_type3A_244 = arith.extui %le3A_243 : vector<256x1xi1> to vector<256x1xi32>
    %convert_element_type3A_245 = arith.sitofp %convert_element_type3A_244 : vector<256x1xi32> to vector<256x1xf32>
    %reduce_min3A_246 = arith.constant dense<0x7F800000> : vector<256xf32>
    %reduce_min3A_247 = vector.multi_reduction <minimumf>, %select_n3A_236, %reduce_min3A_246 [1] : vector<256x1024xf32> to vector<256xf32>
    %broadcast_in_dim3A_248 = vector.shape_cast %reduce_min3A_247 : vector<256xf32> to vector<256x1xf32>
    %eq3A_249 = vector.broadcast %broadcast_in_dim3A_248 : vector<256x1xf32> to vector<256x1024xf32>
    %eq3A_250 = arith.cmpf oeq, %select_n3A_236, %eq3A_249 : vector<256x1024xf32>
    %jit3A_251 = arith.constant 1024 : i32
    %broadcast_in_dim3A_252 = vector.broadcast %jit3A_251 : i32 to vector<256x1024xi32>
    %select_n3A_253 = arith.select %eq3A_250, %iota3A, %broadcast_in_dim3A_252 : vector<256x1024xi1>, vector<256x1024xi32>
    %reduce_min3A_254 = arith.constant dense<2147483647> : vector<256xi32>
    %reduce_min3A_255 = vector.multi_reduction <minsi>, %select_n3A_253, %reduce_min3A_254 [1] : vector<256x1024xi32> to vector<256xi32>
    %broadcast_in_dim3A_256 = vector.shape_cast %reduce_min3A_255 : vector<256xi32> to vector<256x1xi32>
    %eq3A_257 = vector.broadcast %broadcast_in_dim3A_256 : vector<256x1xi32> to vector<256x1024xi32>
    %eq3A_258 = arith.cmpi eq, %iota3A, %eq3A_257 : vector<256x1024xi32>
    %jit3A_259 = arith.constant 0x7F800000 : f32
    %broadcast_in_dim3A_260 = vector.broadcast %jit3A_259 : f32 to vector<256x1024xf32>
    %select_n3A_261 = arith.select %eq3A_258, %broadcast_in_dim3A_260, %select_n3A_236 : vector<256x1024xi1>, vector<256x1024xf32>
    %mul3A_262 = arith.constant 1024 : i32
    %mul3A_263 = arith.muli %arg0, %mul3A_262 : i32
    %add3A_264 = vector.broadcast %mul3A_263 : i32 to vector<256x1xi32>
    %add3A_265 = arith.addi %broadcast_in_dim3A_256, %add3A_264 : vector<256x1xi32>
    %le3A_266 = arith.constant 1.600000e-01 : f32
    %le3A_267 = vector.broadcast %le3A_266 : f32 to vector<256x1xf32>
    %le3A_268 = arith.cmpf ole, %broadcast_in_dim3A_248, %le3A_267 : vector<256x1xf32>
    %convert_element_type3A_269 = arith.extui %le3A_268 : vector<256x1xi1> to vector<256x1xi32>
    %convert_element_type3A_270 = arith.sitofp %convert_element_type3A_269 : vector<256x1xi32> to vector<256x1xf32>
    %reduce_min3A_271 = arith.constant dense<0x7F800000> : vector<256xf32>
    %reduce_min3A_272 = vector.multi_reduction <minimumf>, %select_n3A_261, %reduce_min3A_271 [1] : vector<256x1024xf32> to vector<256xf32>
    %broadcast_in_dim3A_273 = vector.shape_cast %reduce_min3A_272 : vector<256xf32> to vector<256x1xf32>
    %eq3A_274 = vector.broadcast %broadcast_in_dim3A_273 : vector<256x1xf32> to vector<256x1024xf32>
    %eq3A_275 = arith.cmpf oeq, %select_n3A_261, %eq3A_274 : vector<256x1024xf32>
    %jit3A_276 = arith.constant 1024 : i32
    %broadcast_in_dim3A_277 = vector.broadcast %jit3A_276 : i32 to vector<256x1024xi32>
    %select_n3A_278 = arith.select %eq3A_275, %iota3A, %broadcast_in_dim3A_277 : vector<256x1024xi1>, vector<256x1024xi32>
    %reduce_min3A_279 = arith.constant dense<2147483647> : vector<256xi32>
    %reduce_min3A_280 = vector.multi_reduction <minsi>, %select_n3A_278, %reduce_min3A_279 [1] : vector<256x1024xi32> to vector<256xi32>
    %broadcast_in_dim3A_281 = vector.shape_cast %reduce_min3A_280 : vector<256xi32> to vector<256x1xi32>
    %eq3A_282 = vector.broadcast %broadcast_in_dim3A_281 : vector<256x1xi32> to vector<256x1024xi32>
    %eq3A_283 = arith.cmpi eq, %iota3A, %eq3A_282 : vector<256x1024xi32>
    %jit3A_284 = arith.constant 0x7F800000 : f32
    %broadcast_in_dim3A_285 = vector.broadcast %jit3A_284 : f32 to vector<256x1024xf32>
    %select_n3A_286 = arith.select %eq3A_283, %broadcast_in_dim3A_285, %select_n3A_261 : vector<256x1024xi1>, vector<256x1024xf32>
    %mul3A_287 = arith.constant 1024 : i32
    %mul3A_288 = arith.muli %arg0, %mul3A_287 : i32
    %add3A_289 = vector.broadcast %mul3A_288 : i32 to vector<256x1xi32>
    %add3A_290 = arith.addi %broadcast_in_dim3A_281, %add3A_289 : vector<256x1xi32>
    %le3A_291 = arith.constant 1.600000e-01 : f32
    %le3A_292 = vector.broadcast %le3A_291 : f32 to vector<256x1xf32>
    %le3A_293 = arith.cmpf ole, %broadcast_in_dim3A_273, %le3A_292 : vector<256x1xf32>
    %convert_element_type3A_294 = arith.extui %le3A_293 : vector<256x1xi1> to vector<256x1xi32>
    %convert_element_type3A_295 = arith.sitofp %convert_element_type3A_294 : vector<256x1xi32> to vector<256x1xf32>
    %reduce_min3A_296 = arith.constant dense<0x7F800000> : vector<256xf32>
    %reduce_min3A_297 = vector.multi_reduction <minimumf>, %select_n3A_286, %reduce_min3A_296 [1] : vector<256x1024xf32> to vector<256xf32>
    %broadcast_in_dim3A_298 = vector.shape_cast %reduce_min3A_297 : vector<256xf32> to vector<256x1xf32>
    %eq3A_299 = vector.broadcast %broadcast_in_dim3A_298 : vector<256x1xf32> to vector<256x1024xf32>
    %eq3A_300 = arith.cmpf oeq, %select_n3A_286, %eq3A_299 : vector<256x1024xf32>
    %jit3A_301 = arith.constant 1024 : i32
    %broadcast_in_dim3A_302 = vector.broadcast %jit3A_301 : i32 to vector<256x1024xi32>
    %select_n3A_303 = arith.select %eq3A_300, %iota3A, %broadcast_in_dim3A_302 : vector<256x1024xi1>, vector<256x1024xi32>
    %reduce_min3A_304 = arith.constant dense<2147483647> : vector<256xi32>
    %reduce_min3A_305 = vector.multi_reduction <minsi>, %select_n3A_303, %reduce_min3A_304 [1] : vector<256x1024xi32> to vector<256xi32>
    %broadcast_in_dim3A_306 = vector.shape_cast %reduce_min3A_305 : vector<256xi32> to vector<256x1xi32>
    %eq3A_307 = vector.broadcast %broadcast_in_dim3A_306 : vector<256x1xi32> to vector<256x1024xi32>
    %eq3A_308 = arith.cmpi eq, %iota3A, %eq3A_307 : vector<256x1024xi32>
    %jit3A_309 = arith.constant 0x7F800000 : f32
    %broadcast_in_dim3A_310 = vector.broadcast %jit3A_309 : f32 to vector<256x1024xf32>
    %select_n3A_311 = arith.select %eq3A_308, %broadcast_in_dim3A_310, %select_n3A_286 : vector<256x1024xi1>, vector<256x1024xf32>
    %mul3A_312 = arith.constant 1024 : i32
    %mul3A_313 = arith.muli %arg0, %mul3A_312 : i32
    %add3A_314 = vector.broadcast %mul3A_313 : i32 to vector<256x1xi32>
    %add3A_315 = arith.addi %broadcast_in_dim3A_306, %add3A_314 : vector<256x1xi32>
    %le3A_316 = arith.constant 1.600000e-01 : f32
    %le3A_317 = vector.broadcast %le3A_316 : f32 to vector<256x1xf32>
    %le3A_318 = arith.cmpf ole, %broadcast_in_dim3A_298, %le3A_317 : vector<256x1xf32>
    %convert_element_type3A_319 = arith.extui %le3A_318 : vector<256x1xi1> to vector<256x1xi32>
    %convert_element_type3A_320 = arith.sitofp %convert_element_type3A_319 : vector<256x1xi32> to vector<256x1xf32>
    %reduce_min3A_321 = arith.constant dense<0x7F800000> : vector<256xf32>
    %reduce_min3A_322 = vector.multi_reduction <minimumf>, %select_n3A_311, %reduce_min3A_321 [1] : vector<256x1024xf32> to vector<256xf32>
    %broadcast_in_dim3A_323 = vector.shape_cast %reduce_min3A_322 : vector<256xf32> to vector<256x1xf32>
    %eq3A_324 = vector.broadcast %broadcast_in_dim3A_323 : vector<256x1xf32> to vector<256x1024xf32>
    %eq3A_325 = arith.cmpf oeq, %select_n3A_311, %eq3A_324 : vector<256x1024xf32>
    %jit3A_326 = arith.constant 1024 : i32
    %broadcast_in_dim3A_327 = vector.broadcast %jit3A_326 : i32 to vector<256x1024xi32>
    %select_n3A_328 = arith.select %eq3A_325, %iota3A, %broadcast_in_dim3A_327 : vector<256x1024xi1>, vector<256x1024xi32>
    %reduce_min3A_329 = arith.constant dense<2147483647> : vector<256xi32>
    %reduce_min3A_330 = vector.multi_reduction <minsi>, %select_n3A_328, %reduce_min3A_329 [1] : vector<256x1024xi32> to vector<256xi32>
    %broadcast_in_dim3A_331 = vector.shape_cast %reduce_min3A_330 : vector<256xi32> to vector<256x1xi32>
    %eq3A_332 = vector.broadcast %broadcast_in_dim3A_331 : vector<256x1xi32> to vector<256x1024xi32>
    %eq3A_333 = arith.cmpi eq, %iota3A, %eq3A_332 : vector<256x1024xi32>
    %jit3A_334 = arith.constant 0x7F800000 : f32
    %broadcast_in_dim3A_335 = vector.broadcast %jit3A_334 : f32 to vector<256x1024xf32>
    %select_n3A_336 = arith.select %eq3A_333, %broadcast_in_dim3A_335, %select_n3A_311 : vector<256x1024xi1>, vector<256x1024xf32>
    %mul3A_337 = arith.constant 1024 : i32
    %mul3A_338 = arith.muli %arg0, %mul3A_337 : i32
    %add3A_339 = vector.broadcast %mul3A_338 : i32 to vector<256x1xi32>
    %add3A_340 = arith.addi %broadcast_in_dim3A_331, %add3A_339 : vector<256x1xi32>
    %le3A_341 = arith.constant 1.600000e-01 : f32
    %le3A_342 = vector.broadcast %le3A_341 : f32 to vector<256x1xf32>
    %le3A_343 = arith.cmpf ole, %broadcast_in_dim3A_323, %le3A_342 : vector<256x1xf32>
    %convert_element_type3A_344 = arith.extui %le3A_343 : vector<256x1xi1> to vector<256x1xi32>
    %convert_element_type3A_345 = arith.sitofp %convert_element_type3A_344 : vector<256x1xi32> to vector<256x1xf32>
    %reduce_min3A_346 = arith.constant dense<0x7F800000> : vector<256xf32>
    %reduce_min3A_347 = vector.multi_reduction <minimumf>, %select_n3A_336, %reduce_min3A_346 [1] : vector<256x1024xf32> to vector<256xf32>
    %broadcast_in_dim3A_348 = vector.shape_cast %reduce_min3A_347 : vector<256xf32> to vector<256x1xf32>
    %eq3A_349 = vector.broadcast %broadcast_in_dim3A_348 : vector<256x1xf32> to vector<256x1024xf32>
    %eq3A_350 = arith.cmpf oeq, %select_n3A_336, %eq3A_349 : vector<256x1024xf32>
    %jit3A_351 = arith.constant 1024 : i32
    %broadcast_in_dim3A_352 = vector.broadcast %jit3A_351 : i32 to vector<256x1024xi32>
    %select_n3A_353 = arith.select %eq3A_350, %iota3A, %broadcast_in_dim3A_352 : vector<256x1024xi1>, vector<256x1024xi32>
    %reduce_min3A_354 = arith.constant dense<2147483647> : vector<256xi32>
    %reduce_min3A_355 = vector.multi_reduction <minsi>, %select_n3A_353, %reduce_min3A_354 [1] : vector<256x1024xi32> to vector<256xi32>
    %broadcast_in_dim3A_356 = vector.shape_cast %reduce_min3A_355 : vector<256xi32> to vector<256x1xi32>
    %eq3A_357 = vector.broadcast %broadcast_in_dim3A_356 : vector<256x1xi32> to vector<256x1024xi32>
    %eq3A_358 = arith.cmpi eq, %iota3A, %eq3A_357 : vector<256x1024xi32>
    %jit3A_359 = arith.constant 0x7F800000 : f32
    %broadcast_in_dim3A_360 = vector.broadcast %jit3A_359 : f32 to vector<256x1024xf32>
    %select_n3A_361 = arith.select %eq3A_358, %broadcast_in_dim3A_360, %select_n3A_336 : vector<256x1024xi1>, vector<256x1024xf32>
    %mul3A_362 = arith.constant 1024 : i32
    %mul3A_363 = arith.muli %arg0, %mul3A_362 : i32
    %add3A_364 = vector.broadcast %mul3A_363 : i32 to vector<256x1xi32>
    %add3A_365 = arith.addi %broadcast_in_dim3A_356, %add3A_364 : vector<256x1xi32>
    %le3A_366 = arith.constant 1.600000e-01 : f32
    %le3A_367 = vector.broadcast %le3A_366 : f32 to vector<256x1xf32>
    %le3A_368 = arith.cmpf ole, %broadcast_in_dim3A_348, %le3A_367 : vector<256x1xf32>
    %convert_element_type3A_369 = arith.extui %le3A_368 : vector<256x1xi1> to vector<256x1xi32>
    %convert_element_type3A_370 = arith.sitofp %convert_element_type3A_369 : vector<256x1xi32> to vector<256x1xf32>
    %reduce_min3A_371 = arith.constant dense<0x7F800000> : vector<256xf32>
    %reduce_min3A_372 = vector.multi_reduction <minimumf>, %select_n3A_361, %reduce_min3A_371 [1] : vector<256x1024xf32> to vector<256xf32>
    %broadcast_in_dim3A_373 = vector.shape_cast %reduce_min3A_372 : vector<256xf32> to vector<256x1xf32>
    %eq3A_374 = vector.broadcast %broadcast_in_dim3A_373 : vector<256x1xf32> to vector<256x1024xf32>
    %eq3A_375 = arith.cmpf oeq, %select_n3A_361, %eq3A_374 : vector<256x1024xf32>
    %jit3A_376 = arith.constant 1024 : i32
    %broadcast_in_dim3A_377 = vector.broadcast %jit3A_376 : i32 to vector<256x1024xi32>
    %select_n3A_378 = arith.select %eq3A_375, %iota3A, %broadcast_in_dim3A_377 : vector<256x1024xi1>, vector<256x1024xi32>
    %reduce_min3A_379 = arith.constant dense<2147483647> : vector<256xi32>
    %reduce_min3A_380 = vector.multi_reduction <minsi>, %select_n3A_378, %reduce_min3A_379 [1] : vector<256x1024xi32> to vector<256xi32>
    %broadcast_in_dim3A_381 = vector.shape_cast %reduce_min3A_380 : vector<256xi32> to vector<256x1xi32>
    %eq3A_382 = vector.broadcast %broadcast_in_dim3A_381 : vector<256x1xi32> to vector<256x1024xi32>
    %eq3A_383 = arith.cmpi eq, %iota3A, %eq3A_382 : vector<256x1024xi32>
    %jit3A_384 = arith.constant 0x7F800000 : f32
    %broadcast_in_dim3A_385 = vector.broadcast %jit3A_384 : f32 to vector<256x1024xf32>
    %select_n3A_386 = arith.select %eq3A_383, %broadcast_in_dim3A_385, %select_n3A_361 : vector<256x1024xi1>, vector<256x1024xf32>
    %mul3A_387 = arith.constant 1024 : i32
    %mul3A_388 = arith.muli %arg0, %mul3A_387 : i32
    %add3A_389 = vector.broadcast %mul3A_388 : i32 to vector<256x1xi32>
    %add3A_390 = arith.addi %broadcast_in_dim3A_381, %add3A_389 : vector<256x1xi32>
    %le3A_391 = arith.constant 1.600000e-01 : f32
    %le3A_392 = vector.broadcast %le3A_391 : f32 to vector<256x1xf32>
    %le3A_393 = arith.cmpf ole, %broadcast_in_dim3A_373, %le3A_392 : vector<256x1xf32>
    %convert_element_type3A_394 = arith.extui %le3A_393 : vector<256x1xi1> to vector<256x1xi32>
    %convert_element_type3A_395 = arith.sitofp %convert_element_type3A_394 : vector<256x1xi32> to vector<256x1xf32>
    %reduce_min3A_396 = arith.constant dense<0x7F800000> : vector<256xf32>
    %reduce_min3A_397 = vector.multi_reduction <minimumf>, %select_n3A_386, %reduce_min3A_396 [1] : vector<256x1024xf32> to vector<256xf32>
    %broadcast_in_dim3A_398 = vector.shape_cast %reduce_min3A_397 : vector<256xf32> to vector<256x1xf32>
    %eq3A_399 = vector.broadcast %broadcast_in_dim3A_398 : vector<256x1xf32> to vector<256x1024xf32>
    %eq3A_400 = arith.cmpf oeq, %select_n3A_386, %eq3A_399 : vector<256x1024xf32>
    %jit3A_401 = arith.constant 1024 : i32
    %broadcast_in_dim3A_402 = vector.broadcast %jit3A_401 : i32 to vector<256x1024xi32>
    %select_n3A_403 = arith.select %eq3A_400, %iota3A, %broadcast_in_dim3A_402 : vector<256x1024xi1>, vector<256x1024xi32>
    %reduce_min3A_404 = arith.constant dense<2147483647> : vector<256xi32>
    %reduce_min3A_405 = vector.multi_reduction <minsi>, %select_n3A_403, %reduce_min3A_404 [1] : vector<256x1024xi32> to vector<256xi32>
    %broadcast_in_dim3A_406 = vector.shape_cast %reduce_min3A_405 : vector<256xi32> to vector<256x1xi32>
    %eq3A_407 = vector.broadcast %broadcast_in_dim3A_406 : vector<256x1xi32> to vector<256x1024xi32>
    %eq3A_408 = arith.cmpi eq, %iota3A, %eq3A_407 : vector<256x1024xi32>
    %jit3A_409 = arith.constant 0x7F800000 : f32
    %broadcast_in_dim3A_410 = vector.broadcast %jit3A_409 : f32 to vector<256x1024xf32>
    %select_n3A_411 = arith.select %eq3A_408, %broadcast_in_dim3A_410, %select_n3A_386 : vector<256x1024xi1>, vector<256x1024xf32>
    %mul3A_412 = arith.constant 1024 : i32
    %mul3A_413 = arith.muli %arg0, %mul3A_412 : i32
    %add3A_414 = vector.broadcast %mul3A_413 : i32 to vector<256x1xi32>
    %add3A_415 = arith.addi %broadcast_in_dim3A_406, %add3A_414 : vector<256x1xi32>
    %le3A_416 = arith.constant 1.600000e-01 : f32
    %le3A_417 = vector.broadcast %le3A_416 : f32 to vector<256x1xf32>
    %le3A_418 = arith.cmpf ole, %broadcast_in_dim3A_398, %le3A_417 : vector<256x1xf32>
    %convert_element_type3A_419 = arith.extui %le3A_418 : vector<256x1xi1> to vector<256x1xi32>
    %convert_element_type3A_420 = arith.sitofp %convert_element_type3A_419 : vector<256x1xi32> to vector<256x1xf32>
    %reduce_min3A_421 = arith.constant dense<0x7F800000> : vector<256xf32>
    %reduce_min3A_422 = vector.multi_reduction <minimumf>, %select_n3A_411, %reduce_min3A_421 [1] : vector<256x1024xf32> to vector<256xf32>
    %broadcast_in_dim3A_423 = vector.shape_cast %reduce_min3A_422 : vector<256xf32> to vector<256x1xf32>
    %eq3A_424 = vector.broadcast %broadcast_in_dim3A_423 : vector<256x1xf32> to vector<256x1024xf32>
    %eq3A_425 = arith.cmpf oeq, %select_n3A_411, %eq3A_424 : vector<256x1024xf32>
    %jit3A_426 = arith.constant 1024 : i32
    %broadcast_in_dim3A_427 = vector.broadcast %jit3A_426 : i32 to vector<256x1024xi32>
    %select_n3A_428 = arith.select %eq3A_425, %iota3A, %broadcast_in_dim3A_427 : vector<256x1024xi1>, vector<256x1024xi32>
    %reduce_min3A_429 = arith.constant dense<2147483647> : vector<256xi32>
    %reduce_min3A_430 = vector.multi_reduction <minsi>, %select_n3A_428, %reduce_min3A_429 [1] : vector<256x1024xi32> to vector<256xi32>
    %broadcast_in_dim3A_431 = vector.shape_cast %reduce_min3A_430 : vector<256xi32> to vector<256x1xi32>
    %eq3A_432 = vector.broadcast %broadcast_in_dim3A_431 : vector<256x1xi32> to vector<256x1024xi32>
    %eq3A_433 = arith.cmpi eq, %iota3A, %eq3A_432 : vector<256x1024xi32>
    %jit3A_434 = arith.constant 0x7F800000 : f32
    %broadcast_in_dim3A_435 = vector.broadcast %jit3A_434 : f32 to vector<256x1024xf32>
    %select_n3A_436 = arith.select %eq3A_433, %broadcast_in_dim3A_435, %select_n3A_411 : vector<256x1024xi1>, vector<256x1024xf32>
    %mul3A_437 = arith.constant 1024 : i32
    %mul3A_438 = arith.muli %arg0, %mul3A_437 : i32
    %add3A_439 = vector.broadcast %mul3A_438 : i32 to vector<256x1xi32>
    %add3A_440 = arith.addi %broadcast_in_dim3A_431, %add3A_439 : vector<256x1xi32>
    %le3A_441 = arith.constant 1.600000e-01 : f32
    %le3A_442 = vector.broadcast %le3A_441 : f32 to vector<256x1xf32>
    %le3A_443 = arith.cmpf ole, %broadcast_in_dim3A_423, %le3A_442 : vector<256x1xf32>
    %convert_element_type3A_444 = arith.extui %le3A_443 : vector<256x1xi1> to vector<256x1xi32>
    %convert_element_type3A_445 = arith.sitofp %convert_element_type3A_444 : vector<256x1xi32> to vector<256x1xf32>
    %reduce_min3A_446 = arith.constant dense<0x7F800000> : vector<256xf32>
    %reduce_min3A_447 = vector.multi_reduction <minimumf>, %select_n3A_436, %reduce_min3A_446 [1] : vector<256x1024xf32> to vector<256xf32>
    %broadcast_in_dim3A_448 = vector.shape_cast %reduce_min3A_447 : vector<256xf32> to vector<256x1xf32>
    %eq3A_449 = vector.broadcast %broadcast_in_dim3A_448 : vector<256x1xf32> to vector<256x1024xf32>
    %eq3A_450 = arith.cmpf oeq, %select_n3A_436, %eq3A_449 : vector<256x1024xf32>
    %jit3A_451 = arith.constant 1024 : i32
    %broadcast_in_dim3A_452 = vector.broadcast %jit3A_451 : i32 to vector<256x1024xi32>
    %select_n3A_453 = arith.select %eq3A_450, %iota3A, %broadcast_in_dim3A_452 : vector<256x1024xi1>, vector<256x1024xi32>
    %reduce_min3A_454 = arith.constant dense<2147483647> : vector<256xi32>
    %reduce_min3A_455 = vector.multi_reduction <minsi>, %select_n3A_453, %reduce_min3A_454 [1] : vector<256x1024xi32> to vector<256xi32>
    %broadcast_in_dim3A_456 = vector.shape_cast %reduce_min3A_455 : vector<256xi32> to vector<256x1xi32>
    %eq3A_457 = vector.broadcast %broadcast_in_dim3A_456 : vector<256x1xi32> to vector<256x1024xi32>
    %eq3A_458 = arith.cmpi eq, %iota3A, %eq3A_457 : vector<256x1024xi32>
    %jit3A_459 = arith.constant 0x7F800000 : f32
    %broadcast_in_dim3A_460 = vector.broadcast %jit3A_459 : f32 to vector<256x1024xf32>
    %select_n3A_461 = arith.select %eq3A_458, %broadcast_in_dim3A_460, %select_n3A_436 : vector<256x1024xi1>, vector<256x1024xf32>
    %mul3A_462 = arith.constant 1024 : i32
    %mul3A_463 = arith.muli %arg0, %mul3A_462 : i32
    %add3A_464 = vector.broadcast %mul3A_463 : i32 to vector<256x1xi32>
    %add3A_465 = arith.addi %broadcast_in_dim3A_456, %add3A_464 : vector<256x1xi32>
    %le3A_466 = arith.constant 1.600000e-01 : f32
    %le3A_467 = vector.broadcast %le3A_466 : f32 to vector<256x1xf32>
    %le3A_468 = arith.cmpf ole, %broadcast_in_dim3A_448, %le3A_467 : vector<256x1xf32>
    %convert_element_type3A_469 = arith.extui %le3A_468 : vector<256x1xi1> to vector<256x1xi32>
    %convert_element_type3A_470 = arith.sitofp %convert_element_type3A_469 : vector<256x1xi32> to vector<256x1xf32>
    %reduce_min3A_471 = arith.constant dense<0x7F800000> : vector<256xf32>
    %reduce_min3A_472 = vector.multi_reduction <minimumf>, %select_n3A_461, %reduce_min3A_471 [1] : vector<256x1024xf32> to vector<256xf32>
    %broadcast_in_dim3A_473 = vector.shape_cast %reduce_min3A_472 : vector<256xf32> to vector<256x1xf32>
    %eq3A_474 = vector.broadcast %broadcast_in_dim3A_473 : vector<256x1xf32> to vector<256x1024xf32>
    %eq3A_475 = arith.cmpf oeq, %select_n3A_461, %eq3A_474 : vector<256x1024xf32>
    %jit3A_476 = arith.constant 1024 : i32
    %broadcast_in_dim3A_477 = vector.broadcast %jit3A_476 : i32 to vector<256x1024xi32>
    %select_n3A_478 = arith.select %eq3A_475, %iota3A, %broadcast_in_dim3A_477 : vector<256x1024xi1>, vector<256x1024xi32>
    %reduce_min3A_479 = arith.constant dense<2147483647> : vector<256xi32>
    %reduce_min3A_480 = vector.multi_reduction <minsi>, %select_n3A_478, %reduce_min3A_479 [1] : vector<256x1024xi32> to vector<256xi32>
    %broadcast_in_dim3A_481 = vector.shape_cast %reduce_min3A_480 : vector<256xi32> to vector<256x1xi32>
    %eq3A_482 = vector.broadcast %broadcast_in_dim3A_481 : vector<256x1xi32> to vector<256x1024xi32>
    %eq3A_483 = arith.cmpi eq, %iota3A, %eq3A_482 : vector<256x1024xi32>
    %jit3A_484 = arith.constant 0x7F800000 : f32
    %broadcast_in_dim3A_485 = vector.broadcast %jit3A_484 : f32 to vector<256x1024xf32>
    %select_n3A_486 = arith.select %eq3A_483, %broadcast_in_dim3A_485, %select_n3A_461 : vector<256x1024xi1>, vector<256x1024xf32>
    %mul3A_487 = arith.constant 1024 : i32
    %mul3A_488 = arith.muli %arg0, %mul3A_487 : i32
    %add3A_489 = vector.broadcast %mul3A_488 : i32 to vector<256x1xi32>
    %add3A_490 = arith.addi %broadcast_in_dim3A_481, %add3A_489 : vector<256x1xi32>
    %le3A_491 = arith.constant 1.600000e-01 : f32
    %le3A_492 = vector.broadcast %le3A_491 : f32 to vector<256x1xf32>
    %le3A_493 = arith.cmpf ole, %broadcast_in_dim3A_473, %le3A_492 : vector<256x1xf32>
    %convert_element_type3A_494 = arith.extui %le3A_493 : vector<256x1xi1> to vector<256x1xi32>
    %convert_element_type3A_495 = arith.sitofp %convert_element_type3A_494 : vector<256x1xi32> to vector<256x1xf32>
    %reduce_min3A_496 = arith.constant dense<0x7F800000> : vector<256xf32>
    %reduce_min3A_497 = vector.multi_reduction <minimumf>, %select_n3A_486, %reduce_min3A_496 [1] : vector<256x1024xf32> to vector<256xf32>
    %broadcast_in_dim3A_498 = vector.shape_cast %reduce_min3A_497 : vector<256xf32> to vector<256x1xf32>
    %eq3A_499 = vector.broadcast %broadcast_in_dim3A_498 : vector<256x1xf32> to vector<256x1024xf32>
    %eq3A_500 = arith.cmpf oeq, %select_n3A_486, %eq3A_499 : vector<256x1024xf32>
    %jit3A_501 = arith.constant 1024 : i32
    %broadcast_in_dim3A_502 = vector.broadcast %jit3A_501 : i32 to vector<256x1024xi32>
    %select_n3A_503 = arith.select %eq3A_500, %iota3A, %broadcast_in_dim3A_502 : vector<256x1024xi1>, vector<256x1024xi32>
    %reduce_min3A_504 = arith.constant dense<2147483647> : vector<256xi32>
    %reduce_min3A_505 = vector.multi_reduction <minsi>, %select_n3A_503, %reduce_min3A_504 [1] : vector<256x1024xi32> to vector<256xi32>
    %broadcast_in_dim3A_506 = vector.shape_cast %reduce_min3A_505 : vector<256xi32> to vector<256x1xi32>
    %eq3A_507 = vector.broadcast %broadcast_in_dim3A_506 : vector<256x1xi32> to vector<256x1024xi32>
    %eq3A_508 = arith.cmpi eq, %iota3A, %eq3A_507 : vector<256x1024xi32>
    %jit3A_509 = arith.constant 0x7F800000 : f32
    %broadcast_in_dim3A_510 = vector.broadcast %jit3A_509 : f32 to vector<256x1024xf32>
    %select_n3A_511 = arith.select %eq3A_508, %broadcast_in_dim3A_510, %select_n3A_486 : vector<256x1024xi1>, vector<256x1024xf32>
    %mul3A_512 = arith.constant 1024 : i32
    %mul3A_513 = arith.muli %arg0, %mul3A_512 : i32
    %add3A_514 = vector.broadcast %mul3A_513 : i32 to vector<256x1xi32>
    %add3A_515 = arith.addi %broadcast_in_dim3A_506, %add3A_514 : vector<256x1xi32>
    %le3A_516 = arith.constant 1.600000e-01 : f32
    %le3A_517 = vector.broadcast %le3A_516 : f32 to vector<256x1xf32>
    %le3A_518 = arith.cmpf ole, %broadcast_in_dim3A_498, %le3A_517 : vector<256x1xf32>
    %convert_element_type3A_519 = arith.extui %le3A_518 : vector<256x1xi1> to vector<256x1xi32>
    %convert_element_type3A_520 = arith.sitofp %convert_element_type3A_519 : vector<256x1xi32> to vector<256x1xf32>
    %reduce_min3A_521 = arith.constant dense<0x7F800000> : vector<256xf32>
    %reduce_min3A_522 = vector.multi_reduction <minimumf>, %select_n3A_511, %reduce_min3A_521 [1] : vector<256x1024xf32> to vector<256xf32>
    %broadcast_in_dim3A_523 = vector.shape_cast %reduce_min3A_522 : vector<256xf32> to vector<256x1xf32>
    %eq3A_524 = vector.broadcast %broadcast_in_dim3A_523 : vector<256x1xf32> to vector<256x1024xf32>
    %eq3A_525 = arith.cmpf oeq, %select_n3A_511, %eq3A_524 : vector<256x1024xf32>
    %jit3A_526 = arith.constant 1024 : i32
    %broadcast_in_dim3A_527 = vector.broadcast %jit3A_526 : i32 to vector<256x1024xi32>
    %select_n3A_528 = arith.select %eq3A_525, %iota3A, %broadcast_in_dim3A_527 : vector<256x1024xi1>, vector<256x1024xi32>
    %reduce_min3A_529 = arith.constant dense<2147483647> : vector<256xi32>
    %reduce_min3A_530 = vector.multi_reduction <minsi>, %select_n3A_528, %reduce_min3A_529 [1] : vector<256x1024xi32> to vector<256xi32>
    %broadcast_in_dim3A_531 = vector.shape_cast %reduce_min3A_530 : vector<256xi32> to vector<256x1xi32>
    %eq3A_532 = vector.broadcast %broadcast_in_dim3A_531 : vector<256x1xi32> to vector<256x1024xi32>
    %eq3A_533 = arith.cmpi eq, %iota3A, %eq3A_532 : vector<256x1024xi32>
    %jit3A_534 = arith.constant 0x7F800000 : f32
    %broadcast_in_dim3A_535 = vector.broadcast %jit3A_534 : f32 to vector<256x1024xf32>
    %select_n3A_536 = arith.select %eq3A_533, %broadcast_in_dim3A_535, %select_n3A_511 : vector<256x1024xi1>, vector<256x1024xf32>
    %mul3A_537 = arith.constant 1024 : i32
    %mul3A_538 = arith.muli %arg0, %mul3A_537 : i32
    %add3A_539 = vector.broadcast %mul3A_538 : i32 to vector<256x1xi32>
    %add3A_540 = arith.addi %broadcast_in_dim3A_531, %add3A_539 : vector<256x1xi32>
    %le3A_541 = arith.constant 1.600000e-01 : f32
    %le3A_542 = vector.broadcast %le3A_541 : f32 to vector<256x1xf32>
    %le3A_543 = arith.cmpf ole, %broadcast_in_dim3A_523, %le3A_542 : vector<256x1xf32>
    %convert_element_type3A_544 = arith.extui %le3A_543 : vector<256x1xi1> to vector<256x1xi32>
    %convert_element_type3A_545 = arith.sitofp %convert_element_type3A_544 : vector<256x1xi32> to vector<256x1xf32>
    %reduce_min3A_546 = arith.constant dense<0x7F800000> : vector<256xf32>
    %reduce_min3A_547 = vector.multi_reduction <minimumf>, %select_n3A_536, %reduce_min3A_546 [1] : vector<256x1024xf32> to vector<256xf32>
    %broadcast_in_dim3A_548 = vector.shape_cast %reduce_min3A_547 : vector<256xf32> to vector<256x1xf32>
    %eq3A_549 = vector.broadcast %broadcast_in_dim3A_548 : vector<256x1xf32> to vector<256x1024xf32>
    %eq3A_550 = arith.cmpf oeq, %select_n3A_536, %eq3A_549 : vector<256x1024xf32>
    %jit3A_551 = arith.constant 1024 : i32
    %broadcast_in_dim3A_552 = vector.broadcast %jit3A_551 : i32 to vector<256x1024xi32>
    %select_n3A_553 = arith.select %eq3A_550, %iota3A, %broadcast_in_dim3A_552 : vector<256x1024xi1>, vector<256x1024xi32>
    %reduce_min3A_554 = arith.constant dense<2147483647> : vector<256xi32>
    %reduce_min3A_555 = vector.multi_reduction <minsi>, %select_n3A_553, %reduce_min3A_554 [1] : vector<256x1024xi32> to vector<256xi32>
    %broadcast_in_dim3A_556 = vector.shape_cast %reduce_min3A_555 : vector<256xi32> to vector<256x1xi32>
    %eq3A_557 = vector.broadcast %broadcast_in_dim3A_556 : vector<256x1xi32> to vector<256x1024xi32>
    %eq3A_558 = arith.cmpi eq, %iota3A, %eq3A_557 : vector<256x1024xi32>
    %jit3A_559 = arith.constant 0x7F800000 : f32
    %broadcast_in_dim3A_560 = vector.broadcast %jit3A_559 : f32 to vector<256x1024xf32>
    %select_n3A_561 = arith.select %eq3A_558, %broadcast_in_dim3A_560, %select_n3A_536 : vector<256x1024xi1>, vector<256x1024xf32>
    %mul3A_562 = arith.constant 1024 : i32
    %mul3A_563 = arith.muli %arg0, %mul3A_562 : i32
    %add3A_564 = vector.broadcast %mul3A_563 : i32 to vector<256x1xi32>
    %add3A_565 = arith.addi %broadcast_in_dim3A_556, %add3A_564 : vector<256x1xi32>
    %le3A_566 = arith.constant 1.600000e-01 : f32
    %le3A_567 = vector.broadcast %le3A_566 : f32 to vector<256x1xf32>
    %le3A_568 = arith.cmpf ole, %broadcast_in_dim3A_548, %le3A_567 : vector<256x1xf32>
    %convert_element_type3A_569 = arith.extui %le3A_568 : vector<256x1xi1> to vector<256x1xi32>
    %convert_element_type3A_570 = arith.sitofp %convert_element_type3A_569 : vector<256x1xi32> to vector<256x1xf32>
    %reduce_min3A_571 = arith.constant dense<0x7F800000> : vector<256xf32>
    %reduce_min3A_572 = vector.multi_reduction <minimumf>, %select_n3A_561, %reduce_min3A_571 [1] : vector<256x1024xf32> to vector<256xf32>
    %broadcast_in_dim3A_573 = vector.shape_cast %reduce_min3A_572 : vector<256xf32> to vector<256x1xf32>
    %eq3A_574 = vector.broadcast %broadcast_in_dim3A_573 : vector<256x1xf32> to vector<256x1024xf32>
    %eq3A_575 = arith.cmpf oeq, %select_n3A_561, %eq3A_574 : vector<256x1024xf32>
    %jit3A_576 = arith.constant 1024 : i32
    %broadcast_in_dim3A_577 = vector.broadcast %jit3A_576 : i32 to vector<256x1024xi32>
    %select_n3A_578 = arith.select %eq3A_575, %iota3A, %broadcast_in_dim3A_577 : vector<256x1024xi1>, vector<256x1024xi32>
    %reduce_min3A_579 = arith.constant dense<2147483647> : vector<256xi32>
    %reduce_min3A_580 = vector.multi_reduction <minsi>, %select_n3A_578, %reduce_min3A_579 [1] : vector<256x1024xi32> to vector<256xi32>
    %broadcast_in_dim3A_581 = vector.shape_cast %reduce_min3A_580 : vector<256xi32> to vector<256x1xi32>
    %eq3A_582 = vector.broadcast %broadcast_in_dim3A_581 : vector<256x1xi32> to vector<256x1024xi32>
    %eq3A_583 = arith.cmpi eq, %iota3A, %eq3A_582 : vector<256x1024xi32>
    %jit3A_584 = arith.constant 0x7F800000 : f32
    %broadcast_in_dim3A_585 = vector.broadcast %jit3A_584 : f32 to vector<256x1024xf32>
    %select_n3A_586 = arith.select %eq3A_583, %broadcast_in_dim3A_585, %select_n3A_561 : vector<256x1024xi1>, vector<256x1024xf32>
    %mul3A_587 = arith.constant 1024 : i32
    %mul3A_588 = arith.muli %arg0, %mul3A_587 : i32
    %add3A_589 = vector.broadcast %mul3A_588 : i32 to vector<256x1xi32>
    %add3A_590 = arith.addi %broadcast_in_dim3A_581, %add3A_589 : vector<256x1xi32>
    %le3A_591 = arith.constant 1.600000e-01 : f32
    %le3A_592 = vector.broadcast %le3A_591 : f32 to vector<256x1xf32>
    %le3A_593 = arith.cmpf ole, %broadcast_in_dim3A_573, %le3A_592 : vector<256x1xf32>
    %convert_element_type3A_594 = arith.extui %le3A_593 : vector<256x1xi1> to vector<256x1xi32>
    %convert_element_type3A_595 = arith.sitofp %convert_element_type3A_594 : vector<256x1xi32> to vector<256x1xf32>
    %reduce_min3A_596 = arith.constant dense<0x7F800000> : vector<256xf32>
    %reduce_min3A_597 = vector.multi_reduction <minimumf>, %select_n3A_586, %reduce_min3A_596 [1] : vector<256x1024xf32> to vector<256xf32>
    %broadcast_in_dim3A_598 = vector.shape_cast %reduce_min3A_597 : vector<256xf32> to vector<256x1xf32>
    %eq3A_599 = vector.broadcast %broadcast_in_dim3A_598 : vector<256x1xf32> to vector<256x1024xf32>
    %eq3A_600 = arith.cmpf oeq, %select_n3A_586, %eq3A_599 : vector<256x1024xf32>
    %jit3A_601 = arith.constant 1024 : i32
    %broadcast_in_dim3A_602 = vector.broadcast %jit3A_601 : i32 to vector<256x1024xi32>
    %select_n3A_603 = arith.select %eq3A_600, %iota3A, %broadcast_in_dim3A_602 : vector<256x1024xi1>, vector<256x1024xi32>
    %reduce_min3A_604 = arith.constant dense<2147483647> : vector<256xi32>
    %reduce_min3A_605 = vector.multi_reduction <minsi>, %select_n3A_603, %reduce_min3A_604 [1] : vector<256x1024xi32> to vector<256xi32>
    %broadcast_in_dim3A_606 = vector.shape_cast %reduce_min3A_605 : vector<256xi32> to vector<256x1xi32>
    %eq3A_607 = vector.broadcast %broadcast_in_dim3A_606 : vector<256x1xi32> to vector<256x1024xi32>
    %eq3A_608 = arith.cmpi eq, %iota3A, %eq3A_607 : vector<256x1024xi32>
    %jit3A_609 = arith.constant 0x7F800000 : f32
    %broadcast_in_dim3A_610 = vector.broadcast %jit3A_609 : f32 to vector<256x1024xf32>
    %select_n3A_611 = arith.select %eq3A_608, %broadcast_in_dim3A_610, %select_n3A_586 : vector<256x1024xi1>, vector<256x1024xf32>
    %mul3A_612 = arith.constant 1024 : i32
    %mul3A_613 = arith.muli %arg0, %mul3A_612 : i32
    %add3A_614 = vector.broadcast %mul3A_613 : i32 to vector<256x1xi32>
    %add3A_615 = arith.addi %broadcast_in_dim3A_606, %add3A_614 : vector<256x1xi32>
    %le3A_616 = arith.constant 1.600000e-01 : f32
    %le3A_617 = vector.broadcast %le3A_616 : f32 to vector<256x1xf32>
    %le3A_618 = arith.cmpf ole, %broadcast_in_dim3A_598, %le3A_617 : vector<256x1xf32>
    %convert_element_type3A_619 = arith.extui %le3A_618 : vector<256x1xi1> to vector<256x1xi32>
    %convert_element_type3A_620 = arith.sitofp %convert_element_type3A_619 : vector<256x1xi32> to vector<256x1xf32>
    %reduce_min3A_621 = arith.constant dense<0x7F800000> : vector<256xf32>
    %reduce_min3A_622 = vector.multi_reduction <minimumf>, %select_n3A_611, %reduce_min3A_621 [1] : vector<256x1024xf32> to vector<256xf32>
    %broadcast_in_dim3A_623 = vector.shape_cast %reduce_min3A_622 : vector<256xf32> to vector<256x1xf32>
    %eq3A_624 = vector.broadcast %broadcast_in_dim3A_623 : vector<256x1xf32> to vector<256x1024xf32>
    %eq3A_625 = arith.cmpf oeq, %select_n3A_611, %eq3A_624 : vector<256x1024xf32>
    %jit3A_626 = arith.constant 1024 : i32
    %broadcast_in_dim3A_627 = vector.broadcast %jit3A_626 : i32 to vector<256x1024xi32>
    %select_n3A_628 = arith.select %eq3A_625, %iota3A, %broadcast_in_dim3A_627 : vector<256x1024xi1>, vector<256x1024xi32>
    %reduce_min3A_629 = arith.constant dense<2147483647> : vector<256xi32>
    %reduce_min3A_630 = vector.multi_reduction <minsi>, %select_n3A_628, %reduce_min3A_629 [1] : vector<256x1024xi32> to vector<256xi32>
    %broadcast_in_dim3A_631 = vector.shape_cast %reduce_min3A_630 : vector<256xi32> to vector<256x1xi32>
    %eq3A_632 = vector.broadcast %broadcast_in_dim3A_631 : vector<256x1xi32> to vector<256x1024xi32>
    %eq3A_633 = arith.cmpi eq, %iota3A, %eq3A_632 : vector<256x1024xi32>
    %jit3A_634 = arith.constant 0x7F800000 : f32
    %broadcast_in_dim3A_635 = vector.broadcast %jit3A_634 : f32 to vector<256x1024xf32>
    %select_n3A_636 = arith.select %eq3A_633, %broadcast_in_dim3A_635, %select_n3A_611 : vector<256x1024xi1>, vector<256x1024xf32>
    %mul3A_637 = arith.constant 1024 : i32
    %mul3A_638 = arith.muli %arg0, %mul3A_637 : i32
    %add3A_639 = vector.broadcast %mul3A_638 : i32 to vector<256x1xi32>
    %add3A_640 = arith.addi %broadcast_in_dim3A_631, %add3A_639 : vector<256x1xi32>
    %le3A_641 = arith.constant 1.600000e-01 : f32
    %le3A_642 = vector.broadcast %le3A_641 : f32 to vector<256x1xf32>
    %le3A_643 = arith.cmpf ole, %broadcast_in_dim3A_623, %le3A_642 : vector<256x1xf32>
    %convert_element_type3A_644 = arith.extui %le3A_643 : vector<256x1xi1> to vector<256x1xi32>
    %convert_element_type3A_645 = arith.sitofp %convert_element_type3A_644 : vector<256x1xi32> to vector<256x1xf32>
    %reduce_min3A_646 = arith.constant dense<0x7F800000> : vector<256xf32>
    %reduce_min3A_647 = vector.multi_reduction <minimumf>, %select_n3A_636, %reduce_min3A_646 [1] : vector<256x1024xf32> to vector<256xf32>
    %broadcast_in_dim3A_648 = vector.shape_cast %reduce_min3A_647 : vector<256xf32> to vector<256x1xf32>
    %eq3A_649 = vector.broadcast %broadcast_in_dim3A_648 : vector<256x1xf32> to vector<256x1024xf32>
    %eq3A_650 = arith.cmpf oeq, %select_n3A_636, %eq3A_649 : vector<256x1024xf32>
    %jit3A_651 = arith.constant 1024 : i32
    %broadcast_in_dim3A_652 = vector.broadcast %jit3A_651 : i32 to vector<256x1024xi32>
    %select_n3A_653 = arith.select %eq3A_650, %iota3A, %broadcast_in_dim3A_652 : vector<256x1024xi1>, vector<256x1024xi32>
    %reduce_min3A_654 = arith.constant dense<2147483647> : vector<256xi32>
    %reduce_min3A_655 = vector.multi_reduction <minsi>, %select_n3A_653, %reduce_min3A_654 [1] : vector<256x1024xi32> to vector<256xi32>
    %broadcast_in_dim3A_656 = vector.shape_cast %reduce_min3A_655 : vector<256xi32> to vector<256x1xi32>
    %eq3A_657 = vector.broadcast %broadcast_in_dim3A_656 : vector<256x1xi32> to vector<256x1024xi32>
    %eq3A_658 = arith.cmpi eq, %iota3A, %eq3A_657 : vector<256x1024xi32>
    %jit3A_659 = arith.constant 0x7F800000 : f32
    %broadcast_in_dim3A_660 = vector.broadcast %jit3A_659 : f32 to vector<256x1024xf32>
    %select_n3A_661 = arith.select %eq3A_658, %broadcast_in_dim3A_660, %select_n3A_636 : vector<256x1024xi1>, vector<256x1024xf32>
    %mul3A_662 = arith.constant 1024 : i32
    %mul3A_663 = arith.muli %arg0, %mul3A_662 : i32
    %add3A_664 = vector.broadcast %mul3A_663 : i32 to vector<256x1xi32>
    %add3A_665 = arith.addi %broadcast_in_dim3A_656, %add3A_664 : vector<256x1xi32>
    %le3A_666 = arith.constant 1.600000e-01 : f32
    %le3A_667 = vector.broadcast %le3A_666 : f32 to vector<256x1xf32>
    %le3A_668 = arith.cmpf ole, %broadcast_in_dim3A_648, %le3A_667 : vector<256x1xf32>
    %convert_element_type3A_669 = arith.extui %le3A_668 : vector<256x1xi1> to vector<256x1xi32>
    %convert_element_type3A_670 = arith.sitofp %convert_element_type3A_669 : vector<256x1xi32> to vector<256x1xf32>
    %reduce_min3A_671 = arith.constant dense<0x7F800000> : vector<256xf32>
    %reduce_min3A_672 = vector.multi_reduction <minimumf>, %select_n3A_661, %reduce_min3A_671 [1] : vector<256x1024xf32> to vector<256xf32>
    %broadcast_in_dim3A_673 = vector.shape_cast %reduce_min3A_672 : vector<256xf32> to vector<256x1xf32>
    %eq3A_674 = vector.broadcast %broadcast_in_dim3A_673 : vector<256x1xf32> to vector<256x1024xf32>
    %eq3A_675 = arith.cmpf oeq, %select_n3A_661, %eq3A_674 : vector<256x1024xf32>
    %jit3A_676 = arith.constant 1024 : i32
    %broadcast_in_dim3A_677 = vector.broadcast %jit3A_676 : i32 to vector<256x1024xi32>
    %select_n3A_678 = arith.select %eq3A_675, %iota3A, %broadcast_in_dim3A_677 : vector<256x1024xi1>, vector<256x1024xi32>
    %reduce_min3A_679 = arith.constant dense<2147483647> : vector<256xi32>
    %reduce_min3A_680 = vector.multi_reduction <minsi>, %select_n3A_678, %reduce_min3A_679 [1] : vector<256x1024xi32> to vector<256xi32>
    %broadcast_in_dim3A_681 = vector.shape_cast %reduce_min3A_680 : vector<256xi32> to vector<256x1xi32>
    %eq3A_682 = vector.broadcast %broadcast_in_dim3A_681 : vector<256x1xi32> to vector<256x1024xi32>
    %eq3A_683 = arith.cmpi eq, %iota3A, %eq3A_682 : vector<256x1024xi32>
    %jit3A_684 = arith.constant 0x7F800000 : f32
    %broadcast_in_dim3A_685 = vector.broadcast %jit3A_684 : f32 to vector<256x1024xf32>
    %select_n3A_686 = arith.select %eq3A_683, %broadcast_in_dim3A_685, %select_n3A_661 : vector<256x1024xi1>, vector<256x1024xf32>
    %mul3A_687 = arith.constant 1024 : i32
    %mul3A_688 = arith.muli %arg0, %mul3A_687 : i32
    %add3A_689 = vector.broadcast %mul3A_688 : i32 to vector<256x1xi32>
    %add3A_690 = arith.addi %broadcast_in_dim3A_681, %add3A_689 : vector<256x1xi32>
    %le3A_691 = arith.constant 1.600000e-01 : f32
    %le3A_692 = vector.broadcast %le3A_691 : f32 to vector<256x1xf32>
    %le3A_693 = arith.cmpf ole, %broadcast_in_dim3A_673, %le3A_692 : vector<256x1xf32>
    %convert_element_type3A_694 = arith.extui %le3A_693 : vector<256x1xi1> to vector<256x1xi32>
    %convert_element_type3A_695 = arith.sitofp %convert_element_type3A_694 : vector<256x1xi32> to vector<256x1xf32>
    %reduce_min3A_696 = arith.constant dense<0x7F800000> : vector<256xf32>
    %reduce_min3A_697 = vector.multi_reduction <minimumf>, %select_n3A_686, %reduce_min3A_696 [1] : vector<256x1024xf32> to vector<256xf32>
    %broadcast_in_dim3A_698 = vector.shape_cast %reduce_min3A_697 : vector<256xf32> to vector<256x1xf32>
    %eq3A_699 = vector.broadcast %broadcast_in_dim3A_698 : vector<256x1xf32> to vector<256x1024xf32>
    %eq3A_700 = arith.cmpf oeq, %select_n3A_686, %eq3A_699 : vector<256x1024xf32>
    %jit3A_701 = arith.constant 1024 : i32
    %broadcast_in_dim3A_702 = vector.broadcast %jit3A_701 : i32 to vector<256x1024xi32>
    %select_n3A_703 = arith.select %eq3A_700, %iota3A, %broadcast_in_dim3A_702 : vector<256x1024xi1>, vector<256x1024xi32>
    %reduce_min3A_704 = arith.constant dense<2147483647> : vector<256xi32>
    %reduce_min3A_705 = vector.multi_reduction <minsi>, %select_n3A_703, %reduce_min3A_704 [1] : vector<256x1024xi32> to vector<256xi32>
    %broadcast_in_dim3A_706 = vector.shape_cast %reduce_min3A_705 : vector<256xi32> to vector<256x1xi32>
    %eq3A_707 = vector.broadcast %broadcast_in_dim3A_706 : vector<256x1xi32> to vector<256x1024xi32>
    %eq3A_708 = arith.cmpi eq, %iota3A, %eq3A_707 : vector<256x1024xi32>
    %jit3A_709 = arith.constant 0x7F800000 : f32
    %broadcast_in_dim3A_710 = vector.broadcast %jit3A_709 : f32 to vector<256x1024xf32>
    %select_n3A_711 = arith.select %eq3A_708, %broadcast_in_dim3A_710, %select_n3A_686 : vector<256x1024xi1>, vector<256x1024xf32>
    %mul3A_712 = arith.constant 1024 : i32
    %mul3A_713 = arith.muli %arg0, %mul3A_712 : i32
    %add3A_714 = vector.broadcast %mul3A_713 : i32 to vector<256x1xi32>
    %add3A_715 = arith.addi %broadcast_in_dim3A_706, %add3A_714 : vector<256x1xi32>
    %le3A_716 = arith.constant 1.600000e-01 : f32
    %le3A_717 = vector.broadcast %le3A_716 : f32 to vector<256x1xf32>
    %le3A_718 = arith.cmpf ole, %broadcast_in_dim3A_698, %le3A_717 : vector<256x1xf32>
    %convert_element_type3A_719 = arith.extui %le3A_718 : vector<256x1xi1> to vector<256x1xi32>
    %convert_element_type3A_720 = arith.sitofp %convert_element_type3A_719 : vector<256x1xi32> to vector<256x1xf32>
    %reduce_min3A_721 = arith.constant dense<0x7F800000> : vector<256xf32>
    %reduce_min3A_722 = vector.multi_reduction <minimumf>, %select_n3A_711, %reduce_min3A_721 [1] : vector<256x1024xf32> to vector<256xf32>
    %broadcast_in_dim3A_723 = vector.shape_cast %reduce_min3A_722 : vector<256xf32> to vector<256x1xf32>
    %eq3A_724 = vector.broadcast %broadcast_in_dim3A_723 : vector<256x1xf32> to vector<256x1024xf32>
    %eq3A_725 = arith.cmpf oeq, %select_n3A_711, %eq3A_724 : vector<256x1024xf32>
    %jit3A_726 = arith.constant 1024 : i32
    %broadcast_in_dim3A_727 = vector.broadcast %jit3A_726 : i32 to vector<256x1024xi32>
    %select_n3A_728 = arith.select %eq3A_725, %iota3A, %broadcast_in_dim3A_727 : vector<256x1024xi1>, vector<256x1024xi32>
    %reduce_min3A_729 = arith.constant dense<2147483647> : vector<256xi32>
    %reduce_min3A_730 = vector.multi_reduction <minsi>, %select_n3A_728, %reduce_min3A_729 [1] : vector<256x1024xi32> to vector<256xi32>
    %broadcast_in_dim3A_731 = vector.shape_cast %reduce_min3A_730 : vector<256xi32> to vector<256x1xi32>
    %eq3A_732 = vector.broadcast %broadcast_in_dim3A_731 : vector<256x1xi32> to vector<256x1024xi32>
    %eq3A_733 = arith.cmpi eq, %iota3A, %eq3A_732 : vector<256x1024xi32>
    %jit3A_734 = arith.constant 0x7F800000 : f32
    %broadcast_in_dim3A_735 = vector.broadcast %jit3A_734 : f32 to vector<256x1024xf32>
    %select_n3A_736 = arith.select %eq3A_733, %broadcast_in_dim3A_735, %select_n3A_711 : vector<256x1024xi1>, vector<256x1024xf32>
    %mul3A_737 = arith.constant 1024 : i32
    %mul3A_738 = arith.muli %arg0, %mul3A_737 : i32
    %add3A_739 = vector.broadcast %mul3A_738 : i32 to vector<256x1xi32>
    %add3A_740 = arith.addi %broadcast_in_dim3A_731, %add3A_739 : vector<256x1xi32>
    %le3A_741 = arith.constant 1.600000e-01 : f32
    %le3A_742 = vector.broadcast %le3A_741 : f32 to vector<256x1xf32>
    %le3A_743 = arith.cmpf ole, %broadcast_in_dim3A_723, %le3A_742 : vector<256x1xf32>
    %convert_element_type3A_744 = arith.extui %le3A_743 : vector<256x1xi1> to vector<256x1xi32>
    %convert_element_type3A_745 = arith.sitofp %convert_element_type3A_744 : vector<256x1xi32> to vector<256x1xf32>
    %reduce_min3A_746 = arith.constant dense<0x7F800000> : vector<256xf32>
    %reduce_min3A_747 = vector.multi_reduction <minimumf>, %select_n3A_736, %reduce_min3A_746 [1] : vector<256x1024xf32> to vector<256xf32>
    %broadcast_in_dim3A_748 = vector.shape_cast %reduce_min3A_747 : vector<256xf32> to vector<256x1xf32>
    %eq3A_749 = vector.broadcast %broadcast_in_dim3A_748 : vector<256x1xf32> to vector<256x1024xf32>
    %eq3A_750 = arith.cmpf oeq, %select_n3A_736, %eq3A_749 : vector<256x1024xf32>
    %jit3A_751 = arith.constant 1024 : i32
    %broadcast_in_dim3A_752 = vector.broadcast %jit3A_751 : i32 to vector<256x1024xi32>
    %select_n3A_753 = arith.select %eq3A_750, %iota3A, %broadcast_in_dim3A_752 : vector<256x1024xi1>, vector<256x1024xi32>
    %reduce_min3A_754 = arith.constant dense<2147483647> : vector<256xi32>
    %reduce_min3A_755 = vector.multi_reduction <minsi>, %select_n3A_753, %reduce_min3A_754 [1] : vector<256x1024xi32> to vector<256xi32>
    %broadcast_in_dim3A_756 = vector.shape_cast %reduce_min3A_755 : vector<256xi32> to vector<256x1xi32>
    %eq3A_757 = vector.broadcast %broadcast_in_dim3A_756 : vector<256x1xi32> to vector<256x1024xi32>
    %eq3A_758 = arith.cmpi eq, %iota3A, %eq3A_757 : vector<256x1024xi32>
    %jit3A_759 = arith.constant 0x7F800000 : f32
    %broadcast_in_dim3A_760 = vector.broadcast %jit3A_759 : f32 to vector<256x1024xf32>
    %select_n3A_761 = arith.select %eq3A_758, %broadcast_in_dim3A_760, %select_n3A_736 : vector<256x1024xi1>, vector<256x1024xf32>
    %mul3A_762 = arith.constant 1024 : i32
    %mul3A_763 = arith.muli %arg0, %mul3A_762 : i32
    %add3A_764 = vector.broadcast %mul3A_763 : i32 to vector<256x1xi32>
    %add3A_765 = arith.addi %broadcast_in_dim3A_756, %add3A_764 : vector<256x1xi32>
    %le3A_766 = arith.constant 1.600000e-01 : f32
    %le3A_767 = vector.broadcast %le3A_766 : f32 to vector<256x1xf32>
    %le3A_768 = arith.cmpf ole, %broadcast_in_dim3A_748, %le3A_767 : vector<256x1xf32>
    %convert_element_type3A_769 = arith.extui %le3A_768 : vector<256x1xi1> to vector<256x1xi32>
    %convert_element_type3A_770 = arith.sitofp %convert_element_type3A_769 : vector<256x1xi32> to vector<256x1xf32>
    %reduce_min3A_771 = arith.constant dense<0x7F800000> : vector<256xf32>
    %reduce_min3A_772 = vector.multi_reduction <minimumf>, %select_n3A_761, %reduce_min3A_771 [1] : vector<256x1024xf32> to vector<256xf32>
    %broadcast_in_dim3A_773 = vector.shape_cast %reduce_min3A_772 : vector<256xf32> to vector<256x1xf32>
    %eq3A_774 = vector.broadcast %broadcast_in_dim3A_773 : vector<256x1xf32> to vector<256x1024xf32>
    %eq3A_775 = arith.cmpf oeq, %select_n3A_761, %eq3A_774 : vector<256x1024xf32>
    %jit3A_776 = arith.constant 1024 : i32
    %broadcast_in_dim3A_777 = vector.broadcast %jit3A_776 : i32 to vector<256x1024xi32>
    %select_n3A_778 = arith.select %eq3A_775, %iota3A, %broadcast_in_dim3A_777 : vector<256x1024xi1>, vector<256x1024xi32>
    %reduce_min3A_779 = arith.constant dense<2147483647> : vector<256xi32>
    %reduce_min3A_780 = vector.multi_reduction <minsi>, %select_n3A_778, %reduce_min3A_779 [1] : vector<256x1024xi32> to vector<256xi32>
    %broadcast_in_dim3A_781 = vector.shape_cast %reduce_min3A_780 : vector<256xi32> to vector<256x1xi32>
    %eq3A_782 = vector.broadcast %broadcast_in_dim3A_781 : vector<256x1xi32> to vector<256x1024xi32>
    %eq3A_783 = arith.cmpi eq, %iota3A, %eq3A_782 : vector<256x1024xi32>
    %jit3A_784 = arith.constant 0x7F800000 : f32
    %broadcast_in_dim3A_785 = vector.broadcast %jit3A_784 : f32 to vector<256x1024xf32>
    %select_n3A_786 = arith.select %eq3A_783, %broadcast_in_dim3A_785, %select_n3A_761 : vector<256x1024xi1>, vector<256x1024xf32>
    %mul3A_787 = arith.constant 1024 : i32
    %mul3A_788 = arith.muli %arg0, %mul3A_787 : i32
    %add3A_789 = vector.broadcast %mul3A_788 : i32 to vector<256x1xi32>
    %add3A_790 = arith.addi %broadcast_in_dim3A_781, %add3A_789 : vector<256x1xi32>
    %le3A_791 = arith.constant 1.600000e-01 : f32
    %le3A_792 = vector.broadcast %le3A_791 : f32 to vector<256x1xf32>
    %le3A_793 = arith.cmpf ole, %broadcast_in_dim3A_773, %le3A_792 : vector<256x1xf32>
    %convert_element_type3A_794 = arith.extui %le3A_793 : vector<256x1xi1> to vector<256x1xi32>
    %convert_element_type3A_795 = arith.sitofp %convert_element_type3A_794 : vector<256x1xi32> to vector<256x1xf32>
    %reduce_min3A_796 = arith.constant dense<0x7F800000> : vector<256xf32>
    %reduce_min3A_797 = vector.multi_reduction <minimumf>, %select_n3A_786, %reduce_min3A_796 [1] : vector<256x1024xf32> to vector<256xf32>
    %broadcast_in_dim3A_798 = vector.shape_cast %reduce_min3A_797 : vector<256xf32> to vector<256x1xf32>
    %eq3A_799 = vector.broadcast %broadcast_in_dim3A_798 : vector<256x1xf32> to vector<256x1024xf32>
    %eq3A_800 = arith.cmpf oeq, %select_n3A_786, %eq3A_799 : vector<256x1024xf32>
    %jit3A_801 = arith.constant 1024 : i32
    %broadcast_in_dim3A_802 = vector.broadcast %jit3A_801 : i32 to vector<256x1024xi32>
    %select_n3A_803 = arith.select %eq3A_800, %iota3A, %broadcast_in_dim3A_802 : vector<256x1024xi1>, vector<256x1024xi32>
    %reduce_min3A_804 = arith.constant dense<2147483647> : vector<256xi32>
    %reduce_min3A_805 = vector.multi_reduction <minsi>, %select_n3A_803, %reduce_min3A_804 [1] : vector<256x1024xi32> to vector<256xi32>
    %broadcast_in_dim3A_806 = vector.shape_cast %reduce_min3A_805 : vector<256xi32> to vector<256x1xi32>
    %mul3A_807 = arith.constant 1024 : i32
    %mul3A_808 = arith.muli %arg0, %mul3A_807 : i32
    %add3A_809 = vector.broadcast %mul3A_808 : i32 to vector<256x1xi32>
    %add3A_810 = arith.addi %broadcast_in_dim3A_806, %add3A_809 : vector<256x1xi32>
    %le3A_811 = arith.constant 1.600000e-01 : f32
    %le3A_812 = vector.broadcast %le3A_811 : f32 to vector<256x1xf32>
    %le3A_813 = arith.cmpf ole, %broadcast_in_dim3A_798, %le3A_812 : vector<256x1xf32>
    %convert_element_type3A_814 = arith.extui %le3A_813 : vector<256x1xi1> to vector<256x1xi32>
    %convert_element_type3A_815 = arith.sitofp %convert_element_type3A_814 : vector<256x1xi32> to vector<256x1xf32>
    %concatenate3A = tpu.concatenate %add3A_42, %add3A_65, %add3A_90, %add3A_115, %add3A_140, %add3A_165, %add3A_190, %add3A_215, %add3A_240, %add3A_265, %add3A_290, %add3A_315, %add3A_340, %add3A_365, %add3A_390, %add3A_415, %add3A_440, %add3A_465, %add3A_490, %add3A_515, %add3A_540, %add3A_565, %add3A_590, %add3A_615, %add3A_640, %add3A_665, %add3A_690, %add3A_715, %add3A_740, %add3A_765, %add3A_790, %add3A_810 in 1 : vector<256x1xi32>, vector<256x1xi32>, vector<256x1xi32>, vector<256x1xi32>, vector<256x1xi32>, vector<256x1xi32>, vector<256x1xi32>, vector<256x1xi32>, vector<256x1xi32>, vector<256x1xi32>, vector<256x1xi32>, vector<256x1xi32>, vector<256x1xi32>, vector<256x1xi32>, vector<256x1xi32>, vector<256x1xi32>, vector<256x1xi32>, vector<256x1xi32>, vector<256x1xi32>, vector<256x1xi32>, vector<256x1xi32>, vector<256x1xi32>, vector<256x1xi32>, vector<256x1xi32>, vector<256x1xi32>, vector<256x1xi32>, vector<256x1xi32>, vector<256x1xi32>, vector<256x1xi32>, vector<256x1xi32>, vector<256x1xi32>, vector<256x1xi32> -> vector<256x32xi32>
    %broadcast_in_dim3A_816 = vector.shape_cast %concatenate3A : vector<256x32xi32> to vector<1x1x256x32xi32>
    %swap3A = arith.constant 0 : index
    %swap3A_817 = arith.constant 0 : index
    %swap3A_818 = arith.constant 0 : index
    %swap3A_819 = arith.constant 0 : index
    %swap3A_820 = vector.load %arg8[%swap3A, %swap3A_817, %swap3A_818, %swap3A_819] : memref<1x1x256x32xi32, #tpu.memory_space<vmem>>, vector<1x1x256x32xi32>
    tpu.vector_store %arg8[%swap3A, %swap3A_817, %swap3A_818, %swap3A_819], %broadcast_in_dim3A_816 {strides = array<i32>} : memref<1x1x256x32xi32, #tpu.memory_space<vmem>>, vector<1x1x256x32xi32>,
    %concatenate3A_821 = tpu.concatenate %convert_element_type3A_45, %convert_element_type3A_70, %convert_element_type3A_95, %convert_element_type3A_120, %convert_element_type3A_145, %convert_element_type3A_170, %convert_element_type3A_195, %convert_element_type3A_220, %convert_element_type3A_245, %convert_element_type3A_270, %convert_element_type3A_295, %convert_element_type3A_320, %convert_element_type3A_345, %convert_element_type3A_370, %convert_element_type3A_395, %convert_element_type3A_420, %convert_element_type3A_445, %convert_element_type3A_470, %convert_element_type3A_495, %convert_element_type3A_520, %convert_element_type3A_545, %convert_element_type3A_570, %convert_element_type3A_595, %convert_element_type3A_620, %convert_element_type3A_645, %convert_element_type3A_670, %convert_element_type3A_695, %convert_element_type3A_720, %convert_element_type3A_745, %convert_element_type3A_770, %convert_element_type3A_795, %convert_element_type3A_815 in 1 : vector<256x1xf32>, vector<256x1xf32>, vector<256x1xf32>, vector<256x1xf32>, vector<256x1xf32>, vector<256x1xf32>, vector<256x1xf32>, vector<256x1xf32>, vector<256x1xf32>, vector<256x1xf32>, vector<256x1xf32>, vector<256x1xf32>, vector<256x1xf32>, vector<256x1xf32>, vector<256x1xf32>, vector<256x1xf32>, vector<256x1xf32>, vector<256x1xf32>, vector<256x1xf32>, vector<256x1xf32>, vector<256x1xf32>, vector<256x1xf32>, vector<256x1xf32>, vector<256x1xf32>, vector<256x1xf32>, vector<256x1xf32>, vector<256x1xf32>, vector<256x1xf32>, vector<256x1xf32>, vector<256x1xf32>, vector<256x1xf32>, vector<256x1xf32> -> vector<256x32xf32>
    %broadcast_in_dim3A_822 = vector.shape_cast %concatenate3A_821 : vector<256x32xf32> to vector<1x1x256x32xf32>
    %swap3A_823 = arith.constant 0 : index
    %swap3A_824 = arith.constant 0 : index
    %swap3A_825 = arith.constant 0 : index
    %swap3A_826 = arith.constant 0 : index
    %swap3A_827 = vector.load %arg9[%swap3A_823, %swap3A_824, %swap3A_825, %swap3A_826] : memref<1x1x256x32xf32, #tpu.memory_space<vmem>>, vector<1x1x256x32xf32>
    tpu.vector_store %arg9[%swap3A_823, %swap3A_824, %swap3A_825, %swap3A_826], %broadcast_in_dim3A_822 {strides = array<i32>} : memref<1x1x256x32xf32, #tpu.memory_space<vmem>>, vector<1x1x256x32xf32>,
    return
  }
  func.func @transform_0(%arg0: i32, %arg1: i32) -> (i32, i32) {
    %c0_i32 = arith.constant 0 : i32
    %c0_i32_0 = arith.constant 0 : i32
    %c0_i32_1 = arith.constant 0 : i32
    return %c0_i32, %c0_i32_0 : i32, i32
  }
  func.func @transform_1(%arg0: i32, %arg1: i32) -> (i32, i32) {
    %c0_i32 = arith.constant 0 : i32
    %c0_i32_0 = arith.constant 0 : i32
    %c0_i32_1 = arith.constant 0 : i32
    return %c0_i32, %c0_i32_0 : i32, i32
  }
  func.func @transform_2(%arg0: i32, %arg1: i32) -> (i32, i32) {
    %c0_i32 = arith.constant 0 : i32
    %c0_i32_0 = arith.constant 0 : i32
    %c0_i32_1 = arith.constant 0 : i32
    return %c0_i32, %c0_i32_0 : i32, i32
  }
  func.func @transform_3(%arg0: i32, %arg1: i32) -> (i32, i32) {
    %mul3A = arith.constant 1 : i32
    %mul3A_0 = arith.muli %arg0, %mul3A : i32
    %add3A = arith.addi %mul3A_0, %arg1 : i32
    %c0_i32 = arith.constant 0 : i32
    %c0_i32_1 = arith.constant 0 : i32
    return %add3A, %c0_i32 : i32, i32
  }
  func.func @transform_4(%arg0: i32, %arg1: i32) -> (i32, i32) {
    %mul3A = arith.constant 1 : i32
    %mul3A_0 = arith.muli %arg0, %mul3A : i32
    %add3A = arith.addi %mul3A_0, %arg1 : i32
    %c0_i32 = arith.constant 0 : i32
    %c0_i32_1 = arith.constant 0 : i32
    return %add3A, %c0_i32 : i32, i32
  }
  func.func @transform_5(%arg0: i32, %arg1: i32) -> (i32, i32) {
    %mul3A = arith.constant 1 : i32
    %mul3A_0 = arith.muli %arg0, %mul3A : i32
    %add3A = arith.addi %mul3A_0, %arg1 : i32
    %c0_i32 = arith.constant 0 : i32
    %c0_i32_1 = arith.constant 0 : i32
    return %add3A, %c0_i32 : i32, i32
  }
  func.func @transform_6(%arg0: i32, %arg1: i32) -> (i32, i32, i32, i32) {
    %c0_i32 = arith.constant 0 : i32
    %c0_i32_0 = arith.constant 0 : i32
    %c0_i32_1 = arith.constant 0 : i32
    return %arg0, %arg1, %c0_i32, %c0_i32_0 : i32, i32, i32, i32
  }
  func.func @transform_7(%arg0: i32, %arg1: i32) -> (i32, i32, i32, i32) {
    %c0_i32 = arith.constant 0 : i32
    %c0_i32_0 = arith.constant 0 : i32
    %c0_i32_1 = arith.constant 0 : i32
    return %arg0, %arg1, %c0_i32, %c0_i32_0 : i32, i32, i32, i32
  }
}

module attributes {stable_mosaic.version = 14 : i64} {
  func.func @_m1_kernel(%arg0: i32, %arg1: memref<256x32x16xf32, #tpu.memory_space<vmem>>, %arg2: memref<256x3xf32, #tpu.memory_space<vmem>>, %arg3: memref<256x32xf32, #tpu.memory_space<vmem>>, %arg4: memref<16x32xf32, #tpu.memory_space<vmem>>, %arg5: memref<1x32xf32, #tpu.memory_space<vmem>>, %arg6: memref<8x32xf32, #tpu.memory_space<vmem>>, %arg7: memref<8x32xf32, #tpu.memory_space<vmem>>, %arg8: memref<8x128xf32, #tpu.memory_space<vmem>>) attributes {dimension_semantics = [#tpu.dimension_semantics<arbitrary>], iteration_bounds = array<i64: 64>, scalar_prefetch = 0 : i64, scratch_operands = 0 : i64, tpu.core_type = #tpu.core_type<tc>, window_params = [{transform_indices = @transform_0, window_bounds = array<i64: 256, 32, 16>}, {transform_indices = @transform_1, window_bounds = array<i64: 256, 3>}, {transform_indices = @transform_2, window_bounds = array<i64: 256, 32>}, {pipeline_mode = #tpu.pipeline_mode<synchronous>, transform_indices = @transform_3, window_bounds = array<i64: 16, 32>}, {pipeline_mode = #tpu.pipeline_mode<synchronous>, transform_indices = @transform_4, window_bounds = array<i64: 1, 32>}, {pipeline_mode = #tpu.pipeline_mode<synchronous>, transform_indices = @transform_5, window_bounds = array<i64: 8, 32>}, {pipeline_mode = #tpu.pipeline_mode<synchronous>, transform_indices = @transform_6, window_bounds = array<i64: 8, 32>}, {pipeline_mode = #tpu.pipeline_mode<synchronous>, transform_indices = @transform_7, window_bounds = array<i64: 8, 128>}]} {
    %get3A = arith.constant 0 : index
    %get3A_0 = arith.constant 0 : index
    %get3A_1 = arith.constant 0 : index
    %get3A_2 = vector.load %arg1[%get3A, %get3A_0, %get3A_1] : memref<256x32x16xf32, #tpu.memory_space<vmem>>, vector<256x32x16xf32>
    %slice3A = vector.extract_strided_slice %get3A_2 {offsets = [0, 0, 3], sizes = [256, 32, 3], strides = [1, 1, 1]} : vector<256x32x16xf32> to vector<256x32x3xf32>
    %get3A_3 = arith.constant 0 : index
    %get3A_4 = arith.constant 0 : index
    %get3A_5 = vector.load %arg2[%get3A_3, %get3A_4] : memref<256x3xf32, #tpu.memory_space<vmem>>, vector<256x3xf32>
    %broadcast_in_dim3A = vector.shape_cast %get3A_5 : vector<256x3xf32> to vector<256x1x3xf32>
    %sub3A = vector.broadcast %broadcast_in_dim3A : vector<256x1x3xf32> to vector<256x32x3xf32>
    %sub3A_6 = arith.subf %slice3A, %sub3A : vector<256x32x3xf32>
    %slice3A_7 = vector.extract_strided_slice %get3A_2 {offsets = [0, 0, 0], sizes = [256, 32, 3], strides = [1, 1, 1]} : vector<256x32x16xf32> to vector<256x32x3xf32>
    %slice3A_8 = vector.extract_strided_slice %get3A_2 {offsets = [0, 0, 6], sizes = [256, 32, 10], strides = [1, 1, 1]} : vector<256x32x16xf32> to vector<256x32x10xf32>
    %concatenate3A = tpu.concatenate %slice3A_7, %sub3A_6, %slice3A_8 in 2 : vector<256x32x3xf32>, vector<256x32x3xf32>, vector<256x32x10xf32> -> vector<256x32x16xf32>
    %reshape3A = vector.shape_cast %concatenate3A : vector<256x32x16xf32> to vector<8192x16xf32>
    %get3A_9 = arith.constant 0 : index
    %get3A_10 = arith.constant 0 : index
    %get3A_11 = vector.load %arg4[%get3A_9, %get3A_10] : memref<16x32xf32, #tpu.memory_space<vmem>>, vector<16x32xf32>
    %dot_general3A = arith.constant dense<0.000000e+00> : vector<8192x32xf32>
    %dot_general3A_12 = tpu.matmul %reshape3A, %get3A_11, %dot_general3A {dimension_numbers = #tpu.dot_dimension_numbers<[1], [0], [0], [1], [0, 0, 1, 1], [], []>, transpose_lhs_hint = false} : vector<8192x16xf32>, vector<16x32xf32>, vector<8192x32xf32> -> vector<8192x32xf32>
    %get3A_13 = arith.constant 0 : index
    %get3A_14 = arith.constant 0 : index
    %get3A_15 = vector.load %arg5[%get3A_13, %get3A_14] : memref<1x32xf32, #tpu.memory_space<vmem>>, vector<1x32xf32>
    %get3A_16 = vector.shape_cast %get3A_15 : vector<1x32xf32> to vector<32xf32>
    %broadcast_in_dim3A_17 = vector.shape_cast %get3A_16 : vector<32xf32> to vector<1x32xf32>
    %add3A = vector.broadcast %broadcast_in_dim3A_17 : vector<1x32xf32> to vector<8192x32xf32>
    %add3A_18 = arith.addf %dot_general3A_12, %add3A : vector<8192x32xf32>
    %reshape3A_19 = vector.shape_cast %add3A_18 : vector<8192x32xf32> to vector<256x32x32xf32>
    %get3A_20 = arith.constant 0 : index
    %get3A_21 = arith.constant 0 : index
    %get3A_22 = vector.load %arg3[%get3A_20, %get3A_21] : memref<256x32xf32, #tpu.memory_space<vmem>>, vector<256x32xf32>
    %broadcast_in_dim3A_23 = vector.shape_cast %get3A_22 : vector<256x32xf32> to vector<256x32x1xf32>
    %get3A_24 = arith.constant 0 : index
    %get3A_25 = arith.constant 0 : index
    %get3A_26 = vector.load %arg3[%get3A_24, %get3A_25] : memref<256x32xf32, #tpu.memory_space<vmem>>, vector<256x32xf32>
    %reduce_sum3A = vector.shape_cast %get3A_26 : vector<256x32xf32> to vector<1x256x32xf32>
    %reduce_sum3A_27 = arith.constant dense<0.000000e+00> : vector<1xf32>
    %reduce_sum3A_28 = vector.multi_reduction <add>, %reduce_sum3A, %reduce_sum3A_27 [1, 2] : vector<1x256x32xf32> to vector<1xf32>
    %reduce_sum3A_29 = vector.shape_cast %reduce_sum3A_28 : vector<1xf32> to vector<1x1x1xf32>
    %reduce_sum3A_30 = vector.extract %reduce_sum3A_29[0, 0, 0] : f32 from vector<1x1x1xf32>
    %mul3A = vector.broadcast %broadcast_in_dim3A_23 : vector<256x32x1xf32> to vector<256x32x32xf32>
    %mul3A_31 = arith.mulf %mul3A, %reshape3A_19 : vector<256x32x32xf32>
    %reduce_sum3A_32 = arith.constant dense<0.000000e+00> : vector<32xf32>
    %reduce_sum3A_33 = vector.multi_reduction <add>, %mul3A_31, %reduce_sum3A_32 [0, 1] : vector<256x32x32xf32> to vector<32xf32>
    %div3A = vector.broadcast %reduce_sum3A_30 : f32 to vector<32xf32>
    %div3A_34 = arith.divf %reduce_sum3A_33, %div3A : vector<32xf32>
    %broadcast_in_dim3A_35 = vector.shape_cast %div3A_34 : vector<32xf32> to vector<1x1x32xf32>
    %sub3A_36 = vector.broadcast %broadcast_in_dim3A_35 : vector<1x1x32xf32> to vector<256x32x32xf32>
    %sub3A_37 = arith.subf %reshape3A_19, %sub3A_36 : vector<256x32x32xf32>
    %mul3A_38 = vector.broadcast %broadcast_in_dim3A_23 : vector<256x32x1xf32> to vector<256x32x32xf32>
    %mul3A_39 = arith.mulf %mul3A_38, %sub3A_37 : vector<256x32x32xf32>
    %mul3A_40 = arith.mulf %mul3A_39, %sub3A_37 : vector<256x32x32xf32>
    %reduce_sum3A_41 = arith.constant dense<0.000000e+00> : vector<32xf32>
    %reduce_sum3A_42 = vector.multi_reduction <add>, %mul3A_40, %reduce_sum3A_41 [0, 1] : vector<256x32x32xf32> to vector<32xf32>
    %eq3A = arith.constant 0 : i32
    %eq3A_43 = arith.cmpi eq, %arg0, %eq3A : i32
    %convert_element_type3A = arith.extui %eq3A_43 : i1 to i32
    %cond3A = arith.constant 0 : i32
    %cond3A_44 = arith.cmpi ne, %convert_element_type3A, %cond3A : i32
    scf.if %cond3A_44 {
      %broadcast_in_dim3A_49 = vector.shape_cast %div3A_34 : vector<32xf32> to vector<1x32xf32>
      %broadcast_in_dim3A_50 = vector.shape_cast %broadcast_in_dim3A_49 : vector<1x32xf32> to vector<1x32xf32>
      %broadcast_in_dim3A_51 = vector.broadcast %broadcast_in_dim3A_50 : vector<1x32xf32> to vector<8x32xf32>
      %swap3A = arith.constant 0 : index
      %swap3A_52 = arith.constant 0 : index
      %swap3A_53 = vector.load %arg6[%swap3A, %swap3A_52] : memref<8x32xf32, #tpu.memory_space<vmem>>, vector<8x32xf32>
      tpu.vector_store %arg6[%swap3A, %swap3A_52], %broadcast_in_dim3A_51 {strides = array<i32>} : memref<8x32xf32, #tpu.memory_space<vmem>>, vector<8x32xf32>,
      %broadcast_in_dim3A_54 = vector.shape_cast %reduce_sum3A_42 : vector<32xf32> to vector<1x32xf32>
      %broadcast_in_dim3A_55 = vector.shape_cast %broadcast_in_dim3A_54 : vector<1x32xf32> to vector<1x32xf32>
      %broadcast_in_dim3A_56 = vector.broadcast %broadcast_in_dim3A_55 : vector<1x32xf32> to vector<8x32xf32>
      %swap3A_57 = arith.constant 0 : index
      %swap3A_58 = arith.constant 0 : index
      %swap3A_59 = vector.load %arg7[%swap3A_57, %swap3A_58] : memref<8x32xf32, #tpu.memory_space<vmem>>, vector<8x32xf32>
      tpu.vector_store %arg7[%swap3A_57, %swap3A_58], %broadcast_in_dim3A_56 {strides = array<i32>} : memref<8x32xf32, #tpu.memory_space<vmem>>, vector<8x32xf32>,
      %broadcast_in_dim3A_60 = vector.broadcast %reduce_sum3A_30 : f32 to vector<8x128xf32>
      %swap3A_61 = arith.constant 0 : index
      %swap3A_62 = arith.constant 0 : index
      %swap3A_63 = vector.load %arg8[%swap3A_61, %swap3A_62] : memref<8x128xf32, #tpu.memory_space<vmem>>, vector<8x128xf32>
      tpu.vector_store %arg8[%swap3A_61, %swap3A_62], %broadcast_in_dim3A_60 {strides = array<i32>} : memref<8x128xf32, #tpu.memory_space<vmem>>, vector<8x128xf32>,
    } else {
    }
    %gt3A = arith.constant 0 : i32
    %gt3A_45 = arith.cmpi sgt, %arg0, %gt3A : i32
    %convert_element_type3A_46 = arith.extui %gt3A_45 : i1 to i32
    %cond3A_47 = arith.constant 0 : i32
    %cond3A_48 = arith.cmpi ne, %convert_element_type3A_46, %cond3A_47 : i32
    scf.if %cond3A_48 {
      %get3A_49 = arith.constant 0 : index
      %get3A_50 = arith.constant 0 : index
      %get3A_51 = vector.load %arg8[%get3A_49, %get3A_50] : memref<8x128xf32, #tpu.memory_space<vmem>>, vector<1x1xf32>
      %get3A_52 = vector.extract %get3A_51[0, 0] : f32 from vector<1x1xf32>
      %get3A_53 = arith.constant 0 : index
      %get3A_54 = arith.constant 0 : index
      %get3A_55 = vector.load %arg6[%get3A_53, %get3A_54] : memref<8x32xf32, #tpu.memory_space<vmem>>, vector<1x32xf32>
      %get3A_56 = vector.shape_cast %get3A_55 : vector<1x32xf32> to vector<32xf32>
      %get3A_57 = arith.constant 0 : index
      %get3A_58 = arith.constant 0 : index
      %get3A_59 = vector.load %arg7[%get3A_57, %get3A_58] : memref<8x32xf32, #tpu.memory_space<vmem>>, vector<1x32xf32>
      %get3A_60 = vector.shape_cast %get3A_59 : vector<1x32xf32> to vector<32xf32>
      %add3A_61 = arith.addf %get3A_52, %reduce_sum3A_30 : f32
      %sub3A_62 = arith.subf %div3A_34, %get3A_56 : vector<32xf32>
      %div3A_63 = arith.divf %reduce_sum3A_30, %add3A_61 : f32
      %mul3A_64 = vector.broadcast %div3A_63 : f32 to vector<32xf32>
      %mul3A_65 = arith.mulf %sub3A_62, %mul3A_64 : vector<32xf32>
      %add3A_66 = arith.addf %get3A_56, %mul3A_65 : vector<32xf32>
      %broadcast_in_dim3A_67 = vector.shape_cast %add3A_66 : vector<32xf32> to vector<1x32xf32>
      %broadcast_in_dim3A_68 = vector.shape_cast %broadcast_in_dim3A_67 : vector<1x32xf32> to vector<1x32xf32>
      %broadcast_in_dim3A_69 = vector.broadcast %broadcast_in_dim3A_68 : vector<1x32xf32> to vector<8x32xf32>
      %swap3A = arith.constant 0 : index
      %swap3A_70 = arith.constant 0 : index
      %swap3A_71 = vector.load %arg6[%swap3A, %swap3A_70] : memref<8x32xf32, #tpu.memory_space<vmem>>, vector<8x32xf32>
      tpu.vector_store %arg6[%swap3A, %swap3A_70], %broadcast_in_dim3A_69 {strides = array<i32>} : memref<8x32xf32, #tpu.memory_space<vmem>>, vector<8x32xf32>,
      %add3A_72 = arith.addf %get3A_60, %reduce_sum3A_42 : vector<32xf32>
      %mul3A_73 = arith.mulf %sub3A_62, %sub3A_62 : vector<32xf32>
      %mul3A_74 = arith.mulf %get3A_52, %reduce_sum3A_30 : f32
      %div3A_75 = arith.divf %mul3A_74, %add3A_61 : f32
      %mul3A_76 = vector.broadcast %div3A_75 : f32 to vector<32xf32>
      %mul3A_77 = arith.mulf %mul3A_73, %mul3A_76 : vector<32xf32>
      %add3A_78 = arith.addf %add3A_72, %mul3A_77 : vector<32xf32>
      %broadcast_in_dim3A_79 = vector.shape_cast %add3A_78 : vector<32xf32> to vector<1x32xf32>
      %broadcast_in_dim3A_80 = vector.shape_cast %broadcast_in_dim3A_79 : vector<1x32xf32> to vector<1x32xf32>
      %broadcast_in_dim3A_81 = vector.broadcast %broadcast_in_dim3A_80 : vector<1x32xf32> to vector<8x32xf32>
      %swap3A_82 = arith.constant 0 : index
      %swap3A_83 = arith.constant 0 : index
      %swap3A_84 = vector.load %arg7[%swap3A_82, %swap3A_83] : memref<8x32xf32, #tpu.memory_space<vmem>>, vector<8x32xf32>
      tpu.vector_store %arg7[%swap3A_82, %swap3A_83], %broadcast_in_dim3A_81 {strides = array<i32>} : memref<8x32xf32, #tpu.memory_space<vmem>>, vector<8x32xf32>,
      %broadcast_in_dim3A_85 = vector.broadcast %add3A_61 : f32 to vector<8x128xf32>
      %swap3A_86 = arith.constant 0 : index
      %swap3A_87 = arith.constant 0 : index
      %swap3A_88 = vector.load %arg8[%swap3A_86, %swap3A_87] : memref<8x128xf32, #tpu.memory_space<vmem>>, vector<8x128xf32>
      tpu.vector_store %arg8[%swap3A_86, %swap3A_87], %broadcast_in_dim3A_85 {strides = array<i32>} : memref<8x128xf32, #tpu.memory_space<vmem>>, vector<8x128xf32>,
    } else {
    }
    return
  }
  func.func @transform_0(%arg0: i32) -> (i32, i32, i32) {
    %c0_i32 = arith.constant 0 : i32
    %c0_i32_0 = arith.constant 0 : i32
    %c0_i32_1 = arith.constant 0 : i32
    return %arg0, %c0_i32, %c0_i32_0 : i32, i32, i32
  }
  func.func @transform_1(%arg0: i32) -> (i32, i32) {
    %c0_i32 = arith.constant 0 : i32
    %c0_i32_0 = arith.constant 0 : i32
    return %arg0, %c0_i32 : i32, i32
  }
  func.func @transform_2(%arg0: i32) -> (i32, i32) {
    %c0_i32 = arith.constant 0 : i32
    %c0_i32_0 = arith.constant 0 : i32
    return %arg0, %c0_i32 : i32, i32
  }
  func.func @transform_3(%arg0: i32) -> (i32, i32) {
    %c0_i32 = arith.constant 0 : i32
    %c0_i32_0 = arith.constant 0 : i32
    %c0_i32_1 = arith.constant 0 : i32
    return %c0_i32, %c0_i32_0 : i32, i32
  }
  func.func @transform_4(%arg0: i32) -> (i32, i32) {
    %c0_i32 = arith.constant 0 : i32
    %c0_i32_0 = arith.constant 0 : i32
    %c0_i32_1 = arith.constant 0 : i32
    return %c0_i32, %c0_i32_0 : i32, i32
  }
  func.func @transform_5(%arg0: i32) -> (i32, i32) {
    %c0_i32 = arith.constant 0 : i32
    %c0_i32_0 = arith.constant 0 : i32
    %c0_i32_1 = arith.constant 0 : i32
    return %c0_i32, %c0_i32_0 : i32, i32
  }
  func.func @transform_6(%arg0: i32) -> (i32, i32) {
    %c0_i32 = arith.constant 0 : i32
    %c0_i32_0 = arith.constant 0 : i32
    %c0_i32_1 = arith.constant 0 : i32
    return %c0_i32, %c0_i32_0 : i32, i32
  }
  func.func @transform_7(%arg0: i32) -> (i32, i32) {
    %c0_i32 = arith.constant 0 : i32
    %c0_i32_0 = arith.constant 0 : i32
    %c0_i32_1 = arith.constant 0 : i32
    return %c0_i32, %c0_i32_0 : i32, i32
  }
}

module attributes {stable_mosaic.version = 14 : i64} {
  func.func @_m2_kernel(%arg0: i32, %arg1: memref<256x32x16xf32, #tpu.memory_space<vmem>>, %arg2: memref<256x3xf32, #tpu.memory_space<vmem>>, %arg3: memref<256x32xf32, #tpu.memory_space<vmem>>, %arg4: memref<16x32xf32, #tpu.memory_space<vmem>>, %arg5: memref<1x32xf32, #tpu.memory_space<vmem>>, %arg6: memref<8x32xf32, #tpu.memory_space<vmem>>, %arg7: memref<8x32xf32, #tpu.memory_space<vmem>>, %arg8: memref<8x128xf32, #tpu.memory_space<vmem>>, %arg9: memref<32x64xf32, #tpu.memory_space<vmem>>, %arg10: memref<1x64xf32, #tpu.memory_space<vmem>>, %arg11: memref<1x32xf32, #tpu.memory_space<vmem>>, %arg12: memref<1x32xf32, #tpu.memory_space<vmem>>, %arg13: memref<256x64xf32, #tpu.memory_space<vmem>>, %arg14: memref<256x64xf32, #tpu.memory_space<vmem>>, %arg15: memref<8x64xf32, #tpu.memory_space<vmem>>, %arg16: memref<8x64xf32, #tpu.memory_space<vmem>>, %arg17: memref<8x128xf32, #tpu.memory_space<vmem>>) attributes {dimension_semantics = [#tpu.dimension_semantics<arbitrary>], iteration_bounds = array<i64: 64>, scalar_prefetch = 0 : i64, scratch_operands = 0 : i64, tpu.core_type = #tpu.core_type<tc>, window_params = [{transform_indices = @transform_0, window_bounds = array<i64: 256, 32, 16>}, {transform_indices = @transform_1, window_bounds = array<i64: 256, 3>}, {transform_indices = @transform_2, window_bounds = array<i64: 256, 32>}, {pipeline_mode = #tpu.pipeline_mode<synchronous>, transform_indices = @transform_3, window_bounds = array<i64: 16, 32>}, {pipeline_mode = #tpu.pipeline_mode<synchronous>, transform_indices = @transform_4, window_bounds = array<i64: 1, 32>}, {pipeline_mode = #tpu.pipeline_mode<synchronous>, transform_indices = @transform_5, window_bounds = array<i64: 8, 32>}, {pipeline_mode = #tpu.pipeline_mode<synchronous>, transform_indices = @transform_6, window_bounds = array<i64: 8, 32>}, {pipeline_mode = #tpu.pipeline_mode<synchronous>, transform_indices = @transform_7, window_bounds = array<i64: 8, 128>}, {pipeline_mode = #tpu.pipeline_mode<synchronous>, transform_indices = @transform_8, window_bounds = array<i64: 32, 64>}, {pipeline_mode = #tpu.pipeline_mode<synchronous>, transform_indices = @transform_9, window_bounds = array<i64: 1, 64>}, {pipeline_mode = #tpu.pipeline_mode<synchronous>, transform_indices = @transform_10, window_bounds = array<i64: 1, 32>}, {pipeline_mode = #tpu.pipeline_mode<synchronous>, transform_indices = @transform_11, window_bounds = array<i64: 1, 32>}, {transform_indices = @transform_12, window_bounds = array<i64: 256, 64>}, {transform_indices = @transform_13, window_bounds = array<i64: 256, 64>}, {pipeline_mode = #tpu.pipeline_mode<synchronous>, transform_indices = @transform_14, window_bounds = array<i64: 8, 64>}, {pipeline_mode = #tpu.pipeline_mode<synchronous>, transform_indices = @transform_15, window_bounds = array<i64: 8, 64>}, {pipeline_mode = #tpu.pipeline_mode<synchronous>, transform_indices = @transform_16, window_bounds = array<i64: 8, 128>}]} {
    %get3A = arith.constant 0 : index
    %get3A_0 = arith.constant 0 : index
    %get3A_1 = vector.load %arg8[%get3A, %get3A_0] : memref<8x128xf32, #tpu.memory_space<vmem>>, vector<1x1xf32>
    %get3A_2 = vector.extract %get3A_1[0, 0] : f32 from vector<1x1xf32>
    %max3A = arith.constant 1.000000e+00 : f32
    %max3A_3 = arith.maximumf %get3A_2, %max3A : f32
    %get3A_4 = arith.constant 0 : index
    %get3A_5 = arith.constant 0 : index
    %get3A_6 = vector.load %arg6[%get3A_4, %get3A_5] : memref<8x32xf32, #tpu.memory_space<vmem>>, vector<1x32xf32>
    %get3A_7 = vector.shape_cast %get3A_6 : vector<1x32xf32> to vector<32xf32>
    %get3A_8 = arith.constant 0 : index
    %get3A_9 = arith.constant 0 : index
    %get3A_10 = vector.load %arg7[%get3A_8, %get3A_9] : memref<8x32xf32, #tpu.memory_space<vmem>>, vector<1x32xf32>
    %get3A_11 = vector.shape_cast %get3A_10 : vector<1x32xf32> to vector<32xf32>
    %get3A_12 = arith.constant 0 : index
    %get3A_13 = arith.constant 0 : index
    %get3A_14 = vector.load %arg11[%get3A_12, %get3A_13] : memref<1x32xf32, #tpu.memory_space<vmem>>, vector<1x32xf32>
    %get3A_15 = vector.shape_cast %get3A_14 : vector<1x32xf32> to vector<32xf32>
    %get3A_16 = arith.constant 0 : index
    %get3A_17 = arith.constant 0 : index
    %get3A_18 = vector.load %arg12[%get3A_16, %get3A_17] : memref<1x32xf32, #tpu.memory_space<vmem>>, vector<1x32xf32>
    %get3A_19 = vector.shape_cast %get3A_18 : vector<1x32xf32> to vector<32xf32>
    %div3A = vector.broadcast %max3A_3 : f32 to vector<32xf32>
    %div3A_20 = arith.divf %get3A_11, %div3A : vector<32xf32>
    %add3A = arith.constant 9.99999974E-6 : f32
    %add3A_21 = vector.broadcast %add3A : f32 to vector<32xf32>
    %add3A_22 = arith.addf %div3A_20, %add3A_21 : vector<32xf32>
    %sqrt3A = math.sqrt %add3A_22 : vector<32xf32>
    %div3A_23 = arith.divf %get3A_15, %sqrt3A : vector<32xf32>
    %get3A_24 = arith.constant 0 : index
    %get3A_25 = arith.constant 0 : index
    %get3A_26 = arith.constant 0 : index
    %get3A_27 = vector.load %arg1[%get3A_24, %get3A_25, %get3A_26] : memref<256x32x16xf32, #tpu.memory_space<vmem>>, vector<256x32x16xf32>
    %slice3A = vector.extract_strided_slice %get3A_27 {offsets = [0, 0, 3], sizes = [256, 32, 3], strides = [1, 1, 1]} : vector<256x32x16xf32> to vector<256x32x3xf32>
    %get3A_28 = arith.constant 0 : index
    %get3A_29 = arith.constant 0 : index
    %get3A_30 = vector.load %arg2[%get3A_28, %get3A_29] : memref<256x3xf32, #tpu.memory_space<vmem>>, vector<256x3xf32>
    %broadcast_in_dim3A = vector.shape_cast %get3A_30 : vector<256x3xf32> to vector<256x1x3xf32>
    %sub3A = vector.broadcast %broadcast_in_dim3A : vector<256x1x3xf32> to vector<256x32x3xf32>
    %sub3A_31 = arith.subf %slice3A, %sub3A : vector<256x32x3xf32>
    %slice3A_32 = vector.extract_strided_slice %get3A_27 {offsets = [0, 0, 0], sizes = [256, 32, 3], strides = [1, 1, 1]} : vector<256x32x16xf32> to vector<256x32x3xf32>
    %slice3A_33 = vector.extract_strided_slice %get3A_27 {offsets = [0, 0, 6], sizes = [256, 32, 10], strides = [1, 1, 1]} : vector<256x32x16xf32> to vector<256x32x10xf32>
    %concatenate3A = tpu.concatenate %slice3A_32, %sub3A_31, %slice3A_33 in 2 : vector<256x32x3xf32>, vector<256x32x3xf32>, vector<256x32x10xf32> -> vector<256x32x16xf32>
    %reshape3A = vector.shape_cast %concatenate3A : vector<256x32x16xf32> to vector<8192x16xf32>
    %get3A_34 = arith.constant 0 : index
    %get3A_35 = arith.constant 0 : index
    %get3A_36 = vector.load %arg4[%get3A_34, %get3A_35] : memref<16x32xf32, #tpu.memory_space<vmem>>, vector<16x32xf32>
    %dot_general3A = arith.constant dense<0.000000e+00> : vector<8192x32xf32>
    %dot_general3A_37 = tpu.matmul %reshape3A, %get3A_36, %dot_general3A {dimension_numbers = #tpu.dot_dimension_numbers<[1], [0], [0], [1], [0, 0, 1, 1], [], []>, transpose_lhs_hint = false} : vector<8192x16xf32>, vector<16x32xf32>, vector<8192x32xf32> -> vector<8192x32xf32>
    %get3A_38 = arith.constant 0 : index
    %get3A_39 = arith.constant 0 : index
    %get3A_40 = vector.load %arg5[%get3A_38, %get3A_39] : memref<1x32xf32, #tpu.memory_space<vmem>>, vector<1x32xf32>
    %get3A_41 = vector.shape_cast %get3A_40 : vector<1x32xf32> to vector<32xf32>
    %broadcast_in_dim3A_42 = vector.shape_cast %get3A_41 : vector<32xf32> to vector<1x32xf32>
    %add3A_43 = vector.broadcast %broadcast_in_dim3A_42 : vector<1x32xf32> to vector<8192x32xf32>
    %add3A_44 = arith.addf %dot_general3A_37, %add3A_43 : vector<8192x32xf32>
    %reshape3A_45 = vector.shape_cast %add3A_44 : vector<8192x32xf32> to vector<256x32x32xf32>
    %broadcast_in_dim3A_46 = vector.shape_cast %get3A_7 : vector<32xf32> to vector<1x1x32xf32>
    %sub3A_47 = vector.broadcast %broadcast_in_dim3A_46 : vector<1x1x32xf32> to vector<256x32x32xf32>
    %sub3A_48 = arith.subf %reshape3A_45, %sub3A_47 : vector<256x32x32xf32>
    %broadcast_in_dim3A_49 = vector.shape_cast %div3A_23 : vector<32xf32> to vector<1x1x32xf32>
    %mul3A = vector.broadcast %broadcast_in_dim3A_49 : vector<1x1x32xf32> to vector<256x32x32xf32>
    %mul3A_50 = arith.mulf %sub3A_48, %mul3A : vector<256x32x32xf32>
    %broadcast_in_dim3A_51 = vector.shape_cast %get3A_19 : vector<32xf32> to vector<1x1x32xf32>
    %add3A_52 = vector.broadcast %broadcast_in_dim3A_51 : vector<1x1x32xf32> to vector<256x32x32xf32>
    %add3A_53 = arith.addf %mul3A_50, %add3A_52 : vector<256x32x32xf32>
    %max3A_54 = arith.constant 0.000000e+00 : f32
    %max3A_55 = vector.broadcast %max3A_54 : f32 to vector<256x32x32xf32>
    %max3A_56 = arith.maximumf %add3A_53, %max3A_55 : vector<256x32x32xf32>
    %reshape3A_57 = vector.shape_cast %max3A_56 : vector<256x32x32xf32> to vector<8192x32xf32>
    %get3A_58 = arith.constant 0 : index
    %get3A_59 = arith.constant 0 : index
    %get3A_60 = vector.load %arg9[%get3A_58, %get3A_59] : memref<32x64xf32, #tpu.memory_space<vmem>>, vector<32x64xf32>
    %dot_general3A_61 = arith.constant dense<0.000000e+00> : vector<8192x64xf32>
    %dot_general3A_62 = tpu.matmul %reshape3A_57, %get3A_60, %dot_general3A_61 {dimension_numbers = #tpu.dot_dimension_numbers<[1], [0], [0], [1], [0, 0, 1, 1], [], []>, transpose_lhs_hint = false} : vector<8192x32xf32>, vector<32x64xf32>, vector<8192x64xf32> -> vector<8192x64xf32>
    %get3A_63 = arith.constant 0 : index
    %get3A_64 = arith.constant 0 : index
    %get3A_65 = vector.load %arg10[%get3A_63, %get3A_64] : memref<1x64xf32, #tpu.memory_space<vmem>>, vector<1x64xf32>
    %get3A_66 = vector.shape_cast %get3A_65 : vector<1x64xf32> to vector<64xf32>
    %broadcast_in_dim3A_67 = vector.shape_cast %get3A_66 : vector<64xf32> to vector<1x64xf32>
    %add3A_68 = vector.broadcast %broadcast_in_dim3A_67 : vector<1x64xf32> to vector<8192x64xf32>
    %add3A_69 = arith.addf %dot_general3A_62, %add3A_68 : vector<8192x64xf32>
    %reshape3A_70 = vector.shape_cast %add3A_69 : vector<8192x64xf32> to vector<256x32x64xf32>
    %get3A_71 = arith.constant 0 : index
    %get3A_72 = arith.constant 0 : index
    %get3A_73 = vector.load %arg3[%get3A_71, %get3A_72] : memref<256x32xf32, #tpu.memory_space<vmem>>, vector<256x32xf32>
    %broadcast_in_dim3A_74 = vector.shape_cast %get3A_73 : vector<256x32xf32> to vector<256x32x1xf32>
    %gt3A = arith.constant 5.000000e-01 : f32
    %gt3A_75 = vector.broadcast %gt3A : f32 to vector<256x32x1xf32>
    %gt3A_76 = arith.cmpf ogt, %broadcast_in_dim3A_74, %gt3A_75 : vector<256x32x1xf32>
    %jit3A = arith.constant 0xFF800000 : f32
    %broadcast_in_dim3A_77 = vector.shape_cast %gt3A_76 : vector<256x32x1xi1> to vector<256x32x1xi1>
    %broadcast_in_dim3A_78 = vector.broadcast %broadcast_in_dim3A_77 : vector<256x32x1xi1> to vector<256x32x64xi1>
    %broadcast_in_dim3A_79 = vector.broadcast %jit3A : f32 to vector<256x32x64xf32>
    %select_n3A = arith.select %broadcast_in_dim3A_78, %reshape3A_70, %broadcast_in_dim3A_79 : vector<256x32x64xi1>, vector<256x32x64xf32>
    %reduce_max3A = arith.constant dense<0xFF800000> : vector<256x64xf32>
    %reduce_max3A_80 = vector.multi_reduction <maximumf>, %select_n3A, %reduce_max3A [1] : vector<256x32x64xf32> to vector<256x64xf32>
    %swap3A = arith.constant 0 : index
    %swap3A_81 = arith.constant 0 : index
    %swap3A_82 = vector.load %arg13[%swap3A, %swap3A_81] : memref<256x64xf32, #tpu.memory_space<vmem>>, vector<256x64xf32>
    tpu.vector_store %arg13[%swap3A, %swap3A_81], %reduce_max3A_80 {strides = array<i32>} : memref<256x64xf32, #tpu.memory_space<vmem>>, vector<256x64xf32>,
    %jit3A_83 = arith.constant 0x7F800000 : f32
    %broadcast_in_dim3A_84 = vector.shape_cast %gt3A_76 : vector<256x32x1xi1> to vector<256x32x1xi1>
    %broadcast_in_dim3A_85 = vector.broadcast %broadcast_in_dim3A_84 : vector<256x32x1xi1> to vector<256x32x64xi1>
    %broadcast_in_dim3A_86 = vector.broadcast %jit3A_83 : f32 to vector<256x32x64xf32>
    %select_n3A_87 = arith.select %broadcast_in_dim3A_85, %reshape3A_70, %broadcast_in_dim3A_86 : vector<256x32x64xi1>, vector<256x32x64xf32>
    %reduce_min3A = arith.constant dense<0x7F800000> : vector<256x64xf32>
    %reduce_min3A_88 = vector.multi_reduction <minimumf>, %select_n3A_87, %reduce_min3A [1] : vector<256x32x64xf32> to vector<256x64xf32>
    %swap3A_89 = arith.constant 0 : index
    %swap3A_90 = arith.constant 0 : index
    %swap3A_91 = vector.load %arg14[%swap3A_89, %swap3A_90] : memref<256x64xf32, #tpu.memory_space<vmem>>, vector<256x64xf32>
    tpu.vector_store %arg14[%swap3A_89, %swap3A_90], %reduce_min3A_88 {strides = array<i32>} : memref<256x64xf32, #tpu.memory_space<vmem>>, vector<256x64xf32>,
    %get3A_92 = arith.constant 0 : index
    %get3A_93 = arith.constant 0 : index
    %get3A_94 = vector.load %arg3[%get3A_92, %get3A_93] : memref<256x32xf32, #tpu.memory_space<vmem>>, vector<256x32xf32>
    %broadcast_in_dim3A_95 = vector.shape_cast %get3A_94 : vector<256x32xf32> to vector<256x32x1xf32>
    %get3A_96 = arith.constant 0 : index
    %get3A_97 = arith.constant 0 : index
    %get3A_98 = vector.load %arg3[%get3A_96, %get3A_97] : memref<256x32xf32, #tpu.memory_space<vmem>>, vector<256x32xf32>
    %reduce_sum3A = vector.shape_cast %get3A_98 : vector<256x32xf32> to vector<1x256x32xf32>
    %reduce_sum3A_99 = arith.constant dense<0.000000e+00> : vector<1xf32>
    %reduce_sum3A_100 = vector.multi_reduction <add>, %reduce_sum3A, %reduce_sum3A_99 [1, 2] : vector<1x256x32xf32> to vector<1xf32>
    %reduce_sum3A_101 = vector.shape_cast %reduce_sum3A_100 : vector<1xf32> to vector<1x1x1xf32>
    %reduce_sum3A_102 = vector.extract %reduce_sum3A_101[0, 0, 0] : f32 from vector<1x1x1xf32>
    %mul3A_103 = vector.broadcast %broadcast_in_dim3A_95 : vector<256x32x1xf32> to vector<256x32x64xf32>
    %mul3A_104 = arith.mulf %mul3A_103, %reshape3A_70 : vector<256x32x64xf32>
    %reduce_sum3A_105 = arith.constant dense<0.000000e+00> : vector<64xf32>
    %reduce_sum3A_106 = vector.multi_reduction <add>, %mul3A_104, %reduce_sum3A_105 [0, 1] : vector<256x32x64xf32> to vector<64xf32>
    %div3A_107 = vector.broadcast %reduce_sum3A_102 : f32 to vector<64xf32>
    %div3A_108 = arith.divf %reduce_sum3A_106, %div3A_107 : vector<64xf32>
    %broadcast_in_dim3A_109 = vector.shape_cast %div3A_108 : vector<64xf32> to vector<1x1x64xf32>
    %sub3A_110 = vector.broadcast %broadcast_in_dim3A_109 : vector<1x1x64xf32> to vector<256x32x64xf32>
    %sub3A_111 = arith.subf %reshape3A_70, %sub3A_110 : vector<256x32x64xf32>
    %mul3A_112 = vector.broadcast %broadcast_in_dim3A_95 : vector<256x32x1xf32> to vector<256x32x64xf32>
    %mul3A_113 = arith.mulf %mul3A_112, %sub3A_111 : vector<256x32x64xf32>
    %mul3A_114 = arith.mulf %mul3A_113, %sub3A_111 : vector<256x32x64xf32>
    %reduce_sum3A_115 = arith.constant dense<0.000000e+00> : vector<64xf32>
    %reduce_sum3A_116 = vector.multi_reduction <add>, %mul3A_114, %reduce_sum3A_115 [0, 1] : vector<256x32x64xf32> to vector<64xf32>
    %eq3A = arith.constant 0 : i32
    %eq3A_117 = arith.cmpi eq, %arg0, %eq3A : i32
    %convert_element_type3A = arith.extui %eq3A_117 : i1 to i32
    %cond3A = arith.constant 0 : i32
    %cond3A_118 = arith.cmpi ne, %convert_element_type3A, %cond3A : i32
    scf.if %cond3A_118 {
      %broadcast_in_dim3A_124 = vector.shape_cast %div3A_108 : vector<64xf32> to vector<1x64xf32>
      %broadcast_in_dim3A_125 = vector.shape_cast %broadcast_in_dim3A_124 : vector<1x64xf32> to vector<1x64xf32>
      %broadcast_in_dim3A_126 = vector.broadcast %broadcast_in_dim3A_125 : vector<1x64xf32> to vector<8x64xf32>
      %swap3A_127 = arith.constant 0 : index
      %swap3A_128 = arith.constant 0 : index
      %swap3A_129 = vector.load %arg15[%swap3A_127, %swap3A_128] : memref<8x64xf32, #tpu.memory_space<vmem>>, vector<8x64xf32>
      tpu.vector_store %arg15[%swap3A_127, %swap3A_128], %broadcast_in_dim3A_126 {strides = array<i32>} : memref<8x64xf32, #tpu.memory_space<vmem>>, vector<8x64xf32>,
      %broadcast_in_dim3A_130 = vector.shape_cast %reduce_sum3A_116 : vector<64xf32> to vector<1x64xf32>
      %broadcast_in_dim3A_131 = vector.shape_cast %broadcast_in_dim3A_130 : vector<1x64xf32> to vector<1x64xf32>
      %broadcast_in_dim3A_132 = vector.broadcast %broadcast_in_dim3A_131 : vector<1x64xf32> to vector<8x64xf32>
      %swap3A_133 = arith.constant 0 : index
      %swap3A_134 = arith.constant 0 : index
      %swap3A_135 = vector.load %arg16[%swap3A_133, %swap3A_134] : memref<8x64xf32, #tpu.memory_space<vmem>>, vector<8x64xf32>
      tpu.vector_store %arg16[%swap3A_133, %swap3A_134], %broadcast_in_dim3A_132 {strides = array<i32>} : memref<8x64xf32, #tpu.memory_space<vmem>>, vector<8x64xf32>,
      %broadcast_in_dim3A_136 = vector.broadcast %reduce_sum3A_102 : f32 to vector<8x128xf32>
      %swap3A_137 = arith.constant 0 : index
      %swap3A_138 = arith.constant 0 : index
      %swap3A_139 = vector.load %arg17[%swap3A_137, %swap3A_138] : memref<8x128xf32, #tpu.memory_space<vmem>>, vector<8x128xf32>
      tpu.vector_store %arg17[%swap3A_137, %swap3A_138], %broadcast_in_dim3A_136 {strides = array<i32>} : memref<8x128xf32, #tpu.memory_space<vmem>>, vector<8x128xf32>,
    } else {
    }
    %gt3A_119 = arith.constant 0 : i32
    %gt3A_120 = arith.cmpi sgt, %arg0, %gt3A_119 : i32
    %convert_element_type3A_121 = arith.extui %gt3A_120 : i1 to i32
    %cond3A_122 = arith.constant 0 : i32
    %cond3A_123 = arith.cmpi ne, %convert_element_type3A_121, %cond3A_122 : i32
    scf.if %cond3A_123 {
      %get3A_124 = arith.constant 0 : index
      %get3A_125 = arith.constant 0 : index
      %get3A_126 = vector.load %arg17[%get3A_124, %get3A_125] : memref<8x128xf32, #tpu.memory_space<vmem>>, vector<1x1xf32>
      %get3A_127 = vector.extract %get3A_126[0, 0] : f32 from vector<1x1xf32>
      %get3A_128 = arith.constant 0 : index
      %get3A_129 = arith.constant 0 : index
      %get3A_130 = vector.load %arg15[%get3A_128, %get3A_129] : memref<8x64xf32, #tpu.memory_space<vmem>>, vector<1x64xf32>
      %get3A_131 = vector.shape_cast %get3A_130 : vector<1x64xf32> to vector<64xf32>
      %get3A_132 = arith.constant 0 : index
      %get3A_133 = arith.constant 0 : index
      %get3A_134 = vector.load %arg16[%get3A_132, %get3A_133] : memref<8x64xf32, #tpu.memory_space<vmem>>, vector<1x64xf32>
      %get3A_135 = vector.shape_cast %get3A_134 : vector<1x64xf32> to vector<64xf32>
      %add3A_136 = arith.addf %get3A_127, %reduce_sum3A_102 : f32
      %sub3A_137 = arith.subf %div3A_108, %get3A_131 : vector<64xf32>
      %div3A_138 = arith.divf %reduce_sum3A_102, %add3A_136 : f32
      %mul3A_139 = vector.broadcast %div3A_138 : f32 to vector<64xf32>
      %mul3A_140 = arith.mulf %sub3A_137, %mul3A_139 : vector<64xf32>
      %add3A_141 = arith.addf %get3A_131, %mul3A_140 : vector<64xf32>
      %broadcast_in_dim3A_142 = vector.shape_cast %add3A_141 : vector<64xf32> to vector<1x64xf32>
      %broadcast_in_dim3A_143 = vector.shape_cast %broadcast_in_dim3A_142 : vector<1x64xf32> to vector<1x64xf32>
      %broadcast_in_dim3A_144 = vector.broadcast %broadcast_in_dim3A_143 : vector<1x64xf32> to vector<8x64xf32>
      %swap3A_145 = arith.constant 0 : index
      %swap3A_146 = arith.constant 0 : index
      %swap3A_147 = vector.load %arg15[%swap3A_145, %swap3A_146] : memref<8x64xf32, #tpu.memory_space<vmem>>, vector<8x64xf32>
      tpu.vector_store %arg15[%swap3A_145, %swap3A_146], %broadcast_in_dim3A_144 {strides = array<i32>} : memref<8x64xf32, #tpu.memory_space<vmem>>, vector<8x64xf32>,
      %add3A_148 = arith.addf %get3A_135, %reduce_sum3A_116 : vector<64xf32>
      %mul3A_149 = arith.mulf %sub3A_137, %sub3A_137 : vector<64xf32>
      %mul3A_150 = arith.mulf %get3A_127, %reduce_sum3A_102 : f32
      %div3A_151 = arith.divf %mul3A_150, %add3A_136 : f32
      %mul3A_152 = vector.broadcast %div3A_151 : f32 to vector<64xf32>
      %mul3A_153 = arith.mulf %mul3A_149, %mul3A_152 : vector<64xf32>
      %add3A_154 = arith.addf %add3A_148, %mul3A_153 : vector<64xf32>
      %broadcast_in_dim3A_155 = vector.shape_cast %add3A_154 : vector<64xf32> to vector<1x64xf32>
      %broadcast_in_dim3A_156 = vector.shape_cast %broadcast_in_dim3A_155 : vector<1x64xf32> to vector<1x64xf32>
      %broadcast_in_dim3A_157 = vector.broadcast %broadcast_in_dim3A_156 : vector<1x64xf32> to vector<8x64xf32>
      %swap3A_158 = arith.constant 0 : index
      %swap3A_159 = arith.constant 0 : index
      %swap3A_160 = vector.load %arg16[%swap3A_158, %swap3A_159] : memref<8x64xf32, #tpu.memory_space<vmem>>, vector<8x64xf32>
      tpu.vector_store %arg16[%swap3A_158, %swap3A_159], %broadcast_in_dim3A_157 {strides = array<i32>} : memref<8x64xf32, #tpu.memory_space<vmem>>, vector<8x64xf32>,
      %broadcast_in_dim3A_161 = vector.broadcast %add3A_136 : f32 to vector<8x128xf32>
      %swap3A_162 = arith.constant 0 : index
      %swap3A_163 = arith.constant 0 : index
      %swap3A_164 = vector.load %arg17[%swap3A_162, %swap3A_163] : memref<8x128xf32, #tpu.memory_space<vmem>>, vector<8x128xf32>
      tpu.vector_store %arg17[%swap3A_162, %swap3A_163], %broadcast_in_dim3A_161 {strides = array<i32>} : memref<8x128xf32, #tpu.memory_space<vmem>>, vector<8x128xf32>,
    } else {
    }
    return
  }
  func.func @transform_0(%arg0: i32) -> (i32, i32, i32) {
    %c0_i32 = arith.constant 0 : i32
    %c0_i32_0 = arith.constant 0 : i32
    %c0_i32_1 = arith.constant 0 : i32
    return %arg0, %c0_i32, %c0_i32_0 : i32, i32, i32
  }
  func.func @transform_1(%arg0: i32) -> (i32, i32) {
    %c0_i32 = arith.constant 0 : i32
    %c0_i32_0 = arith.constant 0 : i32
    return %arg0, %c0_i32 : i32, i32
  }
  func.func @transform_2(%arg0: i32) -> (i32, i32) {
    %c0_i32 = arith.constant 0 : i32
    %c0_i32_0 = arith.constant 0 : i32
    return %arg0, %c0_i32 : i32, i32
  }
  func.func @transform_3(%arg0: i32) -> (i32, i32) {
    %c0_i32 = arith.constant 0 : i32
    %c0_i32_0 = arith.constant 0 : i32
    %c0_i32_1 = arith.constant 0 : i32
    return %c0_i32, %c0_i32_0 : i32, i32
  }
  func.func @transform_4(%arg0: i32) -> (i32, i32) {
    %c0_i32 = arith.constant 0 : i32
    %c0_i32_0 = arith.constant 0 : i32
    %c0_i32_1 = arith.constant 0 : i32
    return %c0_i32, %c0_i32_0 : i32, i32
  }
  func.func @transform_5(%arg0: i32) -> (i32, i32) {
    %c0_i32 = arith.constant 0 : i32
    %c0_i32_0 = arith.constant 0 : i32
    %c0_i32_1 = arith.constant 0 : i32
    return %c0_i32, %c0_i32_0 : i32, i32
  }
  func.func @transform_6(%arg0: i32) -> (i32, i32) {
    %c0_i32 = arith.constant 0 : i32
    %c0_i32_0 = arith.constant 0 : i32
    %c0_i32_1 = arith.constant 0 : i32
    return %c0_i32, %c0_i32_0 : i32, i32
  }
  func.func @transform_7(%arg0: i32) -> (i32, i32) {
    %c0_i32 = arith.constant 0 : i32
    %c0_i32_0 = arith.constant 0 : i32
    %c0_i32_1 = arith.constant 0 : i32
    return %c0_i32, %c0_i32_0 : i32, i32
  }
  func.func @transform_8(%arg0: i32) -> (i32, i32) {
    %c0_i32 = arith.constant 0 : i32
    %c0_i32_0 = arith.constant 0 : i32
    %c0_i32_1 = arith.constant 0 : i32
    return %c0_i32, %c0_i32_0 : i32, i32
  }
  func.func @transform_9(%arg0: i32) -> (i32, i32) {
    %c0_i32 = arith.constant 0 : i32
    %c0_i32_0 = arith.constant 0 : i32
    %c0_i32_1 = arith.constant 0 : i32
    return %c0_i32, %c0_i32_0 : i32, i32
  }
  func.func @transform_10(%arg0: i32) -> (i32, i32) {
    %c0_i32 = arith.constant 0 : i32
    %c0_i32_0 = arith.constant 0 : i32
    %c0_i32_1 = arith.constant 0 : i32
    return %c0_i32, %c0_i32_0 : i32, i32
  }
  func.func @transform_11(%arg0: i32) -> (i32, i32) {
    %c0_i32 = arith.constant 0 : i32
    %c0_i32_0 = arith.constant 0 : i32
    %c0_i32_1 = arith.constant 0 : i32
    return %c0_i32, %c0_i32_0 : i32, i32
  }
  func.func @transform_12(%arg0: i32) -> (i32, i32) {
    %c0_i32 = arith.constant 0 : i32
    %c0_i32_0 = arith.constant 0 : i32
    return %arg0, %c0_i32 : i32, i32
  }
  func.func @transform_13(%arg0: i32) -> (i32, i32) {
    %c0_i32 = arith.constant 0 : i32
    %c0_i32_0 = arith.constant 0 : i32
    return %arg0, %c0_i32 : i32, i32
  }
  func.func @transform_14(%arg0: i32) -> (i32, i32) {
    %c0_i32 = arith.constant 0 : i32
    %c0_i32_0 = arith.constant 0 : i32
    %c0_i32_1 = arith.constant 0 : i32
    return %c0_i32, %c0_i32_0 : i32, i32
  }
  func.func @transform_15(%arg0: i32) -> (i32, i32) {
    %c0_i32 = arith.constant 0 : i32
    %c0_i32_0 = arith.constant 0 : i32
    %c0_i32_1 = arith.constant 0 : i32
    return %c0_i32, %c0_i32_0 : i32, i32
  }
  func.func @transform_16(%arg0: i32) -> (i32, i32) {
    %c0_i32 = arith.constant 0 : i32
    %c0_i32_0 = arith.constant 0 : i32
    %c0_i32_1 = arith.constant 0 : i32
    return %c0_i32, %c0_i32_0 : i32, i32
  }
}

module attributes {stable_mosaic.version = 14 : i64} {
  func.func @_m3_kernel(%arg0: i32, %arg1: memref<256x64xf32, #tpu.memory_space<vmem>>, %arg2: memref<256x64xf32, #tpu.memory_space<vmem>>, %arg3: memref<8x64xf32, #tpu.memory_space<vmem>>, %arg4: memref<8x64xf32, #tpu.memory_space<vmem>>, %arg5: memref<8x128xf32, #tpu.memory_space<vmem>>, %arg6: memref<1x64xf32, #tpu.memory_space<vmem>>, %arg7: memref<1x64xf32, #tpu.memory_space<vmem>>, %arg8: memref<256x64xf32, #tpu.memory_space<vmem>>) attributes {dimension_semantics = [#tpu.dimension_semantics<arbitrary>], iteration_bounds = array<i64: 64>, scalar_prefetch = 0 : i64, scratch_operands = 0 : i64, tpu.core_type = #tpu.core_type<tc>, window_params = [{transform_indices = @transform_0, window_bounds = array<i64: 256, 64>}, {transform_indices = @transform_1, window_bounds = array<i64: 256, 64>}, {pipeline_mode = #tpu.pipeline_mode<synchronous>, transform_indices = @transform_2, window_bounds = array<i64: 8, 64>}, {pipeline_mode = #tpu.pipeline_mode<synchronous>, transform_indices = @transform_3, window_bounds = array<i64: 8, 64>}, {pipeline_mode = #tpu.pipeline_mode<synchronous>, transform_indices = @transform_4, window_bounds = array<i64: 8, 128>}, {pipeline_mode = #tpu.pipeline_mode<synchronous>, transform_indices = @transform_5, window_bounds = array<i64: 1, 64>}, {pipeline_mode = #tpu.pipeline_mode<synchronous>, transform_indices = @transform_6, window_bounds = array<i64: 1, 64>}, {transform_indices = @transform_7, window_bounds = array<i64: 256, 64>}]} {
    %get3A = arith.constant 0 : index
    %get3A_0 = arith.constant 0 : index
    %get3A_1 = vector.load %arg5[%get3A, %get3A_0] : memref<8x128xf32, #tpu.memory_space<vmem>>, vector<1x1xf32>
    %get3A_2 = vector.extract %get3A_1[0, 0] : f32 from vector<1x1xf32>
    %max3A = arith.constant 1.000000e+00 : f32
    %max3A_3 = arith.maximumf %get3A_2, %max3A : f32
    %get3A_4 = arith.constant 0 : index
    %get3A_5 = arith.constant 0 : index
    %get3A_6 = vector.load %arg3[%get3A_4, %get3A_5] : memref<8x64xf32, #tpu.memory_space<vmem>>, vector<1x64xf32>
    %get3A_7 = vector.shape_cast %get3A_6 : vector<1x64xf32> to vector<64xf32>
    %get3A_8 = arith.constant 0 : index
    %get3A_9 = arith.constant 0 : index
    %get3A_10 = vector.load %arg4[%get3A_8, %get3A_9] : memref<8x64xf32, #tpu.memory_space<vmem>>, vector<1x64xf32>
    %get3A_11 = vector.shape_cast %get3A_10 : vector<1x64xf32> to vector<64xf32>
    %get3A_12 = arith.constant 0 : index
    %get3A_13 = arith.constant 0 : index
    %get3A_14 = vector.load %arg6[%get3A_12, %get3A_13] : memref<1x64xf32, #tpu.memory_space<vmem>>, vector<1x64xf32>
    %get3A_15 = vector.shape_cast %get3A_14 : vector<1x64xf32> to vector<64xf32>
    %get3A_16 = arith.constant 0 : index
    %get3A_17 = arith.constant 0 : index
    %get3A_18 = vector.load %arg7[%get3A_16, %get3A_17] : memref<1x64xf32, #tpu.memory_space<vmem>>, vector<1x64xf32>
    %get3A_19 = vector.shape_cast %get3A_18 : vector<1x64xf32> to vector<64xf32>
    %div3A = vector.broadcast %max3A_3 : f32 to vector<64xf32>
    %div3A_20 = arith.divf %get3A_11, %div3A : vector<64xf32>
    %add3A = arith.constant 9.99999974E-6 : f32
    %add3A_21 = vector.broadcast %add3A : f32 to vector<64xf32>
    %add3A_22 = arith.addf %div3A_20, %add3A_21 : vector<64xf32>
    %sqrt3A = math.sqrt %add3A_22 : vector<64xf32>
    %div3A_23 = arith.divf %get3A_15, %sqrt3A : vector<64xf32>
    %gt3A = arith.constant 0.000000e+00 : f32
    %gt3A_24 = vector.broadcast %gt3A : f32 to vector<64xf32>
    %gt3A_25 = arith.cmpf ogt, %div3A_23, %gt3A_24 : vector<64xf32>
    %get3A_26 = arith.constant 0 : index
    %get3A_27 = arith.constant 0 : index
    %get3A_28 = vector.load %arg1[%get3A_26, %get3A_27] : memref<256x64xf32, #tpu.memory_space<vmem>>, vector<256x64xf32>
    %get3A_29 = arith.constant 0 : index
    %get3A_30 = arith.constant 0 : index
    %get3A_31 = vector.load %arg2[%get3A_29, %get3A_30] : memref<256x64xf32, #tpu.memory_space<vmem>>, vector<256x64xf32>
    %broadcast_in_dim3A = vector.shape_cast %gt3A_25 : vector<64xi1> to vector<1x64xi1>
    %broadcast_in_dim3A_32 = vector.broadcast %broadcast_in_dim3A : vector<1x64xi1> to vector<256x64xi1>
    %select_n3A = arith.select %broadcast_in_dim3A_32, %get3A_28, %get3A_31 : vector<256x64xi1>, vector<256x64xf32>
    %broadcast_in_dim3A_33 = vector.shape_cast %get3A_7 : vector<64xf32> to vector<1x64xf32>
    %sub3A = vector.broadcast %broadcast_in_dim3A_33 : vector<1x64xf32> to vector<256x64xf32>
    %sub3A_34 = arith.subf %select_n3A, %sub3A : vector<256x64xf32>
    %broadcast_in_dim3A_35 = vector.shape_cast %div3A_23 : vector<64xf32> to vector<1x64xf32>
    %mul3A = vector.broadcast %broadcast_in_dim3A_35 : vector<1x64xf32> to vector<256x64xf32>
    %mul3A_36 = arith.mulf %sub3A_34, %mul3A : vector<256x64xf32>
    %broadcast_in_dim3A_37 = vector.shape_cast %get3A_19 : vector<64xf32> to vector<1x64xf32>
    %add3A_38 = vector.broadcast %broadcast_in_dim3A_37 : vector<1x64xf32> to vector<256x64xf32>
    %add3A_39 = arith.addf %mul3A_36, %add3A_38 : vector<256x64xf32>
    %max3A_40 = arith.constant 0.000000e+00 : f32
    %max3A_41 = vector.broadcast %max3A_40 : f32 to vector<256x64xf32>
    %max3A_42 = arith.maximumf %add3A_39, %max3A_41 : vector<256x64xf32>
    %swap3A = arith.constant 0 : index
    %swap3A_43 = arith.constant 0 : index
    %swap3A_44 = vector.load %arg8[%swap3A, %swap3A_43] : memref<256x64xf32, #tpu.memory_space<vmem>>, vector<256x64xf32>
    tpu.vector_store %arg8[%swap3A, %swap3A_43], %max3A_42 {strides = array<i32>} : memref<256x64xf32, #tpu.memory_space<vmem>>, vector<256x64xf32>,
    return
  }
  func.func @transform_0(%arg0: i32) -> (i32, i32) {
    %c0_i32 = arith.constant 0 : i32
    %c0_i32_0 = arith.constant 0 : i32
    return %arg0, %c0_i32 : i32, i32
  }
  func.func @transform_1(%arg0: i32) -> (i32, i32) {
    %c0_i32 = arith.constant 0 : i32
    %c0_i32_0 = arith.constant 0 : i32
    return %arg0, %c0_i32 : i32, i32
  }
  func.func @transform_2(%arg0: i32) -> (i32, i32) {
    %c0_i32 = arith.constant 0 : i32
    %c0_i32_0 = arith.constant 0 : i32
    %c0_i32_1 = arith.constant 0 : i32
    return %c0_i32, %c0_i32_0 : i32, i32
  }
  func.func @transform_3(%arg0: i32) -> (i32, i32) {
    %c0_i32 = arith.constant 0 : i32
    %c0_i32_0 = arith.constant 0 : i32
    %c0_i32_1 = arith.constant 0 : i32
    return %c0_i32, %c0_i32_0 : i32, i32
  }
  func.func @transform_4(%arg0: i32) -> (i32, i32) {
    %c0_i32 = arith.constant 0 : i32
    %c0_i32_0 = arith.constant 0 : i32
    %c0_i32_1 = arith.constant 0 : i32
    return %c0_i32, %c0_i32_0 : i32, i32
  }
  func.func @transform_5(%arg0: i32) -> (i32, i32) {
    %c0_i32 = arith.constant 0 : i32
    %c0_i32_0 = arith.constant 0 : i32
    %c0_i32_1 = arith.constant 0 : i32
    return %c0_i32, %c0_i32_0 : i32, i32
  }
  func.func @transform_6(%arg0: i32) -> (i32, i32) {
    %c0_i32 = arith.constant 0 : i32
    %c0_i32_0 = arith.constant 0 : i32
    %c0_i32_1 = arith.constant 0 : i32
    return %c0_i32, %c0_i32_0 : i32, i32
  }
  func.func @transform_7(%arg0: i32) -> (i32, i32) {
    %c0_i32 = arith.constant 0 : i32
    %c0_i32_0 = arith.constant 0 : i32
    return %arg0, %c0_i32 : i32, i32
  }
}

module attributes {stable_mosaic.version = 14 : i64} {
  func.func @_m1_kernel(%arg0: i32, %arg1: memref<256x32x80xf32, #tpu.memory_space<vmem>>, %arg2: memref<256x3xf32, #tpu.memory_space<vmem>>, %arg3: memref<256x32xf32, #tpu.memory_space<vmem>>, %arg4: memref<80x128xf32, #tpu.memory_space<vmem>>, %arg5: memref<1x128xf32, #tpu.memory_space<vmem>>, %arg6: memref<8x128xf32, #tpu.memory_space<vmem>>, %arg7: memref<8x128xf32, #tpu.memory_space<vmem>>, %arg8: memref<8x128xf32, #tpu.memory_space<vmem>>) attributes {dimension_semantics = [#tpu.dimension_semantics<arbitrary>], iteration_bounds = array<i64: 16>, scalar_prefetch = 0 : i64, scratch_operands = 0 : i64, tpu.core_type = #tpu.core_type<tc>, window_params = [{transform_indices = @transform_0, window_bounds = array<i64: 256, 32, 80>}, {transform_indices = @transform_1, window_bounds = array<i64: 256, 3>}, {transform_indices = @transform_2, window_bounds = array<i64: 256, 32>}, {pipeline_mode = #tpu.pipeline_mode<synchronous>, transform_indices = @transform_3, window_bounds = array<i64: 80, 128>}, {pipeline_mode = #tpu.pipeline_mode<synchronous>, transform_indices = @transform_4, window_bounds = array<i64: 1, 128>}, {pipeline_mode = #tpu.pipeline_mode<synchronous>, transform_indices = @transform_5, window_bounds = array<i64: 8, 128>}, {pipeline_mode = #tpu.pipeline_mode<synchronous>, transform_indices = @transform_6, window_bounds = array<i64: 8, 128>}, {pipeline_mode = #tpu.pipeline_mode<synchronous>, transform_indices = @transform_7, window_bounds = array<i64: 8, 128>}]} {
    %get3A = arith.constant 0 : index
    %get3A_0 = arith.constant 0 : index
    %get3A_1 = arith.constant 0 : index
    %get3A_2 = vector.load %arg1[%get3A, %get3A_0, %get3A_1] : memref<256x32x80xf32, #tpu.memory_space<vmem>>, vector<256x32x80xf32>
    %slice3A = vector.extract_strided_slice %get3A_2 {offsets = [0, 0, 64], sizes = [256, 32, 3], strides = [1, 1, 1]} : vector<256x32x80xf32> to vector<256x32x3xf32>
    %get3A_3 = arith.constant 0 : index
    %get3A_4 = arith.constant 0 : index
    %get3A_5 = vector.load %arg2[%get3A_3, %get3A_4] : memref<256x3xf32, #tpu.memory_space<vmem>>, vector<256x3xf32>
    %broadcast_in_dim3A = vector.shape_cast %get3A_5 : vector<256x3xf32> to vector<256x1x3xf32>
    %sub3A = vector.broadcast %broadcast_in_dim3A : vector<256x1x3xf32> to vector<256x32x3xf32>
    %sub3A_6 = arith.subf %slice3A, %sub3A : vector<256x32x3xf32>
    %slice3A_7 = vector.extract_strided_slice %get3A_2 {offsets = [0, 0, 0], sizes = [256, 32, 64], strides = [1, 1, 1]} : vector<256x32x80xf32> to vector<256x32x64xf32>
    %slice3A_8 = vector.extract_strided_slice %get3A_2 {offsets = [0, 0, 67], sizes = [256, 32, 13], strides = [1, 1, 1]} : vector<256x32x80xf32> to vector<256x32x13xf32>
    %concatenate3A = tpu.concatenate %slice3A_7, %sub3A_6, %slice3A_8 in 2 : vector<256x32x64xf32>, vector<256x32x3xf32>, vector<256x32x13xf32> -> vector<256x32x80xf32>
    %reshape3A = vector.shape_cast %concatenate3A : vector<256x32x80xf32> to vector<8192x80xf32>
    %get3A_9 = arith.constant 0 : index
    %get3A_10 = arith.constant 0 : index
    %get3A_11 = vector.load %arg4[%get3A_9, %get3A_10] : memref<80x128xf32, #tpu.memory_space<vmem>>, vector<80x128xf32>
    %dot_general3A = arith.constant dense<0.000000e+00> : vector<8192x128xf32>
    %dot_general3A_12 = tpu.matmul %reshape3A, %get3A_11, %dot_general3A {dimension_numbers = #tpu.dot_dimension_numbers<[1], [0], [0], [1], [0, 0, 1, 1], [], []>, transpose_lhs_hint = false} : vector<8192x80xf32>, vector<80x128xf32>, vector<8192x128xf32> -> vector<8192x128xf32>
    %get3A_13 = arith.constant 0 : index
    %get3A_14 = arith.constant 0 : index
    %get3A_15 = vector.load %arg5[%get3A_13, %get3A_14] : memref<1x128xf32, #tpu.memory_space<vmem>>, vector<1x128xf32>
    %get3A_16 = vector.shape_cast %get3A_15 : vector<1x128xf32> to vector<128xf32>
    %broadcast_in_dim3A_17 = vector.shape_cast %get3A_16 : vector<128xf32> to vector<1x128xf32>
    %add3A = vector.broadcast %broadcast_in_dim3A_17 : vector<1x128xf32> to vector<8192x128xf32>
    %add3A_18 = arith.addf %dot_general3A_12, %add3A : vector<8192x128xf32>
    %reshape3A_19 = vector.shape_cast %add3A_18 : vector<8192x128xf32> to vector<256x32x128xf32>
    %get3A_20 = arith.constant 0 : index
    %get3A_21 = arith.constant 0 : index
    %get3A_22 = vector.load %arg3[%get3A_20, %get3A_21] : memref<256x32xf32, #tpu.memory_space<vmem>>, vector<256x32xf32>
    %broadcast_in_dim3A_23 = vector.shape_cast %get3A_22 : vector<256x32xf32> to vector<256x32x1xf32>
    %get3A_24 = arith.constant 0 : index
    %get3A_25 = arith.constant 0 : index
    %get3A_26 = vector.load %arg3[%get3A_24, %get3A_25] : memref<256x32xf32, #tpu.memory_space<vmem>>, vector<256x32xf32>
    %reduce_sum3A = vector.shape_cast %get3A_26 : vector<256x32xf32> to vector<1x256x32xf32>
    %reduce_sum3A_27 = arith.constant dense<0.000000e+00> : vector<1xf32>
    %reduce_sum3A_28 = vector.multi_reduction <add>, %reduce_sum3A, %reduce_sum3A_27 [1, 2] : vector<1x256x32xf32> to vector<1xf32>
    %reduce_sum3A_29 = vector.shape_cast %reduce_sum3A_28 : vector<1xf32> to vector<1x1x1xf32>
    %reduce_sum3A_30 = vector.extract %reduce_sum3A_29[0, 0, 0] : f32 from vector<1x1x1xf32>
    %mul3A = vector.broadcast %broadcast_in_dim3A_23 : vector<256x32x1xf32> to vector<256x32x128xf32>
    %mul3A_31 = arith.mulf %mul3A, %reshape3A_19 : vector<256x32x128xf32>
    %reduce_sum3A_32 = arith.constant dense<0.000000e+00> : vector<128xf32>
    %reduce_sum3A_33 = vector.multi_reduction <add>, %mul3A_31, %reduce_sum3A_32 [0, 1] : vector<256x32x128xf32> to vector<128xf32>
    %div3A = vector.broadcast %reduce_sum3A_30 : f32 to vector<128xf32>
    %div3A_34 = arith.divf %reduce_sum3A_33, %div3A : vector<128xf32>
    %broadcast_in_dim3A_35 = vector.shape_cast %div3A_34 : vector<128xf32> to vector<1x1x128xf32>
    %sub3A_36 = vector.broadcast %broadcast_in_dim3A_35 : vector<1x1x128xf32> to vector<256x32x128xf32>
    %sub3A_37 = arith.subf %reshape3A_19, %sub3A_36 : vector<256x32x128xf32>
    %mul3A_38 = vector.broadcast %broadcast_in_dim3A_23 : vector<256x32x1xf32> to vector<256x32x128xf32>
    %mul3A_39 = arith.mulf %mul3A_38, %sub3A_37 : vector<256x32x128xf32>
    %mul3A_40 = arith.mulf %mul3A_39, %sub3A_37 : vector<256x32x128xf32>
    %reduce_sum3A_41 = arith.constant dense<0.000000e+00> : vector<128xf32>
    %reduce_sum3A_42 = vector.multi_reduction <add>, %mul3A_40, %reduce_sum3A_41 [0, 1] : vector<256x32x128xf32> to vector<128xf32>
    %eq3A = arith.constant 0 : i32
    %eq3A_43 = arith.cmpi eq, %arg0, %eq3A : i32
    %convert_element_type3A = arith.extui %eq3A_43 : i1 to i32
    %cond3A = arith.constant 0 : i32
    %cond3A_44 = arith.cmpi ne, %convert_element_type3A, %cond3A : i32
    scf.if %cond3A_44 {
      %broadcast_in_dim3A_49 = vector.shape_cast %div3A_34 : vector<128xf32> to vector<1x128xf32>
      %broadcast_in_dim3A_50 = vector.shape_cast %broadcast_in_dim3A_49 : vector<1x128xf32> to vector<1x128xf32>
      %broadcast_in_dim3A_51 = vector.broadcast %broadcast_in_dim3A_50 : vector<1x128xf32> to vector<8x128xf32>
      %swap3A = arith.constant 0 : index
      %swap3A_52 = arith.constant 0 : index
      %swap3A_53 = vector.load %arg6[%swap3A, %swap3A_52] : memref<8x128xf32, #tpu.memory_space<vmem>>, vector<8x128xf32>
      tpu.vector_store %arg6[%swap3A, %swap3A_52], %broadcast_in_dim3A_51 {strides = array<i32>} : memref<8x128xf32, #tpu.memory_space<vmem>>, vector<8x128xf32>,
      %broadcast_in_dim3A_54 = vector.shape_cast %reduce_sum3A_42 : vector<128xf32> to vector<1x128xf32>
      %broadcast_in_dim3A_55 = vector.shape_cast %broadcast_in_dim3A_54 : vector<1x128xf32> to vector<1x128xf32>
      %broadcast_in_dim3A_56 = vector.broadcast %broadcast_in_dim3A_55 : vector<1x128xf32> to vector<8x128xf32>
      %swap3A_57 = arith.constant 0 : index
      %swap3A_58 = arith.constant 0 : index
      %swap3A_59 = vector.load %arg7[%swap3A_57, %swap3A_58] : memref<8x128xf32, #tpu.memory_space<vmem>>, vector<8x128xf32>
      tpu.vector_store %arg7[%swap3A_57, %swap3A_58], %broadcast_in_dim3A_56 {strides = array<i32>} : memref<8x128xf32, #tpu.memory_space<vmem>>, vector<8x128xf32>,
      %broadcast_in_dim3A_60 = vector.broadcast %reduce_sum3A_30 : f32 to vector<8x128xf32>
      %swap3A_61 = arith.constant 0 : index
      %swap3A_62 = arith.constant 0 : index
      %swap3A_63 = vector.load %arg8[%swap3A_61, %swap3A_62] : memref<8x128xf32, #tpu.memory_space<vmem>>, vector<8x128xf32>
      tpu.vector_store %arg8[%swap3A_61, %swap3A_62], %broadcast_in_dim3A_60 {strides = array<i32>} : memref<8x128xf32, #tpu.memory_space<vmem>>, vector<8x128xf32>,
    } else {
    }
    %gt3A = arith.constant 0 : i32
    %gt3A_45 = arith.cmpi sgt, %arg0, %gt3A : i32
    %convert_element_type3A_46 = arith.extui %gt3A_45 : i1 to i32
    %cond3A_47 = arith.constant 0 : i32
    %cond3A_48 = arith.cmpi ne, %convert_element_type3A_46, %cond3A_47 : i32
    scf.if %cond3A_48 {
      %get3A_49 = arith.constant 0 : index
      %get3A_50 = arith.constant 0 : index
      %get3A_51 = vector.load %arg8[%get3A_49, %get3A_50] : memref<8x128xf32, #tpu.memory_space<vmem>>, vector<1x1xf32>
      %get3A_52 = vector.extract %get3A_51[0, 0] : f32 from vector<1x1xf32>
      %get3A_53 = arith.constant 0 : index
      %get3A_54 = arith.constant 0 : index
      %get3A_55 = vector.load %arg6[%get3A_53, %get3A_54] : memref<8x128xf32, #tpu.memory_space<vmem>>, vector<1x128xf32>
      %get3A_56 = vector.shape_cast %get3A_55 : vector<1x128xf32> to vector<128xf32>
      %get3A_57 = arith.constant 0 : index
      %get3A_58 = arith.constant 0 : index
      %get3A_59 = vector.load %arg7[%get3A_57, %get3A_58] : memref<8x128xf32, #tpu.memory_space<vmem>>, vector<1x128xf32>
      %get3A_60 = vector.shape_cast %get3A_59 : vector<1x128xf32> to vector<128xf32>
      %add3A_61 = arith.addf %get3A_52, %reduce_sum3A_30 : f32
      %sub3A_62 = arith.subf %div3A_34, %get3A_56 : vector<128xf32>
      %div3A_63 = arith.divf %reduce_sum3A_30, %add3A_61 : f32
      %mul3A_64 = vector.broadcast %div3A_63 : f32 to vector<128xf32>
      %mul3A_65 = arith.mulf %sub3A_62, %mul3A_64 : vector<128xf32>
      %add3A_66 = arith.addf %get3A_56, %mul3A_65 : vector<128xf32>
      %broadcast_in_dim3A_67 = vector.shape_cast %add3A_66 : vector<128xf32> to vector<1x128xf32>
      %broadcast_in_dim3A_68 = vector.shape_cast %broadcast_in_dim3A_67 : vector<1x128xf32> to vector<1x128xf32>
      %broadcast_in_dim3A_69 = vector.broadcast %broadcast_in_dim3A_68 : vector<1x128xf32> to vector<8x128xf32>
      %swap3A = arith.constant 0 : index
      %swap3A_70 = arith.constant 0 : index
      %swap3A_71 = vector.load %arg6[%swap3A, %swap3A_70] : memref<8x128xf32, #tpu.memory_space<vmem>>, vector<8x128xf32>
      tpu.vector_store %arg6[%swap3A, %swap3A_70], %broadcast_in_dim3A_69 {strides = array<i32>} : memref<8x128xf32, #tpu.memory_space<vmem>>, vector<8x128xf32>,
      %add3A_72 = arith.addf %get3A_60, %reduce_sum3A_42 : vector<128xf32>
      %mul3A_73 = arith.mulf %sub3A_62, %sub3A_62 : vector<128xf32>
      %mul3A_74 = arith.mulf %get3A_52, %reduce_sum3A_30 : f32
      %div3A_75 = arith.divf %mul3A_74, %add3A_61 : f32
      %mul3A_76 = vector.broadcast %div3A_75 : f32 to vector<128xf32>
      %mul3A_77 = arith.mulf %mul3A_73, %mul3A_76 : vector<128xf32>
      %add3A_78 = arith.addf %add3A_72, %mul3A_77 : vector<128xf32>
      %broadcast_in_dim3A_79 = vector.shape_cast %add3A_78 : vector<128xf32> to vector<1x128xf32>
      %broadcast_in_dim3A_80 = vector.shape_cast %broadcast_in_dim3A_79 : vector<1x128xf32> to vector<1x128xf32>
      %broadcast_in_dim3A_81 = vector.broadcast %broadcast_in_dim3A_80 : vector<1x128xf32> to vector<8x128xf32>
      %swap3A_82 = arith.constant 0 : index
      %swap3A_83 = arith.constant 0 : index
      %swap3A_84 = vector.load %arg7[%swap3A_82, %swap3A_83] : memref<8x128xf32, #tpu.memory_space<vmem>>, vector<8x128xf32>
      tpu.vector_store %arg7[%swap3A_82, %swap3A_83], %broadcast_in_dim3A_81 {strides = array<i32>} : memref<8x128xf32, #tpu.memory_space<vmem>>, vector<8x128xf32>,
      %broadcast_in_dim3A_85 = vector.broadcast %add3A_61 : f32 to vector<8x128xf32>
      %swap3A_86 = arith.constant 0 : index
      %swap3A_87 = arith.constant 0 : index
      %swap3A_88 = vector.load %arg8[%swap3A_86, %swap3A_87] : memref<8x128xf32, #tpu.memory_space<vmem>>, vector<8x128xf32>
      tpu.vector_store %arg8[%swap3A_86, %swap3A_87], %broadcast_in_dim3A_85 {strides = array<i32>} : memref<8x128xf32, #tpu.memory_space<vmem>>, vector<8x128xf32>,
    } else {
    }
    return
  }
  func.func @transform_0(%arg0: i32) -> (i32, i32, i32) {
    %c0_i32 = arith.constant 0 : i32
    %c0_i32_0 = arith.constant 0 : i32
    %c0_i32_1 = arith.constant 0 : i32
    return %arg0, %c0_i32, %c0_i32_0 : i32, i32, i32
  }
  func.func @transform_1(%arg0: i32) -> (i32, i32) {
    %c0_i32 = arith.constant 0 : i32
    %c0_i32_0 = arith.constant 0 : i32
    return %arg0, %c0_i32 : i32, i32
  }
  func.func @transform_2(%arg0: i32) -> (i32, i32) {
    %c0_i32 = arith.constant 0 : i32
    %c0_i32_0 = arith.constant 0 : i32
    return %arg0, %c0_i32 : i32, i32
  }
  func.func @transform_3(%arg0: i32) -> (i32, i32) {
    %c0_i32 = arith.constant 0 : i32
    %c0_i32_0 = arith.constant 0 : i32
    %c0_i32_1 = arith.constant 0 : i32
    return %c0_i32, %c0_i32_0 : i32, i32
  }
  func.func @transform_4(%arg0: i32) -> (i32, i32) {
    %c0_i32 = arith.constant 0 : i32
    %c0_i32_0 = arith.constant 0 : i32
    %c0_i32_1 = arith.constant 0 : i32
    return %c0_i32, %c0_i32_0 : i32, i32
  }
  func.func @transform_5(%arg0: i32) -> (i32, i32) {
    %c0_i32 = arith.constant 0 : i32
    %c0_i32_0 = arith.constant 0 : i32
    %c0_i32_1 = arith.constant 0 : i32
    return %c0_i32, %c0_i32_0 : i32, i32
  }
  func.func @transform_6(%arg0: i32) -> (i32, i32) {
    %c0_i32 = arith.constant 0 : i32
    %c0_i32_0 = arith.constant 0 : i32
    %c0_i32_1 = arith.constant 0 : i32
    return %c0_i32, %c0_i32_0 : i32, i32
  }
  func.func @transform_7(%arg0: i32) -> (i32, i32) {
    %c0_i32 = arith.constant 0 : i32
    %c0_i32_0 = arith.constant 0 : i32
    %c0_i32_1 = arith.constant 0 : i32
    return %c0_i32, %c0_i32_0 : i32, i32
  }
}

module attributes {stable_mosaic.version = 14 : i64} {
  func.func @_m2_kernel(%arg0: i32, %arg1: memref<256x32x80xf32, #tpu.memory_space<vmem>>, %arg2: memref<256x3xf32, #tpu.memory_space<vmem>>, %arg3: memref<256x32xf32, #tpu.memory_space<vmem>>, %arg4: memref<80x128xf32, #tpu.memory_space<vmem>>, %arg5: memref<1x128xf32, #tpu.memory_space<vmem>>, %arg6: memref<8x128xf32, #tpu.memory_space<vmem>>, %arg7: memref<8x128xf32, #tpu.memory_space<vmem>>, %arg8: memref<8x128xf32, #tpu.memory_space<vmem>>, %arg9: memref<128x256xf32, #tpu.memory_space<vmem>>, %arg10: memref<1x256xf32, #tpu.memory_space<vmem>>, %arg11: memref<1x128xf32, #tpu.memory_space<vmem>>, %arg12: memref<1x128xf32, #tpu.memory_space<vmem>>, %arg13: memref<256x256xf32, #tpu.memory_space<vmem>>, %arg14: memref<256x256xf32, #tpu.memory_space<vmem>>, %arg15: memref<8x256xf32, #tpu.memory_space<vmem>>, %arg16: memref<8x256xf32, #tpu.memory_space<vmem>>, %arg17: memref<8x128xf32, #tpu.memory_space<vmem>>) attributes {dimension_semantics = [#tpu.dimension_semantics<arbitrary>], iteration_bounds = array<i64: 16>, scalar_prefetch = 0 : i64, scratch_operands = 0 : i64, tpu.core_type = #tpu.core_type<tc>, window_params = [{transform_indices = @transform_0, window_bounds = array<i64: 256, 32, 80>}, {transform_indices = @transform_1, window_bounds = array<i64: 256, 3>}, {transform_indices = @transform_2, window_bounds = array<i64: 256, 32>}, {pipeline_mode = #tpu.pipeline_mode<synchronous>, transform_indices = @transform_3, window_bounds = array<i64: 80, 128>}, {pipeline_mode = #tpu.pipeline_mode<synchronous>, transform_indices = @transform_4, window_bounds = array<i64: 1, 128>}, {pipeline_mode = #tpu.pipeline_mode<synchronous>, transform_indices = @transform_5, window_bounds = array<i64: 8, 128>}, {pipeline_mode = #tpu.pipeline_mode<synchronous>, transform_indices = @transform_6, window_bounds = array<i64: 8, 128>}, {pipeline_mode = #tpu.pipeline_mode<synchronous>, transform_indices = @transform_7, window_bounds = array<i64: 8, 128>}, {pipeline_mode = #tpu.pipeline_mode<synchronous>, transform_indices = @transform_8, window_bounds = array<i64: 128, 256>}, {pipeline_mode = #tpu.pipeline_mode<synchronous>, transform_indices = @transform_9, window_bounds = array<i64: 1, 256>}, {pipeline_mode = #tpu.pipeline_mode<synchronous>, transform_indices = @transform_10, window_bounds = array<i64: 1, 128>}, {pipeline_mode = #tpu.pipeline_mode<synchronous>, transform_indices = @transform_11, window_bounds = array<i64: 1, 128>}, {transform_indices = @transform_12, window_bounds = array<i64: 256, 256>}, {transform_indices = @transform_13, window_bounds = array<i64: 256, 256>}, {pipeline_mode = #tpu.pipeline_mode<synchronous>, transform_indices = @transform_14, window_bounds = array<i64: 8, 256>}, {pipeline_mode = #tpu.pipeline_mode<synchronous>, transform_indices = @transform_15, window_bounds = array<i64: 8, 256>}, {pipeline_mode = #tpu.pipeline_mode<synchronous>, transform_indices = @transform_16, window_bounds = array<i64: 8, 128>}]} {
    %get3A = arith.constant 0 : index
    %get3A_0 = arith.constant 0 : index
    %get3A_1 = vector.load %arg8[%get3A, %get3A_0] : memref<8x128xf32, #tpu.memory_space<vmem>>, vector<1x1xf32>
    %get3A_2 = vector.extract %get3A_1[0, 0] : f32 from vector<1x1xf32>
    %max3A = arith.constant 1.000000e+00 : f32
    %max3A_3 = arith.maximumf %get3A_2, %max3A : f32
    %get3A_4 = arith.constant 0 : index
    %get3A_5 = arith.constant 0 : index
    %get3A_6 = vector.load %arg6[%get3A_4, %get3A_5] : memref<8x128xf32, #tpu.memory_space<vmem>>, vector<1x128xf32>
    %get3A_7 = vector.shape_cast %get3A_6 : vector<1x128xf32> to vector<128xf32>
    %get3A_8 = arith.constant 0 : index
    %get3A_9 = arith.constant 0 : index
    %get3A_10 = vector.load %arg7[%get3A_8, %get3A_9] : memref<8x128xf32, #tpu.memory_space<vmem>>, vector<1x128xf32>
    %get3A_11 = vector.shape_cast %get3A_10 : vector<1x128xf32> to vector<128xf32>
    %get3A_12 = arith.constant 0 : index
    %get3A_13 = arith.constant 0 : index
    %get3A_14 = vector.load %arg11[%get3A_12, %get3A_13] : memref<1x128xf32, #tpu.memory_space<vmem>>, vector<1x128xf32>
    %get3A_15 = vector.shape_cast %get3A_14 : vector<1x128xf32> to vector<128xf32>
    %get3A_16 = arith.constant 0 : index
    %get3A_17 = arith.constant 0 : index
    %get3A_18 = vector.load %arg12[%get3A_16, %get3A_17] : memref<1x128xf32, #tpu.memory_space<vmem>>, vector<1x128xf32>
    %get3A_19 = vector.shape_cast %get3A_18 : vector<1x128xf32> to vector<128xf32>
    %div3A = vector.broadcast %max3A_3 : f32 to vector<128xf32>
    %div3A_20 = arith.divf %get3A_11, %div3A : vector<128xf32>
    %add3A = arith.constant 9.99999974E-6 : f32
    %add3A_21 = vector.broadcast %add3A : f32 to vector<128xf32>
    %add3A_22 = arith.addf %div3A_20, %add3A_21 : vector<128xf32>
    %sqrt3A = math.sqrt %add3A_22 : vector<128xf32>
    %div3A_23 = arith.divf %get3A_15, %sqrt3A : vector<128xf32>
    %get3A_24 = arith.constant 0 : index
    %get3A_25 = arith.constant 0 : index
    %get3A_26 = arith.constant 0 : index
    %get3A_27 = vector.load %arg1[%get3A_24, %get3A_25, %get3A_26] : memref<256x32x80xf32, #tpu.memory_space<vmem>>, vector<256x32x80xf32>
    %slice3A = vector.extract_strided_slice %get3A_27 {offsets = [0, 0, 64], sizes = [256, 32, 3], strides = [1, 1, 1]} : vector<256x32x80xf32> to vector<256x32x3xf32>
    %get3A_28 = arith.constant 0 : index
    %get3A_29 = arith.constant 0 : index
    %get3A_30 = vector.load %arg2[%get3A_28, %get3A_29] : memref<256x3xf32, #tpu.memory_space<vmem>>, vector<256x3xf32>
    %broadcast_in_dim3A = vector.shape_cast %get3A_30 : vector<256x3xf32> to vector<256x1x3xf32>
    %sub3A = vector.broadcast %broadcast_in_dim3A : vector<256x1x3xf32> to vector<256x32x3xf32>
    %sub3A_31 = arith.subf %slice3A, %sub3A : vector<256x32x3xf32>
    %slice3A_32 = vector.extract_strided_slice %get3A_27 {offsets = [0, 0, 0], sizes = [256, 32, 64], strides = [1, 1, 1]} : vector<256x32x80xf32> to vector<256x32x64xf32>
    %slice3A_33 = vector.extract_strided_slice %get3A_27 {offsets = [0, 0, 67], sizes = [256, 32, 13], strides = [1, 1, 1]} : vector<256x32x80xf32> to vector<256x32x13xf32>
    %concatenate3A = tpu.concatenate %slice3A_32, %sub3A_31, %slice3A_33 in 2 : vector<256x32x64xf32>, vector<256x32x3xf32>, vector<256x32x13xf32> -> vector<256x32x80xf32>
    %reshape3A = vector.shape_cast %concatenate3A : vector<256x32x80xf32> to vector<8192x80xf32>
    %get3A_34 = arith.constant 0 : index
    %get3A_35 = arith.constant 0 : index
    %get3A_36 = vector.load %arg4[%get3A_34, %get3A_35] : memref<80x128xf32, #tpu.memory_space<vmem>>, vector<80x128xf32>
    %dot_general3A = arith.constant dense<0.000000e+00> : vector<8192x128xf32>
    %dot_general3A_37 = tpu.matmul %reshape3A, %get3A_36, %dot_general3A {dimension_numbers = #tpu.dot_dimension_numbers<[1], [0], [0], [1], [0, 0, 1, 1], [], []>, transpose_lhs_hint = false} : vector<8192x80xf32>, vector<80x128xf32>, vector<8192x128xf32> -> vector<8192x128xf32>
    %get3A_38 = arith.constant 0 : index
    %get3A_39 = arith.constant 0 : index
    %get3A_40 = vector.load %arg5[%get3A_38, %get3A_39] : memref<1x128xf32, #tpu.memory_space<vmem>>, vector<1x128xf32>
    %get3A_41 = vector.shape_cast %get3A_40 : vector<1x128xf32> to vector<128xf32>
    %broadcast_in_dim3A_42 = vector.shape_cast %get3A_41 : vector<128xf32> to vector<1x128xf32>
    %add3A_43 = vector.broadcast %broadcast_in_dim3A_42 : vector<1x128xf32> to vector<8192x128xf32>
    %add3A_44 = arith.addf %dot_general3A_37, %add3A_43 : vector<8192x128xf32>
    %reshape3A_45 = vector.shape_cast %add3A_44 : vector<8192x128xf32> to vector<256x32x128xf32>
    %broadcast_in_dim3A_46 = vector.shape_cast %get3A_7 : vector<128xf32> to vector<1x1x128xf32>
    %sub3A_47 = vector.broadcast %broadcast_in_dim3A_46 : vector<1x1x128xf32> to vector<256x32x128xf32>
    %sub3A_48 = arith.subf %reshape3A_45, %sub3A_47 : vector<256x32x128xf32>
    %broadcast_in_dim3A_49 = vector.shape_cast %div3A_23 : vector<128xf32> to vector<1x1x128xf32>
    %mul3A = vector.broadcast %broadcast_in_dim3A_49 : vector<1x1x128xf32> to vector<256x32x128xf32>
    %mul3A_50 = arith.mulf %sub3A_48, %mul3A : vector<256x32x128xf32>
    %broadcast_in_dim3A_51 = vector.shape_cast %get3A_19 : vector<128xf32> to vector<1x1x128xf32>
    %add3A_52 = vector.broadcast %broadcast_in_dim3A_51 : vector<1x1x128xf32> to vector<256x32x128xf32>
    %add3A_53 = arith.addf %mul3A_50, %add3A_52 : vector<256x32x128xf32>
    %max3A_54 = arith.constant 0.000000e+00 : f32
    %max3A_55 = vector.broadcast %max3A_54 : f32 to vector<256x32x128xf32>
    %max3A_56 = arith.maximumf %add3A_53, %max3A_55 : vector<256x32x128xf32>
    %reshape3A_57 = vector.shape_cast %max3A_56 : vector<256x32x128xf32> to vector<8192x128xf32>
    %get3A_58 = arith.constant 0 : index
    %get3A_59 = arith.constant 0 : index
    %get3A_60 = vector.load %arg9[%get3A_58, %get3A_59] : memref<128x256xf32, #tpu.memory_space<vmem>>, vector<128x256xf32>
    %dot_general3A_61 = arith.constant dense<0.000000e+00> : vector<8192x256xf32>
    %dot_general3A_62 = tpu.matmul %reshape3A_57, %get3A_60, %dot_general3A_61 {dimension_numbers = #tpu.dot_dimension_numbers<[1], [0], [0], [1], [0, 0, 1, 1], [], []>, transpose_lhs_hint = false} : vector<8192x128xf32>, vector<128x256xf32>, vector<8192x256xf32> -> vector<8192x256xf32>
    %get3A_63 = arith.constant 0 : index
    %get3A_64 = arith.constant 0 : index
    %get3A_65 = vector.load %arg10[%get3A_63, %get3A_64] : memref<1x256xf32, #tpu.memory_space<vmem>>, vector<1x256xf32>
    %get3A_66 = vector.shape_cast %get3A_65 : vector<1x256xf32> to vector<256xf32>
    %broadcast_in_dim3A_67 = vector.shape_cast %get3A_66 : vector<256xf32> to vector<1x256xf32>
    %add3A_68 = vector.broadcast %broadcast_in_dim3A_67 : vector<1x256xf32> to vector<8192x256xf32>
    %add3A_69 = arith.addf %dot_general3A_62, %add3A_68 : vector<8192x256xf32>
    %reshape3A_70 = vector.shape_cast %add3A_69 : vector<8192x256xf32> to vector<256x32x256xf32>
    %get3A_71 = arith.constant 0 : index
    %get3A_72 = arith.constant 0 : index
    %get3A_73 = vector.load %arg3[%get3A_71, %get3A_72] : memref<256x32xf32, #tpu.memory_space<vmem>>, vector<256x32xf32>
    %broadcast_in_dim3A_74 = vector.shape_cast %get3A_73 : vector<256x32xf32> to vector<256x32x1xf32>
    %gt3A = arith.constant 5.000000e-01 : f32
    %gt3A_75 = vector.broadcast %gt3A : f32 to vector<256x32x1xf32>
    %gt3A_76 = arith.cmpf ogt, %broadcast_in_dim3A_74, %gt3A_75 : vector<256x32x1xf32>
    %jit3A = arith.constant 0xFF800000 : f32
    %broadcast_in_dim3A_77 = vector.shape_cast %gt3A_76 : vector<256x32x1xi1> to vector<256x32x1xi1>
    %broadcast_in_dim3A_78 = vector.broadcast %broadcast_in_dim3A_77 : vector<256x32x1xi1> to vector<256x32x256xi1>
    %broadcast_in_dim3A_79 = vector.broadcast %jit3A : f32 to vector<256x32x256xf32>
    %select_n3A = arith.select %broadcast_in_dim3A_78, %reshape3A_70, %broadcast_in_dim3A_79 : vector<256x32x256xi1>, vector<256x32x256xf32>
    %reduce_max3A = arith.constant dense<0xFF800000> : vector<256x256xf32>
    %reduce_max3A_80 = vector.multi_reduction <maximumf>, %select_n3A, %reduce_max3A [1] : vector<256x32x256xf32> to vector<256x256xf32>
    %swap3A = arith.constant 0 : index
    %swap3A_81 = arith.constant 0 : index
    %swap3A_82 = vector.load %arg13[%swap3A, %swap3A_81] : memref<256x256xf32, #tpu.memory_space<vmem>>, vector<256x256xf32>
    tpu.vector_store %arg13[%swap3A, %swap3A_81], %reduce_max3A_80 {strides = array<i32>} : memref<256x256xf32, #tpu.memory_space<vmem>>, vector<256x256xf32>,
    %jit3A_83 = arith.constant 0x7F800000 : f32
    %broadcast_in_dim3A_84 = vector.shape_cast %gt3A_76 : vector<256x32x1xi1> to vector<256x32x1xi1>
    %broadcast_in_dim3A_85 = vector.broadcast %broadcast_in_dim3A_84 : vector<256x32x1xi1> to vector<256x32x256xi1>
    %broadcast_in_dim3A_86 = vector.broadcast %jit3A_83 : f32 to vector<256x32x256xf32>
    %select_n3A_87 = arith.select %broadcast_in_dim3A_85, %reshape3A_70, %broadcast_in_dim3A_86 : vector<256x32x256xi1>, vector<256x32x256xf32>
    %reduce_min3A = arith.constant dense<0x7F800000> : vector<256x256xf32>
    %reduce_min3A_88 = vector.multi_reduction <minimumf>, %select_n3A_87, %reduce_min3A [1] : vector<256x32x256xf32> to vector<256x256xf32>
    %swap3A_89 = arith.constant 0 : index
    %swap3A_90 = arith.constant 0 : index
    %swap3A_91 = vector.load %arg14[%swap3A_89, %swap3A_90] : memref<256x256xf32, #tpu.memory_space<vmem>>, vector<256x256xf32>
    tpu.vector_store %arg14[%swap3A_89, %swap3A_90], %reduce_min3A_88 {strides = array<i32>} : memref<256x256xf32, #tpu.memory_space<vmem>>, vector<256x256xf32>,
    %get3A_92 = arith.constant 0 : index
    %get3A_93 = arith.constant 0 : index
    %get3A_94 = vector.load %arg3[%get3A_92, %get3A_93] : memref<256x32xf32, #tpu.memory_space<vmem>>, vector<256x32xf32>
    %broadcast_in_dim3A_95 = vector.shape_cast %get3A_94 : vector<256x32xf32> to vector<256x32x1xf32>
    %get3A_96 = arith.constant 0 : index
    %get3A_97 = arith.constant 0 : index
    %get3A_98 = vector.load %arg3[%get3A_96, %get3A_97] : memref<256x32xf32, #tpu.memory_space<vmem>>, vector<256x32xf32>
    %reduce_sum3A = vector.shape_cast %get3A_98 : vector<256x32xf32> to vector<1x256x32xf32>
    %reduce_sum3A_99 = arith.constant dense<0.000000e+00> : vector<1xf32>
    %reduce_sum3A_100 = vector.multi_reduction <add>, %reduce_sum3A, %reduce_sum3A_99 [1, 2] : vector<1x256x32xf32> to vector<1xf32>
    %reduce_sum3A_101 = vector.shape_cast %reduce_sum3A_100 : vector<1xf32> to vector<1x1x1xf32>
    %reduce_sum3A_102 = vector.extract %reduce_sum3A_101[0, 0, 0] : f32 from vector<1x1x1xf32>
    %mul3A_103 = vector.broadcast %broadcast_in_dim3A_95 : vector<256x32x1xf32> to vector<256x32x256xf32>
    %mul3A_104 = arith.mulf %mul3A_103, %reshape3A_70 : vector<256x32x256xf32>
    %reduce_sum3A_105 = arith.constant dense<0.000000e+00> : vector<256xf32>
    %reduce_sum3A_106 = vector.multi_reduction <add>, %mul3A_104, %reduce_sum3A_105 [0, 1] : vector<256x32x256xf32> to vector<256xf32>
    %div3A_107 = vector.broadcast %reduce_sum3A_102 : f32 to vector<256xf32>
    %div3A_108 = arith.divf %reduce_sum3A_106, %div3A_107 : vector<256xf32>
    %broadcast_in_dim3A_109 = vector.shape_cast %div3A_108 : vector<256xf32> to vector<1x1x256xf32>
    %sub3A_110 = vector.broadcast %broadcast_in_dim3A_109 : vector<1x1x256xf32> to vector<256x32x256xf32>
    %sub3A_111 = arith.subf %reshape3A_70, %sub3A_110 : vector<256x32x256xf32>
    %mul3A_112 = vector.broadcast %broadcast_in_dim3A_95 : vector<256x32x1xf32> to vector<256x32x256xf32>
    %mul3A_113 = arith.mulf %mul3A_112, %sub3A_111 : vector<256x32x256xf32>
    %mul3A_114 = arith.mulf %mul3A_113, %sub3A_111 : vector<256x32x256xf32>
    %reduce_sum3A_115 = arith.constant dense<0.000000e+00> : vector<256xf32>
    %reduce_sum3A_116 = vector.multi_reduction <add>, %mul3A_114, %reduce_sum3A_115 [0, 1] : vector<256x32x256xf32> to vector<256xf32>
    %eq3A = arith.constant 0 : i32
    %eq3A_117 = arith.cmpi eq, %arg0, %eq3A : i32
    %convert_element_type3A = arith.extui %eq3A_117 : i1 to i32
    %cond3A = arith.constant 0 : i32
    %cond3A_118 = arith.cmpi ne, %convert_element_type3A, %cond3A : i32
    scf.if %cond3A_118 {
      %broadcast_in_dim3A_124 = vector.shape_cast %div3A_108 : vector<256xf32> to vector<1x256xf32>
      %broadcast_in_dim3A_125 = vector.shape_cast %broadcast_in_dim3A_124 : vector<1x256xf32> to vector<1x256xf32>
      %broadcast_in_dim3A_126 = vector.broadcast %broadcast_in_dim3A_125 : vector<1x256xf32> to vector<8x256xf32>
      %swap3A_127 = arith.constant 0 : index
      %swap3A_128 = arith.constant 0 : index
      %swap3A_129 = vector.load %arg15[%swap3A_127, %swap3A_128] : memref<8x256xf32, #tpu.memory_space<vmem>>, vector<8x256xf32>
      tpu.vector_store %arg15[%swap3A_127, %swap3A_128], %broadcast_in_dim3A_126 {strides = array<i32>} : memref<8x256xf32, #tpu.memory_space<vmem>>, vector<8x256xf32>,
      %broadcast_in_dim3A_130 = vector.shape_cast %reduce_sum3A_116 : vector<256xf32> to vector<1x256xf32>
      %broadcast_in_dim3A_131 = vector.shape_cast %broadcast_in_dim3A_130 : vector<1x256xf32> to vector<1x256xf32>
      %broadcast_in_dim3A_132 = vector.broadcast %broadcast_in_dim3A_131 : vector<1x256xf32> to vector<8x256xf32>
      %swap3A_133 = arith.constant 0 : index
      %swap3A_134 = arith.constant 0 : index
      %swap3A_135 = vector.load %arg16[%swap3A_133, %swap3A_134] : memref<8x256xf32, #tpu.memory_space<vmem>>, vector<8x256xf32>
      tpu.vector_store %arg16[%swap3A_133, %swap3A_134], %broadcast_in_dim3A_132 {strides = array<i32>} : memref<8x256xf32, #tpu.memory_space<vmem>>, vector<8x256xf32>,
      %broadcast_in_dim3A_136 = vector.broadcast %reduce_sum3A_102 : f32 to vector<8x128xf32>
      %swap3A_137 = arith.constant 0 : index
      %swap3A_138 = arith.constant 0 : index
      %swap3A_139 = vector.load %arg17[%swap3A_137, %swap3A_138] : memref<8x128xf32, #tpu.memory_space<vmem>>, vector<8x128xf32>
      tpu.vector_store %arg17[%swap3A_137, %swap3A_138], %broadcast_in_dim3A_136 {strides = array<i32>} : memref<8x128xf32, #tpu.memory_space<vmem>>, vector<8x128xf32>,
    } else {
    }
    %gt3A_119 = arith.constant 0 : i32
    %gt3A_120 = arith.cmpi sgt, %arg0, %gt3A_119 : i32
    %convert_element_type3A_121 = arith.extui %gt3A_120 : i1 to i32
    %cond3A_122 = arith.constant 0 : i32
    %cond3A_123 = arith.cmpi ne, %convert_element_type3A_121, %cond3A_122 : i32
    scf.if %cond3A_123 {
      %get3A_124 = arith.constant 0 : index
      %get3A_125 = arith.constant 0 : index
      %get3A_126 = vector.load %arg17[%get3A_124, %get3A_125] : memref<8x128xf32, #tpu.memory_space<vmem>>, vector<1x1xf32>
      %get3A_127 = vector.extract %get3A_126[0, 0] : f32 from vector<1x1xf32>
      %get3A_128 = arith.constant 0 : index
      %get3A_129 = arith.constant 0 : index
      %get3A_130 = vector.load %arg15[%get3A_128, %get3A_129] : memref<8x256xf32, #tpu.memory_space<vmem>>, vector<1x256xf32>
      %get3A_131 = vector.shape_cast %get3A_130 : vector<1x256xf32> to vector<256xf32>
      %get3A_132 = arith.constant 0 : index
      %get3A_133 = arith.constant 0 : index
      %get3A_134 = vector.load %arg16[%get3A_132, %get3A_133] : memref<8x256xf32, #tpu.memory_space<vmem>>, vector<1x256xf32>
      %get3A_135 = vector.shape_cast %get3A_134 : vector<1x256xf32> to vector<256xf32>
      %add3A_136 = arith.addf %get3A_127, %reduce_sum3A_102 : f32
      %sub3A_137 = arith.subf %div3A_108, %get3A_131 : vector<256xf32>
      %div3A_138 = arith.divf %reduce_sum3A_102, %add3A_136 : f32
      %mul3A_139 = vector.broadcast %div3A_138 : f32 to vector<256xf32>
      %mul3A_140 = arith.mulf %sub3A_137, %mul3A_139 : vector<256xf32>
      %add3A_141 = arith.addf %get3A_131, %mul3A_140 : vector<256xf32>
      %broadcast_in_dim3A_142 = vector.shape_cast %add3A_141 : vector<256xf32> to vector<1x256xf32>
      %broadcast_in_dim3A_143 = vector.shape_cast %broadcast_in_dim3A_142 : vector<1x256xf32> to vector<1x256xf32>
      %broadcast_in_dim3A_144 = vector.broadcast %broadcast_in_dim3A_143 : vector<1x256xf32> to vector<8x256xf32>
      %swap3A_145 = arith.constant 0 : index
      %swap3A_146 = arith.constant 0 : index
      %swap3A_147 = vector.load %arg15[%swap3A_145, %swap3A_146] : memref<8x256xf32, #tpu.memory_space<vmem>>, vector<8x256xf32>
      tpu.vector_store %arg15[%swap3A_145, %swap3A_146], %broadcast_in_dim3A_144 {strides = array<i32>} : memref<8x256xf32, #tpu.memory_space<vmem>>, vector<8x256xf32>,
      %add3A_148 = arith.addf %get3A_135, %reduce_sum3A_116 : vector<256xf32>
      %mul3A_149 = arith.mulf %sub3A_137, %sub3A_137 : vector<256xf32>
      %mul3A_150 = arith.mulf %get3A_127, %reduce_sum3A_102 : f32
      %div3A_151 = arith.divf %mul3A_150, %add3A_136 : f32
      %mul3A_152 = vector.broadcast %div3A_151 : f32 to vector<256xf32>
      %mul3A_153 = arith.mulf %mul3A_149, %mul3A_152 : vector<256xf32>
      %add3A_154 = arith.addf %add3A_148, %mul3A_153 : vector<256xf32>
      %broadcast_in_dim3A_155 = vector.shape_cast %add3A_154 : vector<256xf32> to vector<1x256xf32>
      %broadcast_in_dim3A_156 = vector.shape_cast %broadcast_in_dim3A_155 : vector<1x256xf32> to vector<1x256xf32>
      %broadcast_in_dim3A_157 = vector.broadcast %broadcast_in_dim3A_156 : vector<1x256xf32> to vector<8x256xf32>
      %swap3A_158 = arith.constant 0 : index
      %swap3A_159 = arith.constant 0 : index
      %swap3A_160 = vector.load %arg16[%swap3A_158, %swap3A_159] : memref<8x256xf32, #tpu.memory_space<vmem>>, vector<8x256xf32>
      tpu.vector_store %arg16[%swap3A_158, %swap3A_159], %broadcast_in_dim3A_157 {strides = array<i32>} : memref<8x256xf32, #tpu.memory_space<vmem>>, vector<8x256xf32>,
      %broadcast_in_dim3A_161 = vector.broadcast %add3A_136 : f32 to vector<8x128xf32>
      %swap3A_162 = arith.constant 0 : index
      %swap3A_163 = arith.constant 0 : index
      %swap3A_164 = vector.load %arg17[%swap3A_162, %swap3A_163] : memref<8x128xf32, #tpu.memory_space<vmem>>, vector<8x128xf32>
      tpu.vector_store %arg17[%swap3A_162, %swap3A_163], %broadcast_in_dim3A_161 {strides = array<i32>} : memref<8x128xf32, #tpu.memory_space<vmem>>, vector<8x128xf32>,
    } else {
    }
    return
  }
  func.func @transform_0(%arg0: i32) -> (i32, i32, i32) {
    %c0_i32 = arith.constant 0 : i32
    %c0_i32_0 = arith.constant 0 : i32
    %c0_i32_1 = arith.constant 0 : i32
    return %arg0, %c0_i32, %c0_i32_0 : i32, i32, i32
  }
  func.func @transform_1(%arg0: i32) -> (i32, i32) {
    %c0_i32 = arith.constant 0 : i32
    %c0_i32_0 = arith.constant 0 : i32
    return %arg0, %c0_i32 : i32, i32
  }
  func.func @transform_2(%arg0: i32) -> (i32, i32) {
    %c0_i32 = arith.constant 0 : i32
    %c0_i32_0 = arith.constant 0 : i32
    return %arg0, %c0_i32 : i32, i32
  }
  func.func @transform_3(%arg0: i32) -> (i32, i32) {
    %c0_i32 = arith.constant 0 : i32
    %c0_i32_0 = arith.constant 0 : i32
    %c0_i32_1 = arith.constant 0 : i32
    return %c0_i32, %c0_i32_0 : i32, i32
  }
  func.func @transform_4(%arg0: i32) -> (i32, i32) {
    %c0_i32 = arith.constant 0 : i32
    %c0_i32_0 = arith.constant 0 : i32
    %c0_i32_1 = arith.constant 0 : i32
    return %c0_i32, %c0_i32_0 : i32, i32
  }
  func.func @transform_5(%arg0: i32) -> (i32, i32) {
    %c0_i32 = arith.constant 0 : i32
    %c0_i32_0 = arith.constant 0 : i32
    %c0_i32_1 = arith.constant 0 : i32
    return %c0_i32, %c0_i32_0 : i32, i32
  }
  func.func @transform_6(%arg0: i32) -> (i32, i32) {
    %c0_i32 = arith.constant 0 : i32
    %c0_i32_0 = arith.constant 0 : i32
    %c0_i32_1 = arith.constant 0 : i32
    return %c0_i32, %c0_i32_0 : i32, i32
  }
  func.func @transform_7(%arg0: i32) -> (i32, i32) {
    %c0_i32 = arith.constant 0 : i32
    %c0_i32_0 = arith.constant 0 : i32
    %c0_i32_1 = arith.constant 0 : i32
    return %c0_i32, %c0_i32_0 : i32, i32
  }
  func.func @transform_8(%arg0: i32) -> (i32, i32) {
    %c0_i32 = arith.constant 0 : i32
    %c0_i32_0 = arith.constant 0 : i32
    %c0_i32_1 = arith.constant 0 : i32
    return %c0_i32, %c0_i32_0 : i32, i32
  }
  func.func @transform_9(%arg0: i32) -> (i32, i32) {
    %c0_i32 = arith.constant 0 : i32
    %c0_i32_0 = arith.constant 0 : i32
    %c0_i32_1 = arith.constant 0 : i32
    return %c0_i32, %c0_i32_0 : i32, i32
  }
  func.func @transform_10(%arg0: i32) -> (i32, i32) {
    %c0_i32 = arith.constant 0 : i32
    %c0_i32_0 = arith.constant 0 : i32
    %c0_i32_1 = arith.constant 0 : i32
    return %c0_i32, %c0_i32_0 : i32, i32
  }
  func.func @transform_11(%arg0: i32) -> (i32, i32) {
    %c0_i32 = arith.constant 0 : i32
    %c0_i32_0 = arith.constant 0 : i32
    %c0_i32_1 = arith.constant 0 : i32
    return %c0_i32, %c0_i32_0 : i32, i32
  }
  func.func @transform_12(%arg0: i32) -> (i32, i32) {
    %c0_i32 = arith.constant 0 : i32
    %c0_i32_0 = arith.constant 0 : i32
    return %arg0, %c0_i32 : i32, i32
  }
  func.func @transform_13(%arg0: i32) -> (i32, i32) {
    %c0_i32 = arith.constant 0 : i32
    %c0_i32_0 = arith.constant 0 : i32
    return %arg0, %c0_i32 : i32, i32
  }
  func.func @transform_14(%arg0: i32) -> (i32, i32) {
    %c0_i32 = arith.constant 0 : i32
    %c0_i32_0 = arith.constant 0 : i32
    %c0_i32_1 = arith.constant 0 : i32
    return %c0_i32, %c0_i32_0 : i32, i32
  }
  func.func @transform_15(%arg0: i32) -> (i32, i32) {
    %c0_i32 = arith.constant 0 : i32
    %c0_i32_0 = arith.constant 0 : i32
    %c0_i32_1 = arith.constant 0 : i32
    return %c0_i32, %c0_i32_0 : i32, i32
  }
  func.func @transform_16(%arg0: i32) -> (i32, i32) {
    %c0_i32 = arith.constant 0 : i32
    %c0_i32_0 = arith.constant 0 : i32
    %c0_i32_1 = arith.constant 0 : i32
    return %c0_i32, %c0_i32_0 : i32, i32
  }
}

module attributes {stable_mosaic.version = 14 : i64} {
  func.func @_m3_kernel(%arg0: i32, %arg1: memref<256x256xf32, #tpu.memory_space<vmem>>, %arg2: memref<256x256xf32, #tpu.memory_space<vmem>>, %arg3: memref<8x256xf32, #tpu.memory_space<vmem>>, %arg4: memref<8x256xf32, #tpu.memory_space<vmem>>, %arg5: memref<8x128xf32, #tpu.memory_space<vmem>>, %arg6: memref<1x256xf32, #tpu.memory_space<vmem>>, %arg7: memref<1x256xf32, #tpu.memory_space<vmem>>, %arg8: memref<256x256xf32, #tpu.memory_space<vmem>>) attributes {dimension_semantics = [#tpu.dimension_semantics<arbitrary>], iteration_bounds = array<i64: 16>, scalar_prefetch = 0 : i64, scratch_operands = 0 : i64, tpu.core_type = #tpu.core_type<tc>, window_params = [{transform_indices = @transform_0, window_bounds = array<i64: 256, 256>}, {transform_indices = @transform_1, window_bounds = array<i64: 256, 256>}, {pipeline_mode = #tpu.pipeline_mode<synchronous>, transform_indices = @transform_2, window_bounds = array<i64: 8, 256>}, {pipeline_mode = #tpu.pipeline_mode<synchronous>, transform_indices = @transform_3, window_bounds = array<i64: 8, 256>}, {pipeline_mode = #tpu.pipeline_mode<synchronous>, transform_indices = @transform_4, window_bounds = array<i64: 8, 128>}, {pipeline_mode = #tpu.pipeline_mode<synchronous>, transform_indices = @transform_5, window_bounds = array<i64: 1, 256>}, {pipeline_mode = #tpu.pipeline_mode<synchronous>, transform_indices = @transform_6, window_bounds = array<i64: 1, 256>}, {transform_indices = @transform_7, window_bounds = array<i64: 256, 256>}]} {
    %get3A = arith.constant 0 : index
    %get3A_0 = arith.constant 0 : index
    %get3A_1 = vector.load %arg5[%get3A, %get3A_0] : memref<8x128xf32, #tpu.memory_space<vmem>>, vector<1x1xf32>
    %get3A_2 = vector.extract %get3A_1[0, 0] : f32 from vector<1x1xf32>
    %max3A = arith.constant 1.000000e+00 : f32
    %max3A_3 = arith.maximumf %get3A_2, %max3A : f32
    %get3A_4 = arith.constant 0 : index
    %get3A_5 = arith.constant 0 : index
    %get3A_6 = vector.load %arg3[%get3A_4, %get3A_5] : memref<8x256xf32, #tpu.memory_space<vmem>>, vector<1x256xf32>
    %get3A_7 = vector.shape_cast %get3A_6 : vector<1x256xf32> to vector<256xf32>
    %get3A_8 = arith.constant 0 : index
    %get3A_9 = arith.constant 0 : index
    %get3A_10 = vector.load %arg4[%get3A_8, %get3A_9] : memref<8x256xf32, #tpu.memory_space<vmem>>, vector<1x256xf32>
    %get3A_11 = vector.shape_cast %get3A_10 : vector<1x256xf32> to vector<256xf32>
    %get3A_12 = arith.constant 0 : index
    %get3A_13 = arith.constant 0 : index
    %get3A_14 = vector.load %arg6[%get3A_12, %get3A_13] : memref<1x256xf32, #tpu.memory_space<vmem>>, vector<1x256xf32>
    %get3A_15 = vector.shape_cast %get3A_14 : vector<1x256xf32> to vector<256xf32>
    %get3A_16 = arith.constant 0 : index
    %get3A_17 = arith.constant 0 : index
    %get3A_18 = vector.load %arg7[%get3A_16, %get3A_17] : memref<1x256xf32, #tpu.memory_space<vmem>>, vector<1x256xf32>
    %get3A_19 = vector.shape_cast %get3A_18 : vector<1x256xf32> to vector<256xf32>
    %div3A = vector.broadcast %max3A_3 : f32 to vector<256xf32>
    %div3A_20 = arith.divf %get3A_11, %div3A : vector<256xf32>
    %add3A = arith.constant 9.99999974E-6 : f32
    %add3A_21 = vector.broadcast %add3A : f32 to vector<256xf32>
    %add3A_22 = arith.addf %div3A_20, %add3A_21 : vector<256xf32>
    %sqrt3A = math.sqrt %add3A_22 : vector<256xf32>
    %div3A_23 = arith.divf %get3A_15, %sqrt3A : vector<256xf32>
    %gt3A = arith.constant 0.000000e+00 : f32
    %gt3A_24 = vector.broadcast %gt3A : f32 to vector<256xf32>
    %gt3A_25 = arith.cmpf ogt, %div3A_23, %gt3A_24 : vector<256xf32>
    %get3A_26 = arith.constant 0 : index
    %get3A_27 = arith.constant 0 : index
    %get3A_28 = vector.load %arg1[%get3A_26, %get3A_27] : memref<256x256xf32, #tpu.memory_space<vmem>>, vector<256x256xf32>
    %get3A_29 = arith.constant 0 : index
    %get3A_30 = arith.constant 0 : index
    %get3A_31 = vector.load %arg2[%get3A_29, %get3A_30] : memref<256x256xf32, #tpu.memory_space<vmem>>, vector<256x256xf32>
    %broadcast_in_dim3A = vector.shape_cast %gt3A_25 : vector<256xi1> to vector<1x256xi1>
    %broadcast_in_dim3A_32 = vector.broadcast %broadcast_in_dim3A : vector<1x256xi1> to vector<256x256xi1>
    %select_n3A = arith.select %broadcast_in_dim3A_32, %get3A_28, %get3A_31 : vector<256x256xi1>, vector<256x256xf32>
    %broadcast_in_dim3A_33 = vector.shape_cast %get3A_7 : vector<256xf32> to vector<1x256xf32>
    %sub3A = vector.broadcast %broadcast_in_dim3A_33 : vector<1x256xf32> to vector<256x256xf32>
    %sub3A_34 = arith.subf %select_n3A, %sub3A : vector<256x256xf32>
    %broadcast_in_dim3A_35 = vector.shape_cast %div3A_23 : vector<256xf32> to vector<1x256xf32>
    %mul3A = vector.broadcast %broadcast_in_dim3A_35 : vector<1x256xf32> to vector<256x256xf32>
    %mul3A_36 = arith.mulf %sub3A_34, %mul3A : vector<256x256xf32>
    %broadcast_in_dim3A_37 = vector.shape_cast %get3A_19 : vector<256xf32> to vector<1x256xf32>
    %add3A_38 = vector.broadcast %broadcast_in_dim3A_37 : vector<1x256xf32> to vector<256x256xf32>
    %add3A_39 = arith.addf %mul3A_36, %add3A_38 : vector<256x256xf32>
    %max3A_40 = arith.constant 0.000000e+00 : f32
    %max3A_41 = vector.broadcast %max3A_40 : f32 to vector<256x256xf32>
    %max3A_42 = arith.maximumf %add3A_39, %max3A_41 : vector<256x256xf32>
    %swap3A = arith.constant 0 : index
    %swap3A_43 = arith.constant 0 : index
    %swap3A_44 = vector.load %arg8[%swap3A, %swap3A_43] : memref<256x256xf32, #tpu.memory_space<vmem>>, vector<256x256xf32>
    tpu.vector_store %arg8[%swap3A, %swap3A_43], %max3A_42 {strides = array<i32>} : memref<256x256xf32, #tpu.memory_space<vmem>>, vector<256x256xf32>,
    return
  }
  func.func @transform_0(%arg0: i32) -> (i32, i32) {
    %c0_i32 = arith.constant 0 : i32
    %c0_i32_0 = arith.constant 0 : i32
    return %arg0, %c0_i32 : i32, i32
  }
  func.func @transform_1(%arg0: i32) -> (i32, i32) {
    %c0_i32 = arith.constant 0 : i32
    %c0_i32_0 = arith.constant 0 : i32
    return %arg0, %c0_i32 : i32, i32
  }
  func.func @transform_2(%arg0: i32) -> (i32, i32) {
    %c0_i32 = arith.constant 0 : i32
    %c0_i32_0 = arith.constant 0 : i32
    %c0_i32_1 = arith.constant 0 : i32
    return %c0_i32, %c0_i32_0 : i32, i32
  }
  func.func @transform_3(%arg0: i32) -> (i32, i32) {
    %c0_i32 = arith.constant 0 : i32
    %c0_i32_0 = arith.constant 0 : i32
    %c0_i32_1 = arith.constant 0 : i32
    return %c0_i32, %c0_i32_0 : i32, i32
  }
  func.func @transform_4(%arg0: i32) -> (i32, i32) {
    %c0_i32 = arith.constant 0 : i32
    %c0_i32_0 = arith.constant 0 : i32
    %c0_i32_1 = arith.constant 0 : i32
    return %c0_i32, %c0_i32_0 : i32, i32
  }
  func.func @transform_5(%arg0: i32) -> (i32, i32) {
    %c0_i32 = arith.constant 0 : i32
    %c0_i32_0 = arith.constant 0 : i32
    %c0_i32_1 = arith.constant 0 : i32
    return %c0_i32, %c0_i32_0 : i32, i32
  }
  func.func @transform_6(%arg0: i32) -> (i32, i32) {
    %c0_i32 = arith.constant 0 : i32
    %c0_i32_0 = arith.constant 0 : i32
    %c0_i32_1 = arith.constant 0 : i32
    return %c0_i32, %c0_i32_0 : i32, i32
  }
  func.func @transform_7(%arg0: i32) -> (i32, i32) {
    %c0_i32 = arith.constant 0 : i32
    %c0_i32_0 = arith.constant 0 : i32
    return %arg0, %c0_i32 : i32, i32
  }
}

module attributes {stable_mosaic.version = 14 : i64} {
  func.func @_ga_head_kernel(%arg0: memref<4096x259xf32, #tpu.memory_space<vmem>>, %arg1: memref<259x512xf32, #tpu.memory_space<vmem>>, %arg2: memref<512xf32, #tpu.memory_space<vmem>>, %arg3: memref<512xf32, #tpu.memory_space<vmem>>, %arg4: memref<512xf32, #tpu.memory_space<vmem>>, %arg5: memref<512x1024xf32, #tpu.memory_space<vmem>>, %arg6: memref<1024xf32, #tpu.memory_space<vmem>>, %arg7: memref<1024xf32, #tpu.memory_space<vmem>>, %arg8: memref<1024xf32, #tpu.memory_space<vmem>>, %arg9: memref<1024x512xf32, #tpu.memory_space<vmem>>, %arg10: memref<512xf32, #tpu.memory_space<vmem>>, %arg11: memref<512x256xf32, #tpu.memory_space<vmem>>, %arg12: memref<256xf32, #tpu.memory_space<vmem>>, %arg13: memref<256x40xf32, #tpu.memory_space<vmem>>, %arg14: memref<40xf32, #tpu.memory_space<vmem>>, %arg15: memref<16x40xf32, #tpu.memory_space<vmem>>) attributes {dimension_semantics = [], scalar_prefetch = 0 : i64, scratch_operands = 0 : i64, tpu.core_type = #tpu.core_type<tc>} {
    %get3A = arith.constant 0 : index
    %get3A_0 = arith.constant 0 : index
    %get3A_1 = vector.load %arg0[%get3A, %get3A_0] : memref<4096x259xf32, #tpu.memory_space<vmem>>, vector<4096x259xf32>
    %get3A_2 = arith.constant 0 : index
    %get3A_3 = arith.constant 0 : index
    %get3A_4 = vector.load %arg1[%get3A_2, %get3A_3] : memref<259x512xf32, #tpu.memory_space<vmem>>, vector<259x512xf32>
    %dot_general3A = arith.constant dense<0.000000e+00> : vector<4096x512xf32>
    %dot_general3A_5 = tpu.matmul %get3A_1, %get3A_4, %dot_general3A {dimension_numbers = #tpu.dot_dimension_numbers<[1], [0], [0], [1], [0, 0, 1, 1], [], []>, transpose_lhs_hint = false} : vector<4096x259xf32>, vector<259x512xf32>, vector<4096x512xf32> -> vector<4096x512xf32>
    %get3A_6 = arith.constant 0 : index
    %get3A_7 = vector.load %arg2[%get3A_6] : memref<512xf32, #tpu.memory_space<vmem>>, vector<512xf32>
    %broadcast_in_dim3A = vector.shape_cast %get3A_7 : vector<512xf32> to vector<1x512xf32>
    %add3A = vector.broadcast %broadcast_in_dim3A : vector<1x512xf32> to vector<4096x512xf32>
    %add3A_8 = arith.addf %dot_general3A_5, %add3A : vector<4096x512xf32>
    %reduce_sum3A = arith.constant dense<0.000000e+00> : vector<512xf32>
    %reduce_sum3A_9 = vector.multi_reduction <add>, %add3A_8, %reduce_sum3A [0] : vector<4096x512xf32> to vector<512xf32>
    %div3A = arith.constant 4.096000e+03 : f32
    %div3A_10 = vector.broadcast %div3A : f32 to vector<512xf32>
    %div3A_11 = arith.divf %reduce_sum3A_9, %div3A_10 : vector<512xf32>
    %broadcast_in_dim3A_12 = vector.shape_cast %div3A_11 : vector<512xf32> to vector<1x512xf32>
    %sub3A = vector.broadcast %broadcast_in_dim3A_12 : vector<1x512xf32> to vector<4096x512xf32>
    %sub3A_13 = arith.subf %add3A_8, %sub3A : vector<4096x512xf32>
    %integer_pow3A = arith.mulf %sub3A_13, %sub3A_13 : vector<4096x512xf32>
    %reduce_sum3A_14 = arith.constant dense<0.000000e+00> : vector<512xf32>
    %reduce_sum3A_15 = vector.multi_reduction <add>, %integer_pow3A, %reduce_sum3A_14 [0] : vector<4096x512xf32> to vector<512xf32>
    %div3A_16 = arith.constant 4.096000e+03 : f32
    %div3A_17 = vector.broadcast %div3A_16 : f32 to vector<512xf32>
    %div3A_18 = arith.divf %reduce_sum3A_15, %div3A_17 : vector<512xf32>
    %broadcast_in_dim3A_19 = vector.shape_cast %div3A_11 : vector<512xf32> to vector<1x512xf32>
    %sub3A_20 = vector.broadcast %broadcast_in_dim3A_19 : vector<1x512xf32> to vector<4096x512xf32>
    %sub3A_21 = arith.subf %add3A_8, %sub3A_20 : vector<4096x512xf32>
    %add3A_22 = arith.constant 9.99999974E-6 : f32
    %add3A_23 = vector.broadcast %add3A_22 : f32 to vector<512xf32>
    %add3A_24 = arith.addf %div3A_18, %add3A_23 : vector<512xf32>
    %sqrt3A = math.sqrt %add3A_24 : vector<512xf32>
    %broadcast_in_dim3A_25 = vector.shape_cast %sqrt3A : vector<512xf32> to vector<1x512xf32>
    %div3A_26 = vector.broadcast %broadcast_in_dim3A_25 : vector<1x512xf32> to vector<4096x512xf32>
    %div3A_27 = arith.divf %sub3A_21, %div3A_26 : vector<4096x512xf32>
    %get3A_28 = arith.constant 0 : index
    %get3A_29 = vector.load %arg3[%get3A_28] : memref<512xf32, #tpu.memory_space<vmem>>, vector<512xf32>
    %broadcast_in_dim3A_30 = vector.shape_cast %get3A_29 : vector<512xf32> to vector<1x512xf32>
    %mul3A = vector.broadcast %broadcast_in_dim3A_30 : vector<1x512xf32> to vector<4096x512xf32>
    %mul3A_31 = arith.mulf %div3A_27, %mul3A : vector<4096x512xf32>
    %get3A_32 = arith.constant 0 : index
    %get3A_33 = vector.load %arg4[%get3A_32] : memref<512xf32, #tpu.memory_space<vmem>>, vector<512xf32>
    %broadcast_in_dim3A_34 = vector.shape_cast %get3A_33 : vector<512xf32> to vector<1x512xf32>
    %add3A_35 = vector.broadcast %broadcast_in_dim3A_34 : vector<1x512xf32> to vector<4096x512xf32>
    %add3A_36 = arith.addf %mul3A_31, %add3A_35 : vector<4096x512xf32>
    %max3A = arith.constant 0.000000e+00 : f32
    %max3A_37 = vector.broadcast %max3A : f32 to vector<4096x512xf32>
    %max3A_38 = arith.maximumf %add3A_36, %max3A_37 : vector<4096x512xf32>
    %get3A_39 = arith.constant 0 : index
    %get3A_40 = arith.constant 0 : index
    %get3A_41 = vector.load %arg5[%get3A_39, %get3A_40] : memref<512x1024xf32, #tpu.memory_space<vmem>>, vector<512x1024xf32>
    %dot_general3A_42 = arith.constant dense<0.000000e+00> : vector<4096x1024xf32>
    %dot_general3A_43 = tpu.matmul %max3A_38, %get3A_41, %dot_general3A_42 {dimension_numbers = #tpu.dot_dimension_numbers<[1], [0], [0], [1], [0, 0, 1, 1], [], []>, transpose_lhs_hint = false} : vector<4096x512xf32>, vector<512x1024xf32>, vector<4096x1024xf32> -> vector<4096x1024xf32>
    %get3A_44 = arith.constant 0 : index
    %get3A_45 = vector.load %arg6[%get3A_44] : memref<1024xf32, #tpu.memory_space<vmem>>, vector<1024xf32>
    %broadcast_in_dim3A_46 = vector.shape_cast %get3A_45 : vector<1024xf32> to vector<1x1024xf32>
    %add3A_47 = vector.broadcast %broadcast_in_dim3A_46 : vector<1x1024xf32> to vector<4096x1024xf32>
    %add3A_48 = arith.addf %dot_general3A_43, %add3A_47 : vector<4096x1024xf32>
    %reduce_sum3A_49 = arith.constant dense<0.000000e+00> : vector<1024xf32>
    %reduce_sum3A_50 = vector.multi_reduction <add>, %add3A_48, %reduce_sum3A_49 [0] : vector<4096x1024xf32> to vector<1024xf32>
    %div3A_51 = arith.constant 4.096000e+03 : f32
    %div3A_52 = vector.broadcast %div3A_51 : f32 to vector<1024xf32>
    %div3A_53 = arith.divf %reduce_sum3A_50, %div3A_52 : vector<1024xf32>
    %broadcast_in_dim3A_54 = vector.shape_cast %div3A_53 : vector<1024xf32> to vector<1x1024xf32>
    %sub3A_55 = vector.broadcast %broadcast_in_dim3A_54 : vector<1x1024xf32> to vector<4096x1024xf32>
    %sub3A_56 = arith.subf %add3A_48, %sub3A_55 : vector<4096x1024xf32>
    %integer_pow3A_57 = arith.mulf %sub3A_56, %sub3A_56 : vector<4096x1024xf32>
    %reduce_sum3A_58 = arith.constant dense<0.000000e+00> : vector<1024xf32>
    %reduce_sum3A_59 = vector.multi_reduction <add>, %integer_pow3A_57, %reduce_sum3A_58 [0] : vector<4096x1024xf32> to vector<1024xf32>
    %div3A_60 = arith.constant 4.096000e+03 : f32
    %div3A_61 = vector.broadcast %div3A_60 : f32 to vector<1024xf32>
    %div3A_62 = arith.divf %reduce_sum3A_59, %div3A_61 : vector<1024xf32>
    %broadcast_in_dim3A_63 = vector.shape_cast %div3A_53 : vector<1024xf32> to vector<1x1024xf32>
    %sub3A_64 = vector.broadcast %broadcast_in_dim3A_63 : vector<1x1024xf32> to vector<4096x1024xf32>
    %sub3A_65 = arith.subf %add3A_48, %sub3A_64 : vector<4096x1024xf32>
    %add3A_66 = arith.constant 9.99999974E-6 : f32
    %add3A_67 = vector.broadcast %add3A_66 : f32 to vector<1024xf32>
    %add3A_68 = arith.addf %div3A_62, %add3A_67 : vector<1024xf32>
    %sqrt3A_69 = math.sqrt %add3A_68 : vector<1024xf32>
    %broadcast_in_dim3A_70 = vector.shape_cast %sqrt3A_69 : vector<1024xf32> to vector<1x1024xf32>
    %div3A_71 = vector.broadcast %broadcast_in_dim3A_70 : vector<1x1024xf32> to vector<4096x1024xf32>
    %div3A_72 = arith.divf %sub3A_65, %div3A_71 : vector<4096x1024xf32>
    %get3A_73 = arith.constant 0 : index
    %get3A_74 = vector.load %arg7[%get3A_73] : memref<1024xf32, #tpu.memory_space<vmem>>, vector<1024xf32>
    %broadcast_in_dim3A_75 = vector.shape_cast %get3A_74 : vector<1024xf32> to vector<1x1024xf32>
    %mul3A_76 = vector.broadcast %broadcast_in_dim3A_75 : vector<1x1024xf32> to vector<4096x1024xf32>
    %mul3A_77 = arith.mulf %div3A_72, %mul3A_76 : vector<4096x1024xf32>
    %get3A_78 = arith.constant 0 : index
    %get3A_79 = vector.load %arg8[%get3A_78] : memref<1024xf32, #tpu.memory_space<vmem>>, vector<1024xf32>
    %broadcast_in_dim3A_80 = vector.shape_cast %get3A_79 : vector<1024xf32> to vector<1x1024xf32>
    %add3A_81 = vector.broadcast %broadcast_in_dim3A_80 : vector<1x1024xf32> to vector<4096x1024xf32>
    %add3A_82 = arith.addf %mul3A_77, %add3A_81 : vector<4096x1024xf32>
    %max3A_83 = arith.constant 0.000000e+00 : f32
    %max3A_84 = vector.broadcast %max3A_83 : f32 to vector<4096x1024xf32>
    %max3A_85 = arith.maximumf %add3A_82, %max3A_84 : vector<4096x1024xf32>
    %reshape3A = vector.shape_cast %max3A_85 : vector<4096x1024xf32> to vector<16x256x1024xf32>
    %reduce_max3A = arith.constant dense<0xFF800000> : vector<16x1024xf32>
    %reduce_max3A_86 = vector.multi_reduction <maximumf>, %reshape3A, %reduce_max3A [1] : vector<16x256x1024xf32> to vector<16x1024xf32>
    %get3A_87 = arith.constant 0 : index
    %get3A_88 = arith.constant 0 : index
    %get3A_89 = vector.load %arg9[%get3A_87, %get3A_88] : memref<1024x512xf32, #tpu.memory_space<vmem>>, vector<1024x512xf32>
    %dot_general3A_90 = arith.constant dense<0.000000e+00> : vector<16x512xf32>
    %dot_general3A_91 = tpu.matmul %reduce_max3A_86, %get3A_89, %dot_general3A_90 {dimension_numbers = #tpu.dot_dimension_numbers<[1], [0], [0], [1], [0, 0, 1, 1], [], []>, transpose_lhs_hint = false} : vector<16x1024xf32>, vector<1024x512xf32>, vector<16x512xf32> -> vector<16x512xf32>
    %get3A_92 = arith.constant 0 : index
    %get3A_93 = vector.load %arg10[%get3A_92] : memref<512xf32, #tpu.memory_space<vmem>>, vector<512xf32>
    %broadcast_in_dim3A_94 = vector.shape_cast %get3A_93 : vector<512xf32> to vector<1x512xf32>
    %add3A_95 = vector.broadcast %broadcast_in_dim3A_94 : vector<1x512xf32> to vector<16x512xf32>
    %add3A_96 = arith.addf %dot_general3A_91, %add3A_95 : vector<16x512xf32>
    %max3A_97 = arith.constant 0.000000e+00 : f32
    %max3A_98 = vector.broadcast %max3A_97 : f32 to vector<16x512xf32>
    %max3A_99 = arith.maximumf %add3A_96, %max3A_98 : vector<16x512xf32>
    %get3A_100 = arith.constant 0 : index
    %get3A_101 = arith.constant 0 : index
    %get3A_102 = vector.load %arg11[%get3A_100, %get3A_101] : memref<512x256xf32, #tpu.memory_space<vmem>>, vector<512x256xf32>
    %dot_general3A_103 = arith.constant dense<0.000000e+00> : vector<16x256xf32>
    %dot_general3A_104 = tpu.matmul %max3A_99, %get3A_102, %dot_general3A_103 {dimension_numbers = #tpu.dot_dimension_numbers<[1], [0], [0], [1], [0, 0, 1, 1], [], []>, transpose_lhs_hint = false} : vector<16x512xf32>, vector<512x256xf32>, vector<16x256xf32> -> vector<16x256xf32>
    %get3A_105 = arith.constant 0 : index
    %get3A_106 = vector.load %arg12[%get3A_105] : memref<256xf32, #tpu.memory_space<vmem>>, vector<256xf32>
    %broadcast_in_dim3A_107 = vector.shape_cast %get3A_106 : vector<256xf32> to vector<1x256xf32>
    %add3A_108 = vector.broadcast %broadcast_in_dim3A_107 : vector<1x256xf32> to vector<16x256xf32>
    %add3A_109 = arith.addf %dot_general3A_104, %add3A_108 : vector<16x256xf32>
    %max3A_110 = arith.constant 0.000000e+00 : f32
    %max3A_111 = vector.broadcast %max3A_110 : f32 to vector<16x256xf32>
    %max3A_112 = arith.maximumf %add3A_109, %max3A_111 : vector<16x256xf32>
    %get3A_113 = arith.constant 0 : index
    %get3A_114 = arith.constant 0 : index
    %get3A_115 = vector.load %arg13[%get3A_113, %get3A_114] : memref<256x40xf32, #tpu.memory_space<vmem>>, vector<256x40xf32>
    %dot_general3A_116 = arith.constant dense<0.000000e+00> : vector<16x40xf32>
    %dot_general3A_117 = tpu.matmul %max3A_112, %get3A_115, %dot_general3A_116 {dimension_numbers = #tpu.dot_dimension_numbers<[1], [0], [0], [1], [0, 0, 1, 1], [], []>, transpose_lhs_hint = false} : vector<16x256xf32>, vector<256x40xf32>, vector<16x40xf32> -> vector<16x40xf32>
    %get3A_118 = arith.constant 0 : index
    %get3A_119 = vector.load %arg14[%get3A_118] : memref<40xf32, #tpu.memory_space<vmem>>, vector<40xf32>
    %broadcast_in_dim3A_120 = vector.shape_cast %get3A_119 : vector<40xf32> to vector<1x40xf32>
    %add3A_121 = vector.broadcast %broadcast_in_dim3A_120 : vector<1x40xf32> to vector<16x40xf32>
    %add3A_122 = arith.addf %dot_general3A_117, %add3A_121 : vector<16x40xf32>
    %swap3A = arith.constant 0 : index
    %swap3A_123 = arith.constant 0 : index
    %swap3A_124 = vector.load %arg15[%swap3A, %swap3A_123] : memref<16x40xf32, #tpu.memory_space<vmem>>, vector<16x40xf32>
    tpu.vector_store %arg15[%swap3A, %swap3A_123], %add3A_122 {strides = array<i32>} : memref<16x40xf32, #tpu.memory_space<vmem>>, vector<16x40xf32>,
    return
  }
}

</mosaic_0001>

<sc_bundles>
// kernel: kernel.15.cloned.1.call-start
scs
__scs_entry_jumppad:
0x0: {  	(pc) =	sbr.rel $0x88, $3  }
0x1: {  	(tag) =	ssettag $0x0;
	lr =	simm.s32 $0x1  }
0x2: {  	[smem:$0x3F81] =	sst lr;
	_ =	strace $0xD0000000  }
0x3: {  	_ = 	snop  }
0x4: {  	_ = 	snop  }
0x5: {  	_ = 	snop  }
0x6: {  	_ = 	snop  }
0x7: {  	_ = 	snop  }
__scs_overlays_trampoline_lowered:
0x8: {  	[smem:$0x3F90] =	sst s0  }
0x9: {  	[smem:$0x3F91] =	sst s1  }
0xa: {  	[smem:$0x3F92] =	sst s2  }
0xb: {  	[smem:$0x3F93] =	sst s3  }
0xc: {  	[smem:$0x3F94] =	sst s4  }
0xd: {  	[smem:$0x3F95] =	sst s5  }
0xe: {  	[smem:$0x3F96] =	sst s6  }
0xf: {  	[smem:$0x3F97] =	sst s7  }
0x10: {  	[smem:$0x3F98] =	sst s8  }
0x11: {  	[smem:$0x3F99] =	sst s9;
	s0 =	simm.s32 @!p0 $0x0  }
0x12: {  	s1 =	sld [smem:$0x3F7F];
	s0 =	simm.s32 @p0 $0x1  }
0x13: {  	[smem:$0x3F9A] =	sst s0;
	s0 =	simm.s32 @!p1 $0x0  }
0x14: {  	s2 =	sld [smem:$0x3F7E];
	s0 =	simm.s32 @p1 $0x1  }
0x15: {  	[smem:$0x3F9B] =	sst s0;
	s0 =	simm.s32 @!p2 $0x0  }
0x16: {  	s3 =	sld [smem:$0x3FDB];
	s0 =	simm.s32 @p2 $0x1  }
0x17: {  	s4 =	simm.s32 $0x1BF5;
	[smem:$0x3F9D] =	sst s0  }
0x18: {  	s0 =	sld [smem:$0x3F80];
	_ =	swait.ge [sflag:s4], $0x0  }
0x19: {  	s7 =	sld [smem:$0x3F81]  }
0x1a: {  	s8 =	sadd.s32 $0xFFFFE003, lr  }
0x1b: {  	s9 =	sadd.s32 $0xFFFFFEF7, lr;
	s5 =	simm.s32 $0xFFFFFFFF;
	p2 =	slt.u32 s8, $0xFFFFF086  }
0x1c: {  	p1 =	slt.u32 s9, $0xF7A;
	s5 =	simm.s32 @!p2 $0x0  }
0x1d: {  	s5 =	simm.s32 @p1 $0x1;
	p0 =	seq.s32 s7, s2  }
0x1e: {  	s7 =	smul.u32 @!p0 $0xF7A, s2;
	p2 =	seq.s32 @!p0 s5, $0x0  }
0x1f: {  	s9 =	smul.u32 $0xF7A, s1;
	s8 =	simm.s32 @!p0 $0x1BF5;
	p2 =	por !p2, p0  }
0x20: {  	[sflag:s8] =	ssyncset.s32 @!p0 $0xFFFFF086;
	s6 =	sadd.s32 @!p0 s3, s7;
	s7 =	simm.s32 @!p0 $0x108  }
0x21: {  	s3 =	sadd.s32 s3, s9;
	s6 =	sadd.s32 @!p0 $0x88, s6;
	s7 =	simm.s32 @p2 $0x1082  }
0x22: {  	[simem:s7], [sflag:s8] =	dma.local @!p0 [hbm:s6], $0xF7A  }
0x23: {  	s9 =	sor.u32 $0xD0000000, s2;
	s6 =	simm.s32 $0x108;
	_ =	swait.ge @!p0 [sflag:s8], $0x0  }
0x24: {  	s3 =	sadd.s32 $0x88, s3;
	s6 =	simm.s32 @!p1 $0x1082;
	[sflag:s4] =	ssyncset.s32 $0xFFFFF086  }
0x25: {  	[simem:s6], [sflag:s4] =	dma.local [hbm:s3], $0xF7A  }
0x26: {  	[smem:$0x3F81] =	sst s1;
	(tag) =	ssettag s2;
	_ =	strace s9  }
0x27: {  	s1 =	sld [smem:$0x3F91]  }
0x28: {  	s2 =	sld [smem:$0x3F92]  }
0x29: {  	s4 =	sld [smem:$0x3F94]  }
0x2a: {  	p0 =	seq.s32 s5, $0x0;
	s5 =	sld [smem:$0x3F95]  }
0x2b: {  	s6 =	sld [smem:$0x3F96]  }
0x2c: {  	s7 =	sld [smem:$0x3F97]  }
0x2d: {  	s3 =	simm.s32 $0x108;
	s8 =	sld [smem:$0x3F98]  }
0x2e: {  	s3 =	simm.s32 @!p0 $0x1082;
	s9 =	sld [smem:$0x3F99]  }
0x2f: {  	lr =	sadd.s32 s0, s3;
	s0 =	sld [smem:$0x3F90]  }
0x30: {  	s3 =	sld [smem:$0x3F93]  }
0x31: {  	[smem:$0x3F9C] =	sst s10  }
0x32: {  	s10 =	sld [smem:$0x3F9A];
	_ =	sdelay $0x3  }
0x33: {  	p0 =	seq.s32 s10, $0x1;
	s10 =	sld [smem:$0x3F9C];
	_ =	sdelay $0x3  }
0x34: {  	[smem:$0x3F9C] =	sst s10  }
0x35: {  	s10 =	sld [smem:$0x3F9B];
	_ =	sdelay $0x3  }
0x36: {  	p1 =	seq.s32 s10, $0x1;
	s10 =	sld [smem:$0x3F9C];
	_ =	sdelay $0x3  }
0x37: {  	[smem:$0x3F9C] =	sst s10  }
0x38: {  	s10 =	sld [smem:$0x3F9D]  }
0x39: {  	_ = 	snop;
	(pc) =	sbr.ind lr, $3  }
0x3a: {  	_ = 	snop  }
0x3b: {  	_ = 	snop  }
0x3c: {  	p2 =	seq.s32 s10, $0x1;
	s10 =	sld [smem:$0x3F9C]  }
0x3d: {  	_ =	shalt  }
0x3e: {  	_ =	shalt  }
0x3f: {  	_ =	shalt  }
0x40: {  	_ =	shalt  }
0x41: {  	_ =	shalt  }
0x42: {  	_ =	shalt  }
0x43: {  	_ =	shalt  }
0x44: {  	_ =	shalt  }
0x45: {  	_ =	shalt  }
0x46: {  	_ =	shalt  }
0x47: {  	_ =	shalt  }
0x48: {  	_ =	shalt  }
0x49: {  	_ =	shalt  }
0x4a: {  	_ =	shalt  }
0x4b: {  	_ =	shalt  }
0x4c: {  	_ =	shalt  }
0x4d: {  	_ =	shalt  }
0x4e: {  	_ =	shalt  }
0x4f: {  	_ =	shalt  }
0x50: {  	_ =	shalt  }
0x51: {  	_ =	shalt  }
0x52: {  	_ =	shalt  }
0x53: {  	_ =	shalt  }
0x54: {  	_ =	shalt  }
0x55: {  	_ =	shalt  }
0x56: {  	_ =	shalt  }
0x57: {  	_ =	shalt  }
0x58: {  	_ =	shalt  }
0x59: {  	_ =	shalt  }
0x5a: {  	_ =	shalt  }
0x5b: {  	_ =	shalt  }
0x5c: {  	_ =	shalt  }
0x5d: {  	_ =	shalt  }
0x5e: {  	_ =	shalt  }
0x5f: {  	_ =	shalt  }
0x60: {  	_ =	shalt  }
0x61: {  	_ =	shalt  }
0x62: {  	_ =	shalt  }
0x63: {  	_ =	shalt  }
0x64: {  	_ =	shalt  }
0x65: {  	_ =	shalt  }
0x66: {  	_ =	shalt  }
0x67: {  	_ =	shalt  }
0x68: {  	_ =	shalt  }
0x69: {  	_ =	shalt  }
0x6a: {  	_ =	shalt  }
0x6b: {  	_ =	shalt  }
0x6c: {  	_ =	shalt  }
0x6d: {  	_ =	shalt  }
0x6e: {  	_ =	shalt  }
0x6f: {  	_ =	shalt  }
0x70: {  	_ =	shalt  }
0x71: {  	_ =	shalt  }
0x72: {  	_ =	shalt  }
0x73: {  	_ =	shalt  }
0x74: {  	_ =	shalt  }
0x75: {  	_ =	shalt  }
0x76: {  	_ =	shalt  }
0x77: {  	_ =	shalt  }
0x78: {  	_ =	shalt  }
0x79: {  	_ =	shalt  }
0x7a: {  	_ =	shalt  }
0x7b: {  	_ =	shalt  }
0x7c: {  	_ =	shalt  }
0x7d: {  	_ =	shalt  }
0x7e: {  	_ =	shalt  }
0x7f: {  	_ =	shalt  }
0x80: {  	_ =	shalt  }
0x81: {  	_ =	shalt  }
0x82: {  	_ =	shalt  }
0x83: {  	_ =	shalt  }
0x84: {  	_ =	shalt  }
0x85: {  	_ =	shalt  }
0x86: {  	_ =	shalt  }
0x87: {  	_ =	shalt  }
.Lfunc_end0:
.L_simem_size_0:
called_computation_lowered:
.L_overlay_start_0:
0x88: {  	s2 =	sld [smem:$0x3FD9]  }
0x89: {  	s3 =	sld [smem:$0x3FFE];
	_ =	sdelay $0x1  }
0x8a: {  	s1 =	srdreg.scid  }
0x8b: {  	s0 =	sand.u32 $0x1, s1  }
0x8c: {  	s16 =	sshll.u32 s0, $0xA;
	s2 =	sadd.s32 s3, s2  }
0x8d: {  	s2 =	sadd.s32 s2, s16  }
0x8e: {  	[smem:$0x3FA8] =	sst s2  }
0x8f: {  	_ = 	snop  }
0x90: {  	(tm) =	ssettm $0x1  }
0x91: {  	s17 =	sld [smem:$0x3FFB];
	_ =	sdelay $0x3  }
0x92: {  	_ =	strace s17  }
0x93: {  	s2 =	sld [smem:$0x3FFC];
	_ =	sdelay $0x3  }
0x94: {  	_ =	strace s2  }
0x95: {  	s2 =	sld [smem:$0x3FFD];
	_ =	sdelay $0x3  }
0x96: {  	_ =	strace s2  }
0x97: {  	_ =	strace $0x8FFFFFFF  }
0x98: {  	s18 =	sld [smem:$0x3FDB];
	_ =	sdelay $0x1  }
0x99: {  	s19 =	simm.s32 $_scs_section_size  }
0x9a: {  	s4 =	simm.s32 $_size__tile_overlayer_lowered;
	s5 =	simm.s32 $_tile_overlayer_lowered  }
0x9b: {  	s22 =	simm.s32 $0x1BFF;
	s21 =	sshll.u32 s5, $0x1;
	s2 =	sadd.s32 s19, s18  }
0x9c: {  	s6 =	simm.s32 $0x0;
	s20 =	sshll.u32 s4, $0x1;
	s4 =	sadd.s32 s21, s2  }
0x9d: {  	[timem:s6], [sflag:s22] =	dma.local [hbm:s4], s20  }
0x9e: {  	_ =	swait.ge [sflag:s22], s20  }
0x9f: {  	s3 =	ssub.s32 $0x0, s20;
	[sflag:s22] =	ssyncset.done $0x0  }
0xa0: {  	[sflag:s22] =	ssyncadd.s32 s3;
	_ =	sdelay $0x1  }
0xa1: {  	s23 =	simm.s32 $0x1B8B  }
0xa2: {  	_ =	swait.ge [sflag:s23], $0x1  }
0xa3: {  	[sflag:s23] =	ssyncset.done $0x0  }
0xa4: {  	s25 =	simm.s32 $0x1B8E;
	s24 =	sld [smem:$0x3FFE];
	[sflag:s23] =	ssyncadd.s32 $0xFFFFFFFF  }
0xa5: {  	s26 =	simm.s32 $execute0_lowered;
	[smem:$0x3FD2] =	sst s25  }
0xa6: {  	s4 =	sshll.u32 s26, $0x1;
	_ =	strace $0x80000046;
	[dreg:$0x1] =	wrdreg $0xFFFFFFFF  }
0xa7: {  	s28 =	simm.s32 $_size_execute0_lowered;
	s2 =	sadd.s32 s2, s4;
	[dreg:$0x0] =	wrdreg $0x0  }
0xa8: {  	s4 =	sshll.u32 s28, $0x1;
	[dreg:$0x2] =	wrdreg s2  }
0xa9: {  	[dreg:$0x3] =	wrdreg s4  }
0xaa: {  	[dreg:$0x4] =	wrdreg $0xC0  }
0xab: {  	_ =	task [dreg:s6], $0x5FFFF  }
0xac: {  	[dreg:$0x1] =	wrdreg $0xFFFFFFFF  }
0xad: {  	[dreg:$0x0] =	wrdreg $0x60  }
0xae: {  	[dreg:$0x2] =	wrdreg s24  }
0xaf: {  	[dreg:$0x3] =	wrdreg $0x9  }
0xb0: {  	_ =	task.clear_ibuf [dreg:s6], $0x4FFFF;
	_ =	strace $0x90000046  }
0xb1: {  	s29 =	simm.s32 $0x9;
	_ =	strace $0x80000048  }
0xb2: {  	_ =	swait.ge [sflag:s29], $0x1  }
0xb3: {  	[sflag:s29] =	ssyncadd.s32 $0xFFFFFFFF  }
0xb4: {  	_ =	strace $0x90000048  }
0xb5: {  	_ =	sfence  }
0xb6: {  	s30 =	sld [smem:$0x0];
	_ =	sdelay $0x2  }
0xb7: {  	s31 =	sshll.u32 s1, $0xD;
	s1 =	sshrl.u32 s1, $0x2  }
0xb8: {  	s3 =	sand.u32 $0x4000, s31;
	s1 =	sadd.s32 s1, s30  }
0xb9: {  	s0 =	sor.u32 s3, s0;
	s1 =	sshll.u32 s1, $0x11  }
0xba: {  	s0 =	sor.u32 s1, s0  }
0xbb: {  	s0 =	sadd.s32 $0x8F2B, s0  }
0xbc: {  	[sflag:s0] =	ssyncadd.remote.s32 $0x1  }
0xbd: {  	_ =	sfence.sel $0xFFFF  }
0xbe: {  	[dreg:$0x0] =	wrdreg $0xFFFFFFFF;
	(pc) =	sbr.abs _section_cstart, $3  }
0xbf: {  	[dreg:$0x1] =	wrdreg $0xFFFFFFFF  }
0xc0: {  	_ =	task.clear_ibuf [dreg:s6], $0x2FFFF;
	_ =	strace $0x9FFFFFFF  }
0xc1: {  	(tm) =	ssettm $0x7FFFFFFF  }
tec
execute0_lowered:
.L_overlay_start_1:
0x0: {  	(tag) =	ssettag $0x1  }
0x1: {  	s4 =	rddreg [dreg:$0x0]  }
0x2: {  	s0 =	rddreg [dreg:$0x1];
	s2 =	simm.s32 $0x0;
	s3 =	srdreg.scid  }
0x3: {  	s1 =	stileid.u32;
	s10 =	simm.s32 $0x0;
	[smem:$0x7FF] =	sst s2  }
0x4: {  	s5 =	sand.u32 $0x1, s3;
	s6 =	sshll.u32 s1, $0xF;
	s3 =	sadd.s32 $0x118800, s4  }
0x5: {  	s8 =	sshll.u32 s1, $0x10;
	_ =	strace $0x80000047;
	s7 =	sshll.u32 s5, $0xE  }
0x6: {  	s31 =	ssub.s32 $0x2, s5;
	s8 =	sadd.s32 s8, s4;
	s5 =	sshll.u32 s5, $0xF  }
0x7: {  	s6 =	sor.u32 s7, s6;
	s9 =	sshrl.u32 s31, $0x1;
	s5 =	sadd.s32 s5, s8  }
0x8: {  	s8 =	simm.s32 $0x200;
	s6 =	sshrl.u32 s6, $0x3;
	s7 =	ssub.s32 s31, s9  }
0x9: {  	s5 =	sadd.s32 $0x128800, s5;
	s9 =	simm.s32 $0x1;
	s6 =	sadd.s32 s6, s4  }
0xa: {  	s4 =	smax.u32 s7, $0x1;
	s7 =	simm.s32 $0x2;
	s6 =	sadd.s32 $0x108800, s6  }
.LBB2_1:
0xb: {  	s11 =	sadd.s32 $0x0, s6  }
0xc: {  	[tilespmem:s2], [sflag:$0x2] =	stream.linear.gather [hbm4b:s11+s2], $0x200, $0x38;
	[tilespmem:$0x2200] =	vst v63  }
0xd: {  	_ =	swait.ge [sflag:s7], $0x200  }
0xe: {  	[sflag:s7] =	ssyncset.done $0x0  }
0xf: {  	[sflag:s7] =	ssyncadd.s32 $0xFFFFFE00  }
0x10: {  	[tilespmem:s8], [sflag:$0x1] =	stream.indirect.gather [hbm4b:s3+s8], $0x10, s2, s8, $0xb8;
	[tilespmem:$0x2200] =	vst v63  }
0x11: {  	_ =	swait.ge [sflag:s9], $0x2000  }
0x12: {  	[sflag:s9] =	ssyncset.done $0x0  }
0x13: {  	[sflag:s9] =	ssyncadd.s32 $0xFFFFE000  }
0x14: {  	[hbm4b:s5+s2] =	stream.linear.scatter [tilespmem:s8], [sflag:$0x2], $0x2000, $0x38;
	[tilespmem:$0x2200] =	vst v63  }
0x15: {  	s12 =	simm.s32 $0x40;
	_ =	swait.ge [sflag:s7], $0x2000  }
0x16: {  	s13 =	simm.s32 $0x80;
	s11 =	sadd.s32 $0x400, s5;
	[sflag:s7] =	ssyncset.done $0x0  }
.LBB2_2:
0x17: {  	s14 =	sadd.s32 s12, s6  }
0x18: {  	[sflag:s7] =	ssyncadd.s32 $0xFFFFE000;
	s12 =	smov.u32 s13;
	s15 =	sadd.s32 $0x40, s13  }
0x19: {  	[tilespmem:s2], [sflag:$0x2] =	stream.linear.gather [hbm4b:s14+s2], $0x200, $0x38;
	[tilespmem:$0x2200] =	vst v63  }
0x1a: {  	p0 =	sne.s32 s13, $0x7C0;
	_ =	swait.ge [sflag:s7], $0x200  }
0x1b: {  	[sflag:s7] =	ssyncset.done $0x0  }
0x1c: {  	[sflag:s7] =	ssyncadd.s32 $0xFFFFFE00  }
0x1d: {  	[tilespmem:s8], [sflag:$0x1] =	stream.indirect.gather [hbm4b:s3+s8], $0x10, s2, s8, $0xb8;
	[tilespmem:$0x2200] =	vst v63  }
0x1e: {  	_ =	swait.ge [sflag:s9], $0x2000  }
.Ltmp0:
0x1f: {  	[sflag:s9] =	ssyncset.done $0x0;
	(pc) =	sbr.rel @p0 .LBB2_2-.Ltmp0, $4  }
0x20: {  	[sflag:s9] =	ssyncadd.s32 $0xFFFFE000  }
0x21: {  	[hbm4b:s11+s2] =	stream.linear.scatter [tilespmem:s8], [sflag:$0x2], $0x2000, $0x38;
	[tilespmem:$0x2200] =	vst v63  }
0x22: {  	_ =	swait.ge [sflag:s7], $0x2000  }
0x23: {  	s13 =	smov.u32 s15;
	s11 =	sadd.s32 $0x400, s11;
	[sflag:s7] =	ssyncset.done $0x0  }
0x24: {  	s12 =	sadd.s32 s12, s6;
	[sflag:s7] =	ssyncadd.s32 $0xFFFFE000  }
0x25: {  	[tilespmem:s2], [sflag:$0x2] =	stream.linear.gather [hbm4b:s12+s2], $0x200, $0x38;
	[tilespmem:$0x2200] =	vst v63  }
0x26: {  	_ =	swait.ge [sflag:s7], $0x200  }
0x27: {  	[sflag:s7] =	ssyncset.done $0x0  }
0x28: {  	[sflag:s7] =	ssyncadd.s32 $0xFFFFFE00  }
0x29: {  	[tilespmem:s8], [sflag:$0x1] =	stream.indirect.gather [hbm4b:s3+s8], $0x10, s2, s8, $0xb8;
	[tilespmem:$0x2200] =	vst v63  }
0x2a: {  	s10 =	sadd.s32 $0x1, s10;
	_ =	swait.ge [sflag:s9], $0x2000  }
0x2b: {  	p0 =	sne.s32 s10, s4;
	[sflag:s9] =	ssyncset.done $0x0  }
.Ltmp1:
0x2c: {  	[sflag:s9] =	ssyncadd.s32 $0xFFFFE000;
	(pc) =	sbr.rel @p0 .LBB2_1-.Ltmp1, $4  }
0x2d: {  	[hbm4b:s11+s2] =	stream.linear.scatter [tilespmem:s8], [sflag:$0x2], $0x2000, $0x38;
	[tilespmem:$0x2200] =	vst v63  }
0x2e: {  	_ =	swait.ge [sflag:s7], $0x2000  }
0x2f: {  	[sflag:s7] =	ssyncset.done $0x0  }
0x30: {  	[sflag:s7] =	ssyncadd.s32 $0xFFFFE000  }
0x31: {  	_ =	sfence.sel $0x180000  }
0x32: {  	[bflag:$0x0] =	sbarrier.arrive $0xFFFF  }
0x33: {  	p0 =	sne.s32 s1, $0x0;
	_ =	strace $0x90000047  }
0x34: {  	s0 =	sadd.s32 @!p0 $0x100000, s0;
	[bflag:$0x2] =	sbarrier.arrive $0xFFFF  }
0x35: {  	[sflag:s0] =	ssyncadd.tile.s32 @!p0 $0x1;
	_ =	shalt  }
.Lfunc_end2:
_tile_overlayer_lowered:
.L_overlay_start_2:
0x36: {  	(tag) =	ssettag $0x2  }
0x37: {  	s0 =	rddreg [dreg:$0x0];
	s2 =	stileid.u32  }
0x38: {  	s1 =	rddreg [dreg:$0x1];
	p0 =	sne.s32 s2, $0x0  }
0x39: {  	s3 =	rddreg [dreg:$0x2];
	[bflag:$0x3] =	sbarrier.arrive $0xFFFF;
	s2 =	simm.s32 @!p0 $0x1C02  }
0x3a: {  	[timem:s3], [sflag:s2] =	dma.local @!p0 [hbm:s0], s1  }
0x3b: {  	s0 =	simm.s32 @!p0 $0x2  }
0x3c: {  	_ =	swait.ge @!p0 [sflag:s0], s1  }
0x3d: {  	s1 =	ssub.s32 @!p0 $0x0, s1;
	[sflag:s0] =	ssyncset.done @!p0 $0x0  }
0x3e: {  	[sflag:s0] =	ssyncadd.s32 @!p0 s1  }
0x3f: {  	[bflag:$0x3] =	sbarrier.arrive $0xFFFF  }
0x40: {  	_ =	shalt  }

// kernel: kernel.18.cloned.1.call-start
scs
__scs_entry_jumppad:
0x0: {  	(pc) =	sbr.rel $0x88, $3  }
0x1: {  	(tag) =	ssettag $0x0;
	lr =	simm.s32 $0x1  }
0x2: {  	[smem:$0x3F81] =	sst lr;
	_ =	strace $0xD0000000  }
0x3: {  	_ = 	snop  }
0x4: {  	_ = 	snop  }
0x5: {  	_ = 	snop  }
0x6: {  	_ = 	snop  }
0x7: {  	_ = 	snop  }
__scs_overlays_trampoline_lowered:
0x8: {  	[smem:$0x3F90] =	sst s0  }
0x9: {  	[smem:$0x3F91] =	sst s1  }
0xa: {  	[smem:$0x3F92] =	sst s2  }
0xb: {  	[smem:$0x3F93] =	sst s3  }
0xc: {  	[smem:$0x3F94] =	sst s4  }
0xd: {  	[smem:$0x3F95] =	sst s5  }
0xe: {  	[smem:$0x3F96] =	sst s6  }
0xf: {  	[smem:$0x3F97] =	sst s7  }
0x10: {  	[smem:$0x3F98] =	sst s8  }
0x11: {  	[smem:$0x3F99] =	sst s9;
	s0 =	simm.s32 @!p0 $0x0  }
0x12: {  	s1 =	sld [smem:$0x3F7F];
	s0 =	simm.s32 @p0 $0x1  }
0x13: {  	[smem:$0x3F9A] =	sst s0;
	s0 =	simm.s32 @!p1 $0x0  }
0x14: {  	s2 =	sld [smem:$0x3F7E];
	s0 =	simm.s32 @p1 $0x1  }
0x15: {  	[smem:$0x3F9B] =	sst s0;
	s0 =	simm.s32 @!p2 $0x0  }
0x16: {  	s3 =	sld [smem:$0x3FDB];
	s0 =	simm.s32 @p2 $0x1  }
0x17: {  	s4 =	simm.s32 $0x1BF5;
	[smem:$0x3F9D] =	sst s0  }
0x18: {  	s0 =	sld [smem:$0x3F80];
	_ =	swait.ge [sflag:s4], $0x0  }
0x19: {  	s7 =	sld [smem:$0x3F81]  }
0x1a: {  	s8 =	sadd.s32 $0xFFFFE003, lr  }
0x1b: {  	s9 =	sadd.s32 $0xFFFFFEF7, lr;
	s5 =	simm.s32 $0xFFFFFFFF;
	p2 =	slt.u32 s8, $0xFFFFF086  }
0x1c: {  	p1 =	slt.u32 s9, $0xF7A;
	s5 =	simm.s32 @!p2 $0x0  }
0x1d: {  	s5 =	simm.s32 @p1 $0x1;
	p0 =	seq.s32 s7, s2  }
0x1e: {  	s7 =	smul.u32 @!p0 $0xF7A, s2;
	p2 =	seq.s32 @!p0 s5, $0x0  }
0x1f: {  	s9 =	smul.u32 $0xF7A, s1;
	s8 =	simm.s32 @!p0 $0x1BF5;
	p2 =	por !p2, p0  }
0x20: {  	[sflag:s8] =	ssyncset.s32 @!p0 $0xFFFFF086;
	s6 =	sadd.s32 @!p0 s3, s7;
	s7 =	simm.s32 @!p0 $0x108  }
0x21: {  	s3 =	sadd.s32 s3, s9;
	s6 =	sadd.s32 @!p0 $0x88, s6;
	s7 =	simm.s32 @p2 $0x1082  }
0x22: {  	[simem:s7], [sflag:s8] =	dma.local @!p0 [hbm:s6], $0xF7A  }
0x23: {  	s9 =	sor.u32 $0xD0000000, s2;
	s6 =	simm.s32 $0x108;
	_ =	swait.ge @!p0 [sflag:s8], $0x0  }
0x24: {  	s3 =	sadd.s32 $0x88, s3;
	s6 =	simm.s32 @!p1 $0x1082;
	[sflag:s4] =	ssyncset.s32 $0xFFFFF086  }
0x25: {  	[simem:s6], [sflag:s4] =	dma.local [hbm:s3], $0xF7A  }
0x26: {  	[smem:$0x3F81] =	sst s1;
	(tag) =	ssettag s2;
	_ =	strace s9  }
0x27: {  	s1 =	sld [smem:$0x3F91]  }
0x28: {  	s2 =	sld [smem:$0x3F92]  }
0x29: {  	s4 =	sld [smem:$0x3F94]  }
0x2a: {  	p0 =	seq.s32 s5, $0x0;
	s5 =	sld [smem:$0x3F95]  }
0x2b: {  	s6 =	sld [smem:$0x3F96]  }
0x2c: {  	s7 =	sld [smem:$0x3F97]  }
0x2d: {  	s3 =	simm.s32 $0x108;
	s8 =	sld [smem:$0x3F98]  }
0x2e: {  	s3 =	simm.s32 @!p0 $0x1082;
	s9 =	sld [smem:$0x3F99]  }
0x2f: {  	lr =	sadd.s32 s0, s3;
	s0 =	sld [smem:$0x3F90]  }
0x30: {  	s3 =	sld [smem:$0x3F93]  }
0x31: {  	[smem:$0x3F9C] =	sst s10  }
0x32: {  	s10 =	sld [smem:$0x3F9A];
	_ =	sdelay $0x3  }
0x33: {  	p0 =	seq.s32 s10, $0x1;
	s10 =	sld [smem:$0x3F9C];
	_ =	sdelay $0x3  }
0x34: {  	[smem:$0x3F9C] =	sst s10  }
0x35: {  	s10 =	sld [smem:$0x3F9B];
	_ =	sdelay $0x3  }
0x36: {  	p1 =	seq.s32 s10, $0x1;
	s10 =	sld [smem:$0x3F9C];
	_ =	sdelay $0x3  }
0x37: {  	[smem:$0x3F9C] =	sst s10  }
0x38: {  	s10 =	sld [smem:$0x3F9D]  }
0x39: {  	_ = 	snop;
	(pc) =	sbr.ind lr, $3  }
0x3a: {  	_ = 	snop  }
0x3b: {  	_ = 	snop  }
0x3c: {  	p2 =	seq.s32 s10, $0x1;
	s10 =	sld [smem:$0x3F9C]  }
0x3d: {  	_ =	shalt  }
0x3e: {  	_ =	shalt  }
0x3f: {  	_ =	shalt  }
0x40: {  	_ =	shalt  }
0x41: {  	_ =	shalt  }
0x42: {  	_ =	shalt  }
0x43: {  	_ =	shalt  }
0x44: {  	_ =	shalt  }
0x45: {  	_ =	shalt  }
0x46: {  	_ =	shalt  }
0x47: {  	_ =	shalt  }
0x48: {  	_ =	shalt  }
0x49: {  	_ =	shalt  }
0x4a: {  	_ =	shalt  }
0x4b: {  	_ =	shalt  }
0x4c: {  	_ =	shalt  }
0x4d: {  	_ =	shalt  }
0x4e: {  	_ =	shalt  }
0x4f: {  	_ =	shalt  }
0x50: {  	_ =	shalt  }
0x51: {  	_ =	shalt  }
0x52: {  	_ =	shalt  }
0x53: {  	_ =	shalt  }
0x54: {  	_ =	shalt  }
0x55: {  	_ =	shalt  }
0x56: {  	_ =	shalt  }
0x57: {  	_ =	shalt  }
0x58: {  	_ =	shalt  }
0x59: {  	_ =	shalt  }
0x5a: {  	_ =	shalt  }
0x5b: {  	_ =	shalt  }
0x5c: {  	_ =	shalt  }
0x5d: {  	_ =	shalt  }
0x5e: {  	_ =	shalt  }
0x5f: {  	_ =	shalt  }
0x60: {  	_ =	shalt  }
0x61: {  	_ =	shalt  }
0x62: {  	_ =	shalt  }
0x63: {  	_ =	shalt  }
0x64: {  	_ =	shalt  }
0x65: {  	_ =	shalt  }
0x66: {  	_ =	shalt  }
0x67: {  	_ =	shalt  }
0x68: {  	_ =	shalt  }
0x69: {  	_ =	shalt  }
0x6a: {  	_ =	shalt  }
0x6b: {  	_ =	shalt  }
0x6c: {  	_ =	shalt  }
0x6d: {  	_ =	shalt  }
0x6e: {  	_ =	shalt  }
0x6f: {  	_ =	shalt  }
0x70: {  	_ =	shalt  }
0x71: {  	_ =	shalt  }
0x72: {  	_ =	shalt  }
0x73: {  	_ =	shalt  }
0x74: {  	_ =	shalt  }
0x75: {  	_ =	shalt  }
0x76: {  	_ =	shalt  }
0x77: {  	_ =	shalt  }
0x78: {  	_ =	shalt  }
0x79: {  	_ =	shalt  }
0x7a: {  	_ =	shalt  }
0x7b: {  	_ =	shalt  }
0x7c: {  	_ =	shalt  }
0x7d: {  	_ =	shalt  }
0x7e: {  	_ =	shalt  }
0x7f: {  	_ =	shalt  }
0x80: {  	_ =	shalt  }
0x81: {  	_ =	shalt  }
0x82: {  	_ =	shalt  }
0x83: {  	_ =	shalt  }
0x84: {  	_ =	shalt  }
0x85: {  	_ =	shalt  }
0x86: {  	_ =	shalt  }
0x87: {  	_ =	shalt  }
.Lfunc_end0:
.L_simem_size_0:
called_computation.1_lowered:
.L_overlay_start_0:
0x88: {  	s2 =	sld [smem:$0x3FD9]  }
0x89: {  	s3 =	sld [smem:$0x3FFE];
	_ =	sdelay $0x1  }
0x8a: {  	s1 =	srdreg.scid  }
0x8b: {  	s0 =	sand.u32 $0x1, s1  }
0x8c: {  	s16 =	sshll.u32 s0, $0xA;
	s2 =	sadd.s32 s3, s2  }
0x8d: {  	s2 =	sadd.s32 s2, s16  }
0x8e: {  	[smem:$0x3FA8] =	sst s2  }
0x8f: {  	_ = 	snop  }
0x90: {  	(tm) =	ssettm $0x1  }
0x91: {  	s17 =	sld [smem:$0x3FFB];
	_ =	sdelay $0x3  }
0x92: {  	_ =	strace s17  }
0x93: {  	s2 =	sld [smem:$0x3FFC];
	_ =	sdelay $0x3  }
0x94: {  	_ =	strace s2  }
0x95: {  	s2 =	sld [smem:$0x3FFD];
	_ =	sdelay $0x3  }
0x96: {  	_ =	strace s2  }
0x97: {  	_ =	strace $0x8FFFFFFF  }
0x98: {  	s18 =	sld [smem:$0x3FDB];
	_ =	sdelay $0x1  }
0x99: {  	s19 =	simm.s32 $_scs_section_size  }
0x9a: {  	s4 =	simm.s32 $_size__tile_overlayer_lowered;
	s5 =	simm.s32 $_tile_overlayer_lowered  }
0x9b: {  	s22 =	simm.s32 $0x1BFF;
	s21 =	sshll.u32 s5, $0x1;
	s2 =	sadd.s32 s19, s18  }
0x9c: {  	s6 =	simm.s32 $0x0;
	s20 =	sshll.u32 s4, $0x1;
	s4 =	sadd.s32 s21, s2  }
0x9d: {  	[timem:s6], [sflag:s22] =	dma.local [hbm:s4], s20  }
0x9e: {  	_ =	swait.ge [sflag:s22], s20  }
0x9f: {  	s3 =	ssub.s32 $0x0, s20;
	[sflag:s22] =	ssyncset.done $0x0  }
0xa0: {  	[sflag:s22] =	ssyncadd.s32 s3;
	_ =	sdelay $0x1  }
0xa1: {  	s23 =	simm.s32 $0x1B8B  }
0xa2: {  	_ =	swait.ge [sflag:s23], $0x1  }
0xa3: {  	[sflag:s23] =	ssyncset.done $0x0  }
0xa4: {  	s25 =	simm.s32 $0x1B8E;
	s24 =	sld [smem:$0x3FFE];
	[sflag:s23] =	ssyncadd.s32 $0xFFFFFFFF  }
0xa5: {  	s26 =	simm.s32 $execute0_lowered;
	[smem:$0x3FD2] =	sst s25  }
0xa6: {  	s4 =	sshll.u32 s26, $0x1;
	_ =	strace $0x80000049;
	[dreg:$0x1] =	wrdreg $0xFFFFFFFF  }
0xa7: {  	s28 =	simm.s32 $_size_execute0_lowered;
	s2 =	sadd.s32 s2, s4;
	[dreg:$0x0] =	wrdreg $0x0  }
0xa8: {  	s4 =	sshll.u32 s28, $0x1;
	[dreg:$0x2] =	wrdreg s2  }
0xa9: {  	[dreg:$0x3] =	wrdreg s4  }
0xaa: {  	[dreg:$0x4] =	wrdreg $0xC0  }
0xab: {  	_ =	task [dreg:s6], $0x5FFFF  }
0xac: {  	[dreg:$0x1] =	wrdreg $0xFFFFFFFF  }
0xad: {  	[dreg:$0x0] =	wrdreg $0x60  }
0xae: {  	[dreg:$0x2] =	wrdreg s24  }
0xaf: {  	[dreg:$0x3] =	wrdreg $0x9  }
0xb0: {  	_ =	task.clear_ibuf [dreg:s6], $0x4FFFF;
	_ =	strace $0x90000049  }
0xb1: {  	s29 =	simm.s32 $0x9;
	_ =	strace $0x8000004B  }
0xb2: {  	_ =	swait.ge [sflag:s29], $0x1  }
0xb3: {  	[sflag:s29] =	ssyncadd.s32 $0xFFFFFFFF  }
0xb4: {  	_ =	strace $0x9000004B  }
0xb5: {  	_ =	sfence  }
0xb6: {  	s30 =	sld [smem:$0x0];
	_ =	sdelay $0x2  }
0xb7: {  	s31 =	sshll.u32 s1, $0xD;
	s1 =	sshrl.u32 s1, $0x2  }
0xb8: {  	s3 =	sand.u32 $0x4000, s31;
	s1 =	sadd.s32 s1, s30  }
0xb9: {  	s0 =	sor.u32 s3, s0;
	s1 =	sshll.u32 s1, $0x11  }
0xba: {  	s0 =	sor.u32 s1, s0  }
0xbb: {  	s0 =	sadd.s32 $0x8F2B, s0  }
0xbc: {  	[sflag:s0] =	ssyncadd.remote.s32 $0x1  }
0xbd: {  	_ =	sfence.sel $0xFFFF  }
0xbe: {  	[dreg:$0x0] =	wrdreg $0xFFFFFFFF;
	(pc) =	sbr.abs _section_cstart, $3  }
0xbf: {  	[dreg:$0x1] =	wrdreg $0xFFFFFFFF  }
0xc0: {  	_ =	task.clear_ibuf [dreg:s6], $0x2FFFF;
	_ =	strace $0x9FFFFFFF  }
0xc1: {  	(tm) =	ssettm $0x7FFFFFFF  }
tec
execute0_lowered:
.L_overlay_start_1:
0x0: {  	(tag) =	ssettag $0x1  }
0x1: {  	s4 =	rddreg [dreg:$0x0]  }
0x2: {  	s0 =	rddreg [dreg:$0x1];
	s2 =	simm.s32 $0x0;
	s5 =	srdreg.scid  }
0x3: {  	s1 =	stileid.u32;
	s10 =	simm.s32 $0x0;
	[smem:$0x7FF] =	sst s2  }
0x4: {  	s3 =	sadd.s32 $0x48800, s4;
	s5 =	sand.u32 $0x1, s5;
	s6 =	sshll.u32 s1, $0xD  }
0x5: {  	s8 =	smul.u32 $0x14000, s1;
	_ =	strace $0x8000004A;
	s7 =	sshll.u32 s5, $0xC  }
0x6: {  	s9 =	ssub.s32 $0x2, s5;
	s5 =	smul.u32 $0xA000, s5;
	s6 =	sor.u32 s7, s6  }
0x7: {  	s30 =	sshrl.u32 s9, $0x1;
	s8 =	sadd.s32 s8, s4;
	s6 =	sshrl.u32 s6, $0x3  }
0x8: {  	s7 =	ssub.s32 s9, s30;
	s31 =	sadd.s32 s5, s8;
	s8 =	simm.s32 $0x200  }
0x9: {  	s9 =	simm.s32 $0x1;
	s6 =	sadd.s32 s6, s4;
	s4 =	smax.u32 s7, $0x1  }
0xa: {  	s7 =	simm.s32 $0x2;
	s5 =	sadd.s32 $0x2A8E00, s6;
	s6 =	sadd.s32 $0x70800, s31  }
.LBB2_1:
0xb: {  	s11 =	sadd.s32 $0x0, s5  }
0xc: {  	[tilespmem:s2], [sflag:$0x2] =	stream.linear.gather [hbm4b:s11+s2], $0x200, $0x38;
	[tilespmem:$0xA200] =	vst v63  }
0xd: {  	_ =	swait.ge [sflag:s7], $0x200  }
0xe: {  	[sflag:s7] =	ssyncset.done $0x0  }
0xf: {  	[sflag:s7] =	ssyncadd.s32 $0xFFFFFE00  }
0x10: {  	[tilespmem:s8], [sflag:$0x1] =	stream.indirect.gather [hbm4b:s3+s8], $0x50, s2, s8, $0xb8;
	[tilespmem:$0xA200] =	vst v63  }
0x11: {  	_ =	swait.ge [sflag:s9], $0xA000  }
0x12: {  	[sflag:s9] =	ssyncset.done $0x0  }
0x13: {  	[sflag:s9] =	ssyncadd.s32 $0xFFFF6000  }
0x14: {  	[hbm4b:s6+s2] =	stream.linear.scatter [tilespmem:s8], [sflag:$0x2], $0xA000, $0x38;
	[tilespmem:$0xA200] =	vst v63  }
0x15: {  	s12 =	simm.s32 $0x40;
	_ =	swait.ge [sflag:s7], $0xA000  }
0x16: {  	s13 =	simm.s32 $0x80;
	s11 =	sadd.s32 $0x1400, s6;
	[sflag:s7] =	ssyncset.done $0x0  }
.LBB2_2:
0x17: {  	s14 =	sadd.s32 s12, s5  }
0x18: {  	[sflag:s7] =	ssyncadd.s32 $0xFFFF6000;
	s12 =	smov.u32 s13;
	s15 =	sadd.s32 $0x40, s13  }
0x19: {  	[tilespmem:s2], [sflag:$0x2] =	stream.linear.gather [hbm4b:s14+s2], $0x200, $0x38;
	[tilespmem:$0xA200] =	vst v63  }
0x1a: {  	p0 =	sne.s32 s13, $0x1C0;
	_ =	swait.ge [sflag:s7], $0x200  }
0x1b: {  	[sflag:s7] =	ssyncset.done $0x0  }
0x1c: {  	[sflag:s7] =	ssyncadd.s32 $0xFFFFFE00  }
0x1d: {  	[tilespmem:s8], [sflag:$0x1] =	stream.indirect.gather [hbm4b:s3+s8], $0x50, s2, s8, $0xb8;
	[tilespmem:$0xA200] =	vst v63  }
0x1e: {  	_ =	swait.ge [sflag:s9], $0xA000  }
.Ltmp0:
0x1f: {  	[sflag:s9] =	ssyncset.done $0x0;
	(pc) =	sbr.rel @p0 .LBB2_2-.Ltmp0, $4  }
0x20: {  	[sflag:s9] =	ssyncadd.s32 $0xFFFF6000  }
0x21: {  	[hbm4b:s11+s2] =	stream.linear.scatter [tilespmem:s8], [sflag:$0x2], $0xA000, $0x38;
	[tilespmem:$0xA200] =	vst v63  }
0x22: {  	_ =	swait.ge [sflag:s7], $0xA000  }
0x23: {  	s13 =	smov.u32 s15;
	s11 =	sadd.s32 $0x1400, s11;
	[sflag:s7] =	ssyncset.done $0x0  }
0x24: {  	s12 =	sadd.s32 s12, s5;
	[sflag:s7] =	ssyncadd.s32 $0xFFFF6000  }
0x25: {  	[tilespmem:s2], [sflag:$0x2] =	stream.linear.gather [hbm4b:s12+s2], $0x200, $0x38;
	[tilespmem:$0xA200] =	vst v63  }
0x26: {  	_ =	swait.ge [sflag:s7], $0x200  }
0x27: {  	[sflag:s7] =	ssyncset.done $0x0  }
0x28: {  	[sflag:s7] =	ssyncadd.s32 $0xFFFFFE00  }
0x29: {  	[tilespmem:s8], [sflag:$0x1] =	stream.indirect.gather [hbm4b:s3+s8], $0x50, s2, s8, $0xb8;
	[tilespmem:$0xA200] =	vst v63  }
0x2a: {  	s10 =	sadd.s32 $0x1, s10;
	_ =	swait.ge [sflag:s9], $0xA000  }
0x2b: {  	p0 =	sne.s32 s10, s4;
	[sflag:s9] =	ssyncset.done $0x0  }
.Ltmp1:
0x2c: {  	[sflag:s9] =	ssyncadd.s32 $0xFFFF6000;
	(pc) =	sbr.rel @p0 .LBB2_1-.Ltmp1, $4  }
0x2d: {  	[hbm4b:s11+s2] =	stream.linear.scatter [tilespmem:s8], [sflag:$0x2], $0xA000, $0x38;
	[tilespmem:$0xA200] =	vst v63  }
0x2e: {  	_ =	swait.ge [sflag:s7], $0xA000  }
0x2f: {  	[sflag:s7] =	ssyncset.done $0x0  }
0x30: {  	[sflag:s7] =	ssyncadd.s32 $0xFFFF6000  }
0x31: {  	_ =	sfence.sel $0x180000  }
0x32: {  	[bflag:$0x0] =	sbarrier.arrive $0xFFFF  }
0x33: {  	p0 =	sne.s32 s1, $0x0;
	_ =	strace $0x9000004A  }
0x34: {  	s0 =	sadd.s32 @!p0 $0x100000, s0;
	[bflag:$0x2] =	sbarrier.arrive $0xFFFF  }
0x35: {  	[sflag:s0] =	ssyncadd.tile.s32 @!p0 $0x1;
	_ =	shalt  }
.Lfunc_end2:
_tile_overlayer_lowered:
.L_overlay_start_2:
0x36: {  	(tag) =	ssettag $0x2  }
0x37: {  	s0 =	rddreg [dreg:$0x0];
	s2 =	stileid.u32  }
0x38: {  	s1 =	rddreg [dreg:$0x1];
	p0 =	sne.s32 s2, $0x0  }
0x39: {  	s3 =	rddreg [dreg:$0x2];
	[bflag:$0x3] =	sbarrier.arrive $0xFFFF;
	s2 =	simm.s32 @!p0 $0x1C02  }
0x3a: {  	[timem:s3], [sflag:s2] =	dma.local @!p0 [hbm:s0], s1  }
0x3b: {  	s0 =	simm.s32 @!p0 $0x2  }
0x3c: {  	_ =	swait.ge @!p0 [sflag:s0], s1  }
0x3d: {  	s1 =	ssub.s32 @!p0 $0x0, s1;
	[sflag:s0] =	ssyncset.done @!p0 $0x0  }
0x3e: {  	[sflag:s0] =	ssyncadd.s32 @!p0 s1  }
0x3f: {  	[bflag:$0x3] =	sbarrier.arrive $0xFFFF  }
0x40: {  	_ =	shalt  }

</sc_bundles>
